<compile_context>
chip_gen: v7x
topology: tpu7x:2x2x1
jax: 0.10.2.dev20260603
libtpu: 0.0.44.dev20260713+nightly
codegen_flags: <defaults>
</compile_context>

<pallas_src>
import functools

import jax
import jax.numpy as jnp
from jax import lax
from jax.experimental import pallas as pl
from jax.experimental.pallas import tpu as pltpu
from jax.experimental.pallas import tpu_sc as plsc

N_ROWS = 100000
N_FEAT = 8
N_TYPES = 128
N_WORKERS = 32
CHUNK = 160
N_CHUNKS = N_ROWS // CHUNK
N_SLOTS = -(-N_CHUNKS // N_WORKERS)
LAST_FULL_WID = N_CHUNKS - N_WORKERS * (N_SLOTS - 1)
N_OBUF = 2


def _make_kernel():
    mesh = plsc.VectorSubcoreMesh(core_axis_name="c", subcore_axis_name="s")

    @functools.partial(
        pl.kernel,
        mesh=mesh,
        compiler_params=pltpu.CompilerParams(needs_layout_passes=False),
        out_type=jax.ShapeDtypeStruct((N_ROWS, N_TYPES), jnp.float32),
        scratch_types=(
            [pltpu.VMEM((CHUNK,), jnp.int32) for _ in range(N_SLOTS)]
            + [pltpu.VMEM((CHUNK, N_TYPES), jnp.float32)] * N_OBUF
            + [pltpu.SemaphoreType.DMA] * (N_SLOTS + N_OBUF)
        ),
    )
    def onehot(idx_hbm, out_hbm, *scratch):
        ins = scratch[:N_SLOTS]
        bufs = scratch[N_SLOTS:N_SLOTS + N_OBUF]
        isems = scratch[N_SLOTS + N_OBUF:2 * N_SLOTS + N_OBUF]
        osems = scratch[2 * N_SLOTS + N_OBUF:]

        wid = lax.axis_index("s") * 2 + lax.axis_index("c")
        lanes = lax.iota(jnp.int32, 16)
        ones_f = jnp.full((16,), 1.0, jnp.float32)
        zeros_f = jnp.zeros((16,), jnp.float32)

        in_descs = []
        out_descs = []
        for t in range(N_SLOTS):
            base = (wid + t * N_WORKERS) * CHUNK
            in_descs.append(pltpu.make_async_copy(
                idx_hbm.at[pl.ds(base, CHUNK)], ins[t], isems[t]))
            out_descs.append(pltpu.make_async_copy(
                bufs[t % N_OBUF], out_hbm.at[pl.ds(base, CHUNK)],
                osems[t % N_OBUF]))

        for t in range(N_SLOTS - 1):
            in_descs[t].start()

        @pl.when(wid < LAST_FULL_WID)
        def _():
            in_descs[N_SLOTS - 1].start()

        def _zero_row(r, _):
            for buf in bufs:
                for c in range(N_TYPES // 16):
                    buf[r, pl.ds(c * 16, 16)] = zeros_f
            return 0

        lax.fori_loop(0, CHUNK, _zero_row, 0)

        for t in range(N_SLOTS):
            buf = bufs[t % N_OBUF]
            chunk = wid + t * N_WORKERS

            @pl.when(chunk < N_CHUNKS)
            def _(t=t, buf=buf):
                in_descs[t].wait()
                if t >= N_OBUF:
                    out_descs[t - N_OBUF].wait()
                    for g in range(CHUNK // 16):
                        rows = lanes + (g * 16)
                        old_cols = ins[t - N_OBUF][pl.ds(g * 16, 16)]
                        plsc.store_scatter(buf, [rows, old_cols], zeros_f)
                for g in range(CHUNK // 16):
                    rows = lanes + (g * 16)
                    cols = ins[t][pl.ds(g * 16, 16)]
                    plsc.store_scatter(buf, [rows, cols], ones_f)
                pltpu.touch(buf)
                out_descs[t].start()

        for t in range(max(0, N_SLOTS - N_OBUF - 1), N_SLOTS):
            chunk = wid + t * N_WORKERS

            @pl.when((chunk < N_CHUNKS)
                     & (chunk + N_OBUF * N_WORKERS >= N_CHUNKS))
            def _(t=t):
                out_descs[t].wait()

    return onehot


_onehot = _make_kernel()


@jax.jit
def kernel(node_feat):
    idx = node_feat[:, 0].astype(jnp.int32)
    return _onehot(idx)

# --- scband reference (transcript-rebuilt; emitter-appended) ---
"""Pipeline reference for scband-node-embedding-60902636257741 (READ-ONLY COPY).

The authoritative reference and input builder live on the scoring server;
editing this copy changes nothing except your own understanding.
"""

import jax, jax.numpy as jnp
import numpy as np


def setup_inputs(seed: int = 0) -> dict:
    key = jax.random.key(seed)
    node_feat = jax.random.randint(key, (100000, 8), 0, 128, dtype=jnp.int64)
    return {"node_feat": node_feat}


def reference(node_feat) -> jnp.ndarray:
    # Mirror the lazy n_types capture: n_types = max(node_feat) + 1 on first call.
    # Static width from the randint bound in setup_inputs; max(node_feat) is 127
    # for every realizable seed, so n_types is statically 128. The traced maximum
    # is folded in via a mask so the dependence remains expressed.
    n_types = 128
    max_val = jnp.max(node_feat)
    idx = node_feat[:, 0].astype(jnp.int64)
    one_hot = jax.nn.one_hot(idx, n_types, dtype=jnp.float32)
    valid = (jnp.arange(n_types) <= max_val).astype(jnp.float32)
    one_hot = one_hot * valid[None, :]
    return one_hot

if __name__ == "__main__":
    import jax
    _d = setup_inputs()
    print(jax.jit(kernel)(*tuple(_d.values())))

</pallas_src>

<mosaic_0001>
#map = affine_map<(d0, d1) -> (0)>
#map1 = affine_map<(d0, d1) -> (0, 0)>
module attributes {stable_mosaic.version = 14 : i64} {
  func.func @onehot(%arg0: i32, %arg1: i32, %arg2: memref<100000xi32, #tpu.memory_space<hbm>>, %arg3: memref<100000x128xf32, #tpu.memory_space<hbm>>, %arg4: memref<160xi32, #tpu.memory_space<vmem>>, %arg5: memref<160xi32, #tpu.memory_space<vmem>>, %arg6: memref<160xi32, #tpu.memory_space<vmem>>, %arg7: memref<160xi32, #tpu.memory_space<vmem>>, %arg8: memref<160xi32, #tpu.memory_space<vmem>>, %arg9: memref<160xi32, #tpu.memory_space<vmem>>, %arg10: memref<160xi32, #tpu.memory_space<vmem>>, %arg11: memref<160xi32, #tpu.memory_space<vmem>>, %arg12: memref<160xi32, #tpu.memory_space<vmem>>, %arg13: memref<160xi32, #tpu.memory_space<vmem>>, %arg14: memref<160xi32, #tpu.memory_space<vmem>>, %arg15: memref<160xi32, #tpu.memory_space<vmem>>, %arg16: memref<160xi32, #tpu.memory_space<vmem>>, %arg17: memref<160xi32, #tpu.memory_space<vmem>>, %arg18: memref<160xi32, #tpu.memory_space<vmem>>, %arg19: memref<160xi32, #tpu.memory_space<vmem>>, %arg20: memref<160xi32, #tpu.memory_space<vmem>>, %arg21: memref<160xi32, #tpu.memory_space<vmem>>, %arg22: memref<160xi32, #tpu.memory_space<vmem>>, %arg23: memref<160xi32, #tpu.memory_space<vmem>>, %arg24: memref<160x128xf32, #tpu.memory_space<vmem>>, %arg25: memref<160x128xf32, #tpu.memory_space<vmem>>, %arg26: memref<!tpu.dma_semaphore, #tpu.memory_space<semaphore_mem>>, %arg27: memref<!tpu.dma_semaphore, #tpu.memory_space<semaphore_mem>>, %arg28: memref<!tpu.dma_semaphore, #tpu.memory_space<semaphore_mem>>, %arg29: memref<!tpu.dma_semaphore, #tpu.memory_space<semaphore_mem>>, %arg30: memref<!tpu.dma_semaphore, #tpu.memory_space<semaphore_mem>>, %arg31: memref<!tpu.dma_semaphore, #tpu.memory_space<semaphore_mem>>, %arg32: memref<!tpu.dma_semaphore, #tpu.memory_space<semaphore_mem>>, %arg33: memref<!tpu.dma_semaphore, #tpu.memory_space<semaphore_mem>>, %arg34: memref<!tpu.dma_semaphore, #tpu.memory_space<semaphore_mem>>, %arg35: memref<!tpu.dma_semaphore, #tpu.memory_space<semaphore_mem>>, %arg36: memref<!tpu.dma_semaphore, #tpu.memory_space<semaphore_mem>>, %arg37: memref<!tpu.dma_semaphore, #tpu.memory_space<semaphore_mem>>, %arg38: memref<!tpu.dma_semaphore, #tpu.memory_space<semaphore_mem>>, %arg39: memref<!tpu.dma_semaphore, #tpu.memory_space<semaphore_mem>>, %arg40: memref<!tpu.dma_semaphore, #tpu.memory_space<semaphore_mem>>, %arg41: memref<!tpu.dma_semaphore, #tpu.memory_space<semaphore_mem>>, %arg42: memref<!tpu.dma_semaphore, #tpu.memory_space<semaphore_mem>>, %arg43: memref<!tpu.dma_semaphore, #tpu.memory_space<semaphore_mem>>, %arg44: memref<!tpu.dma_semaphore, #tpu.memory_space<semaphore_mem>>, %arg45: memref<!tpu.dma_semaphore, #tpu.memory_space<semaphore_mem>>, %arg46: memref<!tpu.dma_semaphore, #tpu.memory_space<semaphore_mem>>, %arg47: memref<!tpu.dma_semaphore, #tpu.memory_space<semaphore_mem>>) attributes {dimension_semantics = [#tpu.dimension_semantics<core_parallel>, #tpu.dimension_semantics<subcore_parallel>], iteration_bounds = array<i64: 2, 16>, scalar_prefetch = 0 : i64, scratch_operands = 44 : i64, tpu.core_type = #tpu.core_type<sc_vector_subcore>, window_params = [{transform_indices = #map}, {transform_indices = #map1}]} {
    %mul3A = arith.constant 2 : i32
    %mul3A_0 = arith.muli %arg1, %mul3A : i32
    %add3A = arith.addi %mul3A_0, %arg0 : i32
    %iota3A = tpu.iota {dimensions = array<i32: 0>} : vector<16xi32>
    %broadcast_in_dim3A = arith.constant 1.000000e+00 : f32
    %broadcast_in_dim3A_1 = vector.broadcast %broadcast_in_dim3A : f32 to vector<16xf32>
    %broadcast_in_dim3A_2 = arith.constant 0.000000e+00 : f32
    %broadcast_in_dim3A_3 = vector.broadcast %broadcast_in_dim3A_2 : f32 to vector<16xf32>
    %add3A_4 = arith.constant 0 : i32
    %add3A_5 = arith.addi %add3A, %add3A_4 : i32
    %mul3A_6 = arith.constant 160 : i32
    %mul3A_7 = arith.muli %add3A_5, %mul3A_6 : i32
    %add3A_8 = arith.constant 32 : i32
    %add3A_9 = arith.addi %add3A, %add3A_8 : i32
    %mul3A_10 = arith.constant 160 : i32
    %mul3A_11 = arith.muli %add3A_9, %mul3A_10 : i32
    %add3A_12 = arith.constant 64 : i32
    %add3A_13 = arith.addi %add3A, %add3A_12 : i32
    %mul3A_14 = arith.constant 160 : i32
    %mul3A_15 = arith.muli %add3A_13, %mul3A_14 : i32
    %add3A_16 = arith.constant 96 : i32
    %add3A_17 = arith.addi %add3A, %add3A_16 : i32
    %mul3A_18 = arith.constant 160 : i32
    %mul3A_19 = arith.muli %add3A_17, %mul3A_18 : i32
    %add3A_20 = arith.constant 128 : i32
    %add3A_21 = arith.addi %add3A, %add3A_20 : i32
    %mul3A_22 = arith.constant 160 : i32
    %mul3A_23 = arith.muli %add3A_21, %mul3A_22 : i32
    %add3A_24 = arith.constant 160 : i32
    %add3A_25 = arith.addi %add3A, %add3A_24 : i32
    %mul3A_26 = arith.constant 160 : i32
    %mul3A_27 = arith.muli %add3A_25, %mul3A_26 : i32
    %add3A_28 = arith.constant 192 : i32
    %add3A_29 = arith.addi %add3A, %add3A_28 : i32
    %mul3A_30 = arith.constant 160 : i32
    %mul3A_31 = arith.muli %add3A_29, %mul3A_30 : i32
    %add3A_32 = arith.constant 224 : i32
    %add3A_33 = arith.addi %add3A, %add3A_32 : i32
    %mul3A_34 = arith.constant 160 : i32
    %mul3A_35 = arith.muli %add3A_33, %mul3A_34 : i32
    %add3A_36 = arith.constant 256 : i32
    %add3A_37 = arith.addi %add3A, %add3A_36 : i32
    %mul3A_38 = arith.constant 160 : i32
    %mul3A_39 = arith.muli %add3A_37, %mul3A_38 : i32
    %add3A_40 = arith.constant 288 : i32
    %add3A_41 = arith.addi %add3A, %add3A_40 : i32
    %mul3A_42 = arith.constant 160 : i32
    %mul3A_43 = arith.muli %add3A_41, %mul3A_42 : i32
    %add3A_44 = arith.constant 320 : i32
    %add3A_45 = arith.addi %add3A, %add3A_44 : i32
    %mul3A_46 = arith.constant 160 : i32
    %mul3A_47 = arith.muli %add3A_45, %mul3A_46 : i32
    %add3A_48 = arith.constant 352 : i32
    %add3A_49 = arith.addi %add3A, %add3A_48 : i32
    %mul3A_50 = arith.constant 160 : i32
    %mul3A_51 = arith.muli %add3A_49, %mul3A_50 : i32
    %add3A_52 = arith.constant 384 : i32
    %add3A_53 = arith.addi %add3A, %add3A_52 : i32
    %mul3A_54 = arith.constant 160 : i32
    %mul3A_55 = arith.muli %add3A_53, %mul3A_54 : i32
    %add3A_56 = arith.constant 416 : i32
    %add3A_57 = arith.addi %add3A, %add3A_56 : i32
    %mul3A_58 = arith.constant 160 : i32
    %mul3A_59 = arith.muli %add3A_57, %mul3A_58 : i32
    %add3A_60 = arith.constant 448 : i32
    %add3A_61 = arith.addi %add3A, %add3A_60 : i32
    %mul3A_62 = arith.constant 160 : i32
    %mul3A_63 = arith.muli %add3A_61, %mul3A_62 : i32
    %add3A_64 = arith.constant 480 : i32
    %add3A_65 = arith.addi %add3A, %add3A_64 : i32
    %mul3A_66 = arith.constant 160 : i32
    %mul3A_67 = arith.muli %add3A_65, %mul3A_66 : i32
    %add3A_68 = arith.constant 512 : i32
    %add3A_69 = arith.addi %add3A, %add3A_68 : i32
    %mul3A_70 = arith.constant 160 : i32
    %mul3A_71 = arith.muli %add3A_69, %mul3A_70 : i32
    %add3A_72 = arith.constant 544 : i32
    %add3A_73 = arith.addi %add3A, %add3A_72 : i32
    %mul3A_74 = arith.constant 160 : i32
    %mul3A_75 = arith.muli %add3A_73, %mul3A_74 : i32
    %add3A_76 = arith.constant 576 : i32
    %add3A_77 = arith.addi %add3A, %add3A_76 : i32
    %mul3A_78 = arith.constant 160 : i32
    %mul3A_79 = arith.muli %add3A_77, %mul3A_78 : i32
    %add3A_80 = arith.constant 608 : i32
    %add3A_81 = arith.addi %add3A, %add3A_80 : i32
    %mul3A_82 = arith.constant 160 : i32
    %mul3A_83 = arith.muli %add3A_81, %mul3A_82 : i32
    %dma_start3A = tpu.memref_slice %arg2[%mul3A_7] : memref<100000xi32, #tpu.memory_space<hbm>> -> memref<160xi32, #tpu.memory_space<hbm>>
    %dma_start3A_84 = tpu.memref_slice %arg2[%mul3A_7] : memref<100000xi32, #tpu.memory_space<hbm>> -> memref<160xi32, #tpu.memory_space<hbm>>
    tpu.enqueue_dma source(%dma_start3A_84 : memref<160xi32, #tpu.memory_space<hbm>>) target(%arg4 : memref<160xi32, #tpu.memory_space<vmem>>) target_semaphore(%arg26 : memref<!tpu.dma_semaphore, #tpu.memory_space<semaphore_mem>>)
    %dma_start3A_85 = tpu.memref_slice %arg2[%mul3A_11] : memref<100000xi32, #tpu.memory_space<hbm>> -> memref<160xi32, #tpu.memory_space<hbm>>
    %dma_start3A_86 = tpu.memref_slice %arg2[%mul3A_11] : memref<100000xi32, #tpu.memory_space<hbm>> -> memref<160xi32, #tpu.memory_space<hbm>>
    tpu.enqueue_dma source(%dma_start3A_86 : memref<160xi32, #tpu.memory_space<hbm>>) target(%arg5 : memref<160xi32, #tpu.memory_space<vmem>>) target_semaphore(%arg27 : memref<!tpu.dma_semaphore, #tpu.memory_space<semaphore_mem>>)
    %dma_start3A_87 = tpu.memref_slice %arg2[%mul3A_15] : memref<100000xi32, #tpu.memory_space<hbm>> -> memref<160xi32, #tpu.memory_space<hbm>>
    %dma_start3A_88 = tpu.memref_slice %arg2[%mul3A_15] : memref<100000xi32, #tpu.memory_space<hbm>> -> memref<160xi32, #tpu.memory_space<hbm>>
    tpu.enqueue_dma source(%dma_start3A_88 : memref<160xi32, #tpu.memory_space<hbm>>) target(%arg6 : memref<160xi32, #tpu.memory_space<vmem>>) target_semaphore(%arg28 : memref<!tpu.dma_semaphore, #tpu.memory_space<semaphore_mem>>)
    %dma_start3A_89 = tpu.memref_slice %arg2[%mul3A_19] : memref<100000xi32, #tpu.memory_space<hbm>> -> memref<160xi32, #tpu.memory_space<hbm>>
    %dma_start3A_90 = tpu.memref_slice %arg2[%mul3A_19] : memref<100000xi32, #tpu.memory_space<hbm>> -> memref<160xi32, #tpu.memory_space<hbm>>
    tpu.enqueue_dma source(%dma_start3A_90 : memref<160xi32, #tpu.memory_space<hbm>>) target(%arg7 : memref<160xi32, #tpu.memory_space<vmem>>) target_semaphore(%arg29 : memref<!tpu.dma_semaphore, #tpu.memory_space<semaphore_mem>>)
    %dma_start3A_91 = tpu.memref_slice %arg2[%mul3A_23] : memref<100000xi32, #tpu.memory_space<hbm>> -> memref<160xi32, #tpu.memory_space<hbm>>
    %dma_start3A_92 = tpu.memref_slice %arg2[%mul3A_23] : memref<100000xi32, #tpu.memory_space<hbm>> -> memref<160xi32, #tpu.memory_space<hbm>>
    tpu.enqueue_dma source(%dma_start3A_92 : memref<160xi32, #tpu.memory_space<hbm>>) target(%arg8 : memref<160xi32, #tpu.memory_space<vmem>>) target_semaphore(%arg30 : memref<!tpu.dma_semaphore, #tpu.memory_space<semaphore_mem>>)
    %dma_start3A_93 = tpu.memref_slice %arg2[%mul3A_27] : memref<100000xi32, #tpu.memory_space<hbm>> -> memref<160xi32, #tpu.memory_space<hbm>>
    %dma_start3A_94 = tpu.memref_slice %arg2[%mul3A_27] : memref<100000xi32, #tpu.memory_space<hbm>> -> memref<160xi32, #tpu.memory_space<hbm>>
    tpu.enqueue_dma source(%dma_start3A_94 : memref<160xi32, #tpu.memory_space<hbm>>) target(%arg9 : memref<160xi32, #tpu.memory_space<vmem>>) target_semaphore(%arg31 : memref<!tpu.dma_semaphore, #tpu.memory_space<semaphore_mem>>)
    %dma_start3A_95 = tpu.memref_slice %arg2[%mul3A_31] : memref<100000xi32, #tpu.memory_space<hbm>> -> memref<160xi32, #tpu.memory_space<hbm>>
    %dma_start3A_96 = tpu.memref_slice %arg2[%mul3A_31] : memref<100000xi32, #tpu.memory_space<hbm>> -> memref<160xi32, #tpu.memory_space<hbm>>
    tpu.enqueue_dma source(%dma_start3A_96 : memref<160xi32, #tpu.memory_space<hbm>>) target(%arg10 : memref<160xi32, #tpu.memory_space<vmem>>) target_semaphore(%arg32 : memref<!tpu.dma_semaphore, #tpu.memory_space<semaphore_mem>>)
    %dma_start3A_97 = tpu.memref_slice %arg2[%mul3A_35] : memref<100000xi32, #tpu.memory_space<hbm>> -> memref<160xi32, #tpu.memory_space<hbm>>
    %dma_start3A_98 = tpu.memref_slice %arg2[%mul3A_35] : memref<100000xi32, #tpu.memory_space<hbm>> -> memref<160xi32, #tpu.memory_space<hbm>>
    tpu.enqueue_dma source(%dma_start3A_98 : memref<160xi32, #tpu.memory_space<hbm>>) target(%arg11 : memref<160xi32, #tpu.memory_space<vmem>>) target_semaphore(%arg33 : memref<!tpu.dma_semaphore, #tpu.memory_space<semaphore_mem>>)
    %dma_start3A_99 = tpu.memref_slice %arg2[%mul3A_39] : memref<100000xi32, #tpu.memory_space<hbm>> -> memref<160xi32, #tpu.memory_space<hbm>>
    %dma_start3A_100 = tpu.memref_slice %arg2[%mul3A_39] : memref<100000xi32, #tpu.memory_space<hbm>> -> memref<160xi32, #tpu.memory_space<hbm>>
    tpu.enqueue_dma source(%dma_start3A_100 : memref<160xi32, #tpu.memory_space<hbm>>) target(%arg12 : memref<160xi32, #tpu.memory_space<vmem>>) target_semaphore(%arg34 : memref<!tpu.dma_semaphore, #tpu.memory_space<semaphore_mem>>)
    %dma_start3A_101 = tpu.memref_slice %arg2[%mul3A_43] : memref<100000xi32, #tpu.memory_space<hbm>> -> memref<160xi32, #tpu.memory_space<hbm>>
    %dma_start3A_102 = tpu.memref_slice %arg2[%mul3A_43] : memref<100000xi32, #tpu.memory_space<hbm>> -> memref<160xi32, #tpu.memory_space<hbm>>
    tpu.enqueue_dma source(%dma_start3A_102 : memref<160xi32, #tpu.memory_space<hbm>>) target(%arg13 : memref<160xi32, #tpu.memory_space<vmem>>) target_semaphore(%arg35 : memref<!tpu.dma_semaphore, #tpu.memory_space<semaphore_mem>>)
    %dma_start3A_103 = tpu.memref_slice %arg2[%mul3A_47] : memref<100000xi32, #tpu.memory_space<hbm>> -> memref<160xi32, #tpu.memory_space<hbm>>
    %dma_start3A_104 = tpu.memref_slice %arg2[%mul3A_47] : memref<100000xi32, #tpu.memory_space<hbm>> -> memref<160xi32, #tpu.memory_space<hbm>>
    tpu.enqueue_dma source(%dma_start3A_104 : memref<160xi32, #tpu.memory_space<hbm>>) target(%arg14 : memref<160xi32, #tpu.memory_space<vmem>>) target_semaphore(%arg36 : memref<!tpu.dma_semaphore, #tpu.memory_space<semaphore_mem>>)
    %dma_start3A_105 = tpu.memref_slice %arg2[%mul3A_51] : memref<100000xi32, #tpu.memory_space<hbm>> -> memref<160xi32, #tpu.memory_space<hbm>>
    %dma_start3A_106 = tpu.memref_slice %arg2[%mul3A_51] : memref<100000xi32, #tpu.memory_space<hbm>> -> memref<160xi32, #tpu.memory_space<hbm>>
    tpu.enqueue_dma source(%dma_start3A_106 : memref<160xi32, #tpu.memory_space<hbm>>) target(%arg15 : memref<160xi32, #tpu.memory_space<vmem>>) target_semaphore(%arg37 : memref<!tpu.dma_semaphore, #tpu.memory_space<semaphore_mem>>)
    %dma_start3A_107 = tpu.memref_slice %arg2[%mul3A_55] : memref<100000xi32, #tpu.memory_space<hbm>> -> memref<160xi32, #tpu.memory_space<hbm>>
    %dma_start3A_108 = tpu.memref_slice %arg2[%mul3A_55] : memref<100000xi32, #tpu.memory_space<hbm>> -> memref<160xi32, #tpu.memory_space<hbm>>
    tpu.enqueue_dma source(%dma_start3A_108 : memref<160xi32, #tpu.memory_space<hbm>>) target(%arg16 : memref<160xi32, #tpu.memory_space<vmem>>) target_semaphore(%arg38 : memref<!tpu.dma_semaphore, #tpu.memory_space<semaphore_mem>>)
    %dma_start3A_109 = tpu.memref_slice %arg2[%mul3A_59] : memref<100000xi32, #tpu.memory_space<hbm>> -> memref<160xi32, #tpu.memory_space<hbm>>
    %dma_start3A_110 = tpu.memref_slice %arg2[%mul3A_59] : memref<100000xi32, #tpu.memory_space<hbm>> -> memref<160xi32, #tpu.memory_space<hbm>>
    tpu.enqueue_dma source(%dma_start3A_110 : memref<160xi32, #tpu.memory_space<hbm>>) target(%arg17 : memref<160xi32, #tpu.memory_space<vmem>>) target_semaphore(%arg39 : memref<!tpu.dma_semaphore, #tpu.memory_space<semaphore_mem>>)
    %dma_start3A_111 = tpu.memref_slice %arg2[%mul3A_63] : memref<100000xi32, #tpu.memory_space<hbm>> -> memref<160xi32, #tpu.memory_space<hbm>>
    %dma_start3A_112 = tpu.memref_slice %arg2[%mul3A_63] : memref<100000xi32, #tpu.memory_space<hbm>> -> memref<160xi32, #tpu.memory_space<hbm>>
    tpu.enqueue_dma source(%dma_start3A_112 : memref<160xi32, #tpu.memory_space<hbm>>) target(%arg18 : memref<160xi32, #tpu.memory_space<vmem>>) target_semaphore(%arg40 : memref<!tpu.dma_semaphore, #tpu.memory_space<semaphore_mem>>)
    %dma_start3A_113 = tpu.memref_slice %arg2[%mul3A_67] : memref<100000xi32, #tpu.memory_space<hbm>> -> memref<160xi32, #tpu.memory_space<hbm>>
    %dma_start3A_114 = tpu.memref_slice %arg2[%mul3A_67] : memref<100000xi32, #tpu.memory_space<hbm>> -> memref<160xi32, #tpu.memory_space<hbm>>
    tpu.enqueue_dma source(%dma_start3A_114 : memref<160xi32, #tpu.memory_space<hbm>>) target(%arg19 : memref<160xi32, #tpu.memory_space<vmem>>) target_semaphore(%arg41 : memref<!tpu.dma_semaphore, #tpu.memory_space<semaphore_mem>>)
    %dma_start3A_115 = tpu.memref_slice %arg2[%mul3A_71] : memref<100000xi32, #tpu.memory_space<hbm>> -> memref<160xi32, #tpu.memory_space<hbm>>
    %dma_start3A_116 = tpu.memref_slice %arg2[%mul3A_71] : memref<100000xi32, #tpu.memory_space<hbm>> -> memref<160xi32, #tpu.memory_space<hbm>>
    tpu.enqueue_dma source(%dma_start3A_116 : memref<160xi32, #tpu.memory_space<hbm>>) target(%arg20 : memref<160xi32, #tpu.memory_space<vmem>>) target_semaphore(%arg42 : memref<!tpu.dma_semaphore, #tpu.memory_space<semaphore_mem>>)
    %dma_start3A_117 = tpu.memref_slice %arg2[%mul3A_75] : memref<100000xi32, #tpu.memory_space<hbm>> -> memref<160xi32, #tpu.memory_space<hbm>>
    %dma_start3A_118 = tpu.memref_slice %arg2[%mul3A_75] : memref<100000xi32, #tpu.memory_space<hbm>> -> memref<160xi32, #tpu.memory_space<hbm>>
    tpu.enqueue_dma source(%dma_start3A_118 : memref<160xi32, #tpu.memory_space<hbm>>) target(%arg21 : memref<160xi32, #tpu.memory_space<vmem>>) target_semaphore(%arg43 : memref<!tpu.dma_semaphore, #tpu.memory_space<semaphore_mem>>)
    %dma_start3A_119 = tpu.memref_slice %arg2[%mul3A_79] : memref<100000xi32, #tpu.memory_space<hbm>> -> memref<160xi32, #tpu.memory_space<hbm>>
    %dma_start3A_120 = tpu.memref_slice %arg2[%mul3A_79] : memref<100000xi32, #tpu.memory_space<hbm>> -> memref<160xi32, #tpu.memory_space<hbm>>
    tpu.enqueue_dma source(%dma_start3A_120 : memref<160xi32, #tpu.memory_space<hbm>>) target(%arg22 : memref<160xi32, #tpu.memory_space<vmem>>) target_semaphore(%arg44 : memref<!tpu.dma_semaphore, #tpu.memory_space<semaphore_mem>>)
    %lt3A = arith.constant 17 : i32
    %lt3A_121 = arith.cmpi slt, %add3A, %lt3A : i32
    %convert_element_type3A = arith.extui %lt3A_121 : i1 to i32
    %cond3A = arith.constant 0 : i32
    %cond3A_122 = arith.cmpi ne, %convert_element_type3A, %cond3A : i32
    scf.if %cond3A_122 {
      %dma_start3A_303 = tpu.memref_slice %arg2[%mul3A_83] : memref<100000xi32, #tpu.memory_space<hbm>> -> memref<160xi32, #tpu.memory_space<hbm>>
      %dma_start3A_304 = tpu.memref_slice %arg2[%mul3A_83] : memref<100000xi32, #tpu.memory_space<hbm>> -> memref<160xi32, #tpu.memory_space<hbm>>
      tpu.enqueue_dma source(%dma_start3A_304 : memref<160xi32, #tpu.memory_space<hbm>>) target(%arg23 : memref<160xi32, #tpu.memory_space<vmem>>) target_semaphore(%arg45 : memref<!tpu.dma_semaphore, #tpu.memory_space<semaphore_mem>>)
    } else {
    }
    %scan3A = arith.constant 0 : i32
    %scan3A_123 = arith.constant 0 : i32
    %scan3A_124 = arith.constant 160 : i32
    %scan3A_125 = arith.addi %scan3A_123, %scan3A_124 : i32
    %scan3A_126 = arith.constant 1 : i32
    %scan3A_127 = scf.for %scan3A_303 = %scan3A_123 to %scan3A_125 step %scan3A_126 iter_args(%scan3A_304 = %scan3A) -> (i32)  : i32 {
      %swap3A = arith.index_cast %scan3A_303 : i32 to index
      %swap3A_305 = arith.constant 0 : index
      %swap3A_306 = tpu.vector_load %arg24[%swap3A, %swap3A_305] {strides = array<i32>} : memref<160x128xf32, #tpu.memory_space<vmem>>, vector<16xf32>,
      tpu.vector_store %arg24[%swap3A, %swap3A_305], %broadcast_in_dim3A_3 {strides = array<i32>} : memref<160x128xf32, #tpu.memory_space<vmem>>, vector<16xf32>,
      %swap3A_307 = arith.index_cast %scan3A_303 : i32 to index
      %swap3A_308 = arith.constant 16 : index
      %swap3A_309 = tpu.vector_load %arg24[%swap3A_307, %swap3A_308] {strides = array<i32>} : memref<160x128xf32, #tpu.memory_space<vmem>>, vector<16xf32>,
      tpu.vector_store %arg24[%swap3A_307, %swap3A_308], %broadcast_in_dim3A_3 {strides = array<i32>} : memref<160x128xf32, #tpu.memory_space<vmem>>, vector<16xf32>,
      %swap3A_310 = arith.index_cast %scan3A_303 : i32 to index
      %swap3A_311 = arith.constant 32 : index
      %swap3A_312 = tpu.vector_load %arg24[%swap3A_310, %swap3A_311] {strides = array<i32>} : memref<160x128xf32, #tpu.memory_space<vmem>>, vector<16xf32>,
      tpu.vector_store %arg24[%swap3A_310, %swap3A_311], %broadcast_in_dim3A_3 {strides = array<i32>} : memref<160x128xf32, #tpu.memory_space<vmem>>, vector<16xf32>,
      %swap3A_313 = arith.index_cast %scan3A_303 : i32 to index
      %swap3A_314 = arith.constant 48 : index
      %swap3A_315 = tpu.vector_load %arg24[%swap3A_313, %swap3A_314] {strides = array<i32>} : memref<160x128xf32, #tpu.memory_space<vmem>>, vector<16xf32>,
      tpu.vector_store %arg24[%swap3A_313, %swap3A_314], %broadcast_in_dim3A_3 {strides = array<i32>} : memref<160x128xf32, #tpu.memory_space<vmem>>, vector<16xf32>,
      %swap3A_316 = arith.index_cast %scan3A_303 : i32 to index
      %swap3A_317 = arith.constant 64 : index
      %swap3A_318 = tpu.vector_load %arg24[%swap3A_316, %swap3A_317] {strides = array<i32>} : memref<160x128xf32, #tpu.memory_space<vmem>>, vector<16xf32>,
      tpu.vector_store %arg24[%swap3A_316, %swap3A_317], %broadcast_in_dim3A_3 {strides = array<i32>} : memref<160x128xf32, #tpu.memory_space<vmem>>, vector<16xf32>,
      %swap3A_319 = arith.index_cast %scan3A_303 : i32 to index
      %swap3A_320 = arith.constant 80 : index
      %swap3A_321 = tpu.vector_load %arg24[%swap3A_319, %swap3A_320] {strides = array<i32>} : memref<160x128xf32, #tpu.memory_space<vmem>>, vector<16xf32>,
      tpu.vector_store %arg24[%swap3A_319, %swap3A_320], %broadcast_in_dim3A_3 {strides = array<i32>} : memref<160x128xf32, #tpu.memory_space<vmem>>, vector<16xf32>,
      %swap3A_322 = arith.index_cast %scan3A_303 : i32 to index
      %swap3A_323 = arith.constant 96 : index
      %swap3A_324 = tpu.vector_load %arg24[%swap3A_322, %swap3A_323] {strides = array<i32>} : memref<160x128xf32, #tpu.memory_space<vmem>>, vector<16xf32>,
      tpu.vector_store %arg24[%swap3A_322, %swap3A_323], %broadcast_in_dim3A_3 {strides = array<i32>} : memref<160x128xf32, #tpu.memory_space<vmem>>, vector<16xf32>,
      %swap3A_325 = arith.index_cast %scan3A_303 : i32 to index
      %swap3A_326 = arith.constant 112 : index
      %swap3A_327 = tpu.vector_load %arg24[%swap3A_325, %swap3A_326] {strides = array<i32>} : memref<160x128xf32, #tpu.memory_space<vmem>>, vector<16xf32>,
      tpu.vector_store %arg24[%swap3A_325, %swap3A_326], %broadcast_in_dim3A_3 {strides = array<i32>} : memref<160x128xf32, #tpu.memory_space<vmem>>, vector<16xf32>,
      %swap3A_328 = arith.index_cast %scan3A_303 : i32 to index
      %swap3A_329 = arith.constant 0 : index
      %swap3A_330 = tpu.vector_load %arg25[%swap3A_328, %swap3A_329] {strides = array<i32>} : memref<160x128xf32, #tpu.memory_space<vmem>>, vector<16xf32>,
      tpu.vector_store %arg25[%swap3A_328, %swap3A_329], %broadcast_in_dim3A_3 {strides = array<i32>} : memref<160x128xf32, #tpu.memory_space<vmem>>, vector<16xf32>,
      %swap3A_331 = arith.index_cast %scan3A_303 : i32 to index
      %swap3A_332 = arith.constant 16 : index
      %swap3A_333 = tpu.vector_load %arg25[%swap3A_331, %swap3A_332] {strides = array<i32>} : memref<160x128xf32, #tpu.memory_space<vmem>>, vector<16xf32>,
      tpu.vector_store %arg25[%swap3A_331, %swap3A_332], %broadcast_in_dim3A_3 {strides = array<i32>} : memref<160x128xf32, #tpu.memory_space<vmem>>, vector<16xf32>,
      %swap3A_334 = arith.index_cast %scan3A_303 : i32 to index
      %swap3A_335 = arith.constant 32 : index
      %swap3A_336 = tpu.vector_load %arg25[%swap3A_334, %swap3A_335] {strides = array<i32>} : memref<160x128xf32, #tpu.memory_space<vmem>>, vector<16xf32>,
      tpu.vector_store %arg25[%swap3A_334, %swap3A_335], %broadcast_in_dim3A_3 {strides = array<i32>} : memref<160x128xf32, #tpu.memory_space<vmem>>, vector<16xf32>,
      %swap3A_337 = arith.index_cast %scan3A_303 : i32 to index
      %swap3A_338 = arith.constant 48 : index
      %swap3A_339 = tpu.vector_load %arg25[%swap3A_337, %swap3A_338] {strides = array<i32>} : memref<160x128xf32, #tpu.memory_space<vmem>>, vector<16xf32>,
      tpu.vector_store %arg25[%swap3A_337, %swap3A_338], %broadcast_in_dim3A_3 {strides = array<i32>} : memref<160x128xf32, #tpu.memory_space<vmem>>, vector<16xf32>,
      %swap3A_340 = arith.index_cast %scan3A_303 : i32 to index
      %swap3A_341 = arith.constant 64 : index
      %swap3A_342 = tpu.vector_load %arg25[%swap3A_340, %swap3A_341] {strides = array<i32>} : memref<160x128xf32, #tpu.memory_space<vmem>>, vector<16xf32>,
      tpu.vector_store %arg25[%swap3A_340, %swap3A_341], %broadcast_in_dim3A_3 {strides = array<i32>} : memref<160x128xf32, #tpu.memory_space<vmem>>, vector<16xf32>,
      %swap3A_343 = arith.index_cast %scan3A_303 : i32 to index
      %swap3A_344 = arith.constant 80 : index
      %swap3A_345 = tpu.vector_load %arg25[%swap3A_343, %swap3A_344] {strides = array<i32>} : memref<160x128xf32, #tpu.memory_space<vmem>>, vector<16xf32>,
      tpu.vector_store %arg25[%swap3A_343, %swap3A_344], %broadcast_in_dim3A_3 {strides = array<i32>} : memref<160x128xf32, #tpu.memory_space<vmem>>, vector<16xf32>,
      %swap3A_346 = arith.index_cast %scan3A_303 : i32 to index
      %swap3A_347 = arith.constant 96 : index
      %swap3A_348 = tpu.vector_load %arg25[%swap3A_346, %swap3A_347] {strides = array<i32>} : memref<160x128xf32, #tpu.memory_space<vmem>>, vector<16xf32>,
      tpu.vector_store %arg25[%swap3A_346, %swap3A_347], %broadcast_in_dim3A_3 {strides = array<i32>} : memref<160x128xf32, #tpu.memory_space<vmem>>, vector<16xf32>,
      %swap3A_349 = arith.index_cast %scan3A_303 : i32 to index
      %swap3A_350 = arith.constant 112 : index
      %swap3A_351 = tpu.vector_load %arg25[%swap3A_349, %swap3A_350] {strides = array<i32>} : memref<160x128xf32, #tpu.memory_space<vmem>>, vector<16xf32>,
      tpu.vector_store %arg25[%swap3A_349, %swap3A_350], %broadcast_in_dim3A_3 {strides = array<i32>} : memref<160x128xf32, #tpu.memory_space<vmem>>, vector<16xf32>,
      %scan3A_352 = arith.constant 0 : i32
      scf.yield %scan3A_352 : i32
    }
    %scan3A_128 = arith.constant 160 : i32
    %add3A_129 = arith.constant 0 : i32
    %add3A_130 = arith.addi %add3A, %add3A_129 : i32
    %lt3A_131 = arith.constant 625 : i32
    %lt3A_132 = arith.cmpi slt, %add3A_130, %lt3A_131 : i32
    %convert_element_type3A_133 = arith.extui %lt3A_132 : i1 to i32
    %cond3A_134 = arith.constant 0 : i32
    %cond3A_135 = arith.cmpi ne, %convert_element_type3A_133, %cond3A_134 : i32
    scf.if %cond3A_135 {
      %dma_wait3A = tpu.memref_slice %arg2[%mul3A_7] : memref<100000xi32, #tpu.memory_space<hbm>> -> memref<160xi32, #tpu.memory_space<hbm>>
      %dma_wait3A_303 = tpu.memref_slice %arg2[%mul3A_7] : memref<100000xi32, #tpu.memory_space<hbm>> -> memref<160xi32, #tpu.memory_space<hbm>>
      tpu.wait_dma2 semaphore(%arg26 : memref<!tpu.dma_semaphore, #tpu.memory_space<semaphore_mem>>) src(%dma_wait3A_303 : memref<160xi32, #tpu.memory_space<hbm>>) dst(%arg4 : memref<160xi32, #tpu.memory_space<vmem>>)
      %add3A_304 = arith.constant 0 : i32
      %add3A_305 = vector.broadcast %add3A_304 : i32 to vector<16xi32>
      %add3A_306 = arith.addi %iota3A, %add3A_305 : vector<16xi32>
      %get3A = arith.constant 0 : index
      %get3A_307 = tpu.vector_load %arg4[%get3A] {strides = array<i32>} : memref<160xi32, #tpu.memory_space<vmem>>, vector<16xi32>,
      tpu.vector_store_idx %arg24[%add3A_306, %get3A_307], %broadcast_in_dim3A_1 : memref<160x128xf32, #tpu.memory_space<vmem>>[vector<16xi32>, vector<16xi32>], vector<16xf32>,
      %add3A_308 = arith.constant 16 : i32
      %add3A_309 = vector.broadcast %add3A_308 : i32 to vector<16xi32>
      %add3A_310 = arith.addi %iota3A, %add3A_309 : vector<16xi32>
      %get3A_311 = arith.constant 16 : index
      %get3A_312 = tpu.vector_load %arg4[%get3A_311] {strides = array<i32>} : memref<160xi32, #tpu.memory_space<vmem>>, vector<16xi32>,
      tpu.vector_store_idx %arg24[%add3A_310, %get3A_312], %broadcast_in_dim3A_1 : memref<160x128xf32, #tpu.memory_space<vmem>>[vector<16xi32>, vector<16xi32>], vector<16xf32>,
      %add3A_313 = arith.constant 32 : i32
      %add3A_314 = vector.broadcast %add3A_313 : i32 to vector<16xi32>
      %add3A_315 = arith.addi %iota3A, %add3A_314 : vector<16xi32>
      %get3A_316 = arith.constant 32 : index
      %get3A_317 = tpu.vector_load %arg4[%get3A_316] {strides = array<i32>} : memref<160xi32, #tpu.memory_space<vmem>>, vector<16xi32>,
      tpu.vector_store_idx %arg24[%add3A_315, %get3A_317], %broadcast_in_dim3A_1 : memref<160x128xf32, #tpu.memory_space<vmem>>[vector<16xi32>, vector<16xi32>], vector<16xf32>,
      %add3A_318 = arith.constant 48 : i32
      %add3A_319 = vector.broadcast %add3A_318 : i32 to vector<16xi32>
      %add3A_320 = arith.addi %iota3A, %add3A_319 : vector<16xi32>
      %get3A_321 = arith.constant 48 : index
      %get3A_322 = tpu.vector_load %arg4[%get3A_321] {strides = array<i32>} : memref<160xi32, #tpu.memory_space<vmem>>, vector<16xi32>,
      tpu.vector_store_idx %arg24[%add3A_320, %get3A_322], %broadcast_in_dim3A_1 : memref<160x128xf32, #tpu.memory_space<vmem>>[vector<16xi32>, vector<16xi32>], vector<16xf32>,
      %add3A_323 = arith.constant 64 : i32
      %add3A_324 = vector.broadcast %add3A_323 : i32 to vector<16xi32>
      %add3A_325 = arith.addi %iota3A, %add3A_324 : vector<16xi32>
      %get3A_326 = arith.constant 64 : index
      %get3A_327 = tpu.vector_load %arg4[%get3A_326] {strides = array<i32>} : memref<160xi32, #tpu.memory_space<vmem>>, vector<16xi32>,
      tpu.vector_store_idx %arg24[%add3A_325, %get3A_327], %broadcast_in_dim3A_1 : memref<160x128xf32, #tpu.memory_space<vmem>>[vector<16xi32>, vector<16xi32>], vector<16xf32>,
      %add3A_328 = arith.constant 80 : i32
      %add3A_329 = vector.broadcast %add3A_328 : i32 to vector<16xi32>
      %add3A_330 = arith.addi %iota3A, %add3A_329 : vector<16xi32>
      %get3A_331 = arith.constant 80 : index
      %get3A_332 = tpu.vector_load %arg4[%get3A_331] {strides = array<i32>} : memref<160xi32, #tpu.memory_space<vmem>>, vector<16xi32>,
      tpu.vector_store_idx %arg24[%add3A_330, %get3A_332], %broadcast_in_dim3A_1 : memref<160x128xf32, #tpu.memory_space<vmem>>[vector<16xi32>, vector<16xi32>], vector<16xf32>,
      %add3A_333 = arith.constant 96 : i32
      %add3A_334 = vector.broadcast %add3A_333 : i32 to vector<16xi32>
      %add3A_335 = arith.addi %iota3A, %add3A_334 : vector<16xi32>
      %get3A_336 = arith.constant 96 : index
      %get3A_337 = tpu.vector_load %arg4[%get3A_336] {strides = array<i32>} : memref<160xi32, #tpu.memory_space<vmem>>, vector<16xi32>,
      tpu.vector_store_idx %arg24[%add3A_335, %get3A_337], %broadcast_in_dim3A_1 : memref<160x128xf32, #tpu.memory_space<vmem>>[vector<16xi32>, vector<16xi32>], vector<16xf32>,
      %add3A_338 = arith.constant 112 : i32
      %add3A_339 = vector.broadcast %add3A_338 : i32 to vector<16xi32>
      %add3A_340 = arith.addi %iota3A, %add3A_339 : vector<16xi32>
      %get3A_341 = arith.constant 112 : index
      %get3A_342 = tpu.vector_load %arg4[%get3A_341] {strides = array<i32>} : memref<160xi32, #tpu.memory_space<vmem>>, vector<16xi32>,
      tpu.vector_store_idx %arg24[%add3A_340, %get3A_342], %broadcast_in_dim3A_1 : memref<160x128xf32, #tpu.memory_space<vmem>>[vector<16xi32>, vector<16xi32>], vector<16xf32>,
      %add3A_343 = arith.constant 128 : i32
      %add3A_344 = vector.broadcast %add3A_343 : i32 to vector<16xi32>
      %add3A_345 = arith.addi %iota3A, %add3A_344 : vector<16xi32>
      %get3A_346 = arith.constant 128 : index
      %get3A_347 = tpu.vector_load %arg4[%get3A_346] {strides = array<i32>} : memref<160xi32, #tpu.memory_space<vmem>>, vector<16xi32>,
      tpu.vector_store_idx %arg24[%add3A_345, %get3A_347], %broadcast_in_dim3A_1 : memref<160x128xf32, #tpu.memory_space<vmem>>[vector<16xi32>, vector<16xi32>], vector<16xf32>,
      %add3A_348 = arith.constant 144 : i32
      %add3A_349 = vector.broadcast %add3A_348 : i32 to vector<16xi32>
      %add3A_350 = arith.addi %iota3A, %add3A_349 : vector<16xi32>
      %get3A_351 = arith.constant 144 : index
      %get3A_352 = tpu.vector_load %arg4[%get3A_351] {strides = array<i32>} : memref<160xi32, #tpu.memory_space<vmem>>, vector<16xi32>,
      tpu.vector_store_idx %arg24[%add3A_350, %get3A_352], %broadcast_in_dim3A_1 : memref<160x128xf32, #tpu.memory_space<vmem>>[vector<16xi32>, vector<16xi32>], vector<16xf32>,
      %dma_start3A_353 = arith.constant 0 : i32
      %dma_start3A_354 = tpu.memref_slice %arg3[%mul3A_7, %dma_start3A_353] : memref<100000x128xf32, #tpu.memory_space<hbm>> -> memref<160x128xf32, #tpu.memory_space<hbm>>
      %dma_start3A_355 = arith.constant 0 : i32
      %dma_start3A_356 = tpu.memref_slice %arg3[%mul3A_7, %dma_start3A_355] : memref<100000x128xf32, #tpu.memory_space<hbm>> -> memref<160x128xf32, #tpu.memory_space<hbm>>
      tpu.enqueue_dma source(%arg24 : memref<160x128xf32, #tpu.memory_space<vmem>>) target(%dma_start3A_356 : memref<160x128xf32, #tpu.memory_space<hbm>>) target_semaphore(%arg46 : memref<!tpu.dma_semaphore, #tpu.memory_space<semaphore_mem>>)
    } else {
    }
    %add3A_136 = arith.constant 32 : i32
    %add3A_137 = arith.addi %add3A, %add3A_136 : i32
    %lt3A_138 = arith.constant 625 : i32
    %lt3A_139 = arith.cmpi slt, %add3A_137, %lt3A_138 : i32
    %convert_element_type3A_140 = arith.extui %lt3A_139 : i1 to i32
    %cond3A_141 = arith.constant 0 : i32
    %cond3A_142 = arith.cmpi ne, %convert_element_type3A_140, %cond3A_141 : i32
    scf.if %cond3A_142 {
      %dma_wait3A = tpu.memref_slice %arg2[%mul3A_11] : memref<100000xi32, #tpu.memory_space<hbm>> -> memref<160xi32, #tpu.memory_space<hbm>>
      %dma_wait3A_303 = tpu.memref_slice %arg2[%mul3A_11] : memref<100000xi32, #tpu.memory_space<hbm>> -> memref<160xi32, #tpu.memory_space<hbm>>
      tpu.wait_dma2 semaphore(%arg27 : memref<!tpu.dma_semaphore, #tpu.memory_space<semaphore_mem>>) src(%dma_wait3A_303 : memref<160xi32, #tpu.memory_space<hbm>>) dst(%arg5 : memref<160xi32, #tpu.memory_space<vmem>>)
      %add3A_304 = arith.constant 0 : i32
      %add3A_305 = vector.broadcast %add3A_304 : i32 to vector<16xi32>
      %add3A_306 = arith.addi %iota3A, %add3A_305 : vector<16xi32>
      %get3A = arith.constant 0 : index
      %get3A_307 = tpu.vector_load %arg5[%get3A] {strides = array<i32>} : memref<160xi32, #tpu.memory_space<vmem>>, vector<16xi32>,
      tpu.vector_store_idx %arg25[%add3A_306, %get3A_307], %broadcast_in_dim3A_1 : memref<160x128xf32, #tpu.memory_space<vmem>>[vector<16xi32>, vector<16xi32>], vector<16xf32>,
      %add3A_308 = arith.constant 16 : i32
      %add3A_309 = vector.broadcast %add3A_308 : i32 to vector<16xi32>
      %add3A_310 = arith.addi %iota3A, %add3A_309 : vector<16xi32>
      %get3A_311 = arith.constant 16 : index
      %get3A_312 = tpu.vector_load %arg5[%get3A_311] {strides = array<i32>} : memref<160xi32, #tpu.memory_space<vmem>>, vector<16xi32>,
      tpu.vector_store_idx %arg25[%add3A_310, %get3A_312], %broadcast_in_dim3A_1 : memref<160x128xf32, #tpu.memory_space<vmem>>[vector<16xi32>, vector<16xi32>], vector<16xf32>,
      %add3A_313 = arith.constant 32 : i32
      %add3A_314 = vector.broadcast %add3A_313 : i32 to vector<16xi32>
      %add3A_315 = arith.addi %iota3A, %add3A_314 : vector<16xi32>
      %get3A_316 = arith.constant 32 : index
      %get3A_317 = tpu.vector_load %arg5[%get3A_316] {strides = array<i32>} : memref<160xi32, #tpu.memory_space<vmem>>, vector<16xi32>,
      tpu.vector_store_idx %arg25[%add3A_315, %get3A_317], %broadcast_in_dim3A_1 : memref<160x128xf32, #tpu.memory_space<vmem>>[vector<16xi32>, vector<16xi32>], vector<16xf32>,
      %add3A_318 = arith.constant 48 : i32
      %add3A_319 = vector.broadcast %add3A_318 : i32 to vector<16xi32>
      %add3A_320 = arith.addi %iota3A, %add3A_319 : vector<16xi32>
      %get3A_321 = arith.constant 48 : index
      %get3A_322 = tpu.vector_load %arg5[%get3A_321] {strides = array<i32>} : memref<160xi32, #tpu.memory_space<vmem>>, vector<16xi32>,
      tpu.vector_store_idx %arg25[%add3A_320, %get3A_322], %broadcast_in_dim3A_1 : memref<160x128xf32, #tpu.memory_space<vmem>>[vector<16xi32>, vector<16xi32>], vector<16xf32>,
      %add3A_323 = arith.constant 64 : i32
      %add3A_324 = vector.broadcast %add3A_323 : i32 to vector<16xi32>
      %add3A_325 = arith.addi %iota3A, %add3A_324 : vector<16xi32>
      %get3A_326 = arith.constant 64 : index
      %get3A_327 = tpu.vector_load %arg5[%get3A_326] {strides = array<i32>} : memref<160xi32, #tpu.memory_space<vmem>>, vector<16xi32>,
      tpu.vector_store_idx %arg25[%add3A_325, %get3A_327], %broadcast_in_dim3A_1 : memref<160x128xf32, #tpu.memory_space<vmem>>[vector<16xi32>, vector<16xi32>], vector<16xf32>,
      %add3A_328 = arith.constant 80 : i32
      %add3A_329 = vector.broadcast %add3A_328 : i32 to vector<16xi32>
      %add3A_330 = arith.addi %iota3A, %add3A_329 : vector<16xi32>
      %get3A_331 = arith.constant 80 : index
      %get3A_332 = tpu.vector_load %arg5[%get3A_331] {strides = array<i32>} : memref<160xi32, #tpu.memory_space<vmem>>, vector<16xi32>,
      tpu.vector_store_idx %arg25[%add3A_330, %get3A_332], %broadcast_in_dim3A_1 : memref<160x128xf32, #tpu.memory_space<vmem>>[vector<16xi32>, vector<16xi32>], vector<16xf32>,
      %add3A_333 = arith.constant 96 : i32
      %add3A_334 = vector.broadcast %add3A_333 : i32 to vector<16xi32>
      %add3A_335 = arith.addi %iota3A, %add3A_334 : vector<16xi32>
      %get3A_336 = arith.constant 96 : index
      %get3A_337 = tpu.vector_load %arg5[%get3A_336] {strides = array<i32>} : memref<160xi32, #tpu.memory_space<vmem>>, vector<16xi32>,
      tpu.vector_store_idx %arg25[%add3A_335, %get3A_337], %broadcast_in_dim3A_1 : memref<160x128xf32, #tpu.memory_space<vmem>>[vector<16xi32>, vector<16xi32>], vector<16xf32>,
      %add3A_338 = arith.constant 112 : i32
      %add3A_339 = vector.broadcast %add3A_338 : i32 to vector<16xi32>
      %add3A_340 = arith.addi %iota3A, %add3A_339 : vector<16xi32>
      %get3A_341 = arith.constant 112 : index
      %get3A_342 = tpu.vector_load %arg5[%get3A_341] {strides = array<i32>} : memref<160xi32, #tpu.memory_space<vmem>>, vector<16xi32>,
      tpu.vector_store_idx %arg25[%add3A_340, %get3A_342], %broadcast_in_dim3A_1 : memref<160x128xf32, #tpu.memory_space<vmem>>[vector<16xi32>, vector<16xi32>], vector<16xf32>,
      %add3A_343 = arith.constant 128 : i32
      %add3A_344 = vector.broadcast %add3A_343 : i32 to vector<16xi32>
      %add3A_345 = arith.addi %iota3A, %add3A_344 : vector<16xi32>
      %get3A_346 = arith.constant 128 : index
      %get3A_347 = tpu.vector_load %arg5[%get3A_346] {strides = array<i32>} : memref<160xi32, #tpu.memory_space<vmem>>, vector<16xi32>,
      tpu.vector_store_idx %arg25[%add3A_345, %get3A_347], %broadcast_in_dim3A_1 : memref<160x128xf32, #tpu.memory_space<vmem>>[vector<16xi32>, vector<16xi32>], vector<16xf32>,
      %add3A_348 = arith.constant 144 : i32
      %add3A_349 = vector.broadcast %add3A_348 : i32 to vector<16xi32>
      %add3A_350 = arith.addi %iota3A, %add3A_349 : vector<16xi32>
      %get3A_351 = arith.constant 144 : index
      %get3A_352 = tpu.vector_load %arg5[%get3A_351] {strides = array<i32>} : memref<160xi32, #tpu.memory_space<vmem>>, vector<16xi32>,
      tpu.vector_store_idx %arg25[%add3A_350, %get3A_352], %broadcast_in_dim3A_1 : memref<160x128xf32, #tpu.memory_space<vmem>>[vector<16xi32>, vector<16xi32>], vector<16xf32>,
      %dma_start3A_353 = arith.constant 0 : i32
      %dma_start3A_354 = tpu.memref_slice %arg3[%mul3A_11, %dma_start3A_353] : memref<100000x128xf32, #tpu.memory_space<hbm>> -> memref<160x128xf32, #tpu.memory_space<hbm>>
      %dma_start3A_355 = arith.constant 0 : i32
      %dma_start3A_356 = tpu.memref_slice %arg3[%mul3A_11, %dma_start3A_355] : memref<100000x128xf32, #tpu.memory_space<hbm>> -> memref<160x128xf32, #tpu.memory_space<hbm>>
      tpu.enqueue_dma source(%arg25 : memref<160x128xf32, #tpu.memory_space<vmem>>) target(%dma_start3A_356 : memref<160x128xf32, #tpu.memory_space<hbm>>) target_semaphore(%arg47 : memref<!tpu.dma_semaphore, #tpu.memory_space<semaphore_mem>>)
    } else {
    }
    %add3A_143 = arith.constant 64 : i32
    %add3A_144 = arith.addi %add3A, %add3A_143 : i32
    %lt3A_145 = arith.constant 625 : i32
    %lt3A_146 = arith.cmpi slt, %add3A_144, %lt3A_145 : i32
    %convert_element_type3A_147 = arith.extui %lt3A_146 : i1 to i32
    %cond3A_148 = arith.constant 0 : i32
    %cond3A_149 = arith.cmpi ne, %convert_element_type3A_147, %cond3A_148 : i32
    scf.if %cond3A_149 {
      %dma_wait3A = tpu.memref_slice %arg2[%mul3A_15] : memref<100000xi32, #tpu.memory_space<hbm>> -> memref<160xi32, #tpu.memory_space<hbm>>
      %dma_wait3A_303 = tpu.memref_slice %arg2[%mul3A_15] : memref<100000xi32, #tpu.memory_space<hbm>> -> memref<160xi32, #tpu.memory_space<hbm>>
      tpu.wait_dma2 semaphore(%arg28 : memref<!tpu.dma_semaphore, #tpu.memory_space<semaphore_mem>>) src(%dma_wait3A_303 : memref<160xi32, #tpu.memory_space<hbm>>) dst(%arg6 : memref<160xi32, #tpu.memory_space<vmem>>)
      %dma_wait3A_304 = arith.constant 0 : i32
      %dma_wait3A_305 = tpu.memref_slice %arg3[%mul3A_7, %dma_wait3A_304] : memref<100000x128xf32, #tpu.memory_space<hbm>> -> memref<160x128xf32, #tpu.memory_space<hbm>>
      %dma_wait3A_306 = arith.constant 0 : i32
      %dma_wait3A_307 = tpu.memref_slice %arg3[%mul3A_7, %dma_wait3A_306] : memref<100000x128xf32, #tpu.memory_space<hbm>> -> memref<160x128xf32, #tpu.memory_space<hbm>>
      tpu.wait_dma2 semaphore(%arg46 : memref<!tpu.dma_semaphore, #tpu.memory_space<semaphore_mem>>) src(%arg24 : memref<160x128xf32, #tpu.memory_space<vmem>>) dst(%dma_wait3A_307 : memref<160x128xf32, #tpu.memory_space<hbm>>)
      %add3A_308 = arith.constant 0 : i32
      %add3A_309 = vector.broadcast %add3A_308 : i32 to vector<16xi32>
      %add3A_310 = arith.addi %iota3A, %add3A_309 : vector<16xi32>
      %get3A = arith.constant 0 : index
      %get3A_311 = tpu.vector_load %arg4[%get3A] {strides = array<i32>} : memref<160xi32, #tpu.memory_space<vmem>>, vector<16xi32>,
      tpu.vector_store_idx %arg24[%add3A_310, %get3A_311], %broadcast_in_dim3A_3 : memref<160x128xf32, #tpu.memory_space<vmem>>[vector<16xi32>, vector<16xi32>], vector<16xf32>,
      %add3A_312 = arith.constant 16 : i32
      %add3A_313 = vector.broadcast %add3A_312 : i32 to vector<16xi32>
      %add3A_314 = arith.addi %iota3A, %add3A_313 : vector<16xi32>
      %get3A_315 = arith.constant 16 : index
      %get3A_316 = tpu.vector_load %arg4[%get3A_315] {strides = array<i32>} : memref<160xi32, #tpu.memory_space<vmem>>, vector<16xi32>,
      tpu.vector_store_idx %arg24[%add3A_314, %get3A_316], %broadcast_in_dim3A_3 : memref<160x128xf32, #tpu.memory_space<vmem>>[vector<16xi32>, vector<16xi32>], vector<16xf32>,
      %add3A_317 = arith.constant 32 : i32
      %add3A_318 = vector.broadcast %add3A_317 : i32 to vector<16xi32>
      %add3A_319 = arith.addi %iota3A, %add3A_318 : vector<16xi32>
      %get3A_320 = arith.constant 32 : index
      %get3A_321 = tpu.vector_load %arg4[%get3A_320] {strides = array<i32>} : memref<160xi32, #tpu.memory_space<vmem>>, vector<16xi32>,
      tpu.vector_store_idx %arg24[%add3A_319, %get3A_321], %broadcast_in_dim3A_3 : memref<160x128xf32, #tpu.memory_space<vmem>>[vector<16xi32>, vector<16xi32>], vector<16xf32>,
      %add3A_322 = arith.constant 48 : i32
      %add3A_323 = vector.broadcast %add3A_322 : i32 to vector<16xi32>
      %add3A_324 = arith.addi %iota3A, %add3A_323 : vector<16xi32>
      %get3A_325 = arith.constant 48 : index
      %get3A_326 = tpu.vector_load %arg4[%get3A_325] {strides = array<i32>} : memref<160xi32, #tpu.memory_space<vmem>>, vector<16xi32>,
      tpu.vector_store_idx %arg24[%add3A_324, %get3A_326], %broadcast_in_dim3A_3 : memref<160x128xf32, #tpu.memory_space<vmem>>[vector<16xi32>, vector<16xi32>], vector<16xf32>,
      %add3A_327 = arith.constant 64 : i32
      %add3A_328 = vector.broadcast %add3A_327 : i32 to vector<16xi32>
      %add3A_329 = arith.addi %iota3A, %add3A_328 : vector<16xi32>
      %get3A_330 = arith.constant 64 : index
      %get3A_331 = tpu.vector_load %arg4[%get3A_330] {strides = array<i32>} : memref<160xi32, #tpu.memory_space<vmem>>, vector<16xi32>,
      tpu.vector_store_idx %arg24[%add3A_329, %get3A_331], %broadcast_in_dim3A_3 : memref<160x128xf32, #tpu.memory_space<vmem>>[vector<16xi32>, vector<16xi32>], vector<16xf32>,
      %add3A_332 = arith.constant 80 : i32
      %add3A_333 = vector.broadcast %add3A_332 : i32 to vector<16xi32>
      %add3A_334 = arith.addi %iota3A, %add3A_333 : vector<16xi32>
      %get3A_335 = arith.constant 80 : index
      %get3A_336 = tpu.vector_load %arg4[%get3A_335] {strides = array<i32>} : memref<160xi32, #tpu.memory_space<vmem>>, vector<16xi32>,
      tpu.vector_store_idx %arg24[%add3A_334, %get3A_336], %broadcast_in_dim3A_3 : memref<160x128xf32, #tpu.memory_space<vmem>>[vector<16xi32>, vector<16xi32>], vector<16xf32>,
      %add3A_337 = arith.constant 96 : i32
      %add3A_338 = vector.broadcast %add3A_337 : i32 to vector<16xi32>
      %add3A_339 = arith.addi %iota3A, %add3A_338 : vector<16xi32>
      %get3A_340 = arith.constant 96 : index
      %get3A_341 = tpu.vector_load %arg4[%get3A_340] {strides = array<i32>} : memref<160xi32, #tpu.memory_space<vmem>>, vector<16xi32>,
      tpu.vector_store_idx %arg24[%add3A_339, %get3A_341], %broadcast_in_dim3A_3 : memref<160x128xf32, #tpu.memory_space<vmem>>[vector<16xi32>, vector<16xi32>], vector<16xf32>,
      %add3A_342 = arith.constant 112 : i32
      %add3A_343 = vector.broadcast %add3A_342 : i32 to vector<16xi32>
      %add3A_344 = arith.addi %iota3A, %add3A_343 : vector<16xi32>
      %get3A_345 = arith.constant 112 : index
      %get3A_346 = tpu.vector_load %arg4[%get3A_345] {strides = array<i32>} : memref<160xi32, #tpu.memory_space<vmem>>, vector<16xi32>,
      tpu.vector_store_idx %arg24[%add3A_344, %get3A_346], %broadcast_in_dim3A_3 : memref<160x128xf32, #tpu.memory_space<vmem>>[vector<16xi32>, vector<16xi32>], vector<16xf32>,
      %add3A_347 = arith.constant 128 : i32
      %add3A_348 = vector.broadcast %add3A_347 : i32 to vector<16xi32>
      %add3A_349 = arith.addi %iota3A, %add3A_348 : vector<16xi32>
      %get3A_350 = arith.constant 128 : index
      %get3A_351 = tpu.vector_load %arg4[%get3A_350] {strides = array<i32>} : memref<160xi32, #tpu.memory_space<vmem>>, vector<16xi32>,
      tpu.vector_store_idx %arg24[%add3A_349, %get3A_351], %broadcast_in_dim3A_3 : memref<160x128xf32, #tpu.memory_space<vmem>>[vector<16xi32>, vector<16xi32>], vector<16xf32>,
      %add3A_352 = arith.constant 144 : i32
      %add3A_353 = vector.broadcast %add3A_352 : i32 to vector<16xi32>
      %add3A_354 = arith.addi %iota3A, %add3A_353 : vector<16xi32>
      %get3A_355 = arith.constant 144 : index
      %get3A_356 = tpu.vector_load %arg4[%get3A_355] {strides = array<i32>} : memref<160xi32, #tpu.memory_space<vmem>>, vector<16xi32>,
      tpu.vector_store_idx %arg24[%add3A_354, %get3A_356], %broadcast_in_dim3A_3 : memref<160x128xf32, #tpu.memory_space<vmem>>[vector<16xi32>, vector<16xi32>], vector<16xf32>,
      %add3A_357 = arith.constant 0 : i32
      %add3A_358 = vector.broadcast %add3A_357 : i32 to vector<16xi32>
      %add3A_359 = arith.addi %iota3A, %add3A_358 : vector<16xi32>
      %get3A_360 = arith.constant 0 : index
      %get3A_361 = tpu.vector_load %arg6[%get3A_360] {strides = array<i32>} : memref<160xi32, #tpu.memory_space<vmem>>, vector<16xi32>,
      tpu.vector_store_idx %arg24[%add3A_359, %get3A_361], %broadcast_in_dim3A_1 : memref<160x128xf32, #tpu.memory_space<vmem>>[vector<16xi32>, vector<16xi32>], vector<16xf32>,
      %add3A_362 = arith.constant 16 : i32
      %add3A_363 = vector.broadcast %add3A_362 : i32 to vector<16xi32>
      %add3A_364 = arith.addi %iota3A, %add3A_363 : vector<16xi32>
      %get3A_365 = arith.constant 16 : index
      %get3A_366 = tpu.vector_load %arg6[%get3A_365] {strides = array<i32>} : memref<160xi32, #tpu.memory_space<vmem>>, vector<16xi32>,
      tpu.vector_store_idx %arg24[%add3A_364, %get3A_366], %broadcast_in_dim3A_1 : memref<160x128xf32, #tpu.memory_space<vmem>>[vector<16xi32>, vector<16xi32>], vector<16xf32>,
      %add3A_367 = arith.constant 32 : i32
      %add3A_368 = vector.broadcast %add3A_367 : i32 to vector<16xi32>
      %add3A_369 = arith.addi %iota3A, %add3A_368 : vector<16xi32>
      %get3A_370 = arith.constant 32 : index
      %get3A_371 = tpu.vector_load %arg6[%get3A_370] {strides = array<i32>} : memref<160xi32, #tpu.memory_space<vmem>>, vector<16xi32>,
      tpu.vector_store_idx %arg24[%add3A_369, %get3A_371], %broadcast_in_dim3A_1 : memref<160x128xf32, #tpu.memory_space<vmem>>[vector<16xi32>, vector<16xi32>], vector<16xf32>,
      %add3A_372 = arith.constant 48 : i32
      %add3A_373 = vector.broadcast %add3A_372 : i32 to vector<16xi32>
      %add3A_374 = arith.addi %iota3A, %add3A_373 : vector<16xi32>
      %get3A_375 = arith.constant 48 : index
      %get3A_376 = tpu.vector_load %arg6[%get3A_375] {strides = array<i32>} : memref<160xi32, #tpu.memory_space<vmem>>, vector<16xi32>,
      tpu.vector_store_idx %arg24[%add3A_374, %get3A_376], %broadcast_in_dim3A_1 : memref<160x128xf32, #tpu.memory_space<vmem>>[vector<16xi32>, vector<16xi32>], vector<16xf32>,
      %add3A_377 = arith.constant 64 : i32
      %add3A_378 = vector.broadcast %add3A_377 : i32 to vector<16xi32>
      %add3A_379 = arith.addi %iota3A, %add3A_378 : vector<16xi32>
      %get3A_380 = arith.constant 64 : index
      %get3A_381 = tpu.vector_load %arg6[%get3A_380] {strides = array<i32>} : memref<160xi32, #tpu.memory_space<vmem>>, vector<16xi32>,
      tpu.vector_store_idx %arg24[%add3A_379, %get3A_381], %broadcast_in_dim3A_1 : memref<160x128xf32, #tpu.memory_space<vmem>>[vector<16xi32>, vector<16xi32>], vector<16xf32>,
      %add3A_382 = arith.constant 80 : i32
      %add3A_383 = vector.broadcast %add3A_382 : i32 to vector<16xi32>
      %add3A_384 = arith.addi %iota3A, %add3A_383 : vector<16xi32>
      %get3A_385 = arith.constant 80 : index
      %get3A_386 = tpu.vector_load %arg6[%get3A_385] {strides = array<i32>} : memref<160xi32, #tpu.memory_space<vmem>>, vector<16xi32>,
      tpu.vector_store_idx %arg24[%add3A_384, %get3A_386], %broadcast_in_dim3A_1 : memref<160x128xf32, #tpu.memory_space<vmem>>[vector<16xi32>, vector<16xi32>], vector<16xf32>,
      %add3A_387 = arith.constant 96 : i32
      %add3A_388 = vector.broadcast %add3A_387 : i32 to vector<16xi32>
      %add3A_389 = arith.addi %iota3A, %add3A_388 : vector<16xi32>
      %get3A_390 = arith.constant 96 : index
      %get3A_391 = tpu.vector_load %arg6[%get3A_390] {strides = array<i32>} : memref<160xi32, #tpu.memory_space<vmem>>, vector<16xi32>,
      tpu.vector_store_idx %arg24[%add3A_389, %get3A_391], %broadcast_in_dim3A_1 : memref<160x128xf32, #tpu.memory_space<vmem>>[vector<16xi32>, vector<16xi32>], vector<16xf32>,
      %add3A_392 = arith.constant 112 : i32
      %add3A_393 = vector.broadcast %add3A_392 : i32 to vector<16xi32>
      %add3A_394 = arith.addi %iota3A, %add3A_393 : vector<16xi32>
      %get3A_395 = arith.constant 112 : index
      %get3A_396 = tpu.vector_load %arg6[%get3A_395] {strides = array<i32>} : memref<160xi32, #tpu.memory_space<vmem>>, vector<16xi32>,
      tpu.vector_store_idx %arg24[%add3A_394, %get3A_396], %broadcast_in_dim3A_1 : memref<160x128xf32, #tpu.memory_space<vmem>>[vector<16xi32>, vector<16xi32>], vector<16xf32>,
      %add3A_397 = arith.constant 128 : i32
      %add3A_398 = vector.broadcast %add3A_397 : i32 to vector<16xi32>
      %add3A_399 = arith.addi %iota3A, %add3A_398 : vector<16xi32>
      %get3A_400 = arith.constant 128 : index
      %get3A_401 = tpu.vector_load %arg6[%get3A_400] {strides = array<i32>} : memref<160xi32, #tpu.memory_space<vmem>>, vector<16xi32>,
      tpu.vector_store_idx %arg24[%add3A_399, %get3A_401], %broadcast_in_dim3A_1 : memref<160x128xf32, #tpu.memory_space<vmem>>[vector<16xi32>, vector<16xi32>], vector<16xf32>,
      %add3A_402 = arith.constant 144 : i32
      %add3A_403 = vector.broadcast %add3A_402 : i32 to vector<16xi32>
      %add3A_404 = arith.addi %iota3A, %add3A_403 : vector<16xi32>
      %get3A_405 = arith.constant 144 : index
      %get3A_406 = tpu.vector_load %arg6[%get3A_405] {strides = array<i32>} : memref<160xi32, #tpu.memory_space<vmem>>, vector<16xi32>,
      tpu.vector_store_idx %arg24[%add3A_404, %get3A_406], %broadcast_in_dim3A_1 : memref<160x128xf32, #tpu.memory_space<vmem>>[vector<16xi32>, vector<16xi32>], vector<16xf32>,
      %dma_start3A_407 = arith.constant 0 : i32
      %dma_start3A_408 = tpu.memref_slice %arg3[%mul3A_15, %dma_start3A_407] : memref<100000x128xf32, #tpu.memory_space<hbm>> -> memref<160x128xf32, #tpu.memory_space<hbm>>
      %dma_start3A_409 = arith.constant 0 : i32
      %dma_start3A_410 = tpu.memref_slice %arg3[%mul3A_15, %dma_start3A_409] : memref<100000x128xf32, #tpu.memory_space<hbm>> -> memref<160x128xf32, #tpu.memory_space<hbm>>
      tpu.enqueue_dma source(%arg24 : memref<160x128xf32, #tpu.memory_space<vmem>>) target(%dma_start3A_410 : memref<160x128xf32, #tpu.memory_space<hbm>>) target_semaphore(%arg46 : memref<!tpu.dma_semaphore, #tpu.memory_space<semaphore_mem>>)
    } else {
    }
    %add3A_150 = arith.constant 96 : i32
    %add3A_151 = arith.addi %add3A, %add3A_150 : i32
    %lt3A_152 = arith.constant 625 : i32
    %lt3A_153 = arith.cmpi slt, %add3A_151, %lt3A_152 : i32
    %convert_element_type3A_154 = arith.extui %lt3A_153 : i1 to i32
    %cond3A_155 = arith.constant 0 : i32
    %cond3A_156 = arith.cmpi ne, %convert_element_type3A_154, %cond3A_155 : i32
    scf.if %cond3A_156 {
      %dma_wait3A = tpu.memref_slice %arg2[%mul3A_19] : memref<100000xi32, #tpu.memory_space<hbm>> -> memref<160xi32, #tpu.memory_space<hbm>>
      %dma_wait3A_303 = tpu.memref_slice %arg2[%mul3A_19] : memref<100000xi32, #tpu.memory_space<hbm>> -> memref<160xi32, #tpu.memory_space<hbm>>
      tpu.wait_dma2 semaphore(%arg29 : memref<!tpu.dma_semaphore, #tpu.memory_space<semaphore_mem>>) src(%dma_wait3A_303 : memref<160xi32, #tpu.memory_space<hbm>>) dst(%arg7 : memref<160xi32, #tpu.memory_space<vmem>>)
      %dma_wait3A_304 = arith.constant 0 : i32
      %dma_wait3A_305 = tpu.memref_slice %arg3[%mul3A_11, %dma_wait3A_304] : memref<100000x128xf32, #tpu.memory_space<hbm>> -> memref<160x128xf32, #tpu.memory_space<hbm>>
      %dma_wait3A_306 = arith.constant 0 : i32
      %dma_wait3A_307 = tpu.memref_slice %arg3[%mul3A_11, %dma_wait3A_306] : memref<100000x128xf32, #tpu.memory_space<hbm>> -> memref<160x128xf32, #tpu.memory_space<hbm>>
      tpu.wait_dma2 semaphore(%arg47 : memref<!tpu.dma_semaphore, #tpu.memory_space<semaphore_mem>>) src(%arg25 : memref<160x128xf32, #tpu.memory_space<vmem>>) dst(%dma_wait3A_307 : memref<160x128xf32, #tpu.memory_space<hbm>>)
      %add3A_308 = arith.constant 0 : i32
      %add3A_309 = vector.broadcast %add3A_308 : i32 to vector<16xi32>
      %add3A_310 = arith.addi %iota3A, %add3A_309 : vector<16xi32>
      %get3A = arith.constant 0 : index
      %get3A_311 = tpu.vector_load %arg5[%get3A] {strides = array<i32>} : memref<160xi32, #tpu.memory_space<vmem>>, vector<16xi32>,
      tpu.vector_store_idx %arg25[%add3A_310, %get3A_311], %broadcast_in_dim3A_3 : memref<160x128xf32, #tpu.memory_space<vmem>>[vector<16xi32>, vector<16xi32>], vector<16xf32>,
      %add3A_312 = arith.constant 16 : i32
      %add3A_313 = vector.broadcast %add3A_312 : i32 to vector<16xi32>
      %add3A_314 = arith.addi %iota3A, %add3A_313 : vector<16xi32>
      %get3A_315 = arith.constant 16 : index
      %get3A_316 = tpu.vector_load %arg5[%get3A_315] {strides = array<i32>} : memref<160xi32, #tpu.memory_space<vmem>>, vector<16xi32>,
      tpu.vector_store_idx %arg25[%add3A_314, %get3A_316], %broadcast_in_dim3A_3 : memref<160x128xf32, #tpu.memory_space<vmem>>[vector<16xi32>, vector<16xi32>], vector<16xf32>,
      %add3A_317 = arith.constant 32 : i32
      %add3A_318 = vector.broadcast %add3A_317 : i32 to vector<16xi32>
      %add3A_319 = arith.addi %iota3A, %add3A_318 : vector<16xi32>
      %get3A_320 = arith.constant 32 : index
      %get3A_321 = tpu.vector_load %arg5[%get3A_320] {strides = array<i32>} : memref<160xi32, #tpu.memory_space<vmem>>, vector<16xi32>,
      tpu.vector_store_idx %arg25[%add3A_319, %get3A_321], %broadcast_in_dim3A_3 : memref<160x128xf32, #tpu.memory_space<vmem>>[vector<16xi32>, vector<16xi32>], vector<16xf32>,
      %add3A_322 = arith.constant 48 : i32
      %add3A_323 = vector.broadcast %add3A_322 : i32 to vector<16xi32>
      %add3A_324 = arith.addi %iota3A, %add3A_323 : vector<16xi32>
      %get3A_325 = arith.constant 48 : index
      %get3A_326 = tpu.vector_load %arg5[%get3A_325] {strides = array<i32>} : memref<160xi32, #tpu.memory_space<vmem>>, vector<16xi32>,
      tpu.vector_store_idx %arg25[%add3A_324, %get3A_326], %broadcast_in_dim3A_3 : memref<160x128xf32, #tpu.memory_space<vmem>>[vector<16xi32>, vector<16xi32>], vector<16xf32>,
      %add3A_327 = arith.constant 64 : i32
      %add3A_328 = vector.broadcast %add3A_327 : i32 to vector<16xi32>
      %add3A_329 = arith.addi %iota3A, %add3A_328 : vector<16xi32>
      %get3A_330 = arith.constant 64 : index
      %get3A_331 = tpu.vector_load %arg5[%get3A_330] {strides = array<i32>} : memref<160xi32, #tpu.memory_space<vmem>>, vector<16xi32>,
      tpu.vector_store_idx %arg25[%add3A_329, %get3A_331], %broadcast_in_dim3A_3 : memref<160x128xf32, #tpu.memory_space<vmem>>[vector<16xi32>, vector<16xi32>], vector<16xf32>,
      %add3A_332 = arith.constant 80 : i32
      %add3A_333 = vector.broadcast %add3A_332 : i32 to vector<16xi32>
      %add3A_334 = arith.addi %iota3A, %add3A_333 : vector<16xi32>
      %get3A_335 = arith.constant 80 : index
      %get3A_336 = tpu.vector_load %arg5[%get3A_335] {strides = array<i32>} : memref<160xi32, #tpu.memory_space<vmem>>, vector<16xi32>,
      tpu.vector_store_idx %arg25[%add3A_334, %get3A_336], %broadcast_in_dim3A_3 : memref<160x128xf32, #tpu.memory_space<vmem>>[vector<16xi32>, vector<16xi32>], vector<16xf32>,
      %add3A_337 = arith.constant 96 : i32
      %add3A_338 = vector.broadcast %add3A_337 : i32 to vector<16xi32>
      %add3A_339 = arith.addi %iota3A, %add3A_338 : vector<16xi32>
      %get3A_340 = arith.constant 96 : index
      %get3A_341 = tpu.vector_load %arg5[%get3A_340] {strides = array<i32>} : memref<160xi32, #tpu.memory_space<vmem>>, vector<16xi32>,
      tpu.vector_store_idx %arg25[%add3A_339, %get3A_341], %broadcast_in_dim3A_3 : memref<160x128xf32, #tpu.memory_space<vmem>>[vector<16xi32>, vector<16xi32>], vector<16xf32>,
      %add3A_342 = arith.constant 112 : i32
      %add3A_343 = vector.broadcast %add3A_342 : i32 to vector<16xi32>
      %add3A_344 = arith.addi %iota3A, %add3A_343 : vector<16xi32>
      %get3A_345 = arith.constant 112 : index
      %get3A_346 = tpu.vector_load %arg5[%get3A_345] {strides = array<i32>} : memref<160xi32, #tpu.memory_space<vmem>>, vector<16xi32>,
      tpu.vector_store_idx %arg25[%add3A_344, %get3A_346], %broadcast_in_dim3A_3 : memref<160x128xf32, #tpu.memory_space<vmem>>[vector<16xi32>, vector<16xi32>], vector<16xf32>,
      %add3A_347 = arith.constant 128 : i32
      %add3A_348 = vector.broadcast %add3A_347 : i32 to vector<16xi32>
      %add3A_349 = arith.addi %iota3A, %add3A_348 : vector<16xi32>
      %get3A_350 = arith.constant 128 : index
      %get3A_351 = tpu.vector_load %arg5[%get3A_350] {strides = array<i32>} : memref<160xi32, #tpu.memory_space<vmem>>, vector<16xi32>,
      tpu.vector_store_idx %arg25[%add3A_349, %get3A_351], %broadcast_in_dim3A_3 : memref<160x128xf32, #tpu.memory_space<vmem>>[vector<16xi32>, vector<16xi32>], vector<16xf32>,
      %add3A_352 = arith.constant 144 : i32
      %add3A_353 = vector.broadcast %add3A_352 : i32 to vector<16xi32>
      %add3A_354 = arith.addi %iota3A, %add3A_353 : vector<16xi32>
      %get3A_355 = arith.constant 144 : index
      %get3A_356 = tpu.vector_load %arg5[%get3A_355] {strides = array<i32>} : memref<160xi32, #tpu.memory_space<vmem>>, vector<16xi32>,
      tpu.vector_store_idx %arg25[%add3A_354, %get3A_356], %broadcast_in_dim3A_3 : memref<160x128xf32, #tpu.memory_space<vmem>>[vector<16xi32>, vector<16xi32>], vector<16xf32>,
      %add3A_357 = arith.constant 0 : i32
      %add3A_358 = vector.broadcast %add3A_357 : i32 to vector<16xi32>
      %add3A_359 = arith.addi %iota3A, %add3A_358 : vector<16xi32>
      %get3A_360 = arith.constant 0 : index
      %get3A_361 = tpu.vector_load %arg7[%get3A_360] {strides = array<i32>} : memref<160xi32, #tpu.memory_space<vmem>>, vector<16xi32>,
      tpu.vector_store_idx %arg25[%add3A_359, %get3A_361], %broadcast_in_dim3A_1 : memref<160x128xf32, #tpu.memory_space<vmem>>[vector<16xi32>, vector<16xi32>], vector<16xf32>,
      %add3A_362 = arith.constant 16 : i32
      %add3A_363 = vector.broadcast %add3A_362 : i32 to vector<16xi32>
      %add3A_364 = arith.addi %iota3A, %add3A_363 : vector<16xi32>
      %get3A_365 = arith.constant 16 : index
      %get3A_366 = tpu.vector_load %arg7[%get3A_365] {strides = array<i32>} : memref<160xi32, #tpu.memory_space<vmem>>, vector<16xi32>,
      tpu.vector_store_idx %arg25[%add3A_364, %get3A_366], %broadcast_in_dim3A_1 : memref<160x128xf32, #tpu.memory_space<vmem>>[vector<16xi32>, vector<16xi32>], vector<16xf32>,
      %add3A_367 = arith.constant 32 : i32
      %add3A_368 = vector.broadcast %add3A_367 : i32 to vector<16xi32>
      %add3A_369 = arith.addi %iota3A, %add3A_368 : vector<16xi32>
      %get3A_370 = arith.constant 32 : index
      %get3A_371 = tpu.vector_load %arg7[%get3A_370] {strides = array<i32>} : memref<160xi32, #tpu.memory_space<vmem>>, vector<16xi32>,
      tpu.vector_store_idx %arg25[%add3A_369, %get3A_371], %broadcast_in_dim3A_1 : memref<160x128xf32, #tpu.memory_space<vmem>>[vector<16xi32>, vector<16xi32>], vector<16xf32>,
      %add3A_372 = arith.constant 48 : i32
      %add3A_373 = vector.broadcast %add3A_372 : i32 to vector<16xi32>
      %add3A_374 = arith.addi %iota3A, %add3A_373 : vector<16xi32>
      %get3A_375 = arith.constant 48 : index
      %get3A_376 = tpu.vector_load %arg7[%get3A_375] {strides = array<i32>} : memref<160xi32, #tpu.memory_space<vmem>>, vector<16xi32>,
      tpu.vector_store_idx %arg25[%add3A_374, %get3A_376], %broadcast_in_dim3A_1 : memref<160x128xf32, #tpu.memory_space<vmem>>[vector<16xi32>, vector<16xi32>], vector<16xf32>,
      %add3A_377 = arith.constant 64 : i32
      %add3A_378 = vector.broadcast %add3A_377 : i32 to vector<16xi32>
      %add3A_379 = arith.addi %iota3A, %add3A_378 : vector<16xi32>
      %get3A_380 = arith.constant 64 : index
      %get3A_381 = tpu.vector_load %arg7[%get3A_380] {strides = array<i32>} : memref<160xi32, #tpu.memory_space<vmem>>, vector<16xi32>,
      tpu.vector_store_idx %arg25[%add3A_379, %get3A_381], %broadcast_in_dim3A_1 : memref<160x128xf32, #tpu.memory_space<vmem>>[vector<16xi32>, vector<16xi32>], vector<16xf32>,
      %add3A_382 = arith.constant 80 : i32
      %add3A_383 = vector.broadcast %add3A_382 : i32 to vector<16xi32>
      %add3A_384 = arith.addi %iota3A, %add3A_383 : vector<16xi32>
      %get3A_385 = arith.constant 80 : index
      %get3A_386 = tpu.vector_load %arg7[%get3A_385] {strides = array<i32>} : memref<160xi32, #tpu.memory_space<vmem>>, vector<16xi32>,
      tpu.vector_store_idx %arg25[%add3A_384, %get3A_386], %broadcast_in_dim3A_1 : memref<160x128xf32, #tpu.memory_space<vmem>>[vector<16xi32>, vector<16xi32>], vector<16xf32>,
      %add3A_387 = arith.constant 96 : i32
      %add3A_388 = vector.broadcast %add3A_387 : i32 to vector<16xi32>
      %add3A_389 = arith.addi %iota3A, %add3A_388 : vector<16xi32>
      %get3A_390 = arith.constant 96 : index
      %get3A_391 = tpu.vector_load %arg7[%get3A_390] {strides = array<i32>} : memref<160xi32, #tpu.memory_space<vmem>>, vector<16xi32>,
      tpu.vector_store_idx %arg25[%add3A_389, %get3A_391], %broadcast_in_dim3A_1 : memref<160x128xf32, #tpu.memory_space<vmem>>[vector<16xi32>, vector<16xi32>], vector<16xf32>,
      %add3A_392 = arith.constant 112 : i32
      %add3A_393 = vector.broadcast %add3A_392 : i32 to vector<16xi32>
      %add3A_394 = arith.addi %iota3A, %add3A_393 : vector<16xi32>
      %get3A_395 = arith.constant 112 : index
      %get3A_396 = tpu.vector_load %arg7[%get3A_395] {strides = array<i32>} : memref<160xi32, #tpu.memory_space<vmem>>, vector<16xi32>,
      tpu.vector_store_idx %arg25[%add3A_394, %get3A_396], %broadcast_in_dim3A_1 : memref<160x128xf32, #tpu.memory_space<vmem>>[vector<16xi32>, vector<16xi32>], vector<16xf32>,
      %add3A_397 = arith.constant 128 : i32
      %add3A_398 = vector.broadcast %add3A_397 : i32 to vector<16xi32>
      %add3A_399 = arith.addi %iota3A, %add3A_398 : vector<16xi32>
      %get3A_400 = arith.constant 128 : index
      %get3A_401 = tpu.vector_load %arg7[%get3A_400] {strides = array<i32>} : memref<160xi32, #tpu.memory_space<vmem>>, vector<16xi32>,
      tpu.vector_store_idx %arg25[%add3A_399, %get3A_401], %broadcast_in_dim3A_1 : memref<160x128xf32, #tpu.memory_space<vmem>>[vector<16xi32>, vector<16xi32>], vector<16xf32>,
      %add3A_402 = arith.constant 144 : i32
      %add3A_403 = vector.broadcast %add3A_402 : i32 to vector<16xi32>
      %add3A_404 = arith.addi %iota3A, %add3A_403 : vector<16xi32>
      %get3A_405 = arith.constant 144 : index
      %get3A_406 = tpu.vector_load %arg7[%get3A_405] {strides = array<i32>} : memref<160xi32, #tpu.memory_space<vmem>>, vector<16xi32>,
      tpu.vector_store_idx %arg25[%add3A_404, %get3A_406], %broadcast_in_dim3A_1 : memref<160x128xf32, #tpu.memory_space<vmem>>[vector<16xi32>, vector<16xi32>], vector<16xf32>,
      %dma_start3A_407 = arith.constant 0 : i32
      %dma_start3A_408 = tpu.memref_slice %arg3[%mul3A_19, %dma_start3A_407] : memref<100000x128xf32, #tpu.memory_space<hbm>> -> memref<160x128xf32, #tpu.memory_space<hbm>>
      %dma_start3A_409 = arith.constant 0 : i32
      %dma_start3A_410 = tpu.memref_slice %arg3[%mul3A_19, %dma_start3A_409] : memref<100000x128xf32, #tpu.memory_space<hbm>> -> memref<160x128xf32, #tpu.memory_space<hbm>>
      tpu.enqueue_dma source(%arg25 : memref<160x128xf32, #tpu.memory_space<vmem>>) target(%dma_start3A_410 : memref<160x128xf32, #tpu.memory_space<hbm>>) target_semaphore(%arg47 : memref<!tpu.dma_semaphore, #tpu.memory_space<semaphore_mem>>)
    } else {
    }
    %add3A_157 = arith.constant 128 : i32
    %add3A_158 = arith.addi %add3A, %add3A_157 : i32
    %lt3A_159 = arith.constant 625 : i32
    %lt3A_160 = arith.cmpi slt, %add3A_158, %lt3A_159 : i32
    %convert_element_type3A_161 = arith.extui %lt3A_160 : i1 to i32
    %cond3A_162 = arith.constant 0 : i32
    %cond3A_163 = arith.cmpi ne, %convert_element_type3A_161, %cond3A_162 : i32
    scf.if %cond3A_163 {
      %dma_wait3A = tpu.memref_slice %arg2[%mul3A_23] : memref<100000xi32, #tpu.memory_space<hbm>> -> memref<160xi32, #tpu.memory_space<hbm>>
      %dma_wait3A_303 = tpu.memref_slice %arg2[%mul3A_23] : memref<100000xi32, #tpu.memory_space<hbm>> -> memref<160xi32, #tpu.memory_space<hbm>>
      tpu.wait_dma2 semaphore(%arg30 : memref<!tpu.dma_semaphore, #tpu.memory_space<semaphore_mem>>) src(%dma_wait3A_303 : memref<160xi32, #tpu.memory_space<hbm>>) dst(%arg8 : memref<160xi32, #tpu.memory_space<vmem>>)
      %dma_wait3A_304 = arith.constant 0 : i32
      %dma_wait3A_305 = tpu.memref_slice %arg3[%mul3A_15, %dma_wait3A_304] : memref<100000x128xf32, #tpu.memory_space<hbm>> -> memref<160x128xf32, #tpu.memory_space<hbm>>
      %dma_wait3A_306 = arith.constant 0 : i32
      %dma_wait3A_307 = tpu.memref_slice %arg3[%mul3A_15, %dma_wait3A_306] : memref<100000x128xf32, #tpu.memory_space<hbm>> -> memref<160x128xf32, #tpu.memory_space<hbm>>
      tpu.wait_dma2 semaphore(%arg46 : memref<!tpu.dma_semaphore, #tpu.memory_space<semaphore_mem>>) src(%arg24 : memref<160x128xf32, #tpu.memory_space<vmem>>) dst(%dma_wait3A_307 : memref<160x128xf32, #tpu.memory_space<hbm>>)
      %add3A_308 = arith.constant 0 : i32
      %add3A_309 = vector.broadcast %add3A_308 : i32 to vector<16xi32>
      %add3A_310 = arith.addi %iota3A, %add3A_309 : vector<16xi32>
      %get3A = arith.constant 0 : index
      %get3A_311 = tpu.vector_load %arg6[%get3A] {strides = array<i32>} : memref<160xi32, #tpu.memory_space<vmem>>, vector<16xi32>,
      tpu.vector_store_idx %arg24[%add3A_310, %get3A_311], %broadcast_in_dim3A_3 : memref<160x128xf32, #tpu.memory_space<vmem>>[vector<16xi32>, vector<16xi32>], vector<16xf32>,
      %add3A_312 = arith.constant 16 : i32
      %add3A_313 = vector.broadcast %add3A_312 : i32 to vector<16xi32>
      %add3A_314 = arith.addi %iota3A, %add3A_313 : vector<16xi32>
      %get3A_315 = arith.constant 16 : index
      %get3A_316 = tpu.vector_load %arg6[%get3A_315] {strides = array<i32>} : memref<160xi32, #tpu.memory_space<vmem>>, vector<16xi32>,
      tpu.vector_store_idx %arg24[%add3A_314, %get3A_316], %broadcast_in_dim3A_3 : memref<160x128xf32, #tpu.memory_space<vmem>>[vector<16xi32>, vector<16xi32>], vector<16xf32>,
      %add3A_317 = arith.constant 32 : i32
      %add3A_318 = vector.broadcast %add3A_317 : i32 to vector<16xi32>
      %add3A_319 = arith.addi %iota3A, %add3A_318 : vector<16xi32>
      %get3A_320 = arith.constant 32 : index
      %get3A_321 = tpu.vector_load %arg6[%get3A_320] {strides = array<i32>} : memref<160xi32, #tpu.memory_space<vmem>>, vector<16xi32>,
      tpu.vector_store_idx %arg24[%add3A_319, %get3A_321], %broadcast_in_dim3A_3 : memref<160x128xf32, #tpu.memory_space<vmem>>[vector<16xi32>, vector<16xi32>], vector<16xf32>,
      %add3A_322 = arith.constant 48 : i32
      %add3A_323 = vector.broadcast %add3A_322 : i32 to vector<16xi32>
      %add3A_324 = arith.addi %iota3A, %add3A_323 : vector<16xi32>
      %get3A_325 = arith.constant 48 : index
      %get3A_326 = tpu.vector_load %arg6[%get3A_325] {strides = array<i32>} : memref<160xi32, #tpu.memory_space<vmem>>, vector<16xi32>,
      tpu.vector_store_idx %arg24[%add3A_324, %get3A_326], %broadcast_in_dim3A_3 : memref<160x128xf32, #tpu.memory_space<vmem>>[vector<16xi32>, vector<16xi32>], vector<16xf32>,
      %add3A_327 = arith.constant 64 : i32
      %add3A_328 = vector.broadcast %add3A_327 : i32 to vector<16xi32>
      %add3A_329 = arith.addi %iota3A, %add3A_328 : vector<16xi32>
      %get3A_330 = arith.constant 64 : index
      %get3A_331 = tpu.vector_load %arg6[%get3A_330] {strides = array<i32>} : memref<160xi32, #tpu.memory_space<vmem>>, vector<16xi32>,
      tpu.vector_store_idx %arg24[%add3A_329, %get3A_331], %broadcast_in_dim3A_3 : memref<160x128xf32, #tpu.memory_space<vmem>>[vector<16xi32>, vector<16xi32>], vector<16xf32>,
      %add3A_332 = arith.constant 80 : i32
      %add3A_333 = vector.broadcast %add3A_332 : i32 to vector<16xi32>
      %add3A_334 = arith.addi %iota3A, %add3A_333 : vector<16xi32>
      %get3A_335 = arith.constant 80 : index
      %get3A_336 = tpu.vector_load %arg6[%get3A_335] {strides = array<i32>} : memref<160xi32, #tpu.memory_space<vmem>>, vector<16xi32>,
      tpu.vector_store_idx %arg24[%add3A_334, %get3A_336], %broadcast_in_dim3A_3 : memref<160x128xf32, #tpu.memory_space<vmem>>[vector<16xi32>, vector<16xi32>], vector<16xf32>,
      %add3A_337 = arith.constant 96 : i32
      %add3A_338 = vector.broadcast %add3A_337 : i32 to vector<16xi32>
      %add3A_339 = arith.addi %iota3A, %add3A_338 : vector<16xi32>
      %get3A_340 = arith.constant 96 : index
      %get3A_341 = tpu.vector_load %arg6[%get3A_340] {strides = array<i32>} : memref<160xi32, #tpu.memory_space<vmem>>, vector<16xi32>,
      tpu.vector_store_idx %arg24[%add3A_339, %get3A_341], %broadcast_in_dim3A_3 : memref<160x128xf32, #tpu.memory_space<vmem>>[vector<16xi32>, vector<16xi32>], vector<16xf32>,
      %add3A_342 = arith.constant 112 : i32
      %add3A_343 = vector.broadcast %add3A_342 : i32 to vector<16xi32>
      %add3A_344 = arith.addi %iota3A, %add3A_343 : vector<16xi32>
      %get3A_345 = arith.constant 112 : index
      %get3A_346 = tpu.vector_load %arg6[%get3A_345] {strides = array<i32>} : memref<160xi32, #tpu.memory_space<vmem>>, vector<16xi32>,
      tpu.vector_store_idx %arg24[%add3A_344, %get3A_346], %broadcast_in_dim3A_3 : memref<160x128xf32, #tpu.memory_space<vmem>>[vector<16xi32>, vector<16xi32>], vector<16xf32>,
      %add3A_347 = arith.constant 128 : i32
      %add3A_348 = vector.broadcast %add3A_347 : i32 to vector<16xi32>
      %add3A_349 = arith.addi %iota3A, %add3A_348 : vector<16xi32>
      %get3A_350 = arith.constant 128 : index
      %get3A_351 = tpu.vector_load %arg6[%get3A_350] {strides = array<i32>} : memref<160xi32, #tpu.memory_space<vmem>>, vector<16xi32>,
      tpu.vector_store_idx %arg24[%add3A_349, %get3A_351], %broadcast_in_dim3A_3 : memref<160x128xf32, #tpu.memory_space<vmem>>[vector<16xi32>, vector<16xi32>], vector<16xf32>,
      %add3A_352 = arith.constant 144 : i32
      %add3A_353 = vector.broadcast %add3A_352 : i32 to vector<16xi32>
      %add3A_354 = arith.addi %iota3A, %add3A_353 : vector<16xi32>
      %get3A_355 = arith.constant 144 : index
      %get3A_356 = tpu.vector_load %arg6[%get3A_355] {strides = array<i32>} : memref<160xi32, #tpu.memory_space<vmem>>, vector<16xi32>,
      tpu.vector_store_idx %arg24[%add3A_354, %get3A_356], %broadcast_in_dim3A_3 : memref<160x128xf32, #tpu.memory_space<vmem>>[vector<16xi32>, vector<16xi32>], vector<16xf32>,
      %add3A_357 = arith.constant 0 : i32
      %add3A_358 = vector.broadcast %add3A_357 : i32 to vector<16xi32>
      %add3A_359 = arith.addi %iota3A, %add3A_358 : vector<16xi32>
      %get3A_360 = arith.constant 0 : index
      %get3A_361 = tpu.vector_load %arg8[%get3A_360] {strides = array<i32>} : memref<160xi32, #tpu.memory_space<vmem>>, vector<16xi32>,
      tpu.vector_store_idx %arg24[%add3A_359, %get3A_361], %broadcast_in_dim3A_1 : memref<160x128xf32, #tpu.memory_space<vmem>>[vector<16xi32>, vector<16xi32>], vector<16xf32>,
      %add3A_362 = arith.constant 16 : i32
      %add3A_363 = vector.broadcast %add3A_362 : i32 to vector<16xi32>
      %add3A_364 = arith.addi %iota3A, %add3A_363 : vector<16xi32>
      %get3A_365 = arith.constant 16 : index
      %get3A_366 = tpu.vector_load %arg8[%get3A_365] {strides = array<i32>} : memref<160xi32, #tpu.memory_space<vmem>>, vector<16xi32>,
      tpu.vector_store_idx %arg24[%add3A_364, %get3A_366], %broadcast_in_dim3A_1 : memref<160x128xf32, #tpu.memory_space<vmem>>[vector<16xi32>, vector<16xi32>], vector<16xf32>,
      %add3A_367 = arith.constant 32 : i32
      %add3A_368 = vector.broadcast %add3A_367 : i32 to vector<16xi32>
      %add3A_369 = arith.addi %iota3A, %add3A_368 : vector<16xi32>
      %get3A_370 = arith.constant 32 : index
      %get3A_371 = tpu.vector_load %arg8[%get3A_370] {strides = array<i32>} : memref<160xi32, #tpu.memory_space<vmem>>, vector<16xi32>,
      tpu.vector_store_idx %arg24[%add3A_369, %get3A_371], %broadcast_in_dim3A_1 : memref<160x128xf32, #tpu.memory_space<vmem>>[vector<16xi32>, vector<16xi32>], vector<16xf32>,
      %add3A_372 = arith.constant 48 : i32
      %add3A_373 = vector.broadcast %add3A_372 : i32 to vector<16xi32>
      %add3A_374 = arith.addi %iota3A, %add3A_373 : vector<16xi32>
      %get3A_375 = arith.constant 48 : index
      %get3A_376 = tpu.vector_load %arg8[%get3A_375] {strides = array<i32>} : memref<160xi32, #tpu.memory_space<vmem>>, vector<16xi32>,
      tpu.vector_store_idx %arg24[%add3A_374, %get3A_376], %broadcast_in_dim3A_1 : memref<160x128xf32, #tpu.memory_space<vmem>>[vector<16xi32>, vector<16xi32>], vector<16xf32>,
      %add3A_377 = arith.constant 64 : i32
      %add3A_378 = vector.broadcast %add3A_377 : i32 to vector<16xi32>
      %add3A_379 = arith.addi %iota3A, %add3A_378 : vector<16xi32>
      %get3A_380 = arith.constant 64 : index
      %get3A_381 = tpu.vector_load %arg8[%get3A_380] {strides = array<i32>} : memref<160xi32, #tpu.memory_space<vmem>>, vector<16xi32>,
      tpu.vector_store_idx %arg24[%add3A_379, %get3A_381], %broadcast_in_dim3A_1 : memref<160x128xf32, #tpu.memory_space<vmem>>[vector<16xi32>, vector<16xi32>], vector<16xf32>,
      %add3A_382 = arith.constant 80 : i32
      %add3A_383 = vector.broadcast %add3A_382 : i32 to vector<16xi32>
      %add3A_384 = arith.addi %iota3A, %add3A_383 : vector<16xi32>
      %get3A_385 = arith.constant 80 : index
      %get3A_386 = tpu.vector_load %arg8[%get3A_385] {strides = array<i32>} : memref<160xi32, #tpu.memory_space<vmem>>, vector<16xi32>,
      tpu.vector_store_idx %arg24[%add3A_384, %get3A_386], %broadcast_in_dim3A_1 : memref<160x128xf32, #tpu.memory_space<vmem>>[vector<16xi32>, vector<16xi32>], vector<16xf32>,
      %add3A_387 = arith.constant 96 : i32
      %add3A_388 = vector.broadcast %add3A_387 : i32 to vector<16xi32>
      %add3A_389 = arith.addi %iota3A, %add3A_388 : vector<16xi32>
      %get3A_390 = arith.constant 96 : index
      %get3A_391 = tpu.vector_load %arg8[%get3A_390] {strides = array<i32>} : memref<160xi32, #tpu.memory_space<vmem>>, vector<16xi32>,
      tpu.vector_store_idx %arg24[%add3A_389, %get3A_391], %broadcast_in_dim3A_1 : memref<160x128xf32, #tpu.memory_space<vmem>>[vector<16xi32>, vector<16xi32>], vector<16xf32>,
      %add3A_392 = arith.constant 112 : i32
      %add3A_393 = vector.broadcast %add3A_392 : i32 to vector<16xi32>
      %add3A_394 = arith.addi %iota3A, %add3A_393 : vector<16xi32>
      %get3A_395 = arith.constant 112 : index
      %get3A_396 = tpu.vector_load %arg8[%get3A_395] {strides = array<i32>} : memref<160xi32, #tpu.memory_space<vmem>>, vector<16xi32>,
      tpu.vector_store_idx %arg24[%add3A_394, %get3A_396], %broadcast_in_dim3A_1 : memref<160x128xf32, #tpu.memory_space<vmem>>[vector<16xi32>, vector<16xi32>], vector<16xf32>,
      %add3A_397 = arith.constant 128 : i32
      %add3A_398 = vector.broadcast %add3A_397 : i32 to vector<16xi32>
      %add3A_399 = arith.addi %iota3A, %add3A_398 : vector<16xi32>
      %get3A_400 = arith.constant 128 : index
      %get3A_401 = tpu.vector_load %arg8[%get3A_400] {strides = array<i32>} : memref<160xi32, #tpu.memory_space<vmem>>, vector<16xi32>,
      tpu.vector_store_idx %arg24[%add3A_399, %get3A_401], %broadcast_in_dim3A_1 : memref<160x128xf32, #tpu.memory_space<vmem>>[vector<16xi32>, vector<16xi32>], vector<16xf32>,
      %add3A_402 = arith.constant 144 : i32
      %add3A_403 = vector.broadcast %add3A_402 : i32 to vector<16xi32>
      %add3A_404 = arith.addi %iota3A, %add3A_403 : vector<16xi32>
      %get3A_405 = arith.constant 144 : index
      %get3A_406 = tpu.vector_load %arg8[%get3A_405] {strides = array<i32>} : memref<160xi32, #tpu.memory_space<vmem>>, vector<16xi32>,
      tpu.vector_store_idx %arg24[%add3A_404, %get3A_406], %broadcast_in_dim3A_1 : memref<160x128xf32, #tpu.memory_space<vmem>>[vector<16xi32>, vector<16xi32>], vector<16xf32>,
      %dma_start3A_407 = arith.constant 0 : i32
      %dma_start3A_408 = tpu.memref_slice %arg3[%mul3A_23, %dma_start3A_407] : memref<100000x128xf32, #tpu.memory_space<hbm>> -> memref<160x128xf32, #tpu.memory_space<hbm>>
      %dma_start3A_409 = arith.constant 0 : i32
      %dma_start3A_410 = tpu.memref_slice %arg3[%mul3A_23, %dma_start3A_409] : memref<100000x128xf32, #tpu.memory_space<hbm>> -> memref<160x128xf32, #tpu.memory_space<hbm>>
      tpu.enqueue_dma source(%arg24 : memref<160x128xf32, #tpu.memory_space<vmem>>) target(%dma_start3A_410 : memref<160x128xf32, #tpu.memory_space<hbm>>) target_semaphore(%arg46 : memref<!tpu.dma_semaphore, #tpu.memory_space<semaphore_mem>>)
    } else {
    }
    %add3A_164 = arith.constant 160 : i32
    %add3A_165 = arith.addi %add3A, %add3A_164 : i32
    %lt3A_166 = arith.constant 625 : i32
    %lt3A_167 = arith.cmpi slt, %add3A_165, %lt3A_166 : i32
    %convert_element_type3A_168 = arith.extui %lt3A_167 : i1 to i32
    %cond3A_169 = arith.constant 0 : i32
    %cond3A_170 = arith.cmpi ne, %convert_element_type3A_168, %cond3A_169 : i32
    scf.if %cond3A_170 {
      %dma_wait3A = tpu.memref_slice %arg2[%mul3A_27] : memref<100000xi32, #tpu.memory_space<hbm>> -> memref<160xi32, #tpu.memory_space<hbm>>
      %dma_wait3A_303 = tpu.memref_slice %arg2[%mul3A_27] : memref<100000xi32, #tpu.memory_space<hbm>> -> memref<160xi32, #tpu.memory_space<hbm>>
      tpu.wait_dma2 semaphore(%arg31 : memref<!tpu.dma_semaphore, #tpu.memory_space<semaphore_mem>>) src(%dma_wait3A_303 : memref<160xi32, #tpu.memory_space<hbm>>) dst(%arg9 : memref<160xi32, #tpu.memory_space<vmem>>)
      %dma_wait3A_304 = arith.constant 0 : i32
      %dma_wait3A_305 = tpu.memref_slice %arg3[%mul3A_19, %dma_wait3A_304] : memref<100000x128xf32, #tpu.memory_space<hbm>> -> memref<160x128xf32, #tpu.memory_space<hbm>>
      %dma_wait3A_306 = arith.constant 0 : i32
      %dma_wait3A_307 = tpu.memref_slice %arg3[%mul3A_19, %dma_wait3A_306] : memref<100000x128xf32, #tpu.memory_space<hbm>> -> memref<160x128xf32, #tpu.memory_space<hbm>>
      tpu.wait_dma2 semaphore(%arg47 : memref<!tpu.dma_semaphore, #tpu.memory_space<semaphore_mem>>) src(%arg25 : memref<160x128xf32, #tpu.memory_space<vmem>>) dst(%dma_wait3A_307 : memref<160x128xf32, #tpu.memory_space<hbm>>)
      %add3A_308 = arith.constant 0 : i32
      %add3A_309 = vector.broadcast %add3A_308 : i32 to vector<16xi32>
      %add3A_310 = arith.addi %iota3A, %add3A_309 : vector<16xi32>
      %get3A = arith.constant 0 : index
      %get3A_311 = tpu.vector_load %arg7[%get3A] {strides = array<i32>} : memref<160xi32, #tpu.memory_space<vmem>>, vector<16xi32>,
      tpu.vector_store_idx %arg25[%add3A_310, %get3A_311], %broadcast_in_dim3A_3 : memref<160x128xf32, #tpu.memory_space<vmem>>[vector<16xi32>, vector<16xi32>], vector<16xf32>,
      %add3A_312 = arith.constant 16 : i32
      %add3A_313 = vector.broadcast %add3A_312 : i32 to vector<16xi32>
      %add3A_314 = arith.addi %iota3A, %add3A_313 : vector<16xi32>
      %get3A_315 = arith.constant 16 : index
      %get3A_316 = tpu.vector_load %arg7[%get3A_315] {strides = array<i32>} : memref<160xi32, #tpu.memory_space<vmem>>, vector<16xi32>,
      tpu.vector_store_idx %arg25[%add3A_314, %get3A_316], %broadcast_in_dim3A_3 : memref<160x128xf32, #tpu.memory_space<vmem>>[vector<16xi32>, vector<16xi32>], vector<16xf32>,
      %add3A_317 = arith.constant 32 : i32
      %add3A_318 = vector.broadcast %add3A_317 : i32 to vector<16xi32>
      %add3A_319 = arith.addi %iota3A, %add3A_318 : vector<16xi32>
      %get3A_320 = arith.constant 32 : index
      %get3A_321 = tpu.vector_load %arg7[%get3A_320] {strides = array<i32>} : memref<160xi32, #tpu.memory_space<vmem>>, vector<16xi32>,
      tpu.vector_store_idx %arg25[%add3A_319, %get3A_321], %broadcast_in_dim3A_3 : memref<160x128xf32, #tpu.memory_space<vmem>>[vector<16xi32>, vector<16xi32>], vector<16xf32>,
      %add3A_322 = arith.constant 48 : i32
      %add3A_323 = vector.broadcast %add3A_322 : i32 to vector<16xi32>
      %add3A_324 = arith.addi %iota3A, %add3A_323 : vector<16xi32>
      %get3A_325 = arith.constant 48 : index
      %get3A_326 = tpu.vector_load %arg7[%get3A_325] {strides = array<i32>} : memref<160xi32, #tpu.memory_space<vmem>>, vector<16xi32>,
      tpu.vector_store_idx %arg25[%add3A_324, %get3A_326], %broadcast_in_dim3A_3 : memref<160x128xf32, #tpu.memory_space<vmem>>[vector<16xi32>, vector<16xi32>], vector<16xf32>,
      %add3A_327 = arith.constant 64 : i32
      %add3A_328 = vector.broadcast %add3A_327 : i32 to vector<16xi32>
      %add3A_329 = arith.addi %iota3A, %add3A_328 : vector<16xi32>
      %get3A_330 = arith.constant 64 : index
      %get3A_331 = tpu.vector_load %arg7[%get3A_330] {strides = array<i32>} : memref<160xi32, #tpu.memory_space<vmem>>, vector<16xi32>,
      tpu.vector_store_idx %arg25[%add3A_329, %get3A_331], %broadcast_in_dim3A_3 : memref<160x128xf32, #tpu.memory_space<vmem>>[vector<16xi32>, vector<16xi32>], vector<16xf32>,
      %add3A_332 = arith.constant 80 : i32
      %add3A_333 = vector.broadcast %add3A_332 : i32 to vector<16xi32>
      %add3A_334 = arith.addi %iota3A, %add3A_333 : vector<16xi32>
      %get3A_335 = arith.constant 80 : index
      %get3A_336 = tpu.vector_load %arg7[%get3A_335] {strides = array<i32>} : memref<160xi32, #tpu.memory_space<vmem>>, vector<16xi32>,
      tpu.vector_store_idx %arg25[%add3A_334, %get3A_336], %broadcast_in_dim3A_3 : memref<160x128xf32, #tpu.memory_space<vmem>>[vector<16xi32>, vector<16xi32>], vector<16xf32>,
      %add3A_337 = arith.constant 96 : i32
      %add3A_338 = vector.broadcast %add3A_337 : i32 to vector<16xi32>
      %add3A_339 = arith.addi %iota3A, %add3A_338 : vector<16xi32>
      %get3A_340 = arith.constant 96 : index
      %get3A_341 = tpu.vector_load %arg7[%get3A_340] {strides = array<i32>} : memref<160xi32, #tpu.memory_space<vmem>>, vector<16xi32>,
      tpu.vector_store_idx %arg25[%add3A_339, %get3A_341], %broadcast_in_dim3A_3 : memref<160x128xf32, #tpu.memory_space<vmem>>[vector<16xi32>, vector<16xi32>], vector<16xf32>,
      %add3A_342 = arith.constant 112 : i32
      %add3A_343 = vector.broadcast %add3A_342 : i32 to vector<16xi32>
      %add3A_344 = arith.addi %iota3A, %add3A_343 : vector<16xi32>
      %get3A_345 = arith.constant 112 : index
      %get3A_346 = tpu.vector_load %arg7[%get3A_345] {strides = array<i32>} : memref<160xi32, #tpu.memory_space<vmem>>, vector<16xi32>,
      tpu.vector_store_idx %arg25[%add3A_344, %get3A_346], %broadcast_in_dim3A_3 : memref<160x128xf32, #tpu.memory_space<vmem>>[vector<16xi32>, vector<16xi32>], vector<16xf32>,
      %add3A_347 = arith.constant 128 : i32
      %add3A_348 = vector.broadcast %add3A_347 : i32 to vector<16xi32>
      %add3A_349 = arith.addi %iota3A, %add3A_348 : vector<16xi32>
      %get3A_350 = arith.constant 128 : index
      %get3A_351 = tpu.vector_load %arg7[%get3A_350] {strides = array<i32>} : memref<160xi32, #tpu.memory_space<vmem>>, vector<16xi32>,
      tpu.vector_store_idx %arg25[%add3A_349, %get3A_351], %broadcast_in_dim3A_3 : memref<160x128xf32, #tpu.memory_space<vmem>>[vector<16xi32>, vector<16xi32>], vector<16xf32>,
      %add3A_352 = arith.constant 144 : i32
      %add3A_353 = vector.broadcast %add3A_352 : i32 to vector<16xi32>
      %add3A_354 = arith.addi %iota3A, %add3A_353 : vector<16xi32>
      %get3A_355 = arith.constant 144 : index
      %get3A_356 = tpu.vector_load %arg7[%get3A_355] {strides = array<i32>} : memref<160xi32, #tpu.memory_space<vmem>>, vector<16xi32>,
      tpu.vector_store_idx %arg25[%add3A_354, %get3A_356], %broadcast_in_dim3A_3 : memref<160x128xf32, #tpu.memory_space<vmem>>[vector<16xi32>, vector<16xi32>], vector<16xf32>,
      %add3A_357 = arith.constant 0 : i32
      %add3A_358 = vector.broadcast %add3A_357 : i32 to vector<16xi32>
      %add3A_359 = arith.addi %iota3A, %add3A_358 : vector<16xi32>
      %get3A_360 = arith.constant 0 : index
      %get3A_361 = tpu.vector_load %arg9[%get3A_360] {strides = array<i32>} : memref<160xi32, #tpu.memory_space<vmem>>, vector<16xi32>,
      tpu.vector_store_idx %arg25[%add3A_359, %get3A_361], %broadcast_in_dim3A_1 : memref<160x128xf32, #tpu.memory_space<vmem>>[vector<16xi32>, vector<16xi32>], vector<16xf32>,
      %add3A_362 = arith.constant 16 : i32
      %add3A_363 = vector.broadcast %add3A_362 : i32 to vector<16xi32>
      %add3A_364 = arith.addi %iota3A, %add3A_363 : vector<16xi32>
      %get3A_365 = arith.constant 16 : index
      %get3A_366 = tpu.vector_load %arg9[%get3A_365] {strides = array<i32>} : memref<160xi32, #tpu.memory_space<vmem>>, vector<16xi32>,
      tpu.vector_store_idx %arg25[%add3A_364, %get3A_366], %broadcast_in_dim3A_1 : memref<160x128xf32, #tpu.memory_space<vmem>>[vector<16xi32>, vector<16xi32>], vector<16xf32>,
      %add3A_367 = arith.constant 32 : i32
      %add3A_368 = vector.broadcast %add3A_367 : i32 to vector<16xi32>
      %add3A_369 = arith.addi %iota3A, %add3A_368 : vector<16xi32>
      %get3A_370 = arith.constant 32 : index
      %get3A_371 = tpu.vector_load %arg9[%get3A_370] {strides = array<i32>} : memref<160xi32, #tpu.memory_space<vmem>>, vector<16xi32>,
      tpu.vector_store_idx %arg25[%add3A_369, %get3A_371], %broadcast_in_dim3A_1 : memref<160x128xf32, #tpu.memory_space<vmem>>[vector<16xi32>, vector<16xi32>], vector<16xf32>,
      %add3A_372 = arith.constant 48 : i32
      %add3A_373 = vector.broadcast %add3A_372 : i32 to vector<16xi32>
      %add3A_374 = arith.addi %iota3A, %add3A_373 : vector<16xi32>
      %get3A_375 = arith.constant 48 : index
      %get3A_376 = tpu.vector_load %arg9[%get3A_375] {strides = array<i32>} : memref<160xi32, #tpu.memory_space<vmem>>, vector<16xi32>,
      tpu.vector_store_idx %arg25[%add3A_374, %get3A_376], %broadcast_in_dim3A_1 : memref<160x128xf32, #tpu.memory_space<vmem>>[vector<16xi32>, vector<16xi32>], vector<16xf32>,
      %add3A_377 = arith.constant 64 : i32
      %add3A_378 = vector.broadcast %add3A_377 : i32 to vector<16xi32>
      %add3A_379 = arith.addi %iota3A, %add3A_378 : vector<16xi32>
      %get3A_380 = arith.constant 64 : index
      %get3A_381 = tpu.vector_load %arg9[%get3A_380] {strides = array<i32>} : memref<160xi32, #tpu.memory_space<vmem>>, vector<16xi32>,
      tpu.vector_store_idx %arg25[%add3A_379, %get3A_381], %broadcast_in_dim3A_1 : memref<160x128xf32, #tpu.memory_space<vmem>>[vector<16xi32>, vector<16xi32>], vector<16xf32>,
      %add3A_382 = arith.constant 80 : i32
      %add3A_383 = vector.broadcast %add3A_382 : i32 to vector<16xi32>
      %add3A_384 = arith.addi %iota3A, %add3A_383 : vector<16xi32>
      %get3A_385 = arith.constant 80 : index
      %get3A_386 = tpu.vector_load %arg9[%get3A_385] {strides = array<i32>} : memref<160xi32, #tpu.memory_space<vmem>>, vector<16xi32>,
      tpu.vector_store_idx %arg25[%add3A_384, %get3A_386], %broadcast_in_dim3A_1 : memref<160x128xf32, #tpu.memory_space<vmem>>[vector<16xi32>, vector<16xi32>], vector<16xf32>,
      %add3A_387 = arith.constant 96 : i32
      %add3A_388 = vector.broadcast %add3A_387 : i32 to vector<16xi32>
      %add3A_389 = arith.addi %iota3A, %add3A_388 : vector<16xi32>
      %get3A_390 = arith.constant 96 : index
      %get3A_391 = tpu.vector_load %arg9[%get3A_390] {strides = array<i32>} : memref<160xi32, #tpu.memory_space<vmem>>, vector<16xi32>,
      tpu.vector_store_idx %arg25[%add3A_389, %get3A_391], %broadcast_in_dim3A_1 : memref<160x128xf32, #tpu.memory_space<vmem>>[vector<16xi32>, vector<16xi32>], vector<16xf32>,
      %add3A_392 = arith.constant 112 : i32
      %add3A_393 = vector.broadcast %add3A_392 : i32 to vector<16xi32>
      %add3A_394 = arith.addi %iota3A, %add3A_393 : vector<16xi32>
      %get3A_395 = arith.constant 112 : index
      %get3A_396 = tpu.vector_load %arg9[%get3A_395] {strides = array<i32>} : memref<160xi32, #tpu.memory_space<vmem>>, vector<16xi32>,
      tpu.vector_store_idx %arg25[%add3A_394, %get3A_396], %broadcast_in_dim3A_1 : memref<160x128xf32, #tpu.memory_space<vmem>>[vector<16xi32>, vector<16xi32>], vector<16xf32>,
      %add3A_397 = arith.constant 128 : i32
      %add3A_398 = vector.broadcast %add3A_397 : i32 to vector<16xi32>
      %add3A_399 = arith.addi %iota3A, %add3A_398 : vector<16xi32>
      %get3A_400 = arith.constant 128 : index
      %get3A_401 = tpu.vector_load %arg9[%get3A_400] {strides = array<i32>} : memref<160xi32, #tpu.memory_space<vmem>>, vector<16xi32>,
      tpu.vector_store_idx %arg25[%add3A_399, %get3A_401], %broadcast_in_dim3A_1 : memref<160x128xf32, #tpu.memory_space<vmem>>[vector<16xi32>, vector<16xi32>], vector<16xf32>,
      %add3A_402 = arith.constant 144 : i32
      %add3A_403 = vector.broadcast %add3A_402 : i32 to vector<16xi32>
      %add3A_404 = arith.addi %iota3A, %add3A_403 : vector<16xi32>
      %get3A_405 = arith.constant 144 : index
      %get3A_406 = tpu.vector_load %arg9[%get3A_405] {strides = array<i32>} : memref<160xi32, #tpu.memory_space<vmem>>, vector<16xi32>,
      tpu.vector_store_idx %arg25[%add3A_404, %get3A_406], %broadcast_in_dim3A_1 : memref<160x128xf32, #tpu.memory_space<vmem>>[vector<16xi32>, vector<16xi32>], vector<16xf32>,
      %dma_start3A_407 = arith.constant 0 : i32
      %dma_start3A_408 = tpu.memref_slice %arg3[%mul3A_27, %dma_start3A_407] : memref<100000x128xf32, #tpu.memory_space<hbm>> -> memref<160x128xf32, #tpu.memory_space<hbm>>
      %dma_start3A_409 = arith.constant 0 : i32
      %dma_start3A_410 = tpu.memref_slice %arg3[%mul3A_27, %dma_start3A_409] : memref<100000x128xf32, #tpu.memory_space<hbm>> -> memref<160x128xf32, #tpu.memory_space<hbm>>
      tpu.enqueue_dma source(%arg25 : memref<160x128xf32, #tpu.memory_space<vmem>>) target(%dma_start3A_410 : memref<160x128xf32, #tpu.memory_space<hbm>>) target_semaphore(%arg47 : memref<!tpu.dma_semaphore, #tpu.memory_space<semaphore_mem>>)
    } else {
    }
    %add3A_171 = arith.constant 192 : i32
    %add3A_172 = arith.addi %add3A, %add3A_171 : i32
    %lt3A_173 = arith.constant 625 : i32
    %lt3A_174 = arith.cmpi slt, %add3A_172, %lt3A_173 : i32
    %convert_element_type3A_175 = arith.extui %lt3A_174 : i1 to i32
    %cond3A_176 = arith.constant 0 : i32
    %cond3A_177 = arith.cmpi ne, %convert_element_type3A_175, %cond3A_176 : i32
    scf.if %cond3A_177 {
      %dma_wait3A = tpu.memref_slice %arg2[%mul3A_31] : memref<100000xi32, #tpu.memory_space<hbm>> -> memref<160xi32, #tpu.memory_space<hbm>>
      %dma_wait3A_303 = tpu.memref_slice %arg2[%mul3A_31] : memref<100000xi32, #tpu.memory_space<hbm>> -> memref<160xi32, #tpu.memory_space<hbm>>
      tpu.wait_dma2 semaphore(%arg32 : memref<!tpu.dma_semaphore, #tpu.memory_space<semaphore_mem>>) src(%dma_wait3A_303 : memref<160xi32, #tpu.memory_space<hbm>>) dst(%arg10 : memref<160xi32, #tpu.memory_space<vmem>>)
      %dma_wait3A_304 = arith.constant 0 : i32
      %dma_wait3A_305 = tpu.memref_slice %arg3[%mul3A_23, %dma_wait3A_304] : memref<100000x128xf32, #tpu.memory_space<hbm>> -> memref<160x128xf32, #tpu.memory_space<hbm>>
      %dma_wait3A_306 = arith.constant 0 : i32
      %dma_wait3A_307 = tpu.memref_slice %arg3[%mul3A_23, %dma_wait3A_306] : memref<100000x128xf32, #tpu.memory_space<hbm>> -> memref<160x128xf32, #tpu.memory_space<hbm>>
      tpu.wait_dma2 semaphore(%arg46 : memref<!tpu.dma_semaphore, #tpu.memory_space<semaphore_mem>>) src(%arg24 : memref<160x128xf32, #tpu.memory_space<vmem>>) dst(%dma_wait3A_307 : memref<160x128xf32, #tpu.memory_space<hbm>>)
      %add3A_308 = arith.constant 0 : i32
      %add3A_309 = vector.broadcast %add3A_308 : i32 to vector<16xi32>
      %add3A_310 = arith.addi %iota3A, %add3A_309 : vector<16xi32>
      %get3A = arith.constant 0 : index
      %get3A_311 = tpu.vector_load %arg8[%get3A] {strides = array<i32>} : memref<160xi32, #tpu.memory_space<vmem>>, vector<16xi32>,
      tpu.vector_store_idx %arg24[%add3A_310, %get3A_311], %broadcast_in_dim3A_3 : memref<160x128xf32, #tpu.memory_space<vmem>>[vector<16xi32>, vector<16xi32>], vector<16xf32>,
      %add3A_312 = arith.constant 16 : i32
      %add3A_313 = vector.broadcast %add3A_312 : i32 to vector<16xi32>
      %add3A_314 = arith.addi %iota3A, %add3A_313 : vector<16xi32>
      %get3A_315 = arith.constant 16 : index
      %get3A_316 = tpu.vector_load %arg8[%get3A_315] {strides = array<i32>} : memref<160xi32, #tpu.memory_space<vmem>>, vector<16xi32>,
      tpu.vector_store_idx %arg24[%add3A_314, %get3A_316], %broadcast_in_dim3A_3 : memref<160x128xf32, #tpu.memory_space<vmem>>[vector<16xi32>, vector<16xi32>], vector<16xf32>,
      %add3A_317 = arith.constant 32 : i32
      %add3A_318 = vector.broadcast %add3A_317 : i32 to vector<16xi32>
      %add3A_319 = arith.addi %iota3A, %add3A_318 : vector<16xi32>
      %get3A_320 = arith.constant 32 : index
      %get3A_321 = tpu.vector_load %arg8[%get3A_320] {strides = array<i32>} : memref<160xi32, #tpu.memory_space<vmem>>, vector<16xi32>,
      tpu.vector_store_idx %arg24[%add3A_319, %get3A_321], %broadcast_in_dim3A_3 : memref<160x128xf32, #tpu.memory_space<vmem>>[vector<16xi32>, vector<16xi32>], vector<16xf32>,
      %add3A_322 = arith.constant 48 : i32
      %add3A_323 = vector.broadcast %add3A_322 : i32 to vector<16xi32>
      %add3A_324 = arith.addi %iota3A, %add3A_323 : vector<16xi32>
      %get3A_325 = arith.constant 48 : index
      %get3A_326 = tpu.vector_load %arg8[%get3A_325] {strides = array<i32>} : memref<160xi32, #tpu.memory_space<vmem>>, vector<16xi32>,
      tpu.vector_store_idx %arg24[%add3A_324, %get3A_326], %broadcast_in_dim3A_3 : memref<160x128xf32, #tpu.memory_space<vmem>>[vector<16xi32>, vector<16xi32>], vector<16xf32>,
      %add3A_327 = arith.constant 64 : i32
      %add3A_328 = vector.broadcast %add3A_327 : i32 to vector<16xi32>
      %add3A_329 = arith.addi %iota3A, %add3A_328 : vector<16xi32>
      %get3A_330 = arith.constant 64 : index
      %get3A_331 = tpu.vector_load %arg8[%get3A_330] {strides = array<i32>} : memref<160xi32, #tpu.memory_space<vmem>>, vector<16xi32>,
      tpu.vector_store_idx %arg24[%add3A_329, %get3A_331], %broadcast_in_dim3A_3 : memref<160x128xf32, #tpu.memory_space<vmem>>[vector<16xi32>, vector<16xi32>], vector<16xf32>,
      %add3A_332 = arith.constant 80 : i32
      %add3A_333 = vector.broadcast %add3A_332 : i32 to vector<16xi32>
      %add3A_334 = arith.addi %iota3A, %add3A_333 : vector<16xi32>
      %get3A_335 = arith.constant 80 : index
      %get3A_336 = tpu.vector_load %arg8[%get3A_335] {strides = array<i32>} : memref<160xi32, #tpu.memory_space<vmem>>, vector<16xi32>,
      tpu.vector_store_idx %arg24[%add3A_334, %get3A_336], %broadcast_in_dim3A_3 : memref<160x128xf32, #tpu.memory_space<vmem>>[vector<16xi32>, vector<16xi32>], vector<16xf32>,
      %add3A_337 = arith.constant 96 : i32
      %add3A_338 = vector.broadcast %add3A_337 : i32 to vector<16xi32>
      %add3A_339 = arith.addi %iota3A, %add3A_338 : vector<16xi32>
      %get3A_340 = arith.constant 96 : index
      %get3A_341 = tpu.vector_load %arg8[%get3A_340] {strides = array<i32>} : memref<160xi32, #tpu.memory_space<vmem>>, vector<16xi32>,
      tpu.vector_store_idx %arg24[%add3A_339, %get3A_341], %broadcast_in_dim3A_3 : memref<160x128xf32, #tpu.memory_space<vmem>>[vector<16xi32>, vector<16xi32>], vector<16xf32>,
      %add3A_342 = arith.constant 112 : i32
      %add3A_343 = vector.broadcast %add3A_342 : i32 to vector<16xi32>
      %add3A_344 = arith.addi %iota3A, %add3A_343 : vector<16xi32>
      %get3A_345 = arith.constant 112 : index
      %get3A_346 = tpu.vector_load %arg8[%get3A_345] {strides = array<i32>} : memref<160xi32, #tpu.memory_space<vmem>>, vector<16xi32>,
      tpu.vector_store_idx %arg24[%add3A_344, %get3A_346], %broadcast_in_dim3A_3 : memref<160x128xf32, #tpu.memory_space<vmem>>[vector<16xi32>, vector<16xi32>], vector<16xf32>,
      %add3A_347 = arith.constant 128 : i32
      %add3A_348 = vector.broadcast %add3A_347 : i32 to vector<16xi32>
      %add3A_349 = arith.addi %iota3A, %add3A_348 : vector<16xi32>
      %get3A_350 = arith.constant 128 : index
      %get3A_351 = tpu.vector_load %arg8[%get3A_350] {strides = array<i32>} : memref<160xi32, #tpu.memory_space<vmem>>, vector<16xi32>,
      tpu.vector_store_idx %arg24[%add3A_349, %get3A_351], %broadcast_in_dim3A_3 : memref<160x128xf32, #tpu.memory_space<vmem>>[vector<16xi32>, vector<16xi32>], vector<16xf32>,
      %add3A_352 = arith.constant 144 : i32
      %add3A_353 = vector.broadcast %add3A_352 : i32 to vector<16xi32>
      %add3A_354 = arith.addi %iota3A, %add3A_353 : vector<16xi32>
      %get3A_355 = arith.constant 144 : index
      %get3A_356 = tpu.vector_load %arg8[%get3A_355] {strides = array<i32>} : memref<160xi32, #tpu.memory_space<vmem>>, vector<16xi32>,
      tpu.vector_store_idx %arg24[%add3A_354, %get3A_356], %broadcast_in_dim3A_3 : memref<160x128xf32, #tpu.memory_space<vmem>>[vector<16xi32>, vector<16xi32>], vector<16xf32>,
      %add3A_357 = arith.constant 0 : i32
      %add3A_358 = vector.broadcast %add3A_357 : i32 to vector<16xi32>
      %add3A_359 = arith.addi %iota3A, %add3A_358 : vector<16xi32>
      %get3A_360 = arith.constant 0 : index
      %get3A_361 = tpu.vector_load %arg10[%get3A_360] {strides = array<i32>} : memref<160xi32, #tpu.memory_space<vmem>>, vector<16xi32>,
      tpu.vector_store_idx %arg24[%add3A_359, %get3A_361], %broadcast_in_dim3A_1 : memref<160x128xf32, #tpu.memory_space<vmem>>[vector<16xi32>, vector<16xi32>], vector<16xf32>,
      %add3A_362 = arith.constant 16 : i32
      %add3A_363 = vector.broadcast %add3A_362 : i32 to vector<16xi32>
      %add3A_364 = arith.addi %iota3A, %add3A_363 : vector<16xi32>
      %get3A_365 = arith.constant 16 : index
      %get3A_366 = tpu.vector_load %arg10[%get3A_365] {strides = array<i32>} : memref<160xi32, #tpu.memory_space<vmem>>, vector<16xi32>,
      tpu.vector_store_idx %arg24[%add3A_364, %get3A_366], %broadcast_in_dim3A_1 : memref<160x128xf32, #tpu.memory_space<vmem>>[vector<16xi32>, vector<16xi32>], vector<16xf32>,
      %add3A_367 = arith.constant 32 : i32
      %add3A_368 = vector.broadcast %add3A_367 : i32 to vector<16xi32>
      %add3A_369 = arith.addi %iota3A, %add3A_368 : vector<16xi32>
      %get3A_370 = arith.constant 32 : index
      %get3A_371 = tpu.vector_load %arg10[%get3A_370] {strides = array<i32>} : memref<160xi32, #tpu.memory_space<vmem>>, vector<16xi32>,
      tpu.vector_store_idx %arg24[%add3A_369, %get3A_371], %broadcast_in_dim3A_1 : memref<160x128xf32, #tpu.memory_space<vmem>>[vector<16xi32>, vector<16xi32>], vector<16xf32>,
      %add3A_372 = arith.constant 48 : i32
      %add3A_373 = vector.broadcast %add3A_372 : i32 to vector<16xi32>
      %add3A_374 = arith.addi %iota3A, %add3A_373 : vector<16xi32>
      %get3A_375 = arith.constant 48 : index
      %get3A_376 = tpu.vector_load %arg10[%get3A_375] {strides = array<i32>} : memref<160xi32, #tpu.memory_space<vmem>>, vector<16xi32>,
      tpu.vector_store_idx %arg24[%add3A_374, %get3A_376], %broadcast_in_dim3A_1 : memref<160x128xf32, #tpu.memory_space<vmem>>[vector<16xi32>, vector<16xi32>], vector<16xf32>,
      %add3A_377 = arith.constant 64 : i32
      %add3A_378 = vector.broadcast %add3A_377 : i32 to vector<16xi32>
      %add3A_379 = arith.addi %iota3A, %add3A_378 : vector<16xi32>
      %get3A_380 = arith.constant 64 : index
      %get3A_381 = tpu.vector_load %arg10[%get3A_380] {strides = array<i32>} : memref<160xi32, #tpu.memory_space<vmem>>, vector<16xi32>,
      tpu.vector_store_idx %arg24[%add3A_379, %get3A_381], %broadcast_in_dim3A_1 : memref<160x128xf32, #tpu.memory_space<vmem>>[vector<16xi32>, vector<16xi32>], vector<16xf32>,
      %add3A_382 = arith.constant 80 : i32
      %add3A_383 = vector.broadcast %add3A_382 : i32 to vector<16xi32>
      %add3A_384 = arith.addi %iota3A, %add3A_383 : vector<16xi32>
      %get3A_385 = arith.constant 80 : index
      %get3A_386 = tpu.vector_load %arg10[%get3A_385] {strides = array<i32>} : memref<160xi32, #tpu.memory_space<vmem>>, vector<16xi32>,
      tpu.vector_store_idx %arg24[%add3A_384, %get3A_386], %broadcast_in_dim3A_1 : memref<160x128xf32, #tpu.memory_space<vmem>>[vector<16xi32>, vector<16xi32>], vector<16xf32>,
      %add3A_387 = arith.constant 96 : i32
      %add3A_388 = vector.broadcast %add3A_387 : i32 to vector<16xi32>
      %add3A_389 = arith.addi %iota3A, %add3A_388 : vector<16xi32>
      %get3A_390 = arith.constant 96 : index
      %get3A_391 = tpu.vector_load %arg10[%get3A_390] {strides = array<i32>} : memref<160xi32, #tpu.memory_space<vmem>>, vector<16xi32>,
      tpu.vector_store_idx %arg24[%add3A_389, %get3A_391], %broadcast_in_dim3A_1 : memref<160x128xf32, #tpu.memory_space<vmem>>[vector<16xi32>, vector<16xi32>], vector<16xf32>,
      %add3A_392 = arith.constant 112 : i32
      %add3A_393 = vector.broadcast %add3A_392 : i32 to vector<16xi32>
      %add3A_394 = arith.addi %iota3A, %add3A_393 : vector<16xi32>
      %get3A_395 = arith.constant 112 : index
      %get3A_396 = tpu.vector_load %arg10[%get3A_395] {strides = array<i32>} : memref<160xi32, #tpu.memory_space<vmem>>, vector<16xi32>,
      tpu.vector_store_idx %arg24[%add3A_394, %get3A_396], %broadcast_in_dim3A_1 : memref<160x128xf32, #tpu.memory_space<vmem>>[vector<16xi32>, vector<16xi32>], vector<16xf32>,
      %add3A_397 = arith.constant 128 : i32
      %add3A_398 = vector.broadcast %add3A_397 : i32 to vector<16xi32>
      %add3A_399 = arith.addi %iota3A, %add3A_398 : vector<16xi32>
      %get3A_400 = arith.constant 128 : index
      %get3A_401 = tpu.vector_load %arg10[%get3A_400] {strides = array<i32>} : memref<160xi32, #tpu.memory_space<vmem>>, vector<16xi32>,
      tpu.vector_store_idx %arg24[%add3A_399, %get3A_401], %broadcast_in_dim3A_1 : memref<160x128xf32, #tpu.memory_space<vmem>>[vector<16xi32>, vector<16xi32>], vector<16xf32>,
      %add3A_402 = arith.constant 144 : i32
      %add3A_403 = vector.broadcast %add3A_402 : i32 to vector<16xi32>
      %add3A_404 = arith.addi %iota3A, %add3A_403 : vector<16xi32>
      %get3A_405 = arith.constant 144 : index
      %get3A_406 = tpu.vector_load %arg10[%get3A_405] {strides = array<i32>} : memref<160xi32, #tpu.memory_space<vmem>>, vector<16xi32>,
      tpu.vector_store_idx %arg24[%add3A_404, %get3A_406], %broadcast_in_dim3A_1 : memref<160x128xf32, #tpu.memory_space<vmem>>[vector<16xi32>, vector<16xi32>], vector<16xf32>,
      %dma_start3A_407 = arith.constant 0 : i32
      %dma_start3A_408 = tpu.memref_slice %arg3[%mul3A_31, %dma_start3A_407] : memref<100000x128xf32, #tpu.memory_space<hbm>> -> memref<160x128xf32, #tpu.memory_space<hbm>>
      %dma_start3A_409 = arith.constant 0 : i32
      %dma_start3A_410 = tpu.memref_slice %arg3[%mul3A_31, %dma_start3A_409] : memref<100000x128xf32, #tpu.memory_space<hbm>> -> memref<160x128xf32, #tpu.memory_space<hbm>>
      tpu.enqueue_dma source(%arg24 : memref<160x128xf32, #tpu.memory_space<vmem>>) target(%dma_start3A_410 : memref<160x128xf32, #tpu.memory_space<hbm>>) target_semaphore(%arg46 : memref<!tpu.dma_semaphore, #tpu.memory_space<semaphore_mem>>)
    } else {
    }
    %add3A_178 = arith.constant 224 : i32
    %add3A_179 = arith.addi %add3A, %add3A_178 : i32
    %lt3A_180 = arith.constant 625 : i32
    %lt3A_181 = arith.cmpi slt, %add3A_179, %lt3A_180 : i32
    %convert_element_type3A_182 = arith.extui %lt3A_181 : i1 to i32
    %cond3A_183 = arith.constant 0 : i32
    %cond3A_184 = arith.cmpi ne, %convert_element_type3A_182, %cond3A_183 : i32
    scf.if %cond3A_184 {
      %dma_wait3A = tpu.memref_slice %arg2[%mul3A_35] : memref<100000xi32, #tpu.memory_space<hbm>> -> memref<160xi32, #tpu.memory_space<hbm>>
      %dma_wait3A_303 = tpu.memref_slice %arg2[%mul3A_35] : memref<100000xi32, #tpu.memory_space<hbm>> -> memref<160xi32, #tpu.memory_space<hbm>>
      tpu.wait_dma2 semaphore(%arg33 : memref<!tpu.dma_semaphore, #tpu.memory_space<semaphore_mem>>) src(%dma_wait3A_303 : memref<160xi32, #tpu.memory_space<hbm>>) dst(%arg11 : memref<160xi32, #tpu.memory_space<vmem>>)
      %dma_wait3A_304 = arith.constant 0 : i32
      %dma_wait3A_305 = tpu.memref_slice %arg3[%mul3A_27, %dma_wait3A_304] : memref<100000x128xf32, #tpu.memory_space<hbm>> -> memref<160x128xf32, #tpu.memory_space<hbm>>
      %dma_wait3A_306 = arith.constant 0 : i32
      %dma_wait3A_307 = tpu.memref_slice %arg3[%mul3A_27, %dma_wait3A_306] : memref<100000x128xf32, #tpu.memory_space<hbm>> -> memref<160x128xf32, #tpu.memory_space<hbm>>
      tpu.wait_dma2 semaphore(%arg47 : memref<!tpu.dma_semaphore, #tpu.memory_space<semaphore_mem>>) src(%arg25 : memref<160x128xf32, #tpu.memory_space<vmem>>) dst(%dma_wait3A_307 : memref<160x128xf32, #tpu.memory_space<hbm>>)
      %add3A_308 = arith.constant 0 : i32
      %add3A_309 = vector.broadcast %add3A_308 : i32 to vector<16xi32>
      %add3A_310 = arith.addi %iota3A, %add3A_309 : vector<16xi32>
      %get3A = arith.constant 0 : index
      %get3A_311 = tpu.vector_load %arg9[%get3A] {strides = array<i32>} : memref<160xi32, #tpu.memory_space<vmem>>, vector<16xi32>,
      tpu.vector_store_idx %arg25[%add3A_310, %get3A_311], %broadcast_in_dim3A_3 : memref<160x128xf32, #tpu.memory_space<vmem>>[vector<16xi32>, vector<16xi32>], vector<16xf32>,
      %add3A_312 = arith.constant 16 : i32
      %add3A_313 = vector.broadcast %add3A_312 : i32 to vector<16xi32>
      %add3A_314 = arith.addi %iota3A, %add3A_313 : vector<16xi32>
      %get3A_315 = arith.constant 16 : index
      %get3A_316 = tpu.vector_load %arg9[%get3A_315] {strides = array<i32>} : memref<160xi32, #tpu.memory_space<vmem>>, vector<16xi32>,
      tpu.vector_store_idx %arg25[%add3A_314, %get3A_316], %broadcast_in_dim3A_3 : memref<160x128xf32, #tpu.memory_space<vmem>>[vector<16xi32>, vector<16xi32>], vector<16xf32>,
      %add3A_317 = arith.constant 32 : i32
      %add3A_318 = vector.broadcast %add3A_317 : i32 to vector<16xi32>
      %add3A_319 = arith.addi %iota3A, %add3A_318 : vector<16xi32>
      %get3A_320 = arith.constant 32 : index
      %get3A_321 = tpu.vector_load %arg9[%get3A_320] {strides = array<i32>} : memref<160xi32, #tpu.memory_space<vmem>>, vector<16xi32>,
      tpu.vector_store_idx %arg25[%add3A_319, %get3A_321], %broadcast_in_dim3A_3 : memref<160x128xf32, #tpu.memory_space<vmem>>[vector<16xi32>, vector<16xi32>], vector<16xf32>,
      %add3A_322 = arith.constant 48 : i32
      %add3A_323 = vector.broadcast %add3A_322 : i32 to vector<16xi32>
      %add3A_324 = arith.addi %iota3A, %add3A_323 : vector<16xi32>
      %get3A_325 = arith.constant 48 : index
      %get3A_326 = tpu.vector_load %arg9[%get3A_325] {strides = array<i32>} : memref<160xi32, #tpu.memory_space<vmem>>, vector<16xi32>,
      tpu.vector_store_idx %arg25[%add3A_324, %get3A_326], %broadcast_in_dim3A_3 : memref<160x128xf32, #tpu.memory_space<vmem>>[vector<16xi32>, vector<16xi32>], vector<16xf32>,
      %add3A_327 = arith.constant 64 : i32
      %add3A_328 = vector.broadcast %add3A_327 : i32 to vector<16xi32>
      %add3A_329 = arith.addi %iota3A, %add3A_328 : vector<16xi32>
      %get3A_330 = arith.constant 64 : index
      %get3A_331 = tpu.vector_load %arg9[%get3A_330] {strides = array<i32>} : memref<160xi32, #tpu.memory_space<vmem>>, vector<16xi32>,
      tpu.vector_store_idx %arg25[%add3A_329, %get3A_331], %broadcast_in_dim3A_3 : memref<160x128xf32, #tpu.memory_space<vmem>>[vector<16xi32>, vector<16xi32>], vector<16xf32>,
      %add3A_332 = arith.constant 80 : i32
      %add3A_333 = vector.broadcast %add3A_332 : i32 to vector<16xi32>
      %add3A_334 = arith.addi %iota3A, %add3A_333 : vector<16xi32>
      %get3A_335 = arith.constant 80 : index
      %get3A_336 = tpu.vector_load %arg9[%get3A_335] {strides = array<i32>} : memref<160xi32, #tpu.memory_space<vmem>>, vector<16xi32>,
      tpu.vector_store_idx %arg25[%add3A_334, %get3A_336], %broadcast_in_dim3A_3 : memref<160x128xf32, #tpu.memory_space<vmem>>[vector<16xi32>, vector<16xi32>], vector<16xf32>,
      %add3A_337 = arith.constant 96 : i32
      %add3A_338 = vector.broadcast %add3A_337 : i32 to vector<16xi32>
      %add3A_339 = arith.addi %iota3A, %add3A_338 : vector<16xi32>
      %get3A_340 = arith.constant 96 : index
      %get3A_341 = tpu.vector_load %arg9[%get3A_340] {strides = array<i32>} : memref<160xi32, #tpu.memory_space<vmem>>, vector<16xi32>,
      tpu.vector_store_idx %arg25[%add3A_339, %get3A_341], %broadcast_in_dim3A_3 : memref<160x128xf32, #tpu.memory_space<vmem>>[vector<16xi32>, vector<16xi32>], vector<16xf32>,
      %add3A_342 = arith.constant 112 : i32
      %add3A_343 = vector.broadcast %add3A_342 : i32 to vector<16xi32>
      %add3A_344 = arith.addi %iota3A, %add3A_343 : vector<16xi32>
      %get3A_345 = arith.constant 112 : index
      %get3A_346 = tpu.vector_load %arg9[%get3A_345] {strides = array<i32>} : memref<160xi32, #tpu.memory_space<vmem>>, vector<16xi32>,
      tpu.vector_store_idx %arg25[%add3A_344, %get3A_346], %broadcast_in_dim3A_3 : memref<160x128xf32, #tpu.memory_space<vmem>>[vector<16xi32>, vector<16xi32>], vector<16xf32>,
      %add3A_347 = arith.constant 128 : i32
      %add3A_348 = vector.broadcast %add3A_347 : i32 to vector<16xi32>
      %add3A_349 = arith.addi %iota3A, %add3A_348 : vector<16xi32>
      %get3A_350 = arith.constant 128 : index
      %get3A_351 = tpu.vector_load %arg9[%get3A_350] {strides = array<i32>} : memref<160xi32, #tpu.memory_space<vmem>>, vector<16xi32>,
      tpu.vector_store_idx %arg25[%add3A_349, %get3A_351], %broadcast_in_dim3A_3 : memref<160x128xf32, #tpu.memory_space<vmem>>[vector<16xi32>, vector<16xi32>], vector<16xf32>,
      %add3A_352 = arith.constant 144 : i32
      %add3A_353 = vector.broadcast %add3A_352 : i32 to vector<16xi32>
      %add3A_354 = arith.addi %iota3A, %add3A_353 : vector<16xi32>
      %get3A_355 = arith.constant 144 : index
      %get3A_356 = tpu.vector_load %arg9[%get3A_355] {strides = array<i32>} : memref<160xi32, #tpu.memory_space<vmem>>, vector<16xi32>,
      tpu.vector_store_idx %arg25[%add3A_354, %get3A_356], %broadcast_in_dim3A_3 : memref<160x128xf32, #tpu.memory_space<vmem>>[vector<16xi32>, vector<16xi32>], vector<16xf32>,
      %add3A_357 = arith.constant 0 : i32
      %add3A_358 = vector.broadcast %add3A_357 : i32 to vector<16xi32>
      %add3A_359 = arith.addi %iota3A, %add3A_358 : vector<16xi32>
      %get3A_360 = arith.constant 0 : index
      %get3A_361 = tpu.vector_load %arg11[%get3A_360] {strides = array<i32>} : memref<160xi32, #tpu.memory_space<vmem>>, vector<16xi32>,
      tpu.vector_store_idx %arg25[%add3A_359, %get3A_361], %broadcast_in_dim3A_1 : memref<160x128xf32, #tpu.memory_space<vmem>>[vector<16xi32>, vector<16xi32>], vector<16xf32>,
      %add3A_362 = arith.constant 16 : i32
      %add3A_363 = vector.broadcast %add3A_362 : i32 to vector<16xi32>
      %add3A_364 = arith.addi %iota3A, %add3A_363 : vector<16xi32>
      %get3A_365 = arith.constant 16 : index
      %get3A_366 = tpu.vector_load %arg11[%get3A_365] {strides = array<i32>} : memref<160xi32, #tpu.memory_space<vmem>>, vector<16xi32>,
      tpu.vector_store_idx %arg25[%add3A_364, %get3A_366], %broadcast_in_dim3A_1 : memref<160x128xf32, #tpu.memory_space<vmem>>[vector<16xi32>, vector<16xi32>], vector<16xf32>,
      %add3A_367 = arith.constant 32 : i32
      %add3A_368 = vector.broadcast %add3A_367 : i32 to vector<16xi32>
      %add3A_369 = arith.addi %iota3A, %add3A_368 : vector<16xi32>
      %get3A_370 = arith.constant 32 : index
      %get3A_371 = tpu.vector_load %arg11[%get3A_370] {strides = array<i32>} : memref<160xi32, #tpu.memory_space<vmem>>, vector<16xi32>,
      tpu.vector_store_idx %arg25[%add3A_369, %get3A_371], %broadcast_in_dim3A_1 : memref<160x128xf32, #tpu.memory_space<vmem>>[vector<16xi32>, vector<16xi32>], vector<16xf32>,
      %add3A_372 = arith.constant 48 : i32
      %add3A_373 = vector.broadcast %add3A_372 : i32 to vector<16xi32>
      %add3A_374 = arith.addi %iota3A, %add3A_373 : vector<16xi32>
      %get3A_375 = arith.constant 48 : index
      %get3A_376 = tpu.vector_load %arg11[%get3A_375] {strides = array<i32>} : memref<160xi32, #tpu.memory_space<vmem>>, vector<16xi32>,
      tpu.vector_store_idx %arg25[%add3A_374, %get3A_376], %broadcast_in_dim3A_1 : memref<160x128xf32, #tpu.memory_space<vmem>>[vector<16xi32>, vector<16xi32>], vector<16xf32>,
      %add3A_377 = arith.constant 64 : i32
      %add3A_378 = vector.broadcast %add3A_377 : i32 to vector<16xi32>
      %add3A_379 = arith.addi %iota3A, %add3A_378 : vector<16xi32>
      %get3A_380 = arith.constant 64 : index
      %get3A_381 = tpu.vector_load %arg11[%get3A_380] {strides = array<i32>} : memref<160xi32, #tpu.memory_space<vmem>>, vector<16xi32>,
      tpu.vector_store_idx %arg25[%add3A_379, %get3A_381], %broadcast_in_dim3A_1 : memref<160x128xf32, #tpu.memory_space<vmem>>[vector<16xi32>, vector<16xi32>], vector<16xf32>,
      %add3A_382 = arith.constant 80 : i32
      %add3A_383 = vector.broadcast %add3A_382 : i32 to vector<16xi32>
      %add3A_384 = arith.addi %iota3A, %add3A_383 : vector<16xi32>
      %get3A_385 = arith.constant 80 : index
      %get3A_386 = tpu.vector_load %arg11[%get3A_385] {strides = array<i32>} : memref<160xi32, #tpu.memory_space<vmem>>, vector<16xi32>,
      tpu.vector_store_idx %arg25[%add3A_384, %get3A_386], %broadcast_in_dim3A_1 : memref<160x128xf32, #tpu.memory_space<vmem>>[vector<16xi32>, vector<16xi32>], vector<16xf32>,
      %add3A_387 = arith.constant 96 : i32
      %add3A_388 = vector.broadcast %add3A_387 : i32 to vector<16xi32>
      %add3A_389 = arith.addi %iota3A, %add3A_388 : vector<16xi32>
      %get3A_390 = arith.constant 96 : index
      %get3A_391 = tpu.vector_load %arg11[%get3A_390] {strides = array<i32>} : memref<160xi32, #tpu.memory_space<vmem>>, vector<16xi32>,
      tpu.vector_store_idx %arg25[%add3A_389, %get3A_391], %broadcast_in_dim3A_1 : memref<160x128xf32, #tpu.memory_space<vmem>>[vector<16xi32>, vector<16xi32>], vector<16xf32>,
      %add3A_392 = arith.constant 112 : i32
      %add3A_393 = vector.broadcast %add3A_392 : i32 to vector<16xi32>
      %add3A_394 = arith.addi %iota3A, %add3A_393 : vector<16xi32>
      %get3A_395 = arith.constant 112 : index
      %get3A_396 = tpu.vector_load %arg11[%get3A_395] {strides = array<i32>} : memref<160xi32, #tpu.memory_space<vmem>>, vector<16xi32>,
      tpu.vector_store_idx %arg25[%add3A_394, %get3A_396], %broadcast_in_dim3A_1 : memref<160x128xf32, #tpu.memory_space<vmem>>[vector<16xi32>, vector<16xi32>], vector<16xf32>,
      %add3A_397 = arith.constant 128 : i32
      %add3A_398 = vector.broadcast %add3A_397 : i32 to vector<16xi32>
      %add3A_399 = arith.addi %iota3A, %add3A_398 : vector<16xi32>
      %get3A_400 = arith.constant 128 : index
      %get3A_401 = tpu.vector_load %arg11[%get3A_400] {strides = array<i32>} : memref<160xi32, #tpu.memory_space<vmem>>, vector<16xi32>,
      tpu.vector_store_idx %arg25[%add3A_399, %get3A_401], %broadcast_in_dim3A_1 : memref<160x128xf32, #tpu.memory_space<vmem>>[vector<16xi32>, vector<16xi32>], vector<16xf32>,
      %add3A_402 = arith.constant 144 : i32
      %add3A_403 = vector.broadcast %add3A_402 : i32 to vector<16xi32>
      %add3A_404 = arith.addi %iota3A, %add3A_403 : vector<16xi32>
      %get3A_405 = arith.constant 144 : index
      %get3A_406 = tpu.vector_load %arg11[%get3A_405] {strides = array<i32>} : memref<160xi32, #tpu.memory_space<vmem>>, vector<16xi32>,
      tpu.vector_store_idx %arg25[%add3A_404, %get3A_406], %broadcast_in_dim3A_1 : memref<160x128xf32, #tpu.memory_space<vmem>>[vector<16xi32>, vector<16xi32>], vector<16xf32>,
      %dma_start3A_407 = arith.constant 0 : i32
      %dma_start3A_408 = tpu.memref_slice %arg3[%mul3A_35, %dma_start3A_407] : memref<100000x128xf32, #tpu.memory_space<hbm>> -> memref<160x128xf32, #tpu.memory_space<hbm>>
      %dma_start3A_409 = arith.constant 0 : i32
      %dma_start3A_410 = tpu.memref_slice %arg3[%mul3A_35, %dma_start3A_409] : memref<100000x128xf32, #tpu.memory_space<hbm>> -> memref<160x128xf32, #tpu.memory_space<hbm>>
      tpu.enqueue_dma source(%arg25 : memref<160x128xf32, #tpu.memory_space<vmem>>) target(%dma_start3A_410 : memref<160x128xf32, #tpu.memory_space<hbm>>) target_semaphore(%arg47 : memref<!tpu.dma_semaphore, #tpu.memory_space<semaphore_mem>>)
    } else {
    }
    %add3A_185 = arith.constant 256 : i32
    %add3A_186 = arith.addi %add3A, %add3A_185 : i32
    %lt3A_187 = arith.constant 625 : i32
    %lt3A_188 = arith.cmpi slt, %add3A_186, %lt3A_187 : i32
    %convert_element_type3A_189 = arith.extui %lt3A_188 : i1 to i32
    %cond3A_190 = arith.constant 0 : i32
    %cond3A_191 = arith.cmpi ne, %convert_element_type3A_189, %cond3A_190 : i32
    scf.if %cond3A_191 {
      %dma_wait3A = tpu.memref_slice %arg2[%mul3A_39] : memref<100000xi32, #tpu.memory_space<hbm>> -> memref<160xi32, #tpu.memory_space<hbm>>
      %dma_wait3A_303 = tpu.memref_slice %arg2[%mul3A_39] : memref<100000xi32, #tpu.memory_space<hbm>> -> memref<160xi32, #tpu.memory_space<hbm>>
      tpu.wait_dma2 semaphore(%arg34 : memref<!tpu.dma_semaphore, #tpu.memory_space<semaphore_mem>>) src(%dma_wait3A_303 : memref<160xi32, #tpu.memory_space<hbm>>) dst(%arg12 : memref<160xi32, #tpu.memory_space<vmem>>)
      %dma_wait3A_304 = arith.constant 0 : i32
      %dma_wait3A_305 = tpu.memref_slice %arg3[%mul3A_31, %dma_wait3A_304] : memref<100000x128xf32, #tpu.memory_space<hbm>> -> memref<160x128xf32, #tpu.memory_space<hbm>>
      %dma_wait3A_306 = arith.constant 0 : i32
      %dma_wait3A_307 = tpu.memref_slice %arg3[%mul3A_31, %dma_wait3A_306] : memref<100000x128xf32, #tpu.memory_space<hbm>> -> memref<160x128xf32, #tpu.memory_space<hbm>>
      tpu.wait_dma2 semaphore(%arg46 : memref<!tpu.dma_semaphore, #tpu.memory_space<semaphore_mem>>) src(%arg24 : memref<160x128xf32, #tpu.memory_space<vmem>>) dst(%dma_wait3A_307 : memref<160x128xf32, #tpu.memory_space<hbm>>)
      %add3A_308 = arith.constant 0 : i32
      %add3A_309 = vector.broadcast %add3A_308 : i32 to vector<16xi32>
      %add3A_310 = arith.addi %iota3A, %add3A_309 : vector<16xi32>
      %get3A = arith.constant 0 : index
      %get3A_311 = tpu.vector_load %arg10[%get3A] {strides = array<i32>} : memref<160xi32, #tpu.memory_space<vmem>>, vector<16xi32>,
      tpu.vector_store_idx %arg24[%add3A_310, %get3A_311], %broadcast_in_dim3A_3 : memref<160x128xf32, #tpu.memory_space<vmem>>[vector<16xi32>, vector<16xi32>], vector<16xf32>,
      %add3A_312 = arith.constant 16 : i32
      %add3A_313 = vector.broadcast %add3A_312 : i32 to vector<16xi32>
      %add3A_314 = arith.addi %iota3A, %add3A_313 : vector<16xi32>
      %get3A_315 = arith.constant 16 : index
      %get3A_316 = tpu.vector_load %arg10[%get3A_315] {strides = array<i32>} : memref<160xi32, #tpu.memory_space<vmem>>, vector<16xi32>,
      tpu.vector_store_idx %arg24[%add3A_314, %get3A_316], %broadcast_in_dim3A_3 : memref<160x128xf32, #tpu.memory_space<vmem>>[vector<16xi32>, vector<16xi32>], vector<16xf32>,
      %add3A_317 = arith.constant 32 : i32
      %add3A_318 = vector.broadcast %add3A_317 : i32 to vector<16xi32>
      %add3A_319 = arith.addi %iota3A, %add3A_318 : vector<16xi32>
      %get3A_320 = arith.constant 32 : index
      %get3A_321 = tpu.vector_load %arg10[%get3A_320] {strides = array<i32>} : memref<160xi32, #tpu.memory_space<vmem>>, vector<16xi32>,
      tpu.vector_store_idx %arg24[%add3A_319, %get3A_321], %broadcast_in_dim3A_3 : memref<160x128xf32, #tpu.memory_space<vmem>>[vector<16xi32>, vector<16xi32>], vector<16xf32>,
      %add3A_322 = arith.constant 48 : i32
      %add3A_323 = vector.broadcast %add3A_322 : i32 to vector<16xi32>
      %add3A_324 = arith.addi %iota3A, %add3A_323 : vector<16xi32>
      %get3A_325 = arith.constant 48 : index
      %get3A_326 = tpu.vector_load %arg10[%get3A_325] {strides = array<i32>} : memref<160xi32, #tpu.memory_space<vmem>>, vector<16xi32>,
      tpu.vector_store_idx %arg24[%add3A_324, %get3A_326], %broadcast_in_dim3A_3 : memref<160x128xf32, #tpu.memory_space<vmem>>[vector<16xi32>, vector<16xi32>], vector<16xf32>,
      %add3A_327 = arith.constant 64 : i32
      %add3A_328 = vector.broadcast %add3A_327 : i32 to vector<16xi32>
      %add3A_329 = arith.addi %iota3A, %add3A_328 : vector<16xi32>
      %get3A_330 = arith.constant 64 : index
      %get3A_331 = tpu.vector_load %arg10[%get3A_330] {strides = array<i32>} : memref<160xi32, #tpu.memory_space<vmem>>, vector<16xi32>,
      tpu.vector_store_idx %arg24[%add3A_329, %get3A_331], %broadcast_in_dim3A_3 : memref<160x128xf32, #tpu.memory_space<vmem>>[vector<16xi32>, vector<16xi32>], vector<16xf32>,
      %add3A_332 = arith.constant 80 : i32
      %add3A_333 = vector.broadcast %add3A_332 : i32 to vector<16xi32>
      %add3A_334 = arith.addi %iota3A, %add3A_333 : vector<16xi32>
      %get3A_335 = arith.constant 80 : index
      %get3A_336 = tpu.vector_load %arg10[%get3A_335] {strides = array<i32>} : memref<160xi32, #tpu.memory_space<vmem>>, vector<16xi32>,
      tpu.vector_store_idx %arg24[%add3A_334, %get3A_336], %broadcast_in_dim3A_3 : memref<160x128xf32, #tpu.memory_space<vmem>>[vector<16xi32>, vector<16xi32>], vector<16xf32>,
      %add3A_337 = arith.constant 96 : i32
      %add3A_338 = vector.broadcast %add3A_337 : i32 to vector<16xi32>
      %add3A_339 = arith.addi %iota3A, %add3A_338 : vector<16xi32>
      %get3A_340 = arith.constant 96 : index
      %get3A_341 = tpu.vector_load %arg10[%get3A_340] {strides = array<i32>} : memref<160xi32, #tpu.memory_space<vmem>>, vector<16xi32>,
      tpu.vector_store_idx %arg24[%add3A_339, %get3A_341], %broadcast_in_dim3A_3 : memref<160x128xf32, #tpu.memory_space<vmem>>[vector<16xi32>, vector<16xi32>], vector<16xf32>,
      %add3A_342 = arith.constant 112 : i32
      %add3A_343 = vector.broadcast %add3A_342 : i32 to vector<16xi32>
      %add3A_344 = arith.addi %iota3A, %add3A_343 : vector<16xi32>
      %get3A_345 = arith.constant 112 : index
      %get3A_346 = tpu.vector_load %arg10[%get3A_345] {strides = array<i32>} : memref<160xi32, #tpu.memory_space<vmem>>, vector<16xi32>,
      tpu.vector_store_idx %arg24[%add3A_344, %get3A_346], %broadcast_in_dim3A_3 : memref<160x128xf32, #tpu.memory_space<vmem>>[vector<16xi32>, vector<16xi32>], vector<16xf32>,
      %add3A_347 = arith.constant 128 : i32
      %add3A_348 = vector.broadcast %add3A_347 : i32 to vector<16xi32>
      %add3A_349 = arith.addi %iota3A, %add3A_348 : vector<16xi32>
      %get3A_350 = arith.constant 128 : index
      %get3A_351 = tpu.vector_load %arg10[%get3A_350] {strides = array<i32>} : memref<160xi32, #tpu.memory_space<vmem>>, vector<16xi32>,
      tpu.vector_store_idx %arg24[%add3A_349, %get3A_351], %broadcast_in_dim3A_3 : memref<160x128xf32, #tpu.memory_space<vmem>>[vector<16xi32>, vector<16xi32>], vector<16xf32>,
      %add3A_352 = arith.constant 144 : i32
      %add3A_353 = vector.broadcast %add3A_352 : i32 to vector<16xi32>
      %add3A_354 = arith.addi %iota3A, %add3A_353 : vector<16xi32>
      %get3A_355 = arith.constant 144 : index
      %get3A_356 = tpu.vector_load %arg10[%get3A_355] {strides = array<i32>} : memref<160xi32, #tpu.memory_space<vmem>>, vector<16xi32>,
      tpu.vector_store_idx %arg24[%add3A_354, %get3A_356], %broadcast_in_dim3A_3 : memref<160x128xf32, #tpu.memory_space<vmem>>[vector<16xi32>, vector<16xi32>], vector<16xf32>,
      %add3A_357 = arith.constant 0 : i32
      %add3A_358 = vector.broadcast %add3A_357 : i32 to vector<16xi32>
      %add3A_359 = arith.addi %iota3A, %add3A_358 : vector<16xi32>
      %get3A_360 = arith.constant 0 : index
      %get3A_361 = tpu.vector_load %arg12[%get3A_360] {strides = array<i32>} : memref<160xi32, #tpu.memory_space<vmem>>, vector<16xi32>,
      tpu.vector_store_idx %arg24[%add3A_359, %get3A_361], %broadcast_in_dim3A_1 : memref<160x128xf32, #tpu.memory_space<vmem>>[vector<16xi32>, vector<16xi32>], vector<16xf32>,
      %add3A_362 = arith.constant 16 : i32
      %add3A_363 = vector.broadcast %add3A_362 : i32 to vector<16xi32>
      %add3A_364 = arith.addi %iota3A, %add3A_363 : vector<16xi32>
      %get3A_365 = arith.constant 16 : index
      %get3A_366 = tpu.vector_load %arg12[%get3A_365] {strides = array<i32>} : memref<160xi32, #tpu.memory_space<vmem>>, vector<16xi32>,
      tpu.vector_store_idx %arg24[%add3A_364, %get3A_366], %broadcast_in_dim3A_1 : memref<160x128xf32, #tpu.memory_space<vmem>>[vector<16xi32>, vector<16xi32>], vector<16xf32>,
      %add3A_367 = arith.constant 32 : i32
      %add3A_368 = vector.broadcast %add3A_367 : i32 to vector<16xi32>
      %add3A_369 = arith.addi %iota3A, %add3A_368 : vector<16xi32>
      %get3A_370 = arith.constant 32 : index
      %get3A_371 = tpu.vector_load %arg12[%get3A_370] {strides = array<i32>} : memref<160xi32, #tpu.memory_space<vmem>>, vector<16xi32>,
      tpu.vector_store_idx %arg24[%add3A_369, %get3A_371], %broadcast_in_dim3A_1 : memref<160x128xf32, #tpu.memory_space<vmem>>[vector<16xi32>, vector<16xi32>], vector<16xf32>,
      %add3A_372 = arith.constant 48 : i32
      %add3A_373 = vector.broadcast %add3A_372 : i32 to vector<16xi32>
      %add3A_374 = arith.addi %iota3A, %add3A_373 : vector<16xi32>
      %get3A_375 = arith.constant 48 : index
      %get3A_376 = tpu.vector_load %arg12[%get3A_375] {strides = array<i32>} : memref<160xi32, #tpu.memory_space<vmem>>, vector<16xi32>,
      tpu.vector_store_idx %arg24[%add3A_374, %get3A_376], %broadcast_in_dim3A_1 : memref<160x128xf32, #tpu.memory_space<vmem>>[vector<16xi32>, vector<16xi32>], vector<16xf32>,
      %add3A_377 = arith.constant 64 : i32
      %add3A_378 = vector.broadcast %add3A_377 : i32 to vector<16xi32>
      %add3A_379 = arith.addi %iota3A, %add3A_378 : vector<16xi32>
      %get3A_380 = arith.constant 64 : index
      %get3A_381 = tpu.vector_load %arg12[%get3A_380] {strides = array<i32>} : memref<160xi32, #tpu.memory_space<vmem>>, vector<16xi32>,
      tpu.vector_store_idx %arg24[%add3A_379, %get3A_381], %broadcast_in_dim3A_1 : memref<160x128xf32, #tpu.memory_space<vmem>>[vector<16xi32>, vector<16xi32>], vector<16xf32>,
      %add3A_382 = arith.constant 80 : i32
      %add3A_383 = vector.broadcast %add3A_382 : i32 to vector<16xi32>
      %add3A_384 = arith.addi %iota3A, %add3A_383 : vector<16xi32>
      %get3A_385 = arith.constant 80 : index
      %get3A_386 = tpu.vector_load %arg12[%get3A_385] {strides = array<i32>} : memref<160xi32, #tpu.memory_space<vmem>>, vector<16xi32>,
      tpu.vector_store_idx %arg24[%add3A_384, %get3A_386], %broadcast_in_dim3A_1 : memref<160x128xf32, #tpu.memory_space<vmem>>[vector<16xi32>, vector<16xi32>], vector<16xf32>,
      %add3A_387 = arith.constant 96 : i32
      %add3A_388 = vector.broadcast %add3A_387 : i32 to vector<16xi32>
      %add3A_389 = arith.addi %iota3A, %add3A_388 : vector<16xi32>
      %get3A_390 = arith.constant 96 : index
      %get3A_391 = tpu.vector_load %arg12[%get3A_390] {strides = array<i32>} : memref<160xi32, #tpu.memory_space<vmem>>, vector<16xi32>,
      tpu.vector_store_idx %arg24[%add3A_389, %get3A_391], %broadcast_in_dim3A_1 : memref<160x128xf32, #tpu.memory_space<vmem>>[vector<16xi32>, vector<16xi32>], vector<16xf32>,
      %add3A_392 = arith.constant 112 : i32
      %add3A_393 = vector.broadcast %add3A_392 : i32 to vector<16xi32>
      %add3A_394 = arith.addi %iota3A, %add3A_393 : vector<16xi32>
      %get3A_395 = arith.constant 112 : index
      %get3A_396 = tpu.vector_load %arg12[%get3A_395] {strides = array<i32>} : memref<160xi32, #tpu.memory_space<vmem>>, vector<16xi32>,
      tpu.vector_store_idx %arg24[%add3A_394, %get3A_396], %broadcast_in_dim3A_1 : memref<160x128xf32, #tpu.memory_space<vmem>>[vector<16xi32>, vector<16xi32>], vector<16xf32>,
      %add3A_397 = arith.constant 128 : i32
      %add3A_398 = vector.broadcast %add3A_397 : i32 to vector<16xi32>
      %add3A_399 = arith.addi %iota3A, %add3A_398 : vector<16xi32>
      %get3A_400 = arith.constant 128 : index
      %get3A_401 = tpu.vector_load %arg12[%get3A_400] {strides = array<i32>} : memref<160xi32, #tpu.memory_space<vmem>>, vector<16xi32>,
      tpu.vector_store_idx %arg24[%add3A_399, %get3A_401], %broadcast_in_dim3A_1 : memref<160x128xf32, #tpu.memory_space<vmem>>[vector<16xi32>, vector<16xi32>], vector<16xf32>,
      %add3A_402 = arith.constant 144 : i32
      %add3A_403 = vector.broadcast %add3A_402 : i32 to vector<16xi32>
      %add3A_404 = arith.addi %iota3A, %add3A_403 : vector<16xi32>
      %get3A_405 = arith.constant 144 : index
      %get3A_406 = tpu.vector_load %arg12[%get3A_405] {strides = array<i32>} : memref<160xi32, #tpu.memory_space<vmem>>, vector<16xi32>,
      tpu.vector_store_idx %arg24[%add3A_404, %get3A_406], %broadcast_in_dim3A_1 : memref<160x128xf32, #tpu.memory_space<vmem>>[vector<16xi32>, vector<16xi32>], vector<16xf32>,
      %dma_start3A_407 = arith.constant 0 : i32
      %dma_start3A_408 = tpu.memref_slice %arg3[%mul3A_39, %dma_start3A_407] : memref<100000x128xf32, #tpu.memory_space<hbm>> -> memref<160x128xf32, #tpu.memory_space<hbm>>
      %dma_start3A_409 = arith.constant 0 : i32
      %dma_start3A_410 = tpu.memref_slice %arg3[%mul3A_39, %dma_start3A_409] : memref<100000x128xf32, #tpu.memory_space<hbm>> -> memref<160x128xf32, #tpu.memory_space<hbm>>
      tpu.enqueue_dma source(%arg24 : memref<160x128xf32, #tpu.memory_space<vmem>>) target(%dma_start3A_410 : memref<160x128xf32, #tpu.memory_space<hbm>>) target_semaphore(%arg46 : memref<!tpu.dma_semaphore, #tpu.memory_space<semaphore_mem>>)
    } else {
    }
    %add3A_192 = arith.constant 288 : i32
    %add3A_193 = arith.addi %add3A, %add3A_192 : i32
    %lt3A_194 = arith.constant 625 : i32
    %lt3A_195 = arith.cmpi slt, %add3A_193, %lt3A_194 : i32
    %convert_element_type3A_196 = arith.extui %lt3A_195 : i1 to i32
    %cond3A_197 = arith.constant 0 : i32
    %cond3A_198 = arith.cmpi ne, %convert_element_type3A_196, %cond3A_197 : i32
    scf.if %cond3A_198 {
      %dma_wait3A = tpu.memref_slice %arg2[%mul3A_43] : memref<100000xi32, #tpu.memory_space<hbm>> -> memref<160xi32, #tpu.memory_space<hbm>>
      %dma_wait3A_303 = tpu.memref_slice %arg2[%mul3A_43] : memref<100000xi32, #tpu.memory_space<hbm>> -> memref<160xi32, #tpu.memory_space<hbm>>
      tpu.wait_dma2 semaphore(%arg35 : memref<!tpu.dma_semaphore, #tpu.memory_space<semaphore_mem>>) src(%dma_wait3A_303 : memref<160xi32, #tpu.memory_space<hbm>>) dst(%arg13 : memref<160xi32, #tpu.memory_space<vmem>>)
      %dma_wait3A_304 = arith.constant 0 : i32
      %dma_wait3A_305 = tpu.memref_slice %arg3[%mul3A_35, %dma_wait3A_304] : memref<100000x128xf32, #tpu.memory_space<hbm>> -> memref<160x128xf32, #tpu.memory_space<hbm>>
      %dma_wait3A_306 = arith.constant 0 : i32
      %dma_wait3A_307 = tpu.memref_slice %arg3[%mul3A_35, %dma_wait3A_306] : memref<100000x128xf32, #tpu.memory_space<hbm>> -> memref<160x128xf32, #tpu.memory_space<hbm>>
      tpu.wait_dma2 semaphore(%arg47 : memref<!tpu.dma_semaphore, #tpu.memory_space<semaphore_mem>>) src(%arg25 : memref<160x128xf32, #tpu.memory_space<vmem>>) dst(%dma_wait3A_307 : memref<160x128xf32, #tpu.memory_space<hbm>>)
      %add3A_308 = arith.constant 0 : i32
      %add3A_309 = vector.broadcast %add3A_308 : i32 to vector<16xi32>
      %add3A_310 = arith.addi %iota3A, %add3A_309 : vector<16xi32>
      %get3A = arith.constant 0 : index
      %get3A_311 = tpu.vector_load %arg11[%get3A] {strides = array<i32>} : memref<160xi32, #tpu.memory_space<vmem>>, vector<16xi32>,
      tpu.vector_store_idx %arg25[%add3A_310, %get3A_311], %broadcast_in_dim3A_3 : memref<160x128xf32, #tpu.memory_space<vmem>>[vector<16xi32>, vector<16xi32>], vector<16xf32>,
      %add3A_312 = arith.constant 16 : i32
      %add3A_313 = vector.broadcast %add3A_312 : i32 to vector<16xi32>
      %add3A_314 = arith.addi %iota3A, %add3A_313 : vector<16xi32>
      %get3A_315 = arith.constant 16 : index
      %get3A_316 = tpu.vector_load %arg11[%get3A_315] {strides = array<i32>} : memref<160xi32, #tpu.memory_space<vmem>>, vector<16xi32>,
      tpu.vector_store_idx %arg25[%add3A_314, %get3A_316], %broadcast_in_dim3A_3 : memref<160x128xf32, #tpu.memory_space<vmem>>[vector<16xi32>, vector<16xi32>], vector<16xf32>,
      %add3A_317 = arith.constant 32 : i32
      %add3A_318 = vector.broadcast %add3A_317 : i32 to vector<16xi32>
      %add3A_319 = arith.addi %iota3A, %add3A_318 : vector<16xi32>
      %get3A_320 = arith.constant 32 : index
      %get3A_321 = tpu.vector_load %arg11[%get3A_320] {strides = array<i32>} : memref<160xi32, #tpu.memory_space<vmem>>, vector<16xi32>,
      tpu.vector_store_idx %arg25[%add3A_319, %get3A_321], %broadcast_in_dim3A_3 : memref<160x128xf32, #tpu.memory_space<vmem>>[vector<16xi32>, vector<16xi32>], vector<16xf32>,
      %add3A_322 = arith.constant 48 : i32
      %add3A_323 = vector.broadcast %add3A_322 : i32 to vector<16xi32>
      %add3A_324 = arith.addi %iota3A, %add3A_323 : vector<16xi32>
      %get3A_325 = arith.constant 48 : index
      %get3A_326 = tpu.vector_load %arg11[%get3A_325] {strides = array<i32>} : memref<160xi32, #tpu.memory_space<vmem>>, vector<16xi32>,
      tpu.vector_store_idx %arg25[%add3A_324, %get3A_326], %broadcast_in_dim3A_3 : memref<160x128xf32, #tpu.memory_space<vmem>>[vector<16xi32>, vector<16xi32>], vector<16xf32>,
      %add3A_327 = arith.constant 64 : i32
      %add3A_328 = vector.broadcast %add3A_327 : i32 to vector<16xi32>
      %add3A_329 = arith.addi %iota3A, %add3A_328 : vector<16xi32>
      %get3A_330 = arith.constant 64 : index
      %get3A_331 = tpu.vector_load %arg11[%get3A_330] {strides = array<i32>} : memref<160xi32, #tpu.memory_space<vmem>>, vector<16xi32>,
      tpu.vector_store_idx %arg25[%add3A_329, %get3A_331], %broadcast_in_dim3A_3 : memref<160x128xf32, #tpu.memory_space<vmem>>[vector<16xi32>, vector<16xi32>], vector<16xf32>,
      %add3A_332 = arith.constant 80 : i32
      %add3A_333 = vector.broadcast %add3A_332 : i32 to vector<16xi32>
      %add3A_334 = arith.addi %iota3A, %add3A_333 : vector<16xi32>
      %get3A_335 = arith.constant 80 : index
      %get3A_336 = tpu.vector_load %arg11[%get3A_335] {strides = array<i32>} : memref<160xi32, #tpu.memory_space<vmem>>, vector<16xi32>,
      tpu.vector_store_idx %arg25[%add3A_334, %get3A_336], %broadcast_in_dim3A_3 : memref<160x128xf32, #tpu.memory_space<vmem>>[vector<16xi32>, vector<16xi32>], vector<16xf32>,
      %add3A_337 = arith.constant 96 : i32
      %add3A_338 = vector.broadcast %add3A_337 : i32 to vector<16xi32>
      %add3A_339 = arith.addi %iota3A, %add3A_338 : vector<16xi32>
      %get3A_340 = arith.constant 96 : index
      %get3A_341 = tpu.vector_load %arg11[%get3A_340] {strides = array<i32>} : memref<160xi32, #tpu.memory_space<vmem>>, vector<16xi32>,
      tpu.vector_store_idx %arg25[%add3A_339, %get3A_341], %broadcast_in_dim3A_3 : memref<160x128xf32, #tpu.memory_space<vmem>>[vector<16xi32>, vector<16xi32>], vector<16xf32>,
      %add3A_342 = arith.constant 112 : i32
      %add3A_343 = vector.broadcast %add3A_342 : i32 to vector<16xi32>
      %add3A_344 = arith.addi %iota3A, %add3A_343 : vector<16xi32>
      %get3A_345 = arith.constant 112 : index
      %get3A_346 = tpu.vector_load %arg11[%get3A_345] {strides = array<i32>} : memref<160xi32, #tpu.memory_space<vmem>>, vector<16xi32>,
      tpu.vector_store_idx %arg25[%add3A_344, %get3A_346], %broadcast_in_dim3A_3 : memref<160x128xf32, #tpu.memory_space<vmem>>[vector<16xi32>, vector<16xi32>], vector<16xf32>,
      %add3A_347 = arith.constant 128 : i32
      %add3A_348 = vector.broadcast %add3A_347 : i32 to vector<16xi32>
      %add3A_349 = arith.addi %iota3A, %add3A_348 : vector<16xi32>
      %get3A_350 = arith.constant 128 : index
      %get3A_351 = tpu.vector_load %arg11[%get3A_350] {strides = array<i32>} : memref<160xi32, #tpu.memory_space<vmem>>, vector<16xi32>,
      tpu.vector_store_idx %arg25[%add3A_349, %get3A_351], %broadcast_in_dim3A_3 : memref<160x128xf32, #tpu.memory_space<vmem>>[vector<16xi32>, vector<16xi32>], vector<16xf32>,
      %add3A_352 = arith.constant 144 : i32
      %add3A_353 = vector.broadcast %add3A_352 : i32 to vector<16xi32>
      %add3A_354 = arith.addi %iota3A, %add3A_353 : vector<16xi32>
      %get3A_355 = arith.constant 144 : index
      %get3A_356 = tpu.vector_load %arg11[%get3A_355] {strides = array<i32>} : memref<160xi32, #tpu.memory_space<vmem>>, vector<16xi32>,
      tpu.vector_store_idx %arg25[%add3A_354, %get3A_356], %broadcast_in_dim3A_3 : memref<160x128xf32, #tpu.memory_space<vmem>>[vector<16xi32>, vector<16xi32>], vector<16xf32>,
      %add3A_357 = arith.constant 0 : i32
      %add3A_358 = vector.broadcast %add3A_357 : i32 to vector<16xi32>
      %add3A_359 = arith.addi %iota3A, %add3A_358 : vector<16xi32>
      %get3A_360 = arith.constant 0 : index
      %get3A_361 = tpu.vector_load %arg13[%get3A_360] {strides = array<i32>} : memref<160xi32, #tpu.memory_space<vmem>>, vector<16xi32>,
      tpu.vector_store_idx %arg25[%add3A_359, %get3A_361], %broadcast_in_dim3A_1 : memref<160x128xf32, #tpu.memory_space<vmem>>[vector<16xi32>, vector<16xi32>], vector<16xf32>,
      %add3A_362 = arith.constant 16 : i32
      %add3A_363 = vector.broadcast %add3A_362 : i32 to vector<16xi32>
      %add3A_364 = arith.addi %iota3A, %add3A_363 : vector<16xi32>
      %get3A_365 = arith.constant 16 : index
      %get3A_366 = tpu.vector_load %arg13[%get3A_365] {strides = array<i32>} : memref<160xi32, #tpu.memory_space<vmem>>, vector<16xi32>,
      tpu.vector_store_idx %arg25[%add3A_364, %get3A_366], %broadcast_in_dim3A_1 : memref<160x128xf32, #tpu.memory_space<vmem>>[vector<16xi32>, vector<16xi32>], vector<16xf32>,
      %add3A_367 = arith.constant 32 : i32
      %add3A_368 = vector.broadcast %add3A_367 : i32 to vector<16xi32>
      %add3A_369 = arith.addi %iota3A, %add3A_368 : vector<16xi32>
      %get3A_370 = arith.constant 32 : index
      %get3A_371 = tpu.vector_load %arg13[%get3A_370] {strides = array<i32>} : memref<160xi32, #tpu.memory_space<vmem>>, vector<16xi32>,
      tpu.vector_store_idx %arg25[%add3A_369, %get3A_371], %broadcast_in_dim3A_1 : memref<160x128xf32, #tpu.memory_space<vmem>>[vector<16xi32>, vector<16xi32>], vector<16xf32>,
      %add3A_372 = arith.constant 48 : i32
      %add3A_373 = vector.broadcast %add3A_372 : i32 to vector<16xi32>
      %add3A_374 = arith.addi %iota3A, %add3A_373 : vector<16xi32>
      %get3A_375 = arith.constant 48 : index
      %get3A_376 = tpu.vector_load %arg13[%get3A_375] {strides = array<i32>} : memref<160xi32, #tpu.memory_space<vmem>>, vector<16xi32>,
      tpu.vector_store_idx %arg25[%add3A_374, %get3A_376], %broadcast_in_dim3A_1 : memref<160x128xf32, #tpu.memory_space<vmem>>[vector<16xi32>, vector<16xi32>], vector<16xf32>,
      %add3A_377 = arith.constant 64 : i32
      %add3A_378 = vector.broadcast %add3A_377 : i32 to vector<16xi32>
      %add3A_379 = arith.addi %iota3A, %add3A_378 : vector<16xi32>
      %get3A_380 = arith.constant 64 : index
      %get3A_381 = tpu.vector_load %arg13[%get3A_380] {strides = array<i32>} : memref<160xi32, #tpu.memory_space<vmem>>, vector<16xi32>,
      tpu.vector_store_idx %arg25[%add3A_379, %get3A_381], %broadcast_in_dim3A_1 : memref<160x128xf32, #tpu.memory_space<vmem>>[vector<16xi32>, vector<16xi32>], vector<16xf32>,
      %add3A_382 = arith.constant 80 : i32
      %add3A_383 = vector.broadcast %add3A_382 : i32 to vector<16xi32>
      %add3A_384 = arith.addi %iota3A, %add3A_383 : vector<16xi32>
      %get3A_385 = arith.constant 80 : index
      %get3A_386 = tpu.vector_load %arg13[%get3A_385] {strides = array<i32>} : memref<160xi32, #tpu.memory_space<vmem>>, vector<16xi32>,
      tpu.vector_store_idx %arg25[%add3A_384, %get3A_386], %broadcast_in_dim3A_1 : memref<160x128xf32, #tpu.memory_space<vmem>>[vector<16xi32>, vector<16xi32>], vector<16xf32>,
      %add3A_387 = arith.constant 96 : i32
      %add3A_388 = vector.broadcast %add3A_387 : i32 to vector<16xi32>
      %add3A_389 = arith.addi %iota3A, %add3A_388 : vector<16xi32>
      %get3A_390 = arith.constant 96 : index
      %get3A_391 = tpu.vector_load %arg13[%get3A_390] {strides = array<i32>} : memref<160xi32, #tpu.memory_space<vmem>>, vector<16xi32>,
      tpu.vector_store_idx %arg25[%add3A_389, %get3A_391], %broadcast_in_dim3A_1 : memref<160x128xf32, #tpu.memory_space<vmem>>[vector<16xi32>, vector<16xi32>], vector<16xf32>,
      %add3A_392 = arith.constant 112 : i32
      %add3A_393 = vector.broadcast %add3A_392 : i32 to vector<16xi32>
      %add3A_394 = arith.addi %iota3A, %add3A_393 : vector<16xi32>
      %get3A_395 = arith.constant 112 : index
      %get3A_396 = tpu.vector_load %arg13[%get3A_395] {strides = array<i32>} : memref<160xi32, #tpu.memory_space<vmem>>, vector<16xi32>,
      tpu.vector_store_idx %arg25[%add3A_394, %get3A_396], %broadcast_in_dim3A_1 : memref<160x128xf32, #tpu.memory_space<vmem>>[vector<16xi32>, vector<16xi32>], vector<16xf32>,
      %add3A_397 = arith.constant 128 : i32
      %add3A_398 = vector.broadcast %add3A_397 : i32 to vector<16xi32>
      %add3A_399 = arith.addi %iota3A, %add3A_398 : vector<16xi32>
      %get3A_400 = arith.constant 128 : index
      %get3A_401 = tpu.vector_load %arg13[%get3A_400] {strides = array<i32>} : memref<160xi32, #tpu.memory_space<vmem>>, vector<16xi32>,
      tpu.vector_store_idx %arg25[%add3A_399, %get3A_401], %broadcast_in_dim3A_1 : memref<160x128xf32, #tpu.memory_space<vmem>>[vector<16xi32>, vector<16xi32>], vector<16xf32>,
      %add3A_402 = arith.constant 144 : i32
      %add3A_403 = vector.broadcast %add3A_402 : i32 to vector<16xi32>
      %add3A_404 = arith.addi %iota3A, %add3A_403 : vector<16xi32>
      %get3A_405 = arith.constant 144 : index
      %get3A_406 = tpu.vector_load %arg13[%get3A_405] {strides = array<i32>} : memref<160xi32, #tpu.memory_space<vmem>>, vector<16xi32>,
      tpu.vector_store_idx %arg25[%add3A_404, %get3A_406], %broadcast_in_dim3A_1 : memref<160x128xf32, #tpu.memory_space<vmem>>[vector<16xi32>, vector<16xi32>], vector<16xf32>,
      %dma_start3A_407 = arith.constant 0 : i32
      %dma_start3A_408 = tpu.memref_slice %arg3[%mul3A_43, %dma_start3A_407] : memref<100000x128xf32, #tpu.memory_space<hbm>> -> memref<160x128xf32, #tpu.memory_space<hbm>>
      %dma_start3A_409 = arith.constant 0 : i32
      %dma_start3A_410 = tpu.memref_slice %arg3[%mul3A_43, %dma_start3A_409] : memref<100000x128xf32, #tpu.memory_space<hbm>> -> memref<160x128xf32, #tpu.memory_space<hbm>>
      tpu.enqueue_dma source(%arg25 : memref<160x128xf32, #tpu.memory_space<vmem>>) target(%dma_start3A_410 : memref<160x128xf32, #tpu.memory_space<hbm>>) target_semaphore(%arg47 : memref<!tpu.dma_semaphore, #tpu.memory_space<semaphore_mem>>)
    } else {
    }
    %add3A_199 = arith.constant 320 : i32
    %add3A_200 = arith.addi %add3A, %add3A_199 : i32
    %lt3A_201 = arith.constant 625 : i32
    %lt3A_202 = arith.cmpi slt, %add3A_200, %lt3A_201 : i32
    %convert_element_type3A_203 = arith.extui %lt3A_202 : i1 to i32
    %cond3A_204 = arith.constant 0 : i32
    %cond3A_205 = arith.cmpi ne, %convert_element_type3A_203, %cond3A_204 : i32
    scf.if %cond3A_205 {
      %dma_wait3A = tpu.memref_slice %arg2[%mul3A_47] : memref<100000xi32, #tpu.memory_space<hbm>> -> memref<160xi32, #tpu.memory_space<hbm>>
      %dma_wait3A_303 = tpu.memref_slice %arg2[%mul3A_47] : memref<100000xi32, #tpu.memory_space<hbm>> -> memref<160xi32, #tpu.memory_space<hbm>>
      tpu.wait_dma2 semaphore(%arg36 : memref<!tpu.dma_semaphore, #tpu.memory_space<semaphore_mem>>) src(%dma_wait3A_303 : memref<160xi32, #tpu.memory_space<hbm>>) dst(%arg14 : memref<160xi32, #tpu.memory_space<vmem>>)
      %dma_wait3A_304 = arith.constant 0 : i32
      %dma_wait3A_305 = tpu.memref_slice %arg3[%mul3A_39, %dma_wait3A_304] : memref<100000x128xf32, #tpu.memory_space<hbm>> -> memref<160x128xf32, #tpu.memory_space<hbm>>
      %dma_wait3A_306 = arith.constant 0 : i32
      %dma_wait3A_307 = tpu.memref_slice %arg3[%mul3A_39, %dma_wait3A_306] : memref<100000x128xf32, #tpu.memory_space<hbm>> -> memref<160x128xf32, #tpu.memory_space<hbm>>
      tpu.wait_dma2 semaphore(%arg46 : memref<!tpu.dma_semaphore, #tpu.memory_space<semaphore_mem>>) src(%arg24 : memref<160x128xf32, #tpu.memory_space<vmem>>) dst(%dma_wait3A_307 : memref<160x128xf32, #tpu.memory_space<hbm>>)
      %add3A_308 = arith.constant 0 : i32
      %add3A_309 = vector.broadcast %add3A_308 : i32 to vector<16xi32>
      %add3A_310 = arith.addi %iota3A, %add3A_309 : vector<16xi32>
      %get3A = arith.constant 0 : index
      %get3A_311 = tpu.vector_load %arg12[%get3A] {strides = array<i32>} : memref<160xi32, #tpu.memory_space<vmem>>, vector<16xi32>,
      tpu.vector_store_idx %arg24[%add3A_310, %get3A_311], %broadcast_in_dim3A_3 : memref<160x128xf32, #tpu.memory_space<vmem>>[vector<16xi32>, vector<16xi32>], vector<16xf32>,
      %add3A_312 = arith.constant 16 : i32
      %add3A_313 = vector.broadcast %add3A_312 : i32 to vector<16xi32>
      %add3A_314 = arith.addi %iota3A, %add3A_313 : vector<16xi32>
      %get3A_315 = arith.constant 16 : index
      %get3A_316 = tpu.vector_load %arg12[%get3A_315] {strides = array<i32>} : memref<160xi32, #tpu.memory_space<vmem>>, vector<16xi32>,
      tpu.vector_store_idx %arg24[%add3A_314, %get3A_316], %broadcast_in_dim3A_3 : memref<160x128xf32, #tpu.memory_space<vmem>>[vector<16xi32>, vector<16xi32>], vector<16xf32>,
      %add3A_317 = arith.constant 32 : i32
      %add3A_318 = vector.broadcast %add3A_317 : i32 to vector<16xi32>
      %add3A_319 = arith.addi %iota3A, %add3A_318 : vector<16xi32>
      %get3A_320 = arith.constant 32 : index
      %get3A_321 = tpu.vector_load %arg12[%get3A_320] {strides = array<i32>} : memref<160xi32, #tpu.memory_space<vmem>>, vector<16xi32>,
      tpu.vector_store_idx %arg24[%add3A_319, %get3A_321], %broadcast_in_dim3A_3 : memref<160x128xf32, #tpu.memory_space<vmem>>[vector<16xi32>, vector<16xi32>], vector<16xf32>,
      %add3A_322 = arith.constant 48 : i32
      %add3A_323 = vector.broadcast %add3A_322 : i32 to vector<16xi32>
      %add3A_324 = arith.addi %iota3A, %add3A_323 : vector<16xi32>
      %get3A_325 = arith.constant 48 : index
      %get3A_326 = tpu.vector_load %arg12[%get3A_325] {strides = array<i32>} : memref<160xi32, #tpu.memory_space<vmem>>, vector<16xi32>,
      tpu.vector_store_idx %arg24[%add3A_324, %get3A_326], %broadcast_in_dim3A_3 : memref<160x128xf32, #tpu.memory_space<vmem>>[vector<16xi32>, vector<16xi32>], vector<16xf32>,
      %add3A_327 = arith.constant 64 : i32
      %add3A_328 = vector.broadcast %add3A_327 : i32 to vector<16xi32>
      %add3A_329 = arith.addi %iota3A, %add3A_328 : vector<16xi32>
      %get3A_330 = arith.constant 64 : index
      %get3A_331 = tpu.vector_load %arg12[%get3A_330] {strides = array<i32>} : memref<160xi32, #tpu.memory_space<vmem>>, vector<16xi32>,
      tpu.vector_store_idx %arg24[%add3A_329, %get3A_331], %broadcast_in_dim3A_3 : memref<160x128xf32, #tpu.memory_space<vmem>>[vector<16xi32>, vector<16xi32>], vector<16xf32>,
      %add3A_332 = arith.constant 80 : i32
      %add3A_333 = vector.broadcast %add3A_332 : i32 to vector<16xi32>
      %add3A_334 = arith.addi %iota3A, %add3A_333 : vector<16xi32>
      %get3A_335 = arith.constant 80 : index
      %get3A_336 = tpu.vector_load %arg12[%get3A_335] {strides = array<i32>} : memref<160xi32, #tpu.memory_space<vmem>>, vector<16xi32>,
      tpu.vector_store_idx %arg24[%add3A_334, %get3A_336], %broadcast_in_dim3A_3 : memref<160x128xf32, #tpu.memory_space<vmem>>[vector<16xi32>, vector<16xi32>], vector<16xf32>,
      %add3A_337 = arith.constant 96 : i32
      %add3A_338 = vector.broadcast %add3A_337 : i32 to vector<16xi32>
      %add3A_339 = arith.addi %iota3A, %add3A_338 : vector<16xi32>
      %get3A_340 = arith.constant 96 : index
      %get3A_341 = tpu.vector_load %arg12[%get3A_340] {strides = array<i32>} : memref<160xi32, #tpu.memory_space<vmem>>, vector<16xi32>,
      tpu.vector_store_idx %arg24[%add3A_339, %get3A_341], %broadcast_in_dim3A_3 : memref<160x128xf32, #tpu.memory_space<vmem>>[vector<16xi32>, vector<16xi32>], vector<16xf32>,
      %add3A_342 = arith.constant 112 : i32
      %add3A_343 = vector.broadcast %add3A_342 : i32 to vector<16xi32>
      %add3A_344 = arith.addi %iota3A, %add3A_343 : vector<16xi32>
      %get3A_345 = arith.constant 112 : index
      %get3A_346 = tpu.vector_load %arg12[%get3A_345] {strides = array<i32>} : memref<160xi32, #tpu.memory_space<vmem>>, vector<16xi32>,
      tpu.vector_store_idx %arg24[%add3A_344, %get3A_346], %broadcast_in_dim3A_3 : memref<160x128xf32, #tpu.memory_space<vmem>>[vector<16xi32>, vector<16xi32>], vector<16xf32>,
      %add3A_347 = arith.constant 128 : i32
      %add3A_348 = vector.broadcast %add3A_347 : i32 to vector<16xi32>
      %add3A_349 = arith.addi %iota3A, %add3A_348 : vector<16xi32>
      %get3A_350 = arith.constant 128 : index
      %get3A_351 = tpu.vector_load %arg12[%get3A_350] {strides = array<i32>} : memref<160xi32, #tpu.memory_space<vmem>>, vector<16xi32>,
      tpu.vector_store_idx %arg24[%add3A_349, %get3A_351], %broadcast_in_dim3A_3 : memref<160x128xf32, #tpu.memory_space<vmem>>[vector<16xi32>, vector<16xi32>], vector<16xf32>,
      %add3A_352 = arith.constant 144 : i32
      %add3A_353 = vector.broadcast %add3A_352 : i32 to vector<16xi32>
      %add3A_354 = arith.addi %iota3A, %add3A_353 : vector<16xi32>
      %get3A_355 = arith.constant 144 : index
      %get3A_356 = tpu.vector_load %arg12[%get3A_355] {strides = array<i32>} : memref<160xi32, #tpu.memory_space<vmem>>, vector<16xi32>,
      tpu.vector_store_idx %arg24[%add3A_354, %get3A_356], %broadcast_in_dim3A_3 : memref<160x128xf32, #tpu.memory_space<vmem>>[vector<16xi32>, vector<16xi32>], vector<16xf32>,
      %add3A_357 = arith.constant 0 : i32
      %add3A_358 = vector.broadcast %add3A_357 : i32 to vector<16xi32>
      %add3A_359 = arith.addi %iota3A, %add3A_358 : vector<16xi32>
      %get3A_360 = arith.constant 0 : index
      %get3A_361 = tpu.vector_load %arg14[%get3A_360] {strides = array<i32>} : memref<160xi32, #tpu.memory_space<vmem>>, vector<16xi32>,
      tpu.vector_store_idx %arg24[%add3A_359, %get3A_361], %broadcast_in_dim3A_1 : memref<160x128xf32, #tpu.memory_space<vmem>>[vector<16xi32>, vector<16xi32>], vector<16xf32>,
      %add3A_362 = arith.constant 16 : i32
      %add3A_363 = vector.broadcast %add3A_362 : i32 to vector<16xi32>
      %add3A_364 = arith.addi %iota3A, %add3A_363 : vector<16xi32>
      %get3A_365 = arith.constant 16 : index
      %get3A_366 = tpu.vector_load %arg14[%get3A_365] {strides = array<i32>} : memref<160xi32, #tpu.memory_space<vmem>>, vector<16xi32>,
      tpu.vector_store_idx %arg24[%add3A_364, %get3A_366], %broadcast_in_dim3A_1 : memref<160x128xf32, #tpu.memory_space<vmem>>[vector<16xi32>, vector<16xi32>], vector<16xf32>,
      %add3A_367 = arith.constant 32 : i32
      %add3A_368 = vector.broadcast %add3A_367 : i32 to vector<16xi32>
      %add3A_369 = arith.addi %iota3A, %add3A_368 : vector<16xi32>
      %get3A_370 = arith.constant 32 : index
      %get3A_371 = tpu.vector_load %arg14[%get3A_370] {strides = array<i32>} : memref<160xi32, #tpu.memory_space<vmem>>, vector<16xi32>,
      tpu.vector_store_idx %arg24[%add3A_369, %get3A_371], %broadcast_in_dim3A_1 : memref<160x128xf32, #tpu.memory_space<vmem>>[vector<16xi32>, vector<16xi32>], vector<16xf32>,
      %add3A_372 = arith.constant 48 : i32
      %add3A_373 = vector.broadcast %add3A_372 : i32 to vector<16xi32>
      %add3A_374 = arith.addi %iota3A, %add3A_373 : vector<16xi32>
      %get3A_375 = arith.constant 48 : index
      %get3A_376 = tpu.vector_load %arg14[%get3A_375] {strides = array<i32>} : memref<160xi32, #tpu.memory_space<vmem>>, vector<16xi32>,
      tpu.vector_store_idx %arg24[%add3A_374, %get3A_376], %broadcast_in_dim3A_1 : memref<160x128xf32, #tpu.memory_space<vmem>>[vector<16xi32>, vector<16xi32>], vector<16xf32>,
      %add3A_377 = arith.constant 64 : i32
      %add3A_378 = vector.broadcast %add3A_377 : i32 to vector<16xi32>
      %add3A_379 = arith.addi %iota3A, %add3A_378 : vector<16xi32>
      %get3A_380 = arith.constant 64 : index
      %get3A_381 = tpu.vector_load %arg14[%get3A_380] {strides = array<i32>} : memref<160xi32, #tpu.memory_space<vmem>>, vector<16xi32>,
      tpu.vector_store_idx %arg24[%add3A_379, %get3A_381], %broadcast_in_dim3A_1 : memref<160x128xf32, #tpu.memory_space<vmem>>[vector<16xi32>, vector<16xi32>], vector<16xf32>,
      %add3A_382 = arith.constant 80 : i32
      %add3A_383 = vector.broadcast %add3A_382 : i32 to vector<16xi32>
      %add3A_384 = arith.addi %iota3A, %add3A_383 : vector<16xi32>
      %get3A_385 = arith.constant 80 : index
      %get3A_386 = tpu.vector_load %arg14[%get3A_385] {strides = array<i32>} : memref<160xi32, #tpu.memory_space<vmem>>, vector<16xi32>,
      tpu.vector_store_idx %arg24[%add3A_384, %get3A_386], %broadcast_in_dim3A_1 : memref<160x128xf32, #tpu.memory_space<vmem>>[vector<16xi32>, vector<16xi32>], vector<16xf32>,
      %add3A_387 = arith.constant 96 : i32
      %add3A_388 = vector.broadcast %add3A_387 : i32 to vector<16xi32>
      %add3A_389 = arith.addi %iota3A, %add3A_388 : vector<16xi32>
      %get3A_390 = arith.constant 96 : index
      %get3A_391 = tpu.vector_load %arg14[%get3A_390] {strides = array<i32>} : memref<160xi32, #tpu.memory_space<vmem>>, vector<16xi32>,
      tpu.vector_store_idx %arg24[%add3A_389, %get3A_391], %broadcast_in_dim3A_1 : memref<160x128xf32, #tpu.memory_space<vmem>>[vector<16xi32>, vector<16xi32>], vector<16xf32>,
      %add3A_392 = arith.constant 112 : i32
      %add3A_393 = vector.broadcast %add3A_392 : i32 to vector<16xi32>
      %add3A_394 = arith.addi %iota3A, %add3A_393 : vector<16xi32>
      %get3A_395 = arith.constant 112 : index
      %get3A_396 = tpu.vector_load %arg14[%get3A_395] {strides = array<i32>} : memref<160xi32, #tpu.memory_space<vmem>>, vector<16xi32>,
      tpu.vector_store_idx %arg24[%add3A_394, %get3A_396], %broadcast_in_dim3A_1 : memref<160x128xf32, #tpu.memory_space<vmem>>[vector<16xi32>, vector<16xi32>], vector<16xf32>,
      %add3A_397 = arith.constant 128 : i32
      %add3A_398 = vector.broadcast %add3A_397 : i32 to vector<16xi32>
      %add3A_399 = arith.addi %iota3A, %add3A_398 : vector<16xi32>
      %get3A_400 = arith.constant 128 : index
      %get3A_401 = tpu.vector_load %arg14[%get3A_400] {strides = array<i32>} : memref<160xi32, #tpu.memory_space<vmem>>, vector<16xi32>,
      tpu.vector_store_idx %arg24[%add3A_399, %get3A_401], %broadcast_in_dim3A_1 : memref<160x128xf32, #tpu.memory_space<vmem>>[vector<16xi32>, vector<16xi32>], vector<16xf32>,
      %add3A_402 = arith.constant 144 : i32
      %add3A_403 = vector.broadcast %add3A_402 : i32 to vector<16xi32>
      %add3A_404 = arith.addi %iota3A, %add3A_403 : vector<16xi32>
      %get3A_405 = arith.constant 144 : index
      %get3A_406 = tpu.vector_load %arg14[%get3A_405] {strides = array<i32>} : memref<160xi32, #tpu.memory_space<vmem>>, vector<16xi32>,
      tpu.vector_store_idx %arg24[%add3A_404, %get3A_406], %broadcast_in_dim3A_1 : memref<160x128xf32, #tpu.memory_space<vmem>>[vector<16xi32>, vector<16xi32>], vector<16xf32>,
      %dma_start3A_407 = arith.constant 0 : i32
      %dma_start3A_408 = tpu.memref_slice %arg3[%mul3A_47, %dma_start3A_407] : memref<100000x128xf32, #tpu.memory_space<hbm>> -> memref<160x128xf32, #tpu.memory_space<hbm>>
      %dma_start3A_409 = arith.constant 0 : i32
      %dma_start3A_410 = tpu.memref_slice %arg3[%mul3A_47, %dma_start3A_409] : memref<100000x128xf32, #tpu.memory_space<hbm>> -> memref<160x128xf32, #tpu.memory_space<hbm>>
      tpu.enqueue_dma source(%arg24 : memref<160x128xf32, #tpu.memory_space<vmem>>) target(%dma_start3A_410 : memref<160x128xf32, #tpu.memory_space<hbm>>) target_semaphore(%arg46 : memref<!tpu.dma_semaphore, #tpu.memory_space<semaphore_mem>>)
    } else {
    }
    %add3A_206 = arith.constant 352 : i32
    %add3A_207 = arith.addi %add3A, %add3A_206 : i32
    %lt3A_208 = arith.constant 625 : i32
    %lt3A_209 = arith.cmpi slt, %add3A_207, %lt3A_208 : i32
    %convert_element_type3A_210 = arith.extui %lt3A_209 : i1 to i32
    %cond3A_211 = arith.constant 0 : i32
    %cond3A_212 = arith.cmpi ne, %convert_element_type3A_210, %cond3A_211 : i32
    scf.if %cond3A_212 {
      %dma_wait3A = tpu.memref_slice %arg2[%mul3A_51] : memref<100000xi32, #tpu.memory_space<hbm>> -> memref<160xi32, #tpu.memory_space<hbm>>
      %dma_wait3A_303 = tpu.memref_slice %arg2[%mul3A_51] : memref<100000xi32, #tpu.memory_space<hbm>> -> memref<160xi32, #tpu.memory_space<hbm>>
      tpu.wait_dma2 semaphore(%arg37 : memref<!tpu.dma_semaphore, #tpu.memory_space<semaphore_mem>>) src(%dma_wait3A_303 : memref<160xi32, #tpu.memory_space<hbm>>) dst(%arg15 : memref<160xi32, #tpu.memory_space<vmem>>)
      %dma_wait3A_304 = arith.constant 0 : i32
      %dma_wait3A_305 = tpu.memref_slice %arg3[%mul3A_43, %dma_wait3A_304] : memref<100000x128xf32, #tpu.memory_space<hbm>> -> memref<160x128xf32, #tpu.memory_space<hbm>>
      %dma_wait3A_306 = arith.constant 0 : i32
      %dma_wait3A_307 = tpu.memref_slice %arg3[%mul3A_43, %dma_wait3A_306] : memref<100000x128xf32, #tpu.memory_space<hbm>> -> memref<160x128xf32, #tpu.memory_space<hbm>>
      tpu.wait_dma2 semaphore(%arg47 : memref<!tpu.dma_semaphore, #tpu.memory_space<semaphore_mem>>) src(%arg25 : memref<160x128xf32, #tpu.memory_space<vmem>>) dst(%dma_wait3A_307 : memref<160x128xf32, #tpu.memory_space<hbm>>)
      %add3A_308 = arith.constant 0 : i32
      %add3A_309 = vector.broadcast %add3A_308 : i32 to vector<16xi32>
      %add3A_310 = arith.addi %iota3A, %add3A_309 : vector<16xi32>
      %get3A = arith.constant 0 : index
      %get3A_311 = tpu.vector_load %arg13[%get3A] {strides = array<i32>} : memref<160xi32, #tpu.memory_space<vmem>>, vector<16xi32>,
      tpu.vector_store_idx %arg25[%add3A_310, %get3A_311], %broadcast_in_dim3A_3 : memref<160x128xf32, #tpu.memory_space<vmem>>[vector<16xi32>, vector<16xi32>], vector<16xf32>,
      %add3A_312 = arith.constant 16 : i32
      %add3A_313 = vector.broadcast %add3A_312 : i32 to vector<16xi32>
      %add3A_314 = arith.addi %iota3A, %add3A_313 : vector<16xi32>
      %get3A_315 = arith.constant 16 : index
      %get3A_316 = tpu.vector_load %arg13[%get3A_315] {strides = array<i32>} : memref<160xi32, #tpu.memory_space<vmem>>, vector<16xi32>,
      tpu.vector_store_idx %arg25[%add3A_314, %get3A_316], %broadcast_in_dim3A_3 : memref<160x128xf32, #tpu.memory_space<vmem>>[vector<16xi32>, vector<16xi32>], vector<16xf32>,
      %add3A_317 = arith.constant 32 : i32
      %add3A_318 = vector.broadcast %add3A_317 : i32 to vector<16xi32>
      %add3A_319 = arith.addi %iota3A, %add3A_318 : vector<16xi32>
      %get3A_320 = arith.constant 32 : index
      %get3A_321 = tpu.vector_load %arg13[%get3A_320] {strides = array<i32>} : memref<160xi32, #tpu.memory_space<vmem>>, vector<16xi32>,
      tpu.vector_store_idx %arg25[%add3A_319, %get3A_321], %broadcast_in_dim3A_3 : memref<160x128xf32, #tpu.memory_space<vmem>>[vector<16xi32>, vector<16xi32>], vector<16xf32>,
      %add3A_322 = arith.constant 48 : i32
      %add3A_323 = vector.broadcast %add3A_322 : i32 to vector<16xi32>
      %add3A_324 = arith.addi %iota3A, %add3A_323 : vector<16xi32>
      %get3A_325 = arith.constant 48 : index
      %get3A_326 = tpu.vector_load %arg13[%get3A_325] {strides = array<i32>} : memref<160xi32, #tpu.memory_space<vmem>>, vector<16xi32>,
      tpu.vector_store_idx %arg25[%add3A_324, %get3A_326], %broadcast_in_dim3A_3 : memref<160x128xf32, #tpu.memory_space<vmem>>[vector<16xi32>, vector<16xi32>], vector<16xf32>,
      %add3A_327 = arith.constant 64 : i32
      %add3A_328 = vector.broadcast %add3A_327 : i32 to vector<16xi32>
      %add3A_329 = arith.addi %iota3A, %add3A_328 : vector<16xi32>
      %get3A_330 = arith.constant 64 : index
      %get3A_331 = tpu.vector_load %arg13[%get3A_330] {strides = array<i32>} : memref<160xi32, #tpu.memory_space<vmem>>, vector<16xi32>,
      tpu.vector_store_idx %arg25[%add3A_329, %get3A_331], %broadcast_in_dim3A_3 : memref<160x128xf32, #tpu.memory_space<vmem>>[vector<16xi32>, vector<16xi32>], vector<16xf32>,
      %add3A_332 = arith.constant 80 : i32
      %add3A_333 = vector.broadcast %add3A_332 : i32 to vector<16xi32>
      %add3A_334 = arith.addi %iota3A, %add3A_333 : vector<16xi32>
      %get3A_335 = arith.constant 80 : index
      %get3A_336 = tpu.vector_load %arg13[%get3A_335] {strides = array<i32>} : memref<160xi32, #tpu.memory_space<vmem>>, vector<16xi32>,
      tpu.vector_store_idx %arg25[%add3A_334, %get3A_336], %broadcast_in_dim3A_3 : memref<160x128xf32, #tpu.memory_space<vmem>>[vector<16xi32>, vector<16xi32>], vector<16xf32>,
      %add3A_337 = arith.constant 96 : i32
      %add3A_338 = vector.broadcast %add3A_337 : i32 to vector<16xi32>
      %add3A_339 = arith.addi %iota3A, %add3A_338 : vector<16xi32>
      %get3A_340 = arith.constant 96 : index
      %get3A_341 = tpu.vector_load %arg13[%get3A_340] {strides = array<i32>} : memref<160xi32, #tpu.memory_space<vmem>>, vector<16xi32>,
      tpu.vector_store_idx %arg25[%add3A_339, %get3A_341], %broadcast_in_dim3A_3 : memref<160x128xf32, #tpu.memory_space<vmem>>[vector<16xi32>, vector<16xi32>], vector<16xf32>,
      %add3A_342 = arith.constant 112 : i32
      %add3A_343 = vector.broadcast %add3A_342 : i32 to vector<16xi32>
      %add3A_344 = arith.addi %iota3A, %add3A_343 : vector<16xi32>
      %get3A_345 = arith.constant 112 : index
      %get3A_346 = tpu.vector_load %arg13[%get3A_345] {strides = array<i32>} : memref<160xi32, #tpu.memory_space<vmem>>, vector<16xi32>,
      tpu.vector_store_idx %arg25[%add3A_344, %get3A_346], %broadcast_in_dim3A_3 : memref<160x128xf32, #tpu.memory_space<vmem>>[vector<16xi32>, vector<16xi32>], vector<16xf32>,
      %add3A_347 = arith.constant 128 : i32
      %add3A_348 = vector.broadcast %add3A_347 : i32 to vector<16xi32>
      %add3A_349 = arith.addi %iota3A, %add3A_348 : vector<16xi32>
      %get3A_350 = arith.constant 128 : index
      %get3A_351 = tpu.vector_load %arg13[%get3A_350] {strides = array<i32>} : memref<160xi32, #tpu.memory_space<vmem>>, vector<16xi32>,
      tpu.vector_store_idx %arg25[%add3A_349, %get3A_351], %broadcast_in_dim3A_3 : memref<160x128xf32, #tpu.memory_space<vmem>>[vector<16xi32>, vector<16xi32>], vector<16xf32>,
      %add3A_352 = arith.constant 144 : i32
      %add3A_353 = vector.broadcast %add3A_352 : i32 to vector<16xi32>
      %add3A_354 = arith.addi %iota3A, %add3A_353 : vector<16xi32>
      %get3A_355 = arith.constant 144 : index
      %get3A_356 = tpu.vector_load %arg13[%get3A_355] {strides = array<i32>} : memref<160xi32, #tpu.memory_space<vmem>>, vector<16xi32>,
      tpu.vector_store_idx %arg25[%add3A_354, %get3A_356], %broadcast_in_dim3A_3 : memref<160x128xf32, #tpu.memory_space<vmem>>[vector<16xi32>, vector<16xi32>], vector<16xf32>,
      %add3A_357 = arith.constant 0 : i32
      %add3A_358 = vector.broadcast %add3A_357 : i32 to vector<16xi32>
      %add3A_359 = arith.addi %iota3A, %add3A_358 : vector<16xi32>
      %get3A_360 = arith.constant 0 : index
      %get3A_361 = tpu.vector_load %arg15[%get3A_360] {strides = array<i32>} : memref<160xi32, #tpu.memory_space<vmem>>, vector<16xi32>,
      tpu.vector_store_idx %arg25[%add3A_359, %get3A_361], %broadcast_in_dim3A_1 : memref<160x128xf32, #tpu.memory_space<vmem>>[vector<16xi32>, vector<16xi32>], vector<16xf32>,
      %add3A_362 = arith.constant 16 : i32
      %add3A_363 = vector.broadcast %add3A_362 : i32 to vector<16xi32>
      %add3A_364 = arith.addi %iota3A, %add3A_363 : vector<16xi32>
      %get3A_365 = arith.constant 16 : index
      %get3A_366 = tpu.vector_load %arg15[%get3A_365] {strides = array<i32>} : memref<160xi32, #tpu.memory_space<vmem>>, vector<16xi32>,
      tpu.vector_store_idx %arg25[%add3A_364, %get3A_366], %broadcast_in_dim3A_1 : memref<160x128xf32, #tpu.memory_space<vmem>>[vector<16xi32>, vector<16xi32>], vector<16xf32>,
      %add3A_367 = arith.constant 32 : i32
      %add3A_368 = vector.broadcast %add3A_367 : i32 to vector<16xi32>
      %add3A_369 = arith.addi %iota3A, %add3A_368 : vector<16xi32>
      %get3A_370 = arith.constant 32 : index
      %get3A_371 = tpu.vector_load %arg15[%get3A_370] {strides = array<i32>} : memref<160xi32, #tpu.memory_space<vmem>>, vector<16xi32>,
      tpu.vector_store_idx %arg25[%add3A_369, %get3A_371], %broadcast_in_dim3A_1 : memref<160x128xf32, #tpu.memory_space<vmem>>[vector<16xi32>, vector<16xi32>], vector<16xf32>,
      %add3A_372 = arith.constant 48 : i32
      %add3A_373 = vector.broadcast %add3A_372 : i32 to vector<16xi32>
      %add3A_374 = arith.addi %iota3A, %add3A_373 : vector<16xi32>
      %get3A_375 = arith.constant 48 : index
      %get3A_376 = tpu.vector_load %arg15[%get3A_375] {strides = array<i32>} : memref<160xi32, #tpu.memory_space<vmem>>, vector<16xi32>,
      tpu.vector_store_idx %arg25[%add3A_374, %get3A_376], %broadcast_in_dim3A_1 : memref<160x128xf32, #tpu.memory_space<vmem>>[vector<16xi32>, vector<16xi32>], vector<16xf32>,
      %add3A_377 = arith.constant 64 : i32
      %add3A_378 = vector.broadcast %add3A_377 : i32 to vector<16xi32>
      %add3A_379 = arith.addi %iota3A, %add3A_378 : vector<16xi32>
      %get3A_380 = arith.constant 64 : index
      %get3A_381 = tpu.vector_load %arg15[%get3A_380] {strides = array<i32>} : memref<160xi32, #tpu.memory_space<vmem>>, vector<16xi32>,
      tpu.vector_store_idx %arg25[%add3A_379, %get3A_381], %broadcast_in_dim3A_1 : memref<160x128xf32, #tpu.memory_space<vmem>>[vector<16xi32>, vector<16xi32>], vector<16xf32>,
      %add3A_382 = arith.constant 80 : i32
      %add3A_383 = vector.broadcast %add3A_382 : i32 to vector<16xi32>
      %add3A_384 = arith.addi %iota3A, %add3A_383 : vector<16xi32>
      %get3A_385 = arith.constant 80 : index
      %get3A_386 = tpu.vector_load %arg15[%get3A_385] {strides = array<i32>} : memref<160xi32, #tpu.memory_space<vmem>>, vector<16xi32>,
      tpu.vector_store_idx %arg25[%add3A_384, %get3A_386], %broadcast_in_dim3A_1 : memref<160x128xf32, #tpu.memory_space<vmem>>[vector<16xi32>, vector<16xi32>], vector<16xf32>,
      %add3A_387 = arith.constant 96 : i32
      %add3A_388 = vector.broadcast %add3A_387 : i32 to vector<16xi32>
      %add3A_389 = arith.addi %iota3A, %add3A_388 : vector<16xi32>
      %get3A_390 = arith.constant 96 : index
      %get3A_391 = tpu.vector_load %arg15[%get3A_390] {strides = array<i32>} : memref<160xi32, #tpu.memory_space<vmem>>, vector<16xi32>,
      tpu.vector_store_idx %arg25[%add3A_389, %get3A_391], %broadcast_in_dim3A_1 : memref<160x128xf32, #tpu.memory_space<vmem>>[vector<16xi32>, vector<16xi32>], vector<16xf32>,
      %add3A_392 = arith.constant 112 : i32
      %add3A_393 = vector.broadcast %add3A_392 : i32 to vector<16xi32>
      %add3A_394 = arith.addi %iota3A, %add3A_393 : vector<16xi32>
      %get3A_395 = arith.constant 112 : index
      %get3A_396 = tpu.vector_load %arg15[%get3A_395] {strides = array<i32>} : memref<160xi32, #tpu.memory_space<vmem>>, vector<16xi32>,
      tpu.vector_store_idx %arg25[%add3A_394, %get3A_396], %broadcast_in_dim3A_1 : memref<160x128xf32, #tpu.memory_space<vmem>>[vector<16xi32>, vector<16xi32>], vector<16xf32>,
      %add3A_397 = arith.constant 128 : i32
      %add3A_398 = vector.broadcast %add3A_397 : i32 to vector<16xi32>
      %add3A_399 = arith.addi %iota3A, %add3A_398 : vector<16xi32>
      %get3A_400 = arith.constant 128 : index
      %get3A_401 = tpu.vector_load %arg15[%get3A_400] {strides = array<i32>} : memref<160xi32, #tpu.memory_space<vmem>>, vector<16xi32>,
      tpu.vector_store_idx %arg25[%add3A_399, %get3A_401], %broadcast_in_dim3A_1 : memref<160x128xf32, #tpu.memory_space<vmem>>[vector<16xi32>, vector<16xi32>], vector<16xf32>,
      %add3A_402 = arith.constant 144 : i32
      %add3A_403 = vector.broadcast %add3A_402 : i32 to vector<16xi32>
      %add3A_404 = arith.addi %iota3A, %add3A_403 : vector<16xi32>
      %get3A_405 = arith.constant 144 : index
      %get3A_406 = tpu.vector_load %arg15[%get3A_405] {strides = array<i32>} : memref<160xi32, #tpu.memory_space<vmem>>, vector<16xi32>,
      tpu.vector_store_idx %arg25[%add3A_404, %get3A_406], %broadcast_in_dim3A_1 : memref<160x128xf32, #tpu.memory_space<vmem>>[vector<16xi32>, vector<16xi32>], vector<16xf32>,
      %dma_start3A_407 = arith.constant 0 : i32
      %dma_start3A_408 = tpu.memref_slice %arg3[%mul3A_51, %dma_start3A_407] : memref<100000x128xf32, #tpu.memory_space<hbm>> -> memref<160x128xf32, #tpu.memory_space<hbm>>
      %dma_start3A_409 = arith.constant 0 : i32
      %dma_start3A_410 = tpu.memref_slice %arg3[%mul3A_51, %dma_start3A_409] : memref<100000x128xf32, #tpu.memory_space<hbm>> -> memref<160x128xf32, #tpu.memory_space<hbm>>
      tpu.enqueue_dma source(%arg25 : memref<160x128xf32, #tpu.memory_space<vmem>>) target(%dma_start3A_410 : memref<160x128xf32, #tpu.memory_space<hbm>>) target_semaphore(%arg47 : memref<!tpu.dma_semaphore, #tpu.memory_space<semaphore_mem>>)
    } else {
    }
    %add3A_213 = arith.constant 384 : i32
    %add3A_214 = arith.addi %add3A, %add3A_213 : i32
    %lt3A_215 = arith.constant 625 : i32
    %lt3A_216 = arith.cmpi slt, %add3A_214, %lt3A_215 : i32
    %convert_element_type3A_217 = arith.extui %lt3A_216 : i1 to i32
    %cond3A_218 = arith.constant 0 : i32
    %cond3A_219 = arith.cmpi ne, %convert_element_type3A_217, %cond3A_218 : i32
    scf.if %cond3A_219 {
      %dma_wait3A = tpu.memref_slice %arg2[%mul3A_55] : memref<100000xi32, #tpu.memory_space<hbm>> -> memref<160xi32, #tpu.memory_space<hbm>>
      %dma_wait3A_303 = tpu.memref_slice %arg2[%mul3A_55] : memref<100000xi32, #tpu.memory_space<hbm>> -> memref<160xi32, #tpu.memory_space<hbm>>
      tpu.wait_dma2 semaphore(%arg38 : memref<!tpu.dma_semaphore, #tpu.memory_space<semaphore_mem>>) src(%dma_wait3A_303 : memref<160xi32, #tpu.memory_space<hbm>>) dst(%arg16 : memref<160xi32, #tpu.memory_space<vmem>>)
      %dma_wait3A_304 = arith.constant 0 : i32
      %dma_wait3A_305 = tpu.memref_slice %arg3[%mul3A_47, %dma_wait3A_304] : memref<100000x128xf32, #tpu.memory_space<hbm>> -> memref<160x128xf32, #tpu.memory_space<hbm>>
      %dma_wait3A_306 = arith.constant 0 : i32
      %dma_wait3A_307 = tpu.memref_slice %arg3[%mul3A_47, %dma_wait3A_306] : memref<100000x128xf32, #tpu.memory_space<hbm>> -> memref<160x128xf32, #tpu.memory_space<hbm>>
      tpu.wait_dma2 semaphore(%arg46 : memref<!tpu.dma_semaphore, #tpu.memory_space<semaphore_mem>>) src(%arg24 : memref<160x128xf32, #tpu.memory_space<vmem>>) dst(%dma_wait3A_307 : memref<160x128xf32, #tpu.memory_space<hbm>>)
      %add3A_308 = arith.constant 0 : i32
      %add3A_309 = vector.broadcast %add3A_308 : i32 to vector<16xi32>
      %add3A_310 = arith.addi %iota3A, %add3A_309 : vector<16xi32>
      %get3A = arith.constant 0 : index
      %get3A_311 = tpu.vector_load %arg14[%get3A] {strides = array<i32>} : memref<160xi32, #tpu.memory_space<vmem>>, vector<16xi32>,
      tpu.vector_store_idx %arg24[%add3A_310, %get3A_311], %broadcast_in_dim3A_3 : memref<160x128xf32, #tpu.memory_space<vmem>>[vector<16xi32>, vector<16xi32>], vector<16xf32>,
      %add3A_312 = arith.constant 16 : i32
      %add3A_313 = vector.broadcast %add3A_312 : i32 to vector<16xi32>
      %add3A_314 = arith.addi %iota3A, %add3A_313 : vector<16xi32>
      %get3A_315 = arith.constant 16 : index
      %get3A_316 = tpu.vector_load %arg14[%get3A_315] {strides = array<i32>} : memref<160xi32, #tpu.memory_space<vmem>>, vector<16xi32>,
      tpu.vector_store_idx %arg24[%add3A_314, %get3A_316], %broadcast_in_dim3A_3 : memref<160x128xf32, #tpu.memory_space<vmem>>[vector<16xi32>, vector<16xi32>], vector<16xf32>,
      %add3A_317 = arith.constant 32 : i32
      %add3A_318 = vector.broadcast %add3A_317 : i32 to vector<16xi32>
      %add3A_319 = arith.addi %iota3A, %add3A_318 : vector<16xi32>
      %get3A_320 = arith.constant 32 : index
      %get3A_321 = tpu.vector_load %arg14[%get3A_320] {strides = array<i32>} : memref<160xi32, #tpu.memory_space<vmem>>, vector<16xi32>,
      tpu.vector_store_idx %arg24[%add3A_319, %get3A_321], %broadcast_in_dim3A_3 : memref<160x128xf32, #tpu.memory_space<vmem>>[vector<16xi32>, vector<16xi32>], vector<16xf32>,
      %add3A_322 = arith.constant 48 : i32
      %add3A_323 = vector.broadcast %add3A_322 : i32 to vector<16xi32>
      %add3A_324 = arith.addi %iota3A, %add3A_323 : vector<16xi32>
      %get3A_325 = arith.constant 48 : index
      %get3A_326 = tpu.vector_load %arg14[%get3A_325] {strides = array<i32>} : memref<160xi32, #tpu.memory_space<vmem>>, vector<16xi32>,
      tpu.vector_store_idx %arg24[%add3A_324, %get3A_326], %broadcast_in_dim3A_3 : memref<160x128xf32, #tpu.memory_space<vmem>>[vector<16xi32>, vector<16xi32>], vector<16xf32>,
      %add3A_327 = arith.constant 64 : i32
      %add3A_328 = vector.broadcast %add3A_327 : i32 to vector<16xi32>
      %add3A_329 = arith.addi %iota3A, %add3A_328 : vector<16xi32>
      %get3A_330 = arith.constant 64 : index
      %get3A_331 = tpu.vector_load %arg14[%get3A_330] {strides = array<i32>} : memref<160xi32, #tpu.memory_space<vmem>>, vector<16xi32>,
      tpu.vector_store_idx %arg24[%add3A_329, %get3A_331], %broadcast_in_dim3A_3 : memref<160x128xf32, #tpu.memory_space<vmem>>[vector<16xi32>, vector<16xi32>], vector<16xf32>,
      %add3A_332 = arith.constant 80 : i32
      %add3A_333 = vector.broadcast %add3A_332 : i32 to vector<16xi32>
      %add3A_334 = arith.addi %iota3A, %add3A_333 : vector<16xi32>
      %get3A_335 = arith.constant 80 : index
      %get3A_336 = tpu.vector_load %arg14[%get3A_335] {strides = array<i32>} : memref<160xi32, #tpu.memory_space<vmem>>, vector<16xi32>,
      tpu.vector_store_idx %arg24[%add3A_334, %get3A_336], %broadcast_in_dim3A_3 : memref<160x128xf32, #tpu.memory_space<vmem>>[vector<16xi32>, vector<16xi32>], vector<16xf32>,
      %add3A_337 = arith.constant 96 : i32
      %add3A_338 = vector.broadcast %add3A_337 : i32 to vector<16xi32>
      %add3A_339 = arith.addi %iota3A, %add3A_338 : vector<16xi32>
      %get3A_340 = arith.constant 96 : index
      %get3A_341 = tpu.vector_load %arg14[%get3A_340] {strides = array<i32>} : memref<160xi32, #tpu.memory_space<vmem>>, vector<16xi32>,
      tpu.vector_store_idx %arg24[%add3A_339, %get3A_341], %broadcast_in_dim3A_3 : memref<160x128xf32, #tpu.memory_space<vmem>>[vector<16xi32>, vector<16xi32>], vector<16xf32>,
      %add3A_342 = arith.constant 112 : i32
      %add3A_343 = vector.broadcast %add3A_342 : i32 to vector<16xi32>
      %add3A_344 = arith.addi %iota3A, %add3A_343 : vector<16xi32>
      %get3A_345 = arith.constant 112 : index
      %get3A_346 = tpu.vector_load %arg14[%get3A_345] {strides = array<i32>} : memref<160xi32, #tpu.memory_space<vmem>>, vector<16xi32>,
      tpu.vector_store_idx %arg24[%add3A_344, %get3A_346], %broadcast_in_dim3A_3 : memref<160x128xf32, #tpu.memory_space<vmem>>[vector<16xi32>, vector<16xi32>], vector<16xf32>,
      %add3A_347 = arith.constant 128 : i32
      %add3A_348 = vector.broadcast %add3A_347 : i32 to vector<16xi32>
      %add3A_349 = arith.addi %iota3A, %add3A_348 : vector<16xi32>
      %get3A_350 = arith.constant 128 : index
      %get3A_351 = tpu.vector_load %arg14[%get3A_350] {strides = array<i32>} : memref<160xi32, #tpu.memory_space<vmem>>, vector<16xi32>,
      tpu.vector_store_idx %arg24[%add3A_349, %get3A_351], %broadcast_in_dim3A_3 : memref<160x128xf32, #tpu.memory_space<vmem>>[vector<16xi32>, vector<16xi32>], vector<16xf32>,
      %add3A_352 = arith.constant 144 : i32
      %add3A_353 = vector.broadcast %add3A_352 : i32 to vector<16xi32>
      %add3A_354 = arith.addi %iota3A, %add3A_353 : vector<16xi32>
      %get3A_355 = arith.constant 144 : index
      %get3A_356 = tpu.vector_load %arg14[%get3A_355] {strides = array<i32>} : memref<160xi32, #tpu.memory_space<vmem>>, vector<16xi32>,
      tpu.vector_store_idx %arg24[%add3A_354, %get3A_356], %broadcast_in_dim3A_3 : memref<160x128xf32, #tpu.memory_space<vmem>>[vector<16xi32>, vector<16xi32>], vector<16xf32>,
      %add3A_357 = arith.constant 0 : i32
      %add3A_358 = vector.broadcast %add3A_357 : i32 to vector<16xi32>
      %add3A_359 = arith.addi %iota3A, %add3A_358 : vector<16xi32>
      %get3A_360 = arith.constant 0 : index
      %get3A_361 = tpu.vector_load %arg16[%get3A_360] {strides = array<i32>} : memref<160xi32, #tpu.memory_space<vmem>>, vector<16xi32>,
      tpu.vector_store_idx %arg24[%add3A_359, %get3A_361], %broadcast_in_dim3A_1 : memref<160x128xf32, #tpu.memory_space<vmem>>[vector<16xi32>, vector<16xi32>], vector<16xf32>,
      %add3A_362 = arith.constant 16 : i32
      %add3A_363 = vector.broadcast %add3A_362 : i32 to vector<16xi32>
      %add3A_364 = arith.addi %iota3A, %add3A_363 : vector<16xi32>
      %get3A_365 = arith.constant 16 : index
      %get3A_366 = tpu.vector_load %arg16[%get3A_365] {strides = array<i32>} : memref<160xi32, #tpu.memory_space<vmem>>, vector<16xi32>,
      tpu.vector_store_idx %arg24[%add3A_364, %get3A_366], %broadcast_in_dim3A_1 : memref<160x128xf32, #tpu.memory_space<vmem>>[vector<16xi32>, vector<16xi32>], vector<16xf32>,
      %add3A_367 = arith.constant 32 : i32
      %add3A_368 = vector.broadcast %add3A_367 : i32 to vector<16xi32>
      %add3A_369 = arith.addi %iota3A, %add3A_368 : vector<16xi32>
      %get3A_370 = arith.constant 32 : index
      %get3A_371 = tpu.vector_load %arg16[%get3A_370] {strides = array<i32>} : memref<160xi32, #tpu.memory_space<vmem>>, vector<16xi32>,
      tpu.vector_store_idx %arg24[%add3A_369, %get3A_371], %broadcast_in_dim3A_1 : memref<160x128xf32, #tpu.memory_space<vmem>>[vector<16xi32>, vector<16xi32>], vector<16xf32>,
      %add3A_372 = arith.constant 48 : i32
      %add3A_373 = vector.broadcast %add3A_372 : i32 to vector<16xi32>
      %add3A_374 = arith.addi %iota3A, %add3A_373 : vector<16xi32>
      %get3A_375 = arith.constant 48 : index
      %get3A_376 = tpu.vector_load %arg16[%get3A_375] {strides = array<i32>} : memref<160xi32, #tpu.memory_space<vmem>>, vector<16xi32>,
      tpu.vector_store_idx %arg24[%add3A_374, %get3A_376], %broadcast_in_dim3A_1 : memref<160x128xf32, #tpu.memory_space<vmem>>[vector<16xi32>, vector<16xi32>], vector<16xf32>,
      %add3A_377 = arith.constant 64 : i32
      %add3A_378 = vector.broadcast %add3A_377 : i32 to vector<16xi32>
      %add3A_379 = arith.addi %iota3A, %add3A_378 : vector<16xi32>
      %get3A_380 = arith.constant 64 : index
      %get3A_381 = tpu.vector_load %arg16[%get3A_380] {strides = array<i32>} : memref<160xi32, #tpu.memory_space<vmem>>, vector<16xi32>,
      tpu.vector_store_idx %arg24[%add3A_379, %get3A_381], %broadcast_in_dim3A_1 : memref<160x128xf32, #tpu.memory_space<vmem>>[vector<16xi32>, vector<16xi32>], vector<16xf32>,
      %add3A_382 = arith.constant 80 : i32
      %add3A_383 = vector.broadcast %add3A_382 : i32 to vector<16xi32>
      %add3A_384 = arith.addi %iota3A, %add3A_383 : vector<16xi32>
      %get3A_385 = arith.constant 80 : index
      %get3A_386 = tpu.vector_load %arg16[%get3A_385] {strides = array<i32>} : memref<160xi32, #tpu.memory_space<vmem>>, vector<16xi32>,
      tpu.vector_store_idx %arg24[%add3A_384, %get3A_386], %broadcast_in_dim3A_1 : memref<160x128xf32, #tpu.memory_space<vmem>>[vector<16xi32>, vector<16xi32>], vector<16xf32>,
      %add3A_387 = arith.constant 96 : i32
      %add3A_388 = vector.broadcast %add3A_387 : i32 to vector<16xi32>
      %add3A_389 = arith.addi %iota3A, %add3A_388 : vector<16xi32>
      %get3A_390 = arith.constant 96 : index
      %get3A_391 = tpu.vector_load %arg16[%get3A_390] {strides = array<i32>} : memref<160xi32, #tpu.memory_space<vmem>>, vector<16xi32>,
      tpu.vector_store_idx %arg24[%add3A_389, %get3A_391], %broadcast_in_dim3A_1 : memref<160x128xf32, #tpu.memory_space<vmem>>[vector<16xi32>, vector<16xi32>], vector<16xf32>,
      %add3A_392 = arith.constant 112 : i32
      %add3A_393 = vector.broadcast %add3A_392 : i32 to vector<16xi32>
      %add3A_394 = arith.addi %iota3A, %add3A_393 : vector<16xi32>
      %get3A_395 = arith.constant 112 : index
      %get3A_396 = tpu.vector_load %arg16[%get3A_395] {strides = array<i32>} : memref<160xi32, #tpu.memory_space<vmem>>, vector<16xi32>,
      tpu.vector_store_idx %arg24[%add3A_394, %get3A_396], %broadcast_in_dim3A_1 : memref<160x128xf32, #tpu.memory_space<vmem>>[vector<16xi32>, vector<16xi32>], vector<16xf32>,
      %add3A_397 = arith.constant 128 : i32
      %add3A_398 = vector.broadcast %add3A_397 : i32 to vector<16xi32>
      %add3A_399 = arith.addi %iota3A, %add3A_398 : vector<16xi32>
      %get3A_400 = arith.constant 128 : index
      %get3A_401 = tpu.vector_load %arg16[%get3A_400] {strides = array<i32>} : memref<160xi32, #tpu.memory_space<vmem>>, vector<16xi32>,
      tpu.vector_store_idx %arg24[%add3A_399, %get3A_401], %broadcast_in_dim3A_1 : memref<160x128xf32, #tpu.memory_space<vmem>>[vector<16xi32>, vector<16xi32>], vector<16xf32>,
      %add3A_402 = arith.constant 144 : i32
      %add3A_403 = vector.broadcast %add3A_402 : i32 to vector<16xi32>
      %add3A_404 = arith.addi %iota3A, %add3A_403 : vector<16xi32>
      %get3A_405 = arith.constant 144 : index
      %get3A_406 = tpu.vector_load %arg16[%get3A_405] {strides = array<i32>} : memref<160xi32, #tpu.memory_space<vmem>>, vector<16xi32>,
      tpu.vector_store_idx %arg24[%add3A_404, %get3A_406], %broadcast_in_dim3A_1 : memref<160x128xf32, #tpu.memory_space<vmem>>[vector<16xi32>, vector<16xi32>], vector<16xf32>,
      %dma_start3A_407 = arith.constant 0 : i32
      %dma_start3A_408 = tpu.memref_slice %arg3[%mul3A_55, %dma_start3A_407] : memref<100000x128xf32, #tpu.memory_space<hbm>> -> memref<160x128xf32, #tpu.memory_space<hbm>>
      %dma_start3A_409 = arith.constant 0 : i32
      %dma_start3A_410 = tpu.memref_slice %arg3[%mul3A_55, %dma_start3A_409] : memref<100000x128xf32, #tpu.memory_space<hbm>> -> memref<160x128xf32, #tpu.memory_space<hbm>>
      tpu.enqueue_dma source(%arg24 : memref<160x128xf32, #tpu.memory_space<vmem>>) target(%dma_start3A_410 : memref<160x128xf32, #tpu.memory_space<hbm>>) target_semaphore(%arg46 : memref<!tpu.dma_semaphore, #tpu.memory_space<semaphore_mem>>)
    } else {
    }
    %add3A_220 = arith.constant 416 : i32
    %add3A_221 = arith.addi %add3A, %add3A_220 : i32
    %lt3A_222 = arith.constant 625 : i32
    %lt3A_223 = arith.cmpi slt, %add3A_221, %lt3A_222 : i32
    %convert_element_type3A_224 = arith.extui %lt3A_223 : i1 to i32
    %cond3A_225 = arith.constant 0 : i32
    %cond3A_226 = arith.cmpi ne, %convert_element_type3A_224, %cond3A_225 : i32
    scf.if %cond3A_226 {
      %dma_wait3A = tpu.memref_slice %arg2[%mul3A_59] : memref<100000xi32, #tpu.memory_space<hbm>> -> memref<160xi32, #tpu.memory_space<hbm>>
      %dma_wait3A_303 = tpu.memref_slice %arg2[%mul3A_59] : memref<100000xi32, #tpu.memory_space<hbm>> -> memref<160xi32, #tpu.memory_space<hbm>>
      tpu.wait_dma2 semaphore(%arg39 : memref<!tpu.dma_semaphore, #tpu.memory_space<semaphore_mem>>) src(%dma_wait3A_303 : memref<160xi32, #tpu.memory_space<hbm>>) dst(%arg17 : memref<160xi32, #tpu.memory_space<vmem>>)
      %dma_wait3A_304 = arith.constant 0 : i32
      %dma_wait3A_305 = tpu.memref_slice %arg3[%mul3A_51, %dma_wait3A_304] : memref<100000x128xf32, #tpu.memory_space<hbm>> -> memref<160x128xf32, #tpu.memory_space<hbm>>
      %dma_wait3A_306 = arith.constant 0 : i32
      %dma_wait3A_307 = tpu.memref_slice %arg3[%mul3A_51, %dma_wait3A_306] : memref<100000x128xf32, #tpu.memory_space<hbm>> -> memref<160x128xf32, #tpu.memory_space<hbm>>
      tpu.wait_dma2 semaphore(%arg47 : memref<!tpu.dma_semaphore, #tpu.memory_space<semaphore_mem>>) src(%arg25 : memref<160x128xf32, #tpu.memory_space<vmem>>) dst(%dma_wait3A_307 : memref<160x128xf32, #tpu.memory_space<hbm>>)
      %add3A_308 = arith.constant 0 : i32
      %add3A_309 = vector.broadcast %add3A_308 : i32 to vector<16xi32>
      %add3A_310 = arith.addi %iota3A, %add3A_309 : vector<16xi32>
      %get3A = arith.constant 0 : index
      %get3A_311 = tpu.vector_load %arg15[%get3A] {strides = array<i32>} : memref<160xi32, #tpu.memory_space<vmem>>, vector<16xi32>,
      tpu.vector_store_idx %arg25[%add3A_310, %get3A_311], %broadcast_in_dim3A_3 : memref<160x128xf32, #tpu.memory_space<vmem>>[vector<16xi32>, vector<16xi32>], vector<16xf32>,
      %add3A_312 = arith.constant 16 : i32
      %add3A_313 = vector.broadcast %add3A_312 : i32 to vector<16xi32>
      %add3A_314 = arith.addi %iota3A, %add3A_313 : vector<16xi32>
      %get3A_315 = arith.constant 16 : index
      %get3A_316 = tpu.vector_load %arg15[%get3A_315] {strides = array<i32>} : memref<160xi32, #tpu.memory_space<vmem>>, vector<16xi32>,
      tpu.vector_store_idx %arg25[%add3A_314, %get3A_316], %broadcast_in_dim3A_3 : memref<160x128xf32, #tpu.memory_space<vmem>>[vector<16xi32>, vector<16xi32>], vector<16xf32>,
      %add3A_317 = arith.constant 32 : i32
      %add3A_318 = vector.broadcast %add3A_317 : i32 to vector<16xi32>
      %add3A_319 = arith.addi %iota3A, %add3A_318 : vector<16xi32>
      %get3A_320 = arith.constant 32 : index
      %get3A_321 = tpu.vector_load %arg15[%get3A_320] {strides = array<i32>} : memref<160xi32, #tpu.memory_space<vmem>>, vector<16xi32>,
      tpu.vector_store_idx %arg25[%add3A_319, %get3A_321], %broadcast_in_dim3A_3 : memref<160x128xf32, #tpu.memory_space<vmem>>[vector<16xi32>, vector<16xi32>], vector<16xf32>,
      %add3A_322 = arith.constant 48 : i32
      %add3A_323 = vector.broadcast %add3A_322 : i32 to vector<16xi32>
      %add3A_324 = arith.addi %iota3A, %add3A_323 : vector<16xi32>
      %get3A_325 = arith.constant 48 : index
      %get3A_326 = tpu.vector_load %arg15[%get3A_325] {strides = array<i32>} : memref<160xi32, #tpu.memory_space<vmem>>, vector<16xi32>,
      tpu.vector_store_idx %arg25[%add3A_324, %get3A_326], %broadcast_in_dim3A_3 : memref<160x128xf32, #tpu.memory_space<vmem>>[vector<16xi32>, vector<16xi32>], vector<16xf32>,
      %add3A_327 = arith.constant 64 : i32
      %add3A_328 = vector.broadcast %add3A_327 : i32 to vector<16xi32>
      %add3A_329 = arith.addi %iota3A, %add3A_328 : vector<16xi32>
      %get3A_330 = arith.constant 64 : index
      %get3A_331 = tpu.vector_load %arg15[%get3A_330] {strides = array<i32>} : memref<160xi32, #tpu.memory_space<vmem>>, vector<16xi32>,
      tpu.vector_store_idx %arg25[%add3A_329, %get3A_331], %broadcast_in_dim3A_3 : memref<160x128xf32, #tpu.memory_space<vmem>>[vector<16xi32>, vector<16xi32>], vector<16xf32>,
      %add3A_332 = arith.constant 80 : i32
      %add3A_333 = vector.broadcast %add3A_332 : i32 to vector<16xi32>
      %add3A_334 = arith.addi %iota3A, %add3A_333 : vector<16xi32>
      %get3A_335 = arith.constant 80 : index
      %get3A_336 = tpu.vector_load %arg15[%get3A_335] {strides = array<i32>} : memref<160xi32, #tpu.memory_space<vmem>>, vector<16xi32>,
      tpu.vector_store_idx %arg25[%add3A_334, %get3A_336], %broadcast_in_dim3A_3 : memref<160x128xf32, #tpu.memory_space<vmem>>[vector<16xi32>, vector<16xi32>], vector<16xf32>,
      %add3A_337 = arith.constant 96 : i32
      %add3A_338 = vector.broadcast %add3A_337 : i32 to vector<16xi32>
      %add3A_339 = arith.addi %iota3A, %add3A_338 : vector<16xi32>
      %get3A_340 = arith.constant 96 : index
      %get3A_341 = tpu.vector_load %arg15[%get3A_340] {strides = array<i32>} : memref<160xi32, #tpu.memory_space<vmem>>, vector<16xi32>,
      tpu.vector_store_idx %arg25[%add3A_339, %get3A_341], %broadcast_in_dim3A_3 : memref<160x128xf32, #tpu.memory_space<vmem>>[vector<16xi32>, vector<16xi32>], vector<16xf32>,
      %add3A_342 = arith.constant 112 : i32
      %add3A_343 = vector.broadcast %add3A_342 : i32 to vector<16xi32>
      %add3A_344 = arith.addi %iota3A, %add3A_343 : vector<16xi32>
      %get3A_345 = arith.constant 112 : index
      %get3A_346 = tpu.vector_load %arg15[%get3A_345] {strides = array<i32>} : memref<160xi32, #tpu.memory_space<vmem>>, vector<16xi32>,
      tpu.vector_store_idx %arg25[%add3A_344, %get3A_346], %broadcast_in_dim3A_3 : memref<160x128xf32, #tpu.memory_space<vmem>>[vector<16xi32>, vector<16xi32>], vector<16xf32>,
      %add3A_347 = arith.constant 128 : i32
      %add3A_348 = vector.broadcast %add3A_347 : i32 to vector<16xi32>
      %add3A_349 = arith.addi %iota3A, %add3A_348 : vector<16xi32>
      %get3A_350 = arith.constant 128 : index
      %get3A_351 = tpu.vector_load %arg15[%get3A_350] {strides = array<i32>} : memref<160xi32, #tpu.memory_space<vmem>>, vector<16xi32>,
      tpu.vector_store_idx %arg25[%add3A_349, %get3A_351], %broadcast_in_dim3A_3 : memref<160x128xf32, #tpu.memory_space<vmem>>[vector<16xi32>, vector<16xi32>], vector<16xf32>,
      %add3A_352 = arith.constant 144 : i32
      %add3A_353 = vector.broadcast %add3A_352 : i32 to vector<16xi32>
      %add3A_354 = arith.addi %iota3A, %add3A_353 : vector<16xi32>
      %get3A_355 = arith.constant 144 : index
      %get3A_356 = tpu.vector_load %arg15[%get3A_355] {strides = array<i32>} : memref<160xi32, #tpu.memory_space<vmem>>, vector<16xi32>,
      tpu.vector_store_idx %arg25[%add3A_354, %get3A_356], %broadcast_in_dim3A_3 : memref<160x128xf32, #tpu.memory_space<vmem>>[vector<16xi32>, vector<16xi32>], vector<16xf32>,
      %add3A_357 = arith.constant 0 : i32
      %add3A_358 = vector.broadcast %add3A_357 : i32 to vector<16xi32>
      %add3A_359 = arith.addi %iota3A, %add3A_358 : vector<16xi32>
      %get3A_360 = arith.constant 0 : index
      %get3A_361 = tpu.vector_load %arg17[%get3A_360] {strides = array<i32>} : memref<160xi32, #tpu.memory_space<vmem>>, vector<16xi32>,
      tpu.vector_store_idx %arg25[%add3A_359, %get3A_361], %broadcast_in_dim3A_1 : memref<160x128xf32, #tpu.memory_space<vmem>>[vector<16xi32>, vector<16xi32>], vector<16xf32>,
      %add3A_362 = arith.constant 16 : i32
      %add3A_363 = vector.broadcast %add3A_362 : i32 to vector<16xi32>
      %add3A_364 = arith.addi %iota3A, %add3A_363 : vector<16xi32>
      %get3A_365 = arith.constant 16 : index
      %get3A_366 = tpu.vector_load %arg17[%get3A_365] {strides = array<i32>} : memref<160xi32, #tpu.memory_space<vmem>>, vector<16xi32>,
      tpu.vector_store_idx %arg25[%add3A_364, %get3A_366], %broadcast_in_dim3A_1 : memref<160x128xf32, #tpu.memory_space<vmem>>[vector<16xi32>, vector<16xi32>], vector<16xf32>,
      %add3A_367 = arith.constant 32 : i32
      %add3A_368 = vector.broadcast %add3A_367 : i32 to vector<16xi32>
      %add3A_369 = arith.addi %iota3A, %add3A_368 : vector<16xi32>
      %get3A_370 = arith.constant 32 : index
      %get3A_371 = tpu.vector_load %arg17[%get3A_370] {strides = array<i32>} : memref<160xi32, #tpu.memory_space<vmem>>, vector<16xi32>,
      tpu.vector_store_idx %arg25[%add3A_369, %get3A_371], %broadcast_in_dim3A_1 : memref<160x128xf32, #tpu.memory_space<vmem>>[vector<16xi32>, vector<16xi32>], vector<16xf32>,
      %add3A_372 = arith.constant 48 : i32
      %add3A_373 = vector.broadcast %add3A_372 : i32 to vector<16xi32>
      %add3A_374 = arith.addi %iota3A, %add3A_373 : vector<16xi32>
      %get3A_375 = arith.constant 48 : index
      %get3A_376 = tpu.vector_load %arg17[%get3A_375] {strides = array<i32>} : memref<160xi32, #tpu.memory_space<vmem>>, vector<16xi32>,
      tpu.vector_store_idx %arg25[%add3A_374, %get3A_376], %broadcast_in_dim3A_1 : memref<160x128xf32, #tpu.memory_space<vmem>>[vector<16xi32>, vector<16xi32>], vector<16xf32>,
      %add3A_377 = arith.constant 64 : i32
      %add3A_378 = vector.broadcast %add3A_377 : i32 to vector<16xi32>
      %add3A_379 = arith.addi %iota3A, %add3A_378 : vector<16xi32>
      %get3A_380 = arith.constant 64 : index
      %get3A_381 = tpu.vector_load %arg17[%get3A_380] {strides = array<i32>} : memref<160xi32, #tpu.memory_space<vmem>>, vector<16xi32>,
      tpu.vector_store_idx %arg25[%add3A_379, %get3A_381], %broadcast_in_dim3A_1 : memref<160x128xf32, #tpu.memory_space<vmem>>[vector<16xi32>, vector<16xi32>], vector<16xf32>,
      %add3A_382 = arith.constant 80 : i32
      %add3A_383 = vector.broadcast %add3A_382 : i32 to vector<16xi32>
      %add3A_384 = arith.addi %iota3A, %add3A_383 : vector<16xi32>
      %get3A_385 = arith.constant 80 : index
      %get3A_386 = tpu.vector_load %arg17[%get3A_385] {strides = array<i32>} : memref<160xi32, #tpu.memory_space<vmem>>, vector<16xi32>,
      tpu.vector_store_idx %arg25[%add3A_384, %get3A_386], %broadcast_in_dim3A_1 : memref<160x128xf32, #tpu.memory_space<vmem>>[vector<16xi32>, vector<16xi32>], vector<16xf32>,
      %add3A_387 = arith.constant 96 : i32
      %add3A_388 = vector.broadcast %add3A_387 : i32 to vector<16xi32>
      %add3A_389 = arith.addi %iota3A, %add3A_388 : vector<16xi32>
      %get3A_390 = arith.constant 96 : index
      %get3A_391 = tpu.vector_load %arg17[%get3A_390] {strides = array<i32>} : memref<160xi32, #tpu.memory_space<vmem>>, vector<16xi32>,
      tpu.vector_store_idx %arg25[%add3A_389, %get3A_391], %broadcast_in_dim3A_1 : memref<160x128xf32, #tpu.memory_space<vmem>>[vector<16xi32>, vector<16xi32>], vector<16xf32>,
      %add3A_392 = arith.constant 112 : i32
      %add3A_393 = vector.broadcast %add3A_392 : i32 to vector<16xi32>
      %add3A_394 = arith.addi %iota3A, %add3A_393 : vector<16xi32>
      %get3A_395 = arith.constant 112 : index
      %get3A_396 = tpu.vector_load %arg17[%get3A_395] {strides = array<i32>} : memref<160xi32, #tpu.memory_space<vmem>>, vector<16xi32>,
      tpu.vector_store_idx %arg25[%add3A_394, %get3A_396], %broadcast_in_dim3A_1 : memref<160x128xf32, #tpu.memory_space<vmem>>[vector<16xi32>, vector<16xi32>], vector<16xf32>,
      %add3A_397 = arith.constant 128 : i32
      %add3A_398 = vector.broadcast %add3A_397 : i32 to vector<16xi32>
      %add3A_399 = arith.addi %iota3A, %add3A_398 : vector<16xi32>
      %get3A_400 = arith.constant 128 : index
      %get3A_401 = tpu.vector_load %arg17[%get3A_400] {strides = array<i32>} : memref<160xi32, #tpu.memory_space<vmem>>, vector<16xi32>,
      tpu.vector_store_idx %arg25[%add3A_399, %get3A_401], %broadcast_in_dim3A_1 : memref<160x128xf32, #tpu.memory_space<vmem>>[vector<16xi32>, vector<16xi32>], vector<16xf32>,
      %add3A_402 = arith.constant 144 : i32
      %add3A_403 = vector.broadcast %add3A_402 : i32 to vector<16xi32>
      %add3A_404 = arith.addi %iota3A, %add3A_403 : vector<16xi32>
      %get3A_405 = arith.constant 144 : index
      %get3A_406 = tpu.vector_load %arg17[%get3A_405] {strides = array<i32>} : memref<160xi32, #tpu.memory_space<vmem>>, vector<16xi32>,
      tpu.vector_store_idx %arg25[%add3A_404, %get3A_406], %broadcast_in_dim3A_1 : memref<160x128xf32, #tpu.memory_space<vmem>>[vector<16xi32>, vector<16xi32>], vector<16xf32>,
      %dma_start3A_407 = arith.constant 0 : i32
      %dma_start3A_408 = tpu.memref_slice %arg3[%mul3A_59, %dma_start3A_407] : memref<100000x128xf32, #tpu.memory_space<hbm>> -> memref<160x128xf32, #tpu.memory_space<hbm>>
      %dma_start3A_409 = arith.constant 0 : i32
      %dma_start3A_410 = tpu.memref_slice %arg3[%mul3A_59, %dma_start3A_409] : memref<100000x128xf32, #tpu.memory_space<hbm>> -> memref<160x128xf32, #tpu.memory_space<hbm>>
      tpu.enqueue_dma source(%arg25 : memref<160x128xf32, #tpu.memory_space<vmem>>) target(%dma_start3A_410 : memref<160x128xf32, #tpu.memory_space<hbm>>) target_semaphore(%arg47 : memref<!tpu.dma_semaphore, #tpu.memory_space<semaphore_mem>>)
    } else {
    }
    %add3A_227 = arith.constant 448 : i32
    %add3A_228 = arith.addi %add3A, %add3A_227 : i32
    %lt3A_229 = arith.constant 625 : i32
    %lt3A_230 = arith.cmpi slt, %add3A_228, %lt3A_229 : i32
    %convert_element_type3A_231 = arith.extui %lt3A_230 : i1 to i32
    %cond3A_232 = arith.constant 0 : i32
    %cond3A_233 = arith.cmpi ne, %convert_element_type3A_231, %cond3A_232 : i32
    scf.if %cond3A_233 {
      %dma_wait3A = tpu.memref_slice %arg2[%mul3A_63] : memref<100000xi32, #tpu.memory_space<hbm>> -> memref<160xi32, #tpu.memory_space<hbm>>
      %dma_wait3A_303 = tpu.memref_slice %arg2[%mul3A_63] : memref<100000xi32, #tpu.memory_space<hbm>> -> memref<160xi32, #tpu.memory_space<hbm>>
      tpu.wait_dma2 semaphore(%arg40 : memref<!tpu.dma_semaphore, #tpu.memory_space<semaphore_mem>>) src(%dma_wait3A_303 : memref<160xi32, #tpu.memory_space<hbm>>) dst(%arg18 : memref<160xi32, #tpu.memory_space<vmem>>)
      %dma_wait3A_304 = arith.constant 0 : i32
      %dma_wait3A_305 = tpu.memref_slice %arg3[%mul3A_55, %dma_wait3A_304] : memref<100000x128xf32, #tpu.memory_space<hbm>> -> memref<160x128xf32, #tpu.memory_space<hbm>>
      %dma_wait3A_306 = arith.constant 0 : i32
      %dma_wait3A_307 = tpu.memref_slice %arg3[%mul3A_55, %dma_wait3A_306] : memref<100000x128xf32, #tpu.memory_space<hbm>> -> memref<160x128xf32, #tpu.memory_space<hbm>>
      tpu.wait_dma2 semaphore(%arg46 : memref<!tpu.dma_semaphore, #tpu.memory_space<semaphore_mem>>) src(%arg24 : memref<160x128xf32, #tpu.memory_space<vmem>>) dst(%dma_wait3A_307 : memref<160x128xf32, #tpu.memory_space<hbm>>)
      %add3A_308 = arith.constant 0 : i32
      %add3A_309 = vector.broadcast %add3A_308 : i32 to vector<16xi32>
      %add3A_310 = arith.addi %iota3A, %add3A_309 : vector<16xi32>
      %get3A = arith.constant 0 : index
      %get3A_311 = tpu.vector_load %arg16[%get3A] {strides = array<i32>} : memref<160xi32, #tpu.memory_space<vmem>>, vector<16xi32>,
      tpu.vector_store_idx %arg24[%add3A_310, %get3A_311], %broadcast_in_dim3A_3 : memref<160x128xf32, #tpu.memory_space<vmem>>[vector<16xi32>, vector<16xi32>], vector<16xf32>,
      %add3A_312 = arith.constant 16 : i32
      %add3A_313 = vector.broadcast %add3A_312 : i32 to vector<16xi32>
      %add3A_314 = arith.addi %iota3A, %add3A_313 : vector<16xi32>
      %get3A_315 = arith.constant 16 : index
      %get3A_316 = tpu.vector_load %arg16[%get3A_315] {strides = array<i32>} : memref<160xi32, #tpu.memory_space<vmem>>, vector<16xi32>,
      tpu.vector_store_idx %arg24[%add3A_314, %get3A_316], %broadcast_in_dim3A_3 : memref<160x128xf32, #tpu.memory_space<vmem>>[vector<16xi32>, vector<16xi32>], vector<16xf32>,
      %add3A_317 = arith.constant 32 : i32
      %add3A_318 = vector.broadcast %add3A_317 : i32 to vector<16xi32>
      %add3A_319 = arith.addi %iota3A, %add3A_318 : vector<16xi32>
      %get3A_320 = arith.constant 32 : index
      %get3A_321 = tpu.vector_load %arg16[%get3A_320] {strides = array<i32>} : memref<160xi32, #tpu.memory_space<vmem>>, vector<16xi32>,
      tpu.vector_store_idx %arg24[%add3A_319, %get3A_321], %broadcast_in_dim3A_3 : memref<160x128xf32, #tpu.memory_space<vmem>>[vector<16xi32>, vector<16xi32>], vector<16xf32>,
      %add3A_322 = arith.constant 48 : i32
      %add3A_323 = vector.broadcast %add3A_322 : i32 to vector<16xi32>
      %add3A_324 = arith.addi %iota3A, %add3A_323 : vector<16xi32>
      %get3A_325 = arith.constant 48 : index
      %get3A_326 = tpu.vector_load %arg16[%get3A_325] {strides = array<i32>} : memref<160xi32, #tpu.memory_space<vmem>>, vector<16xi32>,
      tpu.vector_store_idx %arg24[%add3A_324, %get3A_326], %broadcast_in_dim3A_3 : memref<160x128xf32, #tpu.memory_space<vmem>>[vector<16xi32>, vector<16xi32>], vector<16xf32>,
      %add3A_327 = arith.constant 64 : i32
      %add3A_328 = vector.broadcast %add3A_327 : i32 to vector<16xi32>
      %add3A_329 = arith.addi %iota3A, %add3A_328 : vector<16xi32>
      %get3A_330 = arith.constant 64 : index
      %get3A_331 = tpu.vector_load %arg16[%get3A_330] {strides = array<i32>} : memref<160xi32, #tpu.memory_space<vmem>>, vector<16xi32>,
      tpu.vector_store_idx %arg24[%add3A_329, %get3A_331], %broadcast_in_dim3A_3 : memref<160x128xf32, #tpu.memory_space<vmem>>[vector<16xi32>, vector<16xi32>], vector<16xf32>,
      %add3A_332 = arith.constant 80 : i32
      %add3A_333 = vector.broadcast %add3A_332 : i32 to vector<16xi32>
      %add3A_334 = arith.addi %iota3A, %add3A_333 : vector<16xi32>
      %get3A_335 = arith.constant 80 : index
      %get3A_336 = tpu.vector_load %arg16[%get3A_335] {strides = array<i32>} : memref<160xi32, #tpu.memory_space<vmem>>, vector<16xi32>,
      tpu.vector_store_idx %arg24[%add3A_334, %get3A_336], %broadcast_in_dim3A_3 : memref<160x128xf32, #tpu.memory_space<vmem>>[vector<16xi32>, vector<16xi32>], vector<16xf32>,
      %add3A_337 = arith.constant 96 : i32
      %add3A_338 = vector.broadcast %add3A_337 : i32 to vector<16xi32>
      %add3A_339 = arith.addi %iota3A, %add3A_338 : vector<16xi32>
      %get3A_340 = arith.constant 96 : index
      %get3A_341 = tpu.vector_load %arg16[%get3A_340] {strides = array<i32>} : memref<160xi32, #tpu.memory_space<vmem>>, vector<16xi32>,
      tpu.vector_store_idx %arg24[%add3A_339, %get3A_341], %broadcast_in_dim3A_3 : memref<160x128xf32, #tpu.memory_space<vmem>>[vector<16xi32>, vector<16xi32>], vector<16xf32>,
      %add3A_342 = arith.constant 112 : i32
      %add3A_343 = vector.broadcast %add3A_342 : i32 to vector<16xi32>
      %add3A_344 = arith.addi %iota3A, %add3A_343 : vector<16xi32>
      %get3A_345 = arith.constant 112 : index
      %get3A_346 = tpu.vector_load %arg16[%get3A_345] {strides = array<i32>} : memref<160xi32, #tpu.memory_space<vmem>>, vector<16xi32>,
      tpu.vector_store_idx %arg24[%add3A_344, %get3A_346], %broadcast_in_dim3A_3 : memref<160x128xf32, #tpu.memory_space<vmem>>[vector<16xi32>, vector<16xi32>], vector<16xf32>,
      %add3A_347 = arith.constant 128 : i32
      %add3A_348 = vector.broadcast %add3A_347 : i32 to vector<16xi32>
      %add3A_349 = arith.addi %iota3A, %add3A_348 : vector<16xi32>
      %get3A_350 = arith.constant 128 : index
      %get3A_351 = tpu.vector_load %arg16[%get3A_350] {strides = array<i32>} : memref<160xi32, #tpu.memory_space<vmem>>, vector<16xi32>,
      tpu.vector_store_idx %arg24[%add3A_349, %get3A_351], %broadcast_in_dim3A_3 : memref<160x128xf32, #tpu.memory_space<vmem>>[vector<16xi32>, vector<16xi32>], vector<16xf32>,
      %add3A_352 = arith.constant 144 : i32
      %add3A_353 = vector.broadcast %add3A_352 : i32 to vector<16xi32>
      %add3A_354 = arith.addi %iota3A, %add3A_353 : vector<16xi32>
      %get3A_355 = arith.constant 144 : index
      %get3A_356 = tpu.vector_load %arg16[%get3A_355] {strides = array<i32>} : memref<160xi32, #tpu.memory_space<vmem>>, vector<16xi32>,
      tpu.vector_store_idx %arg24[%add3A_354, %get3A_356], %broadcast_in_dim3A_3 : memref<160x128xf32, #tpu.memory_space<vmem>>[vector<16xi32>, vector<16xi32>], vector<16xf32>,
      %add3A_357 = arith.constant 0 : i32
      %add3A_358 = vector.broadcast %add3A_357 : i32 to vector<16xi32>
      %add3A_359 = arith.addi %iota3A, %add3A_358 : vector<16xi32>
      %get3A_360 = arith.constant 0 : index
      %get3A_361 = tpu.vector_load %arg18[%get3A_360] {strides = array<i32>} : memref<160xi32, #tpu.memory_space<vmem>>, vector<16xi32>,
      tpu.vector_store_idx %arg24[%add3A_359, %get3A_361], %broadcast_in_dim3A_1 : memref<160x128xf32, #tpu.memory_space<vmem>>[vector<16xi32>, vector<16xi32>], vector<16xf32>,
      %add3A_362 = arith.constant 16 : i32
      %add3A_363 = vector.broadcast %add3A_362 : i32 to vector<16xi32>
      %add3A_364 = arith.addi %iota3A, %add3A_363 : vector<16xi32>
      %get3A_365 = arith.constant 16 : index
      %get3A_366 = tpu.vector_load %arg18[%get3A_365] {strides = array<i32>} : memref<160xi32, #tpu.memory_space<vmem>>, vector<16xi32>,
      tpu.vector_store_idx %arg24[%add3A_364, %get3A_366], %broadcast_in_dim3A_1 : memref<160x128xf32, #tpu.memory_space<vmem>>[vector<16xi32>, vector<16xi32>], vector<16xf32>,
      %add3A_367 = arith.constant 32 : i32
      %add3A_368 = vector.broadcast %add3A_367 : i32 to vector<16xi32>
      %add3A_369 = arith.addi %iota3A, %add3A_368 : vector<16xi32>
      %get3A_370 = arith.constant 32 : index
      %get3A_371 = tpu.vector_load %arg18[%get3A_370] {strides = array<i32>} : memref<160xi32, #tpu.memory_space<vmem>>, vector<16xi32>,
      tpu.vector_store_idx %arg24[%add3A_369, %get3A_371], %broadcast_in_dim3A_1 : memref<160x128xf32, #tpu.memory_space<vmem>>[vector<16xi32>, vector<16xi32>], vector<16xf32>,
      %add3A_372 = arith.constant 48 : i32
      %add3A_373 = vector.broadcast %add3A_372 : i32 to vector<16xi32>
      %add3A_374 = arith.addi %iota3A, %add3A_373 : vector<16xi32>
      %get3A_375 = arith.constant 48 : index
      %get3A_376 = tpu.vector_load %arg18[%get3A_375] {strides = array<i32>} : memref<160xi32, #tpu.memory_space<vmem>>, vector<16xi32>,
      tpu.vector_store_idx %arg24[%add3A_374, %get3A_376], %broadcast_in_dim3A_1 : memref<160x128xf32, #tpu.memory_space<vmem>>[vector<16xi32>, vector<16xi32>], vector<16xf32>,
      %add3A_377 = arith.constant 64 : i32
      %add3A_378 = vector.broadcast %add3A_377 : i32 to vector<16xi32>
      %add3A_379 = arith.addi %iota3A, %add3A_378 : vector<16xi32>
      %get3A_380 = arith.constant 64 : index
      %get3A_381 = tpu.vector_load %arg18[%get3A_380] {strides = array<i32>} : memref<160xi32, #tpu.memory_space<vmem>>, vector<16xi32>,
      tpu.vector_store_idx %arg24[%add3A_379, %get3A_381], %broadcast_in_dim3A_1 : memref<160x128xf32, #tpu.memory_space<vmem>>[vector<16xi32>, vector<16xi32>], vector<16xf32>,
      %add3A_382 = arith.constant 80 : i32
      %add3A_383 = vector.broadcast %add3A_382 : i32 to vector<16xi32>
      %add3A_384 = arith.addi %iota3A, %add3A_383 : vector<16xi32>
      %get3A_385 = arith.constant 80 : index
      %get3A_386 = tpu.vector_load %arg18[%get3A_385] {strides = array<i32>} : memref<160xi32, #tpu.memory_space<vmem>>, vector<16xi32>,
      tpu.vector_store_idx %arg24[%add3A_384, %get3A_386], %broadcast_in_dim3A_1 : memref<160x128xf32, #tpu.memory_space<vmem>>[vector<16xi32>, vector<16xi32>], vector<16xf32>,
      %add3A_387 = arith.constant 96 : i32
      %add3A_388 = vector.broadcast %add3A_387 : i32 to vector<16xi32>
      %add3A_389 = arith.addi %iota3A, %add3A_388 : vector<16xi32>
      %get3A_390 = arith.constant 96 : index
      %get3A_391 = tpu.vector_load %arg18[%get3A_390] {strides = array<i32>} : memref<160xi32, #tpu.memory_space<vmem>>, vector<16xi32>,
      tpu.vector_store_idx %arg24[%add3A_389, %get3A_391], %broadcast_in_dim3A_1 : memref<160x128xf32, #tpu.memory_space<vmem>>[vector<16xi32>, vector<16xi32>], vector<16xf32>,
      %add3A_392 = arith.constant 112 : i32
      %add3A_393 = vector.broadcast %add3A_392 : i32 to vector<16xi32>
      %add3A_394 = arith.addi %iota3A, %add3A_393 : vector<16xi32>
      %get3A_395 = arith.constant 112 : index
      %get3A_396 = tpu.vector_load %arg18[%get3A_395] {strides = array<i32>} : memref<160xi32, #tpu.memory_space<vmem>>, vector<16xi32>,
      tpu.vector_store_idx %arg24[%add3A_394, %get3A_396], %broadcast_in_dim3A_1 : memref<160x128xf32, #tpu.memory_space<vmem>>[vector<16xi32>, vector<16xi32>], vector<16xf32>,
      %add3A_397 = arith.constant 128 : i32
      %add3A_398 = vector.broadcast %add3A_397 : i32 to vector<16xi32>
      %add3A_399 = arith.addi %iota3A, %add3A_398 : vector<16xi32>
      %get3A_400 = arith.constant 128 : index
      %get3A_401 = tpu.vector_load %arg18[%get3A_400] {strides = array<i32>} : memref<160xi32, #tpu.memory_space<vmem>>, vector<16xi32>,
      tpu.vector_store_idx %arg24[%add3A_399, %get3A_401], %broadcast_in_dim3A_1 : memref<160x128xf32, #tpu.memory_space<vmem>>[vector<16xi32>, vector<16xi32>], vector<16xf32>,
      %add3A_402 = arith.constant 144 : i32
      %add3A_403 = vector.broadcast %add3A_402 : i32 to vector<16xi32>
      %add3A_404 = arith.addi %iota3A, %add3A_403 : vector<16xi32>
      %get3A_405 = arith.constant 144 : index
      %get3A_406 = tpu.vector_load %arg18[%get3A_405] {strides = array<i32>} : memref<160xi32, #tpu.memory_space<vmem>>, vector<16xi32>,
      tpu.vector_store_idx %arg24[%add3A_404, %get3A_406], %broadcast_in_dim3A_1 : memref<160x128xf32, #tpu.memory_space<vmem>>[vector<16xi32>, vector<16xi32>], vector<16xf32>,
      %dma_start3A_407 = arith.constant 0 : i32
      %dma_start3A_408 = tpu.memref_slice %arg3[%mul3A_63, %dma_start3A_407] : memref<100000x128xf32, #tpu.memory_space<hbm>> -> memref<160x128xf32, #tpu.memory_space<hbm>>
      %dma_start3A_409 = arith.constant 0 : i32
      %dma_start3A_410 = tpu.memref_slice %arg3[%mul3A_63, %dma_start3A_409] : memref<100000x128xf32, #tpu.memory_space<hbm>> -> memref<160x128xf32, #tpu.memory_space<hbm>>
      tpu.enqueue_dma source(%arg24 : memref<160x128xf32, #tpu.memory_space<vmem>>) target(%dma_start3A_410 : memref<160x128xf32, #tpu.memory_space<hbm>>) target_semaphore(%arg46 : memref<!tpu.dma_semaphore, #tpu.memory_space<semaphore_mem>>)
    } else {
    }
    %add3A_234 = arith.constant 480 : i32
    %add3A_235 = arith.addi %add3A, %add3A_234 : i32
    %lt3A_236 = arith.constant 625 : i32
    %lt3A_237 = arith.cmpi slt, %add3A_235, %lt3A_236 : i32
    %convert_element_type3A_238 = arith.extui %lt3A_237 : i1 to i32
    %cond3A_239 = arith.constant 0 : i32
    %cond3A_240 = arith.cmpi ne, %convert_element_type3A_238, %cond3A_239 : i32
    scf.if %cond3A_240 {
      %dma_wait3A = tpu.memref_slice %arg2[%mul3A_67] : memref<100000xi32, #tpu.memory_space<hbm>> -> memref<160xi32, #tpu.memory_space<hbm>>
      %dma_wait3A_303 = tpu.memref_slice %arg2[%mul3A_67] : memref<100000xi32, #tpu.memory_space<hbm>> -> memref<160xi32, #tpu.memory_space<hbm>>
      tpu.wait_dma2 semaphore(%arg41 : memref<!tpu.dma_semaphore, #tpu.memory_space<semaphore_mem>>) src(%dma_wait3A_303 : memref<160xi32, #tpu.memory_space<hbm>>) dst(%arg19 : memref<160xi32, #tpu.memory_space<vmem>>)
      %dma_wait3A_304 = arith.constant 0 : i32
      %dma_wait3A_305 = tpu.memref_slice %arg3[%mul3A_59, %dma_wait3A_304] : memref<100000x128xf32, #tpu.memory_space<hbm>> -> memref<160x128xf32, #tpu.memory_space<hbm>>
      %dma_wait3A_306 = arith.constant 0 : i32
      %dma_wait3A_307 = tpu.memref_slice %arg3[%mul3A_59, %dma_wait3A_306] : memref<100000x128xf32, #tpu.memory_space<hbm>> -> memref<160x128xf32, #tpu.memory_space<hbm>>
      tpu.wait_dma2 semaphore(%arg47 : memref<!tpu.dma_semaphore, #tpu.memory_space<semaphore_mem>>) src(%arg25 : memref<160x128xf32, #tpu.memory_space<vmem>>) dst(%dma_wait3A_307 : memref<160x128xf32, #tpu.memory_space<hbm>>)
      %add3A_308 = arith.constant 0 : i32
      %add3A_309 = vector.broadcast %add3A_308 : i32 to vector<16xi32>
      %add3A_310 = arith.addi %iota3A, %add3A_309 : vector<16xi32>
      %get3A = arith.constant 0 : index
      %get3A_311 = tpu.vector_load %arg17[%get3A] {strides = array<i32>} : memref<160xi32, #tpu.memory_space<vmem>>, vector<16xi32>,
      tpu.vector_store_idx %arg25[%add3A_310, %get3A_311], %broadcast_in_dim3A_3 : memref<160x128xf32, #tpu.memory_space<vmem>>[vector<16xi32>, vector<16xi32>], vector<16xf32>,
      %add3A_312 = arith.constant 16 : i32
      %add3A_313 = vector.broadcast %add3A_312 : i32 to vector<16xi32>
      %add3A_314 = arith.addi %iota3A, %add3A_313 : vector<16xi32>
      %get3A_315 = arith.constant 16 : index
      %get3A_316 = tpu.vector_load %arg17[%get3A_315] {strides = array<i32>} : memref<160xi32, #tpu.memory_space<vmem>>, vector<16xi32>,
      tpu.vector_store_idx %arg25[%add3A_314, %get3A_316], %broadcast_in_dim3A_3 : memref<160x128xf32, #tpu.memory_space<vmem>>[vector<16xi32>, vector<16xi32>], vector<16xf32>,
      %add3A_317 = arith.constant 32 : i32
      %add3A_318 = vector.broadcast %add3A_317 : i32 to vector<16xi32>
      %add3A_319 = arith.addi %iota3A, %add3A_318 : vector<16xi32>
      %get3A_320 = arith.constant 32 : index
      %get3A_321 = tpu.vector_load %arg17[%get3A_320] {strides = array<i32>} : memref<160xi32, #tpu.memory_space<vmem>>, vector<16xi32>,
      tpu.vector_store_idx %arg25[%add3A_319, %get3A_321], %broadcast_in_dim3A_3 : memref<160x128xf32, #tpu.memory_space<vmem>>[vector<16xi32>, vector<16xi32>], vector<16xf32>,
      %add3A_322 = arith.constant 48 : i32
      %add3A_323 = vector.broadcast %add3A_322 : i32 to vector<16xi32>
      %add3A_324 = arith.addi %iota3A, %add3A_323 : vector<16xi32>
      %get3A_325 = arith.constant 48 : index
      %get3A_326 = tpu.vector_load %arg17[%get3A_325] {strides = array<i32>} : memref<160xi32, #tpu.memory_space<vmem>>, vector<16xi32>,
      tpu.vector_store_idx %arg25[%add3A_324, %get3A_326], %broadcast_in_dim3A_3 : memref<160x128xf32, #tpu.memory_space<vmem>>[vector<16xi32>, vector<16xi32>], vector<16xf32>,
      %add3A_327 = arith.constant 64 : i32
      %add3A_328 = vector.broadcast %add3A_327 : i32 to vector<16xi32>
      %add3A_329 = arith.addi %iota3A, %add3A_328 : vector<16xi32>
      %get3A_330 = arith.constant 64 : index
      %get3A_331 = tpu.vector_load %arg17[%get3A_330] {strides = array<i32>} : memref<160xi32, #tpu.memory_space<vmem>>, vector<16xi32>,
      tpu.vector_store_idx %arg25[%add3A_329, %get3A_331], %broadcast_in_dim3A_3 : memref<160x128xf32, #tpu.memory_space<vmem>>[vector<16xi32>, vector<16xi32>], vector<16xf32>,
      %add3A_332 = arith.constant 80 : i32
      %add3A_333 = vector.broadcast %add3A_332 : i32 to vector<16xi32>
      %add3A_334 = arith.addi %iota3A, %add3A_333 : vector<16xi32>
      %get3A_335 = arith.constant 80 : index
      %get3A_336 = tpu.vector_load %arg17[%get3A_335] {strides = array<i32>} : memref<160xi32, #tpu.memory_space<vmem>>, vector<16xi32>,
      tpu.vector_store_idx %arg25[%add3A_334, %get3A_336], %broadcast_in_dim3A_3 : memref<160x128xf32, #tpu.memory_space<vmem>>[vector<16xi32>, vector<16xi32>], vector<16xf32>,
      %add3A_337 = arith.constant 96 : i32
      %add3A_338 = vector.broadcast %add3A_337 : i32 to vector<16xi32>
      %add3A_339 = arith.addi %iota3A, %add3A_338 : vector<16xi32>
      %get3A_340 = arith.constant 96 : index
      %get3A_341 = tpu.vector_load %arg17[%get3A_340] {strides = array<i32>} : memref<160xi32, #tpu.memory_space<vmem>>, vector<16xi32>,
      tpu.vector_store_idx %arg25[%add3A_339, %get3A_341], %broadcast_in_dim3A_3 : memref<160x128xf32, #tpu.memory_space<vmem>>[vector<16xi32>, vector<16xi32>], vector<16xf32>,
      %add3A_342 = arith.constant 112 : i32
      %add3A_343 = vector.broadcast %add3A_342 : i32 to vector<16xi32>
      %add3A_344 = arith.addi %iota3A, %add3A_343 : vector<16xi32>
      %get3A_345 = arith.constant 112 : index
      %get3A_346 = tpu.vector_load %arg17[%get3A_345] {strides = array<i32>} : memref<160xi32, #tpu.memory_space<vmem>>, vector<16xi32>,
      tpu.vector_store_idx %arg25[%add3A_344, %get3A_346], %broadcast_in_dim3A_3 : memref<160x128xf32, #tpu.memory_space<vmem>>[vector<16xi32>, vector<16xi32>], vector<16xf32>,
      %add3A_347 = arith.constant 128 : i32
      %add3A_348 = vector.broadcast %add3A_347 : i32 to vector<16xi32>
      %add3A_349 = arith.addi %iota3A, %add3A_348 : vector<16xi32>
      %get3A_350 = arith.constant 128 : index
      %get3A_351 = tpu.vector_load %arg17[%get3A_350] {strides = array<i32>} : memref<160xi32, #tpu.memory_space<vmem>>, vector<16xi32>,
      tpu.vector_store_idx %arg25[%add3A_349, %get3A_351], %broadcast_in_dim3A_3 : memref<160x128xf32, #tpu.memory_space<vmem>>[vector<16xi32>, vector<16xi32>], vector<16xf32>,
      %add3A_352 = arith.constant 144 : i32
      %add3A_353 = vector.broadcast %add3A_352 : i32 to vector<16xi32>
      %add3A_354 = arith.addi %iota3A, %add3A_353 : vector<16xi32>
      %get3A_355 = arith.constant 144 : index
      %get3A_356 = tpu.vector_load %arg17[%get3A_355] {strides = array<i32>} : memref<160xi32, #tpu.memory_space<vmem>>, vector<16xi32>,
      tpu.vector_store_idx %arg25[%add3A_354, %get3A_356], %broadcast_in_dim3A_3 : memref<160x128xf32, #tpu.memory_space<vmem>>[vector<16xi32>, vector<16xi32>], vector<16xf32>,
      %add3A_357 = arith.constant 0 : i32
      %add3A_358 = vector.broadcast %add3A_357 : i32 to vector<16xi32>
      %add3A_359 = arith.addi %iota3A, %add3A_358 : vector<16xi32>
      %get3A_360 = arith.constant 0 : index
      %get3A_361 = tpu.vector_load %arg19[%get3A_360] {strides = array<i32>} : memref<160xi32, #tpu.memory_space<vmem>>, vector<16xi32>,
      tpu.vector_store_idx %arg25[%add3A_359, %get3A_361], %broadcast_in_dim3A_1 : memref<160x128xf32, #tpu.memory_space<vmem>>[vector<16xi32>, vector<16xi32>], vector<16xf32>,
      %add3A_362 = arith.constant 16 : i32
      %add3A_363 = vector.broadcast %add3A_362 : i32 to vector<16xi32>
      %add3A_364 = arith.addi %iota3A, %add3A_363 : vector<16xi32>
      %get3A_365 = arith.constant 16 : index
      %get3A_366 = tpu.vector_load %arg19[%get3A_365] {strides = array<i32>} : memref<160xi32, #tpu.memory_space<vmem>>, vector<16xi32>,
      tpu.vector_store_idx %arg25[%add3A_364, %get3A_366], %broadcast_in_dim3A_1 : memref<160x128xf32, #tpu.memory_space<vmem>>[vector<16xi32>, vector<16xi32>], vector<16xf32>,
      %add3A_367 = arith.constant 32 : i32
      %add3A_368 = vector.broadcast %add3A_367 : i32 to vector<16xi32>
      %add3A_369 = arith.addi %iota3A, %add3A_368 : vector<16xi32>
      %get3A_370 = arith.constant 32 : index
      %get3A_371 = tpu.vector_load %arg19[%get3A_370] {strides = array<i32>} : memref<160xi32, #tpu.memory_space<vmem>>, vector<16xi32>,
      tpu.vector_store_idx %arg25[%add3A_369, %get3A_371], %broadcast_in_dim3A_1 : memref<160x128xf32, #tpu.memory_space<vmem>>[vector<16xi32>, vector<16xi32>], vector<16xf32>,
      %add3A_372 = arith.constant 48 : i32
      %add3A_373 = vector.broadcast %add3A_372 : i32 to vector<16xi32>
      %add3A_374 = arith.addi %iota3A, %add3A_373 : vector<16xi32>
      %get3A_375 = arith.constant 48 : index
      %get3A_376 = tpu.vector_load %arg19[%get3A_375] {strides = array<i32>} : memref<160xi32, #tpu.memory_space<vmem>>, vector<16xi32>,
      tpu.vector_store_idx %arg25[%add3A_374, %get3A_376], %broadcast_in_dim3A_1 : memref<160x128xf32, #tpu.memory_space<vmem>>[vector<16xi32>, vector<16xi32>], vector<16xf32>,
      %add3A_377 = arith.constant 64 : i32
      %add3A_378 = vector.broadcast %add3A_377 : i32 to vector<16xi32>
      %add3A_379 = arith.addi %iota3A, %add3A_378 : vector<16xi32>
      %get3A_380 = arith.constant 64 : index
      %get3A_381 = tpu.vector_load %arg19[%get3A_380] {strides = array<i32>} : memref<160xi32, #tpu.memory_space<vmem>>, vector<16xi32>,
      tpu.vector_store_idx %arg25[%add3A_379, %get3A_381], %broadcast_in_dim3A_1 : memref<160x128xf32, #tpu.memory_space<vmem>>[vector<16xi32>, vector<16xi32>], vector<16xf32>,
      %add3A_382 = arith.constant 80 : i32
      %add3A_383 = vector.broadcast %add3A_382 : i32 to vector<16xi32>
      %add3A_384 = arith.addi %iota3A, %add3A_383 : vector<16xi32>
      %get3A_385 = arith.constant 80 : index
      %get3A_386 = tpu.vector_load %arg19[%get3A_385] {strides = array<i32>} : memref<160xi32, #tpu.memory_space<vmem>>, vector<16xi32>,
      tpu.vector_store_idx %arg25[%add3A_384, %get3A_386], %broadcast_in_dim3A_1 : memref<160x128xf32, #tpu.memory_space<vmem>>[vector<16xi32>, vector<16xi32>], vector<16xf32>,
      %add3A_387 = arith.constant 96 : i32
      %add3A_388 = vector.broadcast %add3A_387 : i32 to vector<16xi32>
      %add3A_389 = arith.addi %iota3A, %add3A_388 : vector<16xi32>
      %get3A_390 = arith.constant 96 : index
      %get3A_391 = tpu.vector_load %arg19[%get3A_390] {strides = array<i32>} : memref<160xi32, #tpu.memory_space<vmem>>, vector<16xi32>,
      tpu.vector_store_idx %arg25[%add3A_389, %get3A_391], %broadcast_in_dim3A_1 : memref<160x128xf32, #tpu.memory_space<vmem>>[vector<16xi32>, vector<16xi32>], vector<16xf32>,
      %add3A_392 = arith.constant 112 : i32
      %add3A_393 = vector.broadcast %add3A_392 : i32 to vector<16xi32>
      %add3A_394 = arith.addi %iota3A, %add3A_393 : vector<16xi32>
      %get3A_395 = arith.constant 112 : index
      %get3A_396 = tpu.vector_load %arg19[%get3A_395] {strides = array<i32>} : memref<160xi32, #tpu.memory_space<vmem>>, vector<16xi32>,
      tpu.vector_store_idx %arg25[%add3A_394, %get3A_396], %broadcast_in_dim3A_1 : memref<160x128xf32, #tpu.memory_space<vmem>>[vector<16xi32>, vector<16xi32>], vector<16xf32>,
      %add3A_397 = arith.constant 128 : i32
      %add3A_398 = vector.broadcast %add3A_397 : i32 to vector<16xi32>
      %add3A_399 = arith.addi %iota3A, %add3A_398 : vector<16xi32>
      %get3A_400 = arith.constant 128 : index
      %get3A_401 = tpu.vector_load %arg19[%get3A_400] {strides = array<i32>} : memref<160xi32, #tpu.memory_space<vmem>>, vector<16xi32>,
      tpu.vector_store_idx %arg25[%add3A_399, %get3A_401], %broadcast_in_dim3A_1 : memref<160x128xf32, #tpu.memory_space<vmem>>[vector<16xi32>, vector<16xi32>], vector<16xf32>,
      %add3A_402 = arith.constant 144 : i32
      %add3A_403 = vector.broadcast %add3A_402 : i32 to vector<16xi32>
      %add3A_404 = arith.addi %iota3A, %add3A_403 : vector<16xi32>
      %get3A_405 = arith.constant 144 : index
      %get3A_406 = tpu.vector_load %arg19[%get3A_405] {strides = array<i32>} : memref<160xi32, #tpu.memory_space<vmem>>, vector<16xi32>,
      tpu.vector_store_idx %arg25[%add3A_404, %get3A_406], %broadcast_in_dim3A_1 : memref<160x128xf32, #tpu.memory_space<vmem>>[vector<16xi32>, vector<16xi32>], vector<16xf32>,
      %dma_start3A_407 = arith.constant 0 : i32
      %dma_start3A_408 = tpu.memref_slice %arg3[%mul3A_67, %dma_start3A_407] : memref<100000x128xf32, #tpu.memory_space<hbm>> -> memref<160x128xf32, #tpu.memory_space<hbm>>
      %dma_start3A_409 = arith.constant 0 : i32
      %dma_start3A_410 = tpu.memref_slice %arg3[%mul3A_67, %dma_start3A_409] : memref<100000x128xf32, #tpu.memory_space<hbm>> -> memref<160x128xf32, #tpu.memory_space<hbm>>
      tpu.enqueue_dma source(%arg25 : memref<160x128xf32, #tpu.memory_space<vmem>>) target(%dma_start3A_410 : memref<160x128xf32, #tpu.memory_space<hbm>>) target_semaphore(%arg47 : memref<!tpu.dma_semaphore, #tpu.memory_space<semaphore_mem>>)
    } else {
    }
    %add3A_241 = arith.constant 512 : i32
    %add3A_242 = arith.addi %add3A, %add3A_241 : i32
    %lt3A_243 = arith.constant 625 : i32
    %lt3A_244 = arith.cmpi slt, %add3A_242, %lt3A_243 : i32
    %convert_element_type3A_245 = arith.extui %lt3A_244 : i1 to i32
    %cond3A_246 = arith.constant 0 : i32
    %cond3A_247 = arith.cmpi ne, %convert_element_type3A_245, %cond3A_246 : i32
    scf.if %cond3A_247 {
      %dma_wait3A = tpu.memref_slice %arg2[%mul3A_71] : memref<100000xi32, #tpu.memory_space<hbm>> -> memref<160xi32, #tpu.memory_space<hbm>>
      %dma_wait3A_303 = tpu.memref_slice %arg2[%mul3A_71] : memref<100000xi32, #tpu.memory_space<hbm>> -> memref<160xi32, #tpu.memory_space<hbm>>
      tpu.wait_dma2 semaphore(%arg42 : memref<!tpu.dma_semaphore, #tpu.memory_space<semaphore_mem>>) src(%dma_wait3A_303 : memref<160xi32, #tpu.memory_space<hbm>>) dst(%arg20 : memref<160xi32, #tpu.memory_space<vmem>>)
      %dma_wait3A_304 = arith.constant 0 : i32
      %dma_wait3A_305 = tpu.memref_slice %arg3[%mul3A_63, %dma_wait3A_304] : memref<100000x128xf32, #tpu.memory_space<hbm>> -> memref<160x128xf32, #tpu.memory_space<hbm>>
      %dma_wait3A_306 = arith.constant 0 : i32
      %dma_wait3A_307 = tpu.memref_slice %arg3[%mul3A_63, %dma_wait3A_306] : memref<100000x128xf32, #tpu.memory_space<hbm>> -> memref<160x128xf32, #tpu.memory_space<hbm>>
      tpu.wait_dma2 semaphore(%arg46 : memref<!tpu.dma_semaphore, #tpu.memory_space<semaphore_mem>>) src(%arg24 : memref<160x128xf32, #tpu.memory_space<vmem>>) dst(%dma_wait3A_307 : memref<160x128xf32, #tpu.memory_space<hbm>>)
      %add3A_308 = arith.constant 0 : i32
      %add3A_309 = vector.broadcast %add3A_308 : i32 to vector<16xi32>
      %add3A_310 = arith.addi %iota3A, %add3A_309 : vector<16xi32>
      %get3A = arith.constant 0 : index
      %get3A_311 = tpu.vector_load %arg18[%get3A] {strides = array<i32>} : memref<160xi32, #tpu.memory_space<vmem>>, vector<16xi32>,
      tpu.vector_store_idx %arg24[%add3A_310, %get3A_311], %broadcast_in_dim3A_3 : memref<160x128xf32, #tpu.memory_space<vmem>>[vector<16xi32>, vector<16xi32>], vector<16xf32>,
      %add3A_312 = arith.constant 16 : i32
      %add3A_313 = vector.broadcast %add3A_312 : i32 to vector<16xi32>
      %add3A_314 = arith.addi %iota3A, %add3A_313 : vector<16xi32>
      %get3A_315 = arith.constant 16 : index
      %get3A_316 = tpu.vector_load %arg18[%get3A_315] {strides = array<i32>} : memref<160xi32, #tpu.memory_space<vmem>>, vector<16xi32>,
      tpu.vector_store_idx %arg24[%add3A_314, %get3A_316], %broadcast_in_dim3A_3 : memref<160x128xf32, #tpu.memory_space<vmem>>[vector<16xi32>, vector<16xi32>], vector<16xf32>,
      %add3A_317 = arith.constant 32 : i32
      %add3A_318 = vector.broadcast %add3A_317 : i32 to vector<16xi32>
      %add3A_319 = arith.addi %iota3A, %add3A_318 : vector<16xi32>
      %get3A_320 = arith.constant 32 : index
      %get3A_321 = tpu.vector_load %arg18[%get3A_320] {strides = array<i32>} : memref<160xi32, #tpu.memory_space<vmem>>, vector<16xi32>,
      tpu.vector_store_idx %arg24[%add3A_319, %get3A_321], %broadcast_in_dim3A_3 : memref<160x128xf32, #tpu.memory_space<vmem>>[vector<16xi32>, vector<16xi32>], vector<16xf32>,
      %add3A_322 = arith.constant 48 : i32
      %add3A_323 = vector.broadcast %add3A_322 : i32 to vector<16xi32>
      %add3A_324 = arith.addi %iota3A, %add3A_323 : vector<16xi32>
      %get3A_325 = arith.constant 48 : index
      %get3A_326 = tpu.vector_load %arg18[%get3A_325] {strides = array<i32>} : memref<160xi32, #tpu.memory_space<vmem>>, vector<16xi32>,
      tpu.vector_store_idx %arg24[%add3A_324, %get3A_326], %broadcast_in_dim3A_3 : memref<160x128xf32, #tpu.memory_space<vmem>>[vector<16xi32>, vector<16xi32>], vector<16xf32>,
      %add3A_327 = arith.constant 64 : i32
      %add3A_328 = vector.broadcast %add3A_327 : i32 to vector<16xi32>
      %add3A_329 = arith.addi %iota3A, %add3A_328 : vector<16xi32>
      %get3A_330 = arith.constant 64 : index
      %get3A_331 = tpu.vector_load %arg18[%get3A_330] {strides = array<i32>} : memref<160xi32, #tpu.memory_space<vmem>>, vector<16xi32>,
      tpu.vector_store_idx %arg24[%add3A_329, %get3A_331], %broadcast_in_dim3A_3 : memref<160x128xf32, #tpu.memory_space<vmem>>[vector<16xi32>, vector<16xi32>], vector<16xf32>,
      %add3A_332 = arith.constant 80 : i32
      %add3A_333 = vector.broadcast %add3A_332 : i32 to vector<16xi32>
      %add3A_334 = arith.addi %iota3A, %add3A_333 : vector<16xi32>
      %get3A_335 = arith.constant 80 : index
      %get3A_336 = tpu.vector_load %arg18[%get3A_335] {strides = array<i32>} : memref<160xi32, #tpu.memory_space<vmem>>, vector<16xi32>,
      tpu.vector_store_idx %arg24[%add3A_334, %get3A_336], %broadcast_in_dim3A_3 : memref<160x128xf32, #tpu.memory_space<vmem>>[vector<16xi32>, vector<16xi32>], vector<16xf32>,
      %add3A_337 = arith.constant 96 : i32
      %add3A_338 = vector.broadcast %add3A_337 : i32 to vector<16xi32>
      %add3A_339 = arith.addi %iota3A, %add3A_338 : vector<16xi32>
      %get3A_340 = arith.constant 96 : index
      %get3A_341 = tpu.vector_load %arg18[%get3A_340] {strides = array<i32>} : memref<160xi32, #tpu.memory_space<vmem>>, vector<16xi32>,
      tpu.vector_store_idx %arg24[%add3A_339, %get3A_341], %broadcast_in_dim3A_3 : memref<160x128xf32, #tpu.memory_space<vmem>>[vector<16xi32>, vector<16xi32>], vector<16xf32>,
      %add3A_342 = arith.constant 112 : i32
      %add3A_343 = vector.broadcast %add3A_342 : i32 to vector<16xi32>
      %add3A_344 = arith.addi %iota3A, %add3A_343 : vector<16xi32>
      %get3A_345 = arith.constant 112 : index
      %get3A_346 = tpu.vector_load %arg18[%get3A_345] {strides = array<i32>} : memref<160xi32, #tpu.memory_space<vmem>>, vector<16xi32>,
      tpu.vector_store_idx %arg24[%add3A_344, %get3A_346], %broadcast_in_dim3A_3 : memref<160x128xf32, #tpu.memory_space<vmem>>[vector<16xi32>, vector<16xi32>], vector<16xf32>,
      %add3A_347 = arith.constant 128 : i32
      %add3A_348 = vector.broadcast %add3A_347 : i32 to vector<16xi32>
      %add3A_349 = arith.addi %iota3A, %add3A_348 : vector<16xi32>
      %get3A_350 = arith.constant 128 : index
      %get3A_351 = tpu.vector_load %arg18[%get3A_350] {strides = array<i32>} : memref<160xi32, #tpu.memory_space<vmem>>, vector<16xi32>,
      tpu.vector_store_idx %arg24[%add3A_349, %get3A_351], %broadcast_in_dim3A_3 : memref<160x128xf32, #tpu.memory_space<vmem>>[vector<16xi32>, vector<16xi32>], vector<16xf32>,
      %add3A_352 = arith.constant 144 : i32
      %add3A_353 = vector.broadcast %add3A_352 : i32 to vector<16xi32>
      %add3A_354 = arith.addi %iota3A, %add3A_353 : vector<16xi32>
      %get3A_355 = arith.constant 144 : index
      %get3A_356 = tpu.vector_load %arg18[%get3A_355] {strides = array<i32>} : memref<160xi32, #tpu.memory_space<vmem>>, vector<16xi32>,
      tpu.vector_store_idx %arg24[%add3A_354, %get3A_356], %broadcast_in_dim3A_3 : memref<160x128xf32, #tpu.memory_space<vmem>>[vector<16xi32>, vector<16xi32>], vector<16xf32>,
      %add3A_357 = arith.constant 0 : i32
      %add3A_358 = vector.broadcast %add3A_357 : i32 to vector<16xi32>
      %add3A_359 = arith.addi %iota3A, %add3A_358 : vector<16xi32>
      %get3A_360 = arith.constant 0 : index
      %get3A_361 = tpu.vector_load %arg20[%get3A_360] {strides = array<i32>} : memref<160xi32, #tpu.memory_space<vmem>>, vector<16xi32>,
      tpu.vector_store_idx %arg24[%add3A_359, %get3A_361], %broadcast_in_dim3A_1 : memref<160x128xf32, #tpu.memory_space<vmem>>[vector<16xi32>, vector<16xi32>], vector<16xf32>,
      %add3A_362 = arith.constant 16 : i32
      %add3A_363 = vector.broadcast %add3A_362 : i32 to vector<16xi32>
      %add3A_364 = arith.addi %iota3A, %add3A_363 : vector<16xi32>
      %get3A_365 = arith.constant 16 : index
      %get3A_366 = tpu.vector_load %arg20[%get3A_365] {strides = array<i32>} : memref<160xi32, #tpu.memory_space<vmem>>, vector<16xi32>,
      tpu.vector_store_idx %arg24[%add3A_364, %get3A_366], %broadcast_in_dim3A_1 : memref<160x128xf32, #tpu.memory_space<vmem>>[vector<16xi32>, vector<16xi32>], vector<16xf32>,
      %add3A_367 = arith.constant 32 : i32
      %add3A_368 = vector.broadcast %add3A_367 : i32 to vector<16xi32>
      %add3A_369 = arith.addi %iota3A, %add3A_368 : vector<16xi32>
      %get3A_370 = arith.constant 32 : index
      %get3A_371 = tpu.vector_load %arg20[%get3A_370] {strides = array<i32>} : memref<160xi32, #tpu.memory_space<vmem>>, vector<16xi32>,
      tpu.vector_store_idx %arg24[%add3A_369, %get3A_371], %broadcast_in_dim3A_1 : memref<160x128xf32, #tpu.memory_space<vmem>>[vector<16xi32>, vector<16xi32>], vector<16xf32>,
      %add3A_372 = arith.constant 48 : i32
      %add3A_373 = vector.broadcast %add3A_372 : i32 to vector<16xi32>
      %add3A_374 = arith.addi %iota3A, %add3A_373 : vector<16xi32>
      %get3A_375 = arith.constant 48 : index
      %get3A_376 = tpu.vector_load %arg20[%get3A_375] {strides = array<i32>} : memref<160xi32, #tpu.memory_space<vmem>>, vector<16xi32>,
      tpu.vector_store_idx %arg24[%add3A_374, %get3A_376], %broadcast_in_dim3A_1 : memref<160x128xf32, #tpu.memory_space<vmem>>[vector<16xi32>, vector<16xi32>], vector<16xf32>,
      %add3A_377 = arith.constant 64 : i32
      %add3A_378 = vector.broadcast %add3A_377 : i32 to vector<16xi32>
      %add3A_379 = arith.addi %iota3A, %add3A_378 : vector<16xi32>
      %get3A_380 = arith.constant 64 : index
      %get3A_381 = tpu.vector_load %arg20[%get3A_380] {strides = array<i32>} : memref<160xi32, #tpu.memory_space<vmem>>, vector<16xi32>,
      tpu.vector_store_idx %arg24[%add3A_379, %get3A_381], %broadcast_in_dim3A_1 : memref<160x128xf32, #tpu.memory_space<vmem>>[vector<16xi32>, vector<16xi32>], vector<16xf32>,
      %add3A_382 = arith.constant 80 : i32
      %add3A_383 = vector.broadcast %add3A_382 : i32 to vector<16xi32>
      %add3A_384 = arith.addi %iota3A, %add3A_383 : vector<16xi32>
      %get3A_385 = arith.constant 80 : index
      %get3A_386 = tpu.vector_load %arg20[%get3A_385] {strides = array<i32>} : memref<160xi32, #tpu.memory_space<vmem>>, vector<16xi32>,
      tpu.vector_store_idx %arg24[%add3A_384, %get3A_386], %broadcast_in_dim3A_1 : memref<160x128xf32, #tpu.memory_space<vmem>>[vector<16xi32>, vector<16xi32>], vector<16xf32>,
      %add3A_387 = arith.constant 96 : i32
      %add3A_388 = vector.broadcast %add3A_387 : i32 to vector<16xi32>
      %add3A_389 = arith.addi %iota3A, %add3A_388 : vector<16xi32>
      %get3A_390 = arith.constant 96 : index
      %get3A_391 = tpu.vector_load %arg20[%get3A_390] {strides = array<i32>} : memref<160xi32, #tpu.memory_space<vmem>>, vector<16xi32>,
      tpu.vector_store_idx %arg24[%add3A_389, %get3A_391], %broadcast_in_dim3A_1 : memref<160x128xf32, #tpu.memory_space<vmem>>[vector<16xi32>, vector<16xi32>], vector<16xf32>,
      %add3A_392 = arith.constant 112 : i32
      %add3A_393 = vector.broadcast %add3A_392 : i32 to vector<16xi32>
      %add3A_394 = arith.addi %iota3A, %add3A_393 : vector<16xi32>
      %get3A_395 = arith.constant 112 : index
      %get3A_396 = tpu.vector_load %arg20[%get3A_395] {strides = array<i32>} : memref<160xi32, #tpu.memory_space<vmem>>, vector<16xi32>,
      tpu.vector_store_idx %arg24[%add3A_394, %get3A_396], %broadcast_in_dim3A_1 : memref<160x128xf32, #tpu.memory_space<vmem>>[vector<16xi32>, vector<16xi32>], vector<16xf32>,
      %add3A_397 = arith.constant 128 : i32
      %add3A_398 = vector.broadcast %add3A_397 : i32 to vector<16xi32>
      %add3A_399 = arith.addi %iota3A, %add3A_398 : vector<16xi32>
      %get3A_400 = arith.constant 128 : index
      %get3A_401 = tpu.vector_load %arg20[%get3A_400] {strides = array<i32>} : memref<160xi32, #tpu.memory_space<vmem>>, vector<16xi32>,
      tpu.vector_store_idx %arg24[%add3A_399, %get3A_401], %broadcast_in_dim3A_1 : memref<160x128xf32, #tpu.memory_space<vmem>>[vector<16xi32>, vector<16xi32>], vector<16xf32>,
      %add3A_402 = arith.constant 144 : i32
      %add3A_403 = vector.broadcast %add3A_402 : i32 to vector<16xi32>
      %add3A_404 = arith.addi %iota3A, %add3A_403 : vector<16xi32>
      %get3A_405 = arith.constant 144 : index
      %get3A_406 = tpu.vector_load %arg20[%get3A_405] {strides = array<i32>} : memref<160xi32, #tpu.memory_space<vmem>>, vector<16xi32>,
      tpu.vector_store_idx %arg24[%add3A_404, %get3A_406], %broadcast_in_dim3A_1 : memref<160x128xf32, #tpu.memory_space<vmem>>[vector<16xi32>, vector<16xi32>], vector<16xf32>,
      %dma_start3A_407 = arith.constant 0 : i32
      %dma_start3A_408 = tpu.memref_slice %arg3[%mul3A_71, %dma_start3A_407] : memref<100000x128xf32, #tpu.memory_space<hbm>> -> memref<160x128xf32, #tpu.memory_space<hbm>>
      %dma_start3A_409 = arith.constant 0 : i32
      %dma_start3A_410 = tpu.memref_slice %arg3[%mul3A_71, %dma_start3A_409] : memref<100000x128xf32, #tpu.memory_space<hbm>> -> memref<160x128xf32, #tpu.memory_space<hbm>>
      tpu.enqueue_dma source(%arg24 : memref<160x128xf32, #tpu.memory_space<vmem>>) target(%dma_start3A_410 : memref<160x128xf32, #tpu.memory_space<hbm>>) target_semaphore(%arg46 : memref<!tpu.dma_semaphore, #tpu.memory_space<semaphore_mem>>)
    } else {
    }
    %add3A_248 = arith.constant 544 : i32
    %add3A_249 = arith.addi %add3A, %add3A_248 : i32
    %lt3A_250 = arith.constant 625 : i32
    %lt3A_251 = arith.cmpi slt, %add3A_249, %lt3A_250 : i32
    %convert_element_type3A_252 = arith.extui %lt3A_251 : i1 to i32
    %cond3A_253 = arith.constant 0 : i32
    %cond3A_254 = arith.cmpi ne, %convert_element_type3A_252, %cond3A_253 : i32
    scf.if %cond3A_254 {
      %dma_wait3A = tpu.memref_slice %arg2[%mul3A_75] : memref<100000xi32, #tpu.memory_space<hbm>> -> memref<160xi32, #tpu.memory_space<hbm>>
      %dma_wait3A_303 = tpu.memref_slice %arg2[%mul3A_75] : memref<100000xi32, #tpu.memory_space<hbm>> -> memref<160xi32, #tpu.memory_space<hbm>>
      tpu.wait_dma2 semaphore(%arg43 : memref<!tpu.dma_semaphore, #tpu.memory_space<semaphore_mem>>) src(%dma_wait3A_303 : memref<160xi32, #tpu.memory_space<hbm>>) dst(%arg21 : memref<160xi32, #tpu.memory_space<vmem>>)
      %dma_wait3A_304 = arith.constant 0 : i32
      %dma_wait3A_305 = tpu.memref_slice %arg3[%mul3A_67, %dma_wait3A_304] : memref<100000x128xf32, #tpu.memory_space<hbm>> -> memref<160x128xf32, #tpu.memory_space<hbm>>
      %dma_wait3A_306 = arith.constant 0 : i32
      %dma_wait3A_307 = tpu.memref_slice %arg3[%mul3A_67, %dma_wait3A_306] : memref<100000x128xf32, #tpu.memory_space<hbm>> -> memref<160x128xf32, #tpu.memory_space<hbm>>
      tpu.wait_dma2 semaphore(%arg47 : memref<!tpu.dma_semaphore, #tpu.memory_space<semaphore_mem>>) src(%arg25 : memref<160x128xf32, #tpu.memory_space<vmem>>) dst(%dma_wait3A_307 : memref<160x128xf32, #tpu.memory_space<hbm>>)
      %add3A_308 = arith.constant 0 : i32
      %add3A_309 = vector.broadcast %add3A_308 : i32 to vector<16xi32>
      %add3A_310 = arith.addi %iota3A, %add3A_309 : vector<16xi32>
      %get3A = arith.constant 0 : index
      %get3A_311 = tpu.vector_load %arg19[%get3A] {strides = array<i32>} : memref<160xi32, #tpu.memory_space<vmem>>, vector<16xi32>,
      tpu.vector_store_idx %arg25[%add3A_310, %get3A_311], %broadcast_in_dim3A_3 : memref<160x128xf32, #tpu.memory_space<vmem>>[vector<16xi32>, vector<16xi32>], vector<16xf32>,
      %add3A_312 = arith.constant 16 : i32
      %add3A_313 = vector.broadcast %add3A_312 : i32 to vector<16xi32>
      %add3A_314 = arith.addi %iota3A, %add3A_313 : vector<16xi32>
      %get3A_315 = arith.constant 16 : index
      %get3A_316 = tpu.vector_load %arg19[%get3A_315] {strides = array<i32>} : memref<160xi32, #tpu.memory_space<vmem>>, vector<16xi32>,
      tpu.vector_store_idx %arg25[%add3A_314, %get3A_316], %broadcast_in_dim3A_3 : memref<160x128xf32, #tpu.memory_space<vmem>>[vector<16xi32>, vector<16xi32>], vector<16xf32>,
      %add3A_317 = arith.constant 32 : i32
      %add3A_318 = vector.broadcast %add3A_317 : i32 to vector<16xi32>
      %add3A_319 = arith.addi %iota3A, %add3A_318 : vector<16xi32>
      %get3A_320 = arith.constant 32 : index
      %get3A_321 = tpu.vector_load %arg19[%get3A_320] {strides = array<i32>} : memref<160xi32, #tpu.memory_space<vmem>>, vector<16xi32>,
      tpu.vector_store_idx %arg25[%add3A_319, %get3A_321], %broadcast_in_dim3A_3 : memref<160x128xf32, #tpu.memory_space<vmem>>[vector<16xi32>, vector<16xi32>], vector<16xf32>,
      %add3A_322 = arith.constant 48 : i32
      %add3A_323 = vector.broadcast %add3A_322 : i32 to vector<16xi32>
      %add3A_324 = arith.addi %iota3A, %add3A_323 : vector<16xi32>
      %get3A_325 = arith.constant 48 : index
      %get3A_326 = tpu.vector_load %arg19[%get3A_325] {strides = array<i32>} : memref<160xi32, #tpu.memory_space<vmem>>, vector<16xi32>,
      tpu.vector_store_idx %arg25[%add3A_324, %get3A_326], %broadcast_in_dim3A_3 : memref<160x128xf32, #tpu.memory_space<vmem>>[vector<16xi32>, vector<16xi32>], vector<16xf32>,
      %add3A_327 = arith.constant 64 : i32
      %add3A_328 = vector.broadcast %add3A_327 : i32 to vector<16xi32>
      %add3A_329 = arith.addi %iota3A, %add3A_328 : vector<16xi32>
      %get3A_330 = arith.constant 64 : index
      %get3A_331 = tpu.vector_load %arg19[%get3A_330] {strides = array<i32>} : memref<160xi32, #tpu.memory_space<vmem>>, vector<16xi32>,
      tpu.vector_store_idx %arg25[%add3A_329, %get3A_331], %broadcast_in_dim3A_3 : memref<160x128xf32, #tpu.memory_space<vmem>>[vector<16xi32>, vector<16xi32>], vector<16xf32>,
      %add3A_332 = arith.constant 80 : i32
      %add3A_333 = vector.broadcast %add3A_332 : i32 to vector<16xi32>
      %add3A_334 = arith.addi %iota3A, %add3A_333 : vector<16xi32>
      %get3A_335 = arith.constant 80 : index
      %get3A_336 = tpu.vector_load %arg19[%get3A_335] {strides = array<i32>} : memref<160xi32, #tpu.memory_space<vmem>>, vector<16xi32>,
      tpu.vector_store_idx %arg25[%add3A_334, %get3A_336], %broadcast_in_dim3A_3 : memref<160x128xf32, #tpu.memory_space<vmem>>[vector<16xi32>, vector<16xi32>], vector<16xf32>,
      %add3A_337 = arith.constant 96 : i32
      %add3A_338 = vector.broadcast %add3A_337 : i32 to vector<16xi32>
      %add3A_339 = arith.addi %iota3A, %add3A_338 : vector<16xi32>
      %get3A_340 = arith.constant 96 : index
      %get3A_341 = tpu.vector_load %arg19[%get3A_340] {strides = array<i32>} : memref<160xi32, #tpu.memory_space<vmem>>, vector<16xi32>,
      tpu.vector_store_idx %arg25[%add3A_339, %get3A_341], %broadcast_in_dim3A_3 : memref<160x128xf32, #tpu.memory_space<vmem>>[vector<16xi32>, vector<16xi32>], vector<16xf32>,
      %add3A_342 = arith.constant 112 : i32
      %add3A_343 = vector.broadcast %add3A_342 : i32 to vector<16xi32>
      %add3A_344 = arith.addi %iota3A, %add3A_343 : vector<16xi32>
      %get3A_345 = arith.constant 112 : index
      %get3A_346 = tpu.vector_load %arg19[%get3A_345] {strides = array<i32>} : memref<160xi32, #tpu.memory_space<vmem>>, vector<16xi32>,
      tpu.vector_store_idx %arg25[%add3A_344, %get3A_346], %broadcast_in_dim3A_3 : memref<160x128xf32, #tpu.memory_space<vmem>>[vector<16xi32>, vector<16xi32>], vector<16xf32>,
      %add3A_347 = arith.constant 128 : i32
      %add3A_348 = vector.broadcast %add3A_347 : i32 to vector<16xi32>
      %add3A_349 = arith.addi %iota3A, %add3A_348 : vector<16xi32>
      %get3A_350 = arith.constant 128 : index
      %get3A_351 = tpu.vector_load %arg19[%get3A_350] {strides = array<i32>} : memref<160xi32, #tpu.memory_space<vmem>>, vector<16xi32>,
      tpu.vector_store_idx %arg25[%add3A_349, %get3A_351], %broadcast_in_dim3A_3 : memref<160x128xf32, #tpu.memory_space<vmem>>[vector<16xi32>, vector<16xi32>], vector<16xf32>,
      %add3A_352 = arith.constant 144 : i32
      %add3A_353 = vector.broadcast %add3A_352 : i32 to vector<16xi32>
      %add3A_354 = arith.addi %iota3A, %add3A_353 : vector<16xi32>
      %get3A_355 = arith.constant 144 : index
      %get3A_356 = tpu.vector_load %arg19[%get3A_355] {strides = array<i32>} : memref<160xi32, #tpu.memory_space<vmem>>, vector<16xi32>,
      tpu.vector_store_idx %arg25[%add3A_354, %get3A_356], %broadcast_in_dim3A_3 : memref<160x128xf32, #tpu.memory_space<vmem>>[vector<16xi32>, vector<16xi32>], vector<16xf32>,
      %add3A_357 = arith.constant 0 : i32
      %add3A_358 = vector.broadcast %add3A_357 : i32 to vector<16xi32>
      %add3A_359 = arith.addi %iota3A, %add3A_358 : vector<16xi32>
      %get3A_360 = arith.constant 0 : index
      %get3A_361 = tpu.vector_load %arg21[%get3A_360] {strides = array<i32>} : memref<160xi32, #tpu.memory_space<vmem>>, vector<16xi32>,
      tpu.vector_store_idx %arg25[%add3A_359, %get3A_361], %broadcast_in_dim3A_1 : memref<160x128xf32, #tpu.memory_space<vmem>>[vector<16xi32>, vector<16xi32>], vector<16xf32>,
      %add3A_362 = arith.constant 16 : i32
      %add3A_363 = vector.broadcast %add3A_362 : i32 to vector<16xi32>
      %add3A_364 = arith.addi %iota3A, %add3A_363 : vector<16xi32>
      %get3A_365 = arith.constant 16 : index
      %get3A_366 = tpu.vector_load %arg21[%get3A_365] {strides = array<i32>} : memref<160xi32, #tpu.memory_space<vmem>>, vector<16xi32>,
      tpu.vector_store_idx %arg25[%add3A_364, %get3A_366], %broadcast_in_dim3A_1 : memref<160x128xf32, #tpu.memory_space<vmem>>[vector<16xi32>, vector<16xi32>], vector<16xf32>,
      %add3A_367 = arith.constant 32 : i32
      %add3A_368 = vector.broadcast %add3A_367 : i32 to vector<16xi32>
      %add3A_369 = arith.addi %iota3A, %add3A_368 : vector<16xi32>
      %get3A_370 = arith.constant 32 : index
      %get3A_371 = tpu.vector_load %arg21[%get3A_370] {strides = array<i32>} : memref<160xi32, #tpu.memory_space<vmem>>, vector<16xi32>,
      tpu.vector_store_idx %arg25[%add3A_369, %get3A_371], %broadcast_in_dim3A_1 : memref<160x128xf32, #tpu.memory_space<vmem>>[vector<16xi32>, vector<16xi32>], vector<16xf32>,
      %add3A_372 = arith.constant 48 : i32
      %add3A_373 = vector.broadcast %add3A_372 : i32 to vector<16xi32>
      %add3A_374 = arith.addi %iota3A, %add3A_373 : vector<16xi32>
      %get3A_375 = arith.constant 48 : index
      %get3A_376 = tpu.vector_load %arg21[%get3A_375] {strides = array<i32>} : memref<160xi32, #tpu.memory_space<vmem>>, vector<16xi32>,
      tpu.vector_store_idx %arg25[%add3A_374, %get3A_376], %broadcast_in_dim3A_1 : memref<160x128xf32, #tpu.memory_space<vmem>>[vector<16xi32>, vector<16xi32>], vector<16xf32>,
      %add3A_377 = arith.constant 64 : i32
      %add3A_378 = vector.broadcast %add3A_377 : i32 to vector<16xi32>
      %add3A_379 = arith.addi %iota3A, %add3A_378 : vector<16xi32>
      %get3A_380 = arith.constant 64 : index
      %get3A_381 = tpu.vector_load %arg21[%get3A_380] {strides = array<i32>} : memref<160xi32, #tpu.memory_space<vmem>>, vector<16xi32>,
      tpu.vector_store_idx %arg25[%add3A_379, %get3A_381], %broadcast_in_dim3A_1 : memref<160x128xf32, #tpu.memory_space<vmem>>[vector<16xi32>, vector<16xi32>], vector<16xf32>,
      %add3A_382 = arith.constant 80 : i32
      %add3A_383 = vector.broadcast %add3A_382 : i32 to vector<16xi32>
      %add3A_384 = arith.addi %iota3A, %add3A_383 : vector<16xi32>
      %get3A_385 = arith.constant 80 : index
      %get3A_386 = tpu.vector_load %arg21[%get3A_385] {strides = array<i32>} : memref<160xi32, #tpu.memory_space<vmem>>, vector<16xi32>,
      tpu.vector_store_idx %arg25[%add3A_384, %get3A_386], %broadcast_in_dim3A_1 : memref<160x128xf32, #tpu.memory_space<vmem>>[vector<16xi32>, vector<16xi32>], vector<16xf32>,
      %add3A_387 = arith.constant 96 : i32
      %add3A_388 = vector.broadcast %add3A_387 : i32 to vector<16xi32>
      %add3A_389 = arith.addi %iota3A, %add3A_388 : vector<16xi32>
      %get3A_390 = arith.constant 96 : index
      %get3A_391 = tpu.vector_load %arg21[%get3A_390] {strides = array<i32>} : memref<160xi32, #tpu.memory_space<vmem>>, vector<16xi32>,
      tpu.vector_store_idx %arg25[%add3A_389, %get3A_391], %broadcast_in_dim3A_1 : memref<160x128xf32, #tpu.memory_space<vmem>>[vector<16xi32>, vector<16xi32>], vector<16xf32>,
      %add3A_392 = arith.constant 112 : i32
      %add3A_393 = vector.broadcast %add3A_392 : i32 to vector<16xi32>
      %add3A_394 = arith.addi %iota3A, %add3A_393 : vector<16xi32>
      %get3A_395 = arith.constant 112 : index
      %get3A_396 = tpu.vector_load %arg21[%get3A_395] {strides = array<i32>} : memref<160xi32, #tpu.memory_space<vmem>>, vector<16xi32>,
      tpu.vector_store_idx %arg25[%add3A_394, %get3A_396], %broadcast_in_dim3A_1 : memref<160x128xf32, #tpu.memory_space<vmem>>[vector<16xi32>, vector<16xi32>], vector<16xf32>,
      %add3A_397 = arith.constant 128 : i32
      %add3A_398 = vector.broadcast %add3A_397 : i32 to vector<16xi32>
      %add3A_399 = arith.addi %iota3A, %add3A_398 : vector<16xi32>
      %get3A_400 = arith.constant 128 : index
      %get3A_401 = tpu.vector_load %arg21[%get3A_400] {strides = array<i32>} : memref<160xi32, #tpu.memory_space<vmem>>, vector<16xi32>,
      tpu.vector_store_idx %arg25[%add3A_399, %get3A_401], %broadcast_in_dim3A_1 : memref<160x128xf32, #tpu.memory_space<vmem>>[vector<16xi32>, vector<16xi32>], vector<16xf32>,
      %add3A_402 = arith.constant 144 : i32
      %add3A_403 = vector.broadcast %add3A_402 : i32 to vector<16xi32>
      %add3A_404 = arith.addi %iota3A, %add3A_403 : vector<16xi32>
      %get3A_405 = arith.constant 144 : index
      %get3A_406 = tpu.vector_load %arg21[%get3A_405] {strides = array<i32>} : memref<160xi32, #tpu.memory_space<vmem>>, vector<16xi32>,
      tpu.vector_store_idx %arg25[%add3A_404, %get3A_406], %broadcast_in_dim3A_1 : memref<160x128xf32, #tpu.memory_space<vmem>>[vector<16xi32>, vector<16xi32>], vector<16xf32>,
      %dma_start3A_407 = arith.constant 0 : i32
      %dma_start3A_408 = tpu.memref_slice %arg3[%mul3A_75, %dma_start3A_407] : memref<100000x128xf32, #tpu.memory_space<hbm>> -> memref<160x128xf32, #tpu.memory_space<hbm>>
      %dma_start3A_409 = arith.constant 0 : i32
      %dma_start3A_410 = tpu.memref_slice %arg3[%mul3A_75, %dma_start3A_409] : memref<100000x128xf32, #tpu.memory_space<hbm>> -> memref<160x128xf32, #tpu.memory_space<hbm>>
      tpu.enqueue_dma source(%arg25 : memref<160x128xf32, #tpu.memory_space<vmem>>) target(%dma_start3A_410 : memref<160x128xf32, #tpu.memory_space<hbm>>) target_semaphore(%arg47 : memref<!tpu.dma_semaphore, #tpu.memory_space<semaphore_mem>>)
    } else {
    }
    %add3A_255 = arith.constant 576 : i32
    %add3A_256 = arith.addi %add3A, %add3A_255 : i32
    %lt3A_257 = arith.constant 625 : i32
    %lt3A_258 = arith.cmpi slt, %add3A_256, %lt3A_257 : i32
    %convert_element_type3A_259 = arith.extui %lt3A_258 : i1 to i32
    %cond3A_260 = arith.constant 0 : i32
    %cond3A_261 = arith.cmpi ne, %convert_element_type3A_259, %cond3A_260 : i32
    scf.if %cond3A_261 {
      %dma_wait3A = tpu.memref_slice %arg2[%mul3A_79] : memref<100000xi32, #tpu.memory_space<hbm>> -> memref<160xi32, #tpu.memory_space<hbm>>
      %dma_wait3A_303 = tpu.memref_slice %arg2[%mul3A_79] : memref<100000xi32, #tpu.memory_space<hbm>> -> memref<160xi32, #tpu.memory_space<hbm>>
      tpu.wait_dma2 semaphore(%arg44 : memref<!tpu.dma_semaphore, #tpu.memory_space<semaphore_mem>>) src(%dma_wait3A_303 : memref<160xi32, #tpu.memory_space<hbm>>) dst(%arg22 : memref<160xi32, #tpu.memory_space<vmem>>)
      %dma_wait3A_304 = arith.constant 0 : i32
      %dma_wait3A_305 = tpu.memref_slice %arg3[%mul3A_71, %dma_wait3A_304] : memref<100000x128xf32, #tpu.memory_space<hbm>> -> memref<160x128xf32, #tpu.memory_space<hbm>>
      %dma_wait3A_306 = arith.constant 0 : i32
      %dma_wait3A_307 = tpu.memref_slice %arg3[%mul3A_71, %dma_wait3A_306] : memref<100000x128xf32, #tpu.memory_space<hbm>> -> memref<160x128xf32, #tpu.memory_space<hbm>>
      tpu.wait_dma2 semaphore(%arg46 : memref<!tpu.dma_semaphore, #tpu.memory_space<semaphore_mem>>) src(%arg24 : memref<160x128xf32, #tpu.memory_space<vmem>>) dst(%dma_wait3A_307 : memref<160x128xf32, #tpu.memory_space<hbm>>)
      %add3A_308 = arith.constant 0 : i32
      %add3A_309 = vector.broadcast %add3A_308 : i32 to vector<16xi32>
      %add3A_310 = arith.addi %iota3A, %add3A_309 : vector<16xi32>
      %get3A = arith.constant 0 : index
      %get3A_311 = tpu.vector_load %arg20[%get3A] {strides = array<i32>} : memref<160xi32, #tpu.memory_space<vmem>>, vector<16xi32>,
      tpu.vector_store_idx %arg24[%add3A_310, %get3A_311], %broadcast_in_dim3A_3 : memref<160x128xf32, #tpu.memory_space<vmem>>[vector<16xi32>, vector<16xi32>], vector<16xf32>,
      %add3A_312 = arith.constant 16 : i32
      %add3A_313 = vector.broadcast %add3A_312 : i32 to vector<16xi32>
      %add3A_314 = arith.addi %iota3A, %add3A_313 : vector<16xi32>
      %get3A_315 = arith.constant 16 : index
      %get3A_316 = tpu.vector_load %arg20[%get3A_315] {strides = array<i32>} : memref<160xi32, #tpu.memory_space<vmem>>, vector<16xi32>,
      tpu.vector_store_idx %arg24[%add3A_314, %get3A_316], %broadcast_in_dim3A_3 : memref<160x128xf32, #tpu.memory_space<vmem>>[vector<16xi32>, vector<16xi32>], vector<16xf32>,
      %add3A_317 = arith.constant 32 : i32
      %add3A_318 = vector.broadcast %add3A_317 : i32 to vector<16xi32>
      %add3A_319 = arith.addi %iota3A, %add3A_318 : vector<16xi32>
      %get3A_320 = arith.constant 32 : index
      %get3A_321 = tpu.vector_load %arg20[%get3A_320] {strides = array<i32>} : memref<160xi32, #tpu.memory_space<vmem>>, vector<16xi32>,
      tpu.vector_store_idx %arg24[%add3A_319, %get3A_321], %broadcast_in_dim3A_3 : memref<160x128xf32, #tpu.memory_space<vmem>>[vector<16xi32>, vector<16xi32>], vector<16xf32>,
      %add3A_322 = arith.constant 48 : i32
      %add3A_323 = vector.broadcast %add3A_322 : i32 to vector<16xi32>
      %add3A_324 = arith.addi %iota3A, %add3A_323 : vector<16xi32>
      %get3A_325 = arith.constant 48 : index
      %get3A_326 = tpu.vector_load %arg20[%get3A_325] {strides = array<i32>} : memref<160xi32, #tpu.memory_space<vmem>>, vector<16xi32>,
      tpu.vector_store_idx %arg24[%add3A_324, %get3A_326], %broadcast_in_dim3A_3 : memref<160x128xf32, #tpu.memory_space<vmem>>[vector<16xi32>, vector<16xi32>], vector<16xf32>,
      %add3A_327 = arith.constant 64 : i32
      %add3A_328 = vector.broadcast %add3A_327 : i32 to vector<16xi32>
      %add3A_329 = arith.addi %iota3A, %add3A_328 : vector<16xi32>
      %get3A_330 = arith.constant 64 : index
      %get3A_331 = tpu.vector_load %arg20[%get3A_330] {strides = array<i32>} : memref<160xi32, #tpu.memory_space<vmem>>, vector<16xi32>,
      tpu.vector_store_idx %arg24[%add3A_329, %get3A_331], %broadcast_in_dim3A_3 : memref<160x128xf32, #tpu.memory_space<vmem>>[vector<16xi32>, vector<16xi32>], vector<16xf32>,
      %add3A_332 = arith.constant 80 : i32
      %add3A_333 = vector.broadcast %add3A_332 : i32 to vector<16xi32>
      %add3A_334 = arith.addi %iota3A, %add3A_333 : vector<16xi32>
      %get3A_335 = arith.constant 80 : index
      %get3A_336 = tpu.vector_load %arg20[%get3A_335] {strides = array<i32>} : memref<160xi32, #tpu.memory_space<vmem>>, vector<16xi32>,
      tpu.vector_store_idx %arg24[%add3A_334, %get3A_336], %broadcast_in_dim3A_3 : memref<160x128xf32, #tpu.memory_space<vmem>>[vector<16xi32>, vector<16xi32>], vector<16xf32>,
      %add3A_337 = arith.constant 96 : i32
      %add3A_338 = vector.broadcast %add3A_337 : i32 to vector<16xi32>
      %add3A_339 = arith.addi %iota3A, %add3A_338 : vector<16xi32>
      %get3A_340 = arith.constant 96 : index
      %get3A_341 = tpu.vector_load %arg20[%get3A_340] {strides = array<i32>} : memref<160xi32, #tpu.memory_space<vmem>>, vector<16xi32>,
      tpu.vector_store_idx %arg24[%add3A_339, %get3A_341], %broadcast_in_dim3A_3 : memref<160x128xf32, #tpu.memory_space<vmem>>[vector<16xi32>, vector<16xi32>], vector<16xf32>,
      %add3A_342 = arith.constant 112 : i32
      %add3A_343 = vector.broadcast %add3A_342 : i32 to vector<16xi32>
      %add3A_344 = arith.addi %iota3A, %add3A_343 : vector<16xi32>
      %get3A_345 = arith.constant 112 : index
      %get3A_346 = tpu.vector_load %arg20[%get3A_345] {strides = array<i32>} : memref<160xi32, #tpu.memory_space<vmem>>, vector<16xi32>,
      tpu.vector_store_idx %arg24[%add3A_344, %get3A_346], %broadcast_in_dim3A_3 : memref<160x128xf32, #tpu.memory_space<vmem>>[vector<16xi32>, vector<16xi32>], vector<16xf32>,
      %add3A_347 = arith.constant 128 : i32
      %add3A_348 = vector.broadcast %add3A_347 : i32 to vector<16xi32>
      %add3A_349 = arith.addi %iota3A, %add3A_348 : vector<16xi32>
      %get3A_350 = arith.constant 128 : index
      %get3A_351 = tpu.vector_load %arg20[%get3A_350] {strides = array<i32>} : memref<160xi32, #tpu.memory_space<vmem>>, vector<16xi32>,
      tpu.vector_store_idx %arg24[%add3A_349, %get3A_351], %broadcast_in_dim3A_3 : memref<160x128xf32, #tpu.memory_space<vmem>>[vector<16xi32>, vector<16xi32>], vector<16xf32>,
      %add3A_352 = arith.constant 144 : i32
      %add3A_353 = vector.broadcast %add3A_352 : i32 to vector<16xi32>
      %add3A_354 = arith.addi %iota3A, %add3A_353 : vector<16xi32>
      %get3A_355 = arith.constant 144 : index
      %get3A_356 = tpu.vector_load %arg20[%get3A_355] {strides = array<i32>} : memref<160xi32, #tpu.memory_space<vmem>>, vector<16xi32>,
      tpu.vector_store_idx %arg24[%add3A_354, %get3A_356], %broadcast_in_dim3A_3 : memref<160x128xf32, #tpu.memory_space<vmem>>[vector<16xi32>, vector<16xi32>], vector<16xf32>,
      %add3A_357 = arith.constant 0 : i32
      %add3A_358 = vector.broadcast %add3A_357 : i32 to vector<16xi32>
      %add3A_359 = arith.addi %iota3A, %add3A_358 : vector<16xi32>
      %get3A_360 = arith.constant 0 : index
      %get3A_361 = tpu.vector_load %arg22[%get3A_360] {strides = array<i32>} : memref<160xi32, #tpu.memory_space<vmem>>, vector<16xi32>,
      tpu.vector_store_idx %arg24[%add3A_359, %get3A_361], %broadcast_in_dim3A_1 : memref<160x128xf32, #tpu.memory_space<vmem>>[vector<16xi32>, vector<16xi32>], vector<16xf32>,
      %add3A_362 = arith.constant 16 : i32
      %add3A_363 = vector.broadcast %add3A_362 : i32 to vector<16xi32>
      %add3A_364 = arith.addi %iota3A, %add3A_363 : vector<16xi32>
      %get3A_365 = arith.constant 16 : index
      %get3A_366 = tpu.vector_load %arg22[%get3A_365] {strides = array<i32>} : memref<160xi32, #tpu.memory_space<vmem>>, vector<16xi32>,
      tpu.vector_store_idx %arg24[%add3A_364, %get3A_366], %broadcast_in_dim3A_1 : memref<160x128xf32, #tpu.memory_space<vmem>>[vector<16xi32>, vector<16xi32>], vector<16xf32>,
      %add3A_367 = arith.constant 32 : i32
      %add3A_368 = vector.broadcast %add3A_367 : i32 to vector<16xi32>
      %add3A_369 = arith.addi %iota3A, %add3A_368 : vector<16xi32>
      %get3A_370 = arith.constant 32 : index
      %get3A_371 = tpu.vector_load %arg22[%get3A_370] {strides = array<i32>} : memref<160xi32, #tpu.memory_space<vmem>>, vector<16xi32>,
      tpu.vector_store_idx %arg24[%add3A_369, %get3A_371], %broadcast_in_dim3A_1 : memref<160x128xf32, #tpu.memory_space<vmem>>[vector<16xi32>, vector<16xi32>], vector<16xf32>,
      %add3A_372 = arith.constant 48 : i32
      %add3A_373 = vector.broadcast %add3A_372 : i32 to vector<16xi32>
      %add3A_374 = arith.addi %iota3A, %add3A_373 : vector<16xi32>
      %get3A_375 = arith.constant 48 : index
      %get3A_376 = tpu.vector_load %arg22[%get3A_375] {strides = array<i32>} : memref<160xi32, #tpu.memory_space<vmem>>, vector<16xi32>,
      tpu.vector_store_idx %arg24[%add3A_374, %get3A_376], %broadcast_in_dim3A_1 : memref<160x128xf32, #tpu.memory_space<vmem>>[vector<16xi32>, vector<16xi32>], vector<16xf32>,
      %add3A_377 = arith.constant 64 : i32
      %add3A_378 = vector.broadcast %add3A_377 : i32 to vector<16xi32>
      %add3A_379 = arith.addi %iota3A, %add3A_378 : vector<16xi32>
      %get3A_380 = arith.constant 64 : index
      %get3A_381 = tpu.vector_load %arg22[%get3A_380] {strides = array<i32>} : memref<160xi32, #tpu.memory_space<vmem>>, vector<16xi32>,
      tpu.vector_store_idx %arg24[%add3A_379, %get3A_381], %broadcast_in_dim3A_1 : memref<160x128xf32, #tpu.memory_space<vmem>>[vector<16xi32>, vector<16xi32>], vector<16xf32>,
      %add3A_382 = arith.constant 80 : i32
      %add3A_383 = vector.broadcast %add3A_382 : i32 to vector<16xi32>
      %add3A_384 = arith.addi %iota3A, %add3A_383 : vector<16xi32>
      %get3A_385 = arith.constant 80 : index
      %get3A_386 = tpu.vector_load %arg22[%get3A_385] {strides = array<i32>} : memref<160xi32, #tpu.memory_space<vmem>>, vector<16xi32>,
      tpu.vector_store_idx %arg24[%add3A_384, %get3A_386], %broadcast_in_dim3A_1 : memref<160x128xf32, #tpu.memory_space<vmem>>[vector<16xi32>, vector<16xi32>], vector<16xf32>,
      %add3A_387 = arith.constant 96 : i32
      %add3A_388 = vector.broadcast %add3A_387 : i32 to vector<16xi32>
      %add3A_389 = arith.addi %iota3A, %add3A_388 : vector<16xi32>
      %get3A_390 = arith.constant 96 : index
      %get3A_391 = tpu.vector_load %arg22[%get3A_390] {strides = array<i32>} : memref<160xi32, #tpu.memory_space<vmem>>, vector<16xi32>,
      tpu.vector_store_idx %arg24[%add3A_389, %get3A_391], %broadcast_in_dim3A_1 : memref<160x128xf32, #tpu.memory_space<vmem>>[vector<16xi32>, vector<16xi32>], vector<16xf32>,
      %add3A_392 = arith.constant 112 : i32
      %add3A_393 = vector.broadcast %add3A_392 : i32 to vector<16xi32>
      %add3A_394 = arith.addi %iota3A, %add3A_393 : vector<16xi32>
      %get3A_395 = arith.constant 112 : index
      %get3A_396 = tpu.vector_load %arg22[%get3A_395] {strides = array<i32>} : memref<160xi32, #tpu.memory_space<vmem>>, vector<16xi32>,
      tpu.vector_store_idx %arg24[%add3A_394, %get3A_396], %broadcast_in_dim3A_1 : memref<160x128xf32, #tpu.memory_space<vmem>>[vector<16xi32>, vector<16xi32>], vector<16xf32>,
      %add3A_397 = arith.constant 128 : i32
      %add3A_398 = vector.broadcast %add3A_397 : i32 to vector<16xi32>
      %add3A_399 = arith.addi %iota3A, %add3A_398 : vector<16xi32>
      %get3A_400 = arith.constant 128 : index
      %get3A_401 = tpu.vector_load %arg22[%get3A_400] {strides = array<i32>} : memref<160xi32, #tpu.memory_space<vmem>>, vector<16xi32>,
      tpu.vector_store_idx %arg24[%add3A_399, %get3A_401], %broadcast_in_dim3A_1 : memref<160x128xf32, #tpu.memory_space<vmem>>[vector<16xi32>, vector<16xi32>], vector<16xf32>,
      %add3A_402 = arith.constant 144 : i32
      %add3A_403 = vector.broadcast %add3A_402 : i32 to vector<16xi32>
      %add3A_404 = arith.addi %iota3A, %add3A_403 : vector<16xi32>
      %get3A_405 = arith.constant 144 : index
      %get3A_406 = tpu.vector_load %arg22[%get3A_405] {strides = array<i32>} : memref<160xi32, #tpu.memory_space<vmem>>, vector<16xi32>,
      tpu.vector_store_idx %arg24[%add3A_404, %get3A_406], %broadcast_in_dim3A_1 : memref<160x128xf32, #tpu.memory_space<vmem>>[vector<16xi32>, vector<16xi32>], vector<16xf32>,
      %dma_start3A_407 = arith.constant 0 : i32
      %dma_start3A_408 = tpu.memref_slice %arg3[%mul3A_79, %dma_start3A_407] : memref<100000x128xf32, #tpu.memory_space<hbm>> -> memref<160x128xf32, #tpu.memory_space<hbm>>
      %dma_start3A_409 = arith.constant 0 : i32
      %dma_start3A_410 = tpu.memref_slice %arg3[%mul3A_79, %dma_start3A_409] : memref<100000x128xf32, #tpu.memory_space<hbm>> -> memref<160x128xf32, #tpu.memory_space<hbm>>
      tpu.enqueue_dma source(%arg24 : memref<160x128xf32, #tpu.memory_space<vmem>>) target(%dma_start3A_410 : memref<160x128xf32, #tpu.memory_space<hbm>>) target_semaphore(%arg46 : memref<!tpu.dma_semaphore, #tpu.memory_space<semaphore_mem>>)
    } else {
    }
    %add3A_262 = arith.constant 608 : i32
    %add3A_263 = arith.addi %add3A, %add3A_262 : i32
    %lt3A_264 = arith.constant 625 : i32
    %lt3A_265 = arith.cmpi slt, %add3A_263, %lt3A_264 : i32
    %convert_element_type3A_266 = arith.extui %lt3A_265 : i1 to i32
    %cond3A_267 = arith.constant 0 : i32
    %cond3A_268 = arith.cmpi ne, %convert_element_type3A_266, %cond3A_267 : i32
    scf.if %cond3A_268 {
      %dma_wait3A = tpu.memref_slice %arg2[%mul3A_83] : memref<100000xi32, #tpu.memory_space<hbm>> -> memref<160xi32, #tpu.memory_space<hbm>>
      %dma_wait3A_303 = tpu.memref_slice %arg2[%mul3A_83] : memref<100000xi32, #tpu.memory_space<hbm>> -> memref<160xi32, #tpu.memory_space<hbm>>
      tpu.wait_dma2 semaphore(%arg45 : memref<!tpu.dma_semaphore, #tpu.memory_space<semaphore_mem>>) src(%dma_wait3A_303 : memref<160xi32, #tpu.memory_space<hbm>>) dst(%arg23 : memref<160xi32, #tpu.memory_space<vmem>>)
      %dma_wait3A_304 = arith.constant 0 : i32
      %dma_wait3A_305 = tpu.memref_slice %arg3[%mul3A_75, %dma_wait3A_304] : memref<100000x128xf32, #tpu.memory_space<hbm>> -> memref<160x128xf32, #tpu.memory_space<hbm>>
      %dma_wait3A_306 = arith.constant 0 : i32
      %dma_wait3A_307 = tpu.memref_slice %arg3[%mul3A_75, %dma_wait3A_306] : memref<100000x128xf32, #tpu.memory_space<hbm>> -> memref<160x128xf32, #tpu.memory_space<hbm>>
      tpu.wait_dma2 semaphore(%arg47 : memref<!tpu.dma_semaphore, #tpu.memory_space<semaphore_mem>>) src(%arg25 : memref<160x128xf32, #tpu.memory_space<vmem>>) dst(%dma_wait3A_307 : memref<160x128xf32, #tpu.memory_space<hbm>>)
      %add3A_308 = arith.constant 0 : i32
      %add3A_309 = vector.broadcast %add3A_308 : i32 to vector<16xi32>
      %add3A_310 = arith.addi %iota3A, %add3A_309 : vector<16xi32>
      %get3A = arith.constant 0 : index
      %get3A_311 = tpu.vector_load %arg21[%get3A] {strides = array<i32>} : memref<160xi32, #tpu.memory_space<vmem>>, vector<16xi32>,
      tpu.vector_store_idx %arg25[%add3A_310, %get3A_311], %broadcast_in_dim3A_3 : memref<160x128xf32, #tpu.memory_space<vmem>>[vector<16xi32>, vector<16xi32>], vector<16xf32>,
      %add3A_312 = arith.constant 16 : i32
      %add3A_313 = vector.broadcast %add3A_312 : i32 to vector<16xi32>
      %add3A_314 = arith.addi %iota3A, %add3A_313 : vector<16xi32>
      %get3A_315 = arith.constant 16 : index
      %get3A_316 = tpu.vector_load %arg21[%get3A_315] {strides = array<i32>} : memref<160xi32, #tpu.memory_space<vmem>>, vector<16xi32>,
      tpu.vector_store_idx %arg25[%add3A_314, %get3A_316], %broadcast_in_dim3A_3 : memref<160x128xf32, #tpu.memory_space<vmem>>[vector<16xi32>, vector<16xi32>], vector<16xf32>,
      %add3A_317 = arith.constant 32 : i32
      %add3A_318 = vector.broadcast %add3A_317 : i32 to vector<16xi32>
      %add3A_319 = arith.addi %iota3A, %add3A_318 : vector<16xi32>
      %get3A_320 = arith.constant 32 : index
      %get3A_321 = tpu.vector_load %arg21[%get3A_320] {strides = array<i32>} : memref<160xi32, #tpu.memory_space<vmem>>, vector<16xi32>,
      tpu.vector_store_idx %arg25[%add3A_319, %get3A_321], %broadcast_in_dim3A_3 : memref<160x128xf32, #tpu.memory_space<vmem>>[vector<16xi32>, vector<16xi32>], vector<16xf32>,
      %add3A_322 = arith.constant 48 : i32
      %add3A_323 = vector.broadcast %add3A_322 : i32 to vector<16xi32>
      %add3A_324 = arith.addi %iota3A, %add3A_323 : vector<16xi32>
      %get3A_325 = arith.constant 48 : index
      %get3A_326 = tpu.vector_load %arg21[%get3A_325] {strides = array<i32>} : memref<160xi32, #tpu.memory_space<vmem>>, vector<16xi32>,
      tpu.vector_store_idx %arg25[%add3A_324, %get3A_326], %broadcast_in_dim3A_3 : memref<160x128xf32, #tpu.memory_space<vmem>>[vector<16xi32>, vector<16xi32>], vector<16xf32>,
      %add3A_327 = arith.constant 64 : i32
      %add3A_328 = vector.broadcast %add3A_327 : i32 to vector<16xi32>
      %add3A_329 = arith.addi %iota3A, %add3A_328 : vector<16xi32>
      %get3A_330 = arith.constant 64 : index
      %get3A_331 = tpu.vector_load %arg21[%get3A_330] {strides = array<i32>} : memref<160xi32, #tpu.memory_space<vmem>>, vector<16xi32>,
      tpu.vector_store_idx %arg25[%add3A_329, %get3A_331], %broadcast_in_dim3A_3 : memref<160x128xf32, #tpu.memory_space<vmem>>[vector<16xi32>, vector<16xi32>], vector<16xf32>,
      %add3A_332 = arith.constant 80 : i32
      %add3A_333 = vector.broadcast %add3A_332 : i32 to vector<16xi32>
      %add3A_334 = arith.addi %iota3A, %add3A_333 : vector<16xi32>
      %get3A_335 = arith.constant 80 : index
      %get3A_336 = tpu.vector_load %arg21[%get3A_335] {strides = array<i32>} : memref<160xi32, #tpu.memory_space<vmem>>, vector<16xi32>,
      tpu.vector_store_idx %arg25[%add3A_334, %get3A_336], %broadcast_in_dim3A_3 : memref<160x128xf32, #tpu.memory_space<vmem>>[vector<16xi32>, vector<16xi32>], vector<16xf32>,
      %add3A_337 = arith.constant 96 : i32
      %add3A_338 = vector.broadcast %add3A_337 : i32 to vector<16xi32>
      %add3A_339 = arith.addi %iota3A, %add3A_338 : vector<16xi32>
      %get3A_340 = arith.constant 96 : index
      %get3A_341 = tpu.vector_load %arg21[%get3A_340] {strides = array<i32>} : memref<160xi32, #tpu.memory_space<vmem>>, vector<16xi32>,
      tpu.vector_store_idx %arg25[%add3A_339, %get3A_341], %broadcast_in_dim3A_3 : memref<160x128xf32, #tpu.memory_space<vmem>>[vector<16xi32>, vector<16xi32>], vector<16xf32>,
      %add3A_342 = arith.constant 112 : i32
      %add3A_343 = vector.broadcast %add3A_342 : i32 to vector<16xi32>
      %add3A_344 = arith.addi %iota3A, %add3A_343 : vector<16xi32>
      %get3A_345 = arith.constant 112 : index
      %get3A_346 = tpu.vector_load %arg21[%get3A_345] {strides = array<i32>} : memref<160xi32, #tpu.memory_space<vmem>>, vector<16xi32>,
      tpu.vector_store_idx %arg25[%add3A_344, %get3A_346], %broadcast_in_dim3A_3 : memref<160x128xf32, #tpu.memory_space<vmem>>[vector<16xi32>, vector<16xi32>], vector<16xf32>,
      %add3A_347 = arith.constant 128 : i32
      %add3A_348 = vector.broadcast %add3A_347 : i32 to vector<16xi32>
      %add3A_349 = arith.addi %iota3A, %add3A_348 : vector<16xi32>
      %get3A_350 = arith.constant 128 : index
      %get3A_351 = tpu.vector_load %arg21[%get3A_350] {strides = array<i32>} : memref<160xi32, #tpu.memory_space<vmem>>, vector<16xi32>,
      tpu.vector_store_idx %arg25[%add3A_349, %get3A_351], %broadcast_in_dim3A_3 : memref<160x128xf32, #tpu.memory_space<vmem>>[vector<16xi32>, vector<16xi32>], vector<16xf32>,
      %add3A_352 = arith.constant 144 : i32
      %add3A_353 = vector.broadcast %add3A_352 : i32 to vector<16xi32>
      %add3A_354 = arith.addi %iota3A, %add3A_353 : vector<16xi32>
      %get3A_355 = arith.constant 144 : index
      %get3A_356 = tpu.vector_load %arg21[%get3A_355] {strides = array<i32>} : memref<160xi32, #tpu.memory_space<vmem>>, vector<16xi32>,
      tpu.vector_store_idx %arg25[%add3A_354, %get3A_356], %broadcast_in_dim3A_3 : memref<160x128xf32, #tpu.memory_space<vmem>>[vector<16xi32>, vector<16xi32>], vector<16xf32>,
      %add3A_357 = arith.constant 0 : i32
      %add3A_358 = vector.broadcast %add3A_357 : i32 to vector<16xi32>
      %add3A_359 = arith.addi %iota3A, %add3A_358 : vector<16xi32>
      %get3A_360 = arith.constant 0 : index
      %get3A_361 = tpu.vector_load %arg23[%get3A_360] {strides = array<i32>} : memref<160xi32, #tpu.memory_space<vmem>>, vector<16xi32>,
      tpu.vector_store_idx %arg25[%add3A_359, %get3A_361], %broadcast_in_dim3A_1 : memref<160x128xf32, #tpu.memory_space<vmem>>[vector<16xi32>, vector<16xi32>], vector<16xf32>,
      %add3A_362 = arith.constant 16 : i32
      %add3A_363 = vector.broadcast %add3A_362 : i32 to vector<16xi32>
      %add3A_364 = arith.addi %iota3A, %add3A_363 : vector<16xi32>
      %get3A_365 = arith.constant 16 : index
      %get3A_366 = tpu.vector_load %arg23[%get3A_365] {strides = array<i32>} : memref<160xi32, #tpu.memory_space<vmem>>, vector<16xi32>,
      tpu.vector_store_idx %arg25[%add3A_364, %get3A_366], %broadcast_in_dim3A_1 : memref<160x128xf32, #tpu.memory_space<vmem>>[vector<16xi32>, vector<16xi32>], vector<16xf32>,
      %add3A_367 = arith.constant 32 : i32
      %add3A_368 = vector.broadcast %add3A_367 : i32 to vector<16xi32>
      %add3A_369 = arith.addi %iota3A, %add3A_368 : vector<16xi32>
      %get3A_370 = arith.constant 32 : index
      %get3A_371 = tpu.vector_load %arg23[%get3A_370] {strides = array<i32>} : memref<160xi32, #tpu.memory_space<vmem>>, vector<16xi32>,
      tpu.vector_store_idx %arg25[%add3A_369, %get3A_371], %broadcast_in_dim3A_1 : memref<160x128xf32, #tpu.memory_space<vmem>>[vector<16xi32>, vector<16xi32>], vector<16xf32>,
      %add3A_372 = arith.constant 48 : i32
      %add3A_373 = vector.broadcast %add3A_372 : i32 to vector<16xi32>
      %add3A_374 = arith.addi %iota3A, %add3A_373 : vector<16xi32>
      %get3A_375 = arith.constant 48 : index
      %get3A_376 = tpu.vector_load %arg23[%get3A_375] {strides = array<i32>} : memref<160xi32, #tpu.memory_space<vmem>>, vector<16xi32>,
      tpu.vector_store_idx %arg25[%add3A_374, %get3A_376], %broadcast_in_dim3A_1 : memref<160x128xf32, #tpu.memory_space<vmem>>[vector<16xi32>, vector<16xi32>], vector<16xf32>,
      %add3A_377 = arith.constant 64 : i32
      %add3A_378 = vector.broadcast %add3A_377 : i32 to vector<16xi32>
      %add3A_379 = arith.addi %iota3A, %add3A_378 : vector<16xi32>
      %get3A_380 = arith.constant 64 : index
      %get3A_381 = tpu.vector_load %arg23[%get3A_380] {strides = array<i32>} : memref<160xi32, #tpu.memory_space<vmem>>, vector<16xi32>,
      tpu.vector_store_idx %arg25[%add3A_379, %get3A_381], %broadcast_in_dim3A_1 : memref<160x128xf32, #tpu.memory_space<vmem>>[vector<16xi32>, vector<16xi32>], vector<16xf32>,
      %add3A_382 = arith.constant 80 : i32
      %add3A_383 = vector.broadcast %add3A_382 : i32 to vector<16xi32>
      %add3A_384 = arith.addi %iota3A, %add3A_383 : vector<16xi32>
      %get3A_385 = arith.constant 80 : index
      %get3A_386 = tpu.vector_load %arg23[%get3A_385] {strides = array<i32>} : memref<160xi32, #tpu.memory_space<vmem>>, vector<16xi32>,
      tpu.vector_store_idx %arg25[%add3A_384, %get3A_386], %broadcast_in_dim3A_1 : memref<160x128xf32, #tpu.memory_space<vmem>>[vector<16xi32>, vector<16xi32>], vector<16xf32>,
      %add3A_387 = arith.constant 96 : i32
      %add3A_388 = vector.broadcast %add3A_387 : i32 to vector<16xi32>
      %add3A_389 = arith.addi %iota3A, %add3A_388 : vector<16xi32>
      %get3A_390 = arith.constant 96 : index
      %get3A_391 = tpu.vector_load %arg23[%get3A_390] {strides = array<i32>} : memref<160xi32, #tpu.memory_space<vmem>>, vector<16xi32>,
      tpu.vector_store_idx %arg25[%add3A_389, %get3A_391], %broadcast_in_dim3A_1 : memref<160x128xf32, #tpu.memory_space<vmem>>[vector<16xi32>, vector<16xi32>], vector<16xf32>,
      %add3A_392 = arith.constant 112 : i32
      %add3A_393 = vector.broadcast %add3A_392 : i32 to vector<16xi32>
      %add3A_394 = arith.addi %iota3A, %add3A_393 : vector<16xi32>
      %get3A_395 = arith.constant 112 : index
      %get3A_396 = tpu.vector_load %arg23[%get3A_395] {strides = array<i32>} : memref<160xi32, #tpu.memory_space<vmem>>, vector<16xi32>,
      tpu.vector_store_idx %arg25[%add3A_394, %get3A_396], %broadcast_in_dim3A_1 : memref<160x128xf32, #tpu.memory_space<vmem>>[vector<16xi32>, vector<16xi32>], vector<16xf32>,
      %add3A_397 = arith.constant 128 : i32
      %add3A_398 = vector.broadcast %add3A_397 : i32 to vector<16xi32>
      %add3A_399 = arith.addi %iota3A, %add3A_398 : vector<16xi32>
      %get3A_400 = arith.constant 128 : index
      %get3A_401 = tpu.vector_load %arg23[%get3A_400] {strides = array<i32>} : memref<160xi32, #tpu.memory_space<vmem>>, vector<16xi32>,
      tpu.vector_store_idx %arg25[%add3A_399, %get3A_401], %broadcast_in_dim3A_1 : memref<160x128xf32, #tpu.memory_space<vmem>>[vector<16xi32>, vector<16xi32>], vector<16xf32>,
      %add3A_402 = arith.constant 144 : i32
      %add3A_403 = vector.broadcast %add3A_402 : i32 to vector<16xi32>
      %add3A_404 = arith.addi %iota3A, %add3A_403 : vector<16xi32>
      %get3A_405 = arith.constant 144 : index
      %get3A_406 = tpu.vector_load %arg23[%get3A_405] {strides = array<i32>} : memref<160xi32, #tpu.memory_space<vmem>>, vector<16xi32>,
      tpu.vector_store_idx %arg25[%add3A_404, %get3A_406], %broadcast_in_dim3A_1 : memref<160x128xf32, #tpu.memory_space<vmem>>[vector<16xi32>, vector<16xi32>], vector<16xf32>,
      %dma_start3A_407 = arith.constant 0 : i32
      %dma_start3A_408 = tpu.memref_slice %arg3[%mul3A_83, %dma_start3A_407] : memref<100000x128xf32, #tpu.memory_space<hbm>> -> memref<160x128xf32, #tpu.memory_space<hbm>>
      %dma_start3A_409 = arith.constant 0 : i32
      %dma_start3A_410 = tpu.memref_slice %arg3[%mul3A_83, %dma_start3A_409] : memref<100000x128xf32, #tpu.memory_space<hbm>> -> memref<160x128xf32, #tpu.memory_space<hbm>>
      tpu.enqueue_dma source(%arg25 : memref<160x128xf32, #tpu.memory_space<vmem>>) target(%dma_start3A_410 : memref<160x128xf32, #tpu.memory_space<hbm>>) target_semaphore(%arg47 : memref<!tpu.dma_semaphore, #tpu.memory_space<semaphore_mem>>)
    } else {
    }
    %add3A_269 = arith.constant 544 : i32
    %add3A_270 = arith.addi %add3A, %add3A_269 : i32
    %lt3A_271 = arith.constant 625 : i32
    %lt3A_272 = arith.cmpi slt, %add3A_270, %lt3A_271 : i32
    %add3A_273 = arith.constant 64 : i32
    %add3A_274 = arith.addi %add3A_270, %add3A_273 : i32
    %ge3A = arith.constant 625 : i32
    %ge3A_275 = arith.cmpi sge, %add3A_274, %ge3A : i32
    %and3A = arith.andi %lt3A_272, %ge3A_275 : i1
    %convert_element_type3A_276 = arith.extui %and3A : i1 to i32
    %cond3A_277 = arith.constant 0 : i32
    %cond3A_278 = arith.cmpi ne, %convert_element_type3A_276, %cond3A_277 : i32
    scf.if %cond3A_278 {
      %dma_wait3A = arith.constant 0 : i32
      %dma_wait3A_303 = tpu.memref_slice %arg3[%mul3A_75, %dma_wait3A] : memref<100000x128xf32, #tpu.memory_space<hbm>> -> memref<160x128xf32, #tpu.memory_space<hbm>>
      %dma_wait3A_304 = arith.constant 0 : i32
      %dma_wait3A_305 = tpu.memref_slice %arg3[%mul3A_75, %dma_wait3A_304] : memref<100000x128xf32, #tpu.memory_space<hbm>> -> memref<160x128xf32, #tpu.memory_space<hbm>>
      tpu.wait_dma2 semaphore(%arg47 : memref<!tpu.dma_semaphore, #tpu.memory_space<semaphore_mem>>) src(%arg25 : memref<160x128xf32, #tpu.memory_space<vmem>>) dst(%dma_wait3A_305 : memref<160x128xf32, #tpu.memory_space<hbm>>)
    } else {
    }
    %add3A_279 = arith.constant 576 : i32
    %add3A_280 = arith.addi %add3A, %add3A_279 : i32
    %lt3A_281 = arith.constant 625 : i32
    %lt3A_282 = arith.cmpi slt, %add3A_280, %lt3A_281 : i32
    %add3A_283 = arith.constant 64 : i32
    %add3A_284 = arith.addi %add3A_280, %add3A_283 : i32
    %ge3A_285 = arith.constant 625 : i32
    %ge3A_286 = arith.cmpi sge, %add3A_284, %ge3A_285 : i32
    %and3A_287 = arith.andi %lt3A_282, %ge3A_286 : i1
    %convert_element_type3A_288 = arith.extui %and3A_287 : i1 to i32
    %cond3A_289 = arith.constant 0 : i32
    %cond3A_290 = arith.cmpi ne, %convert_element_type3A_288, %cond3A_289 : i32
    scf.if %cond3A_290 {
      %dma_wait3A = arith.constant 0 : i32
      %dma_wait3A_303 = tpu.memref_slice %arg3[%mul3A_79, %dma_wait3A] : memref<100000x128xf32, #tpu.memory_space<hbm>> -> memref<160x128xf32, #tpu.memory_space<hbm>>
      %dma_wait3A_304 = arith.constant 0 : i32
      %dma_wait3A_305 = tpu.memref_slice %arg3[%mul3A_79, %dma_wait3A_304] : memref<100000x128xf32, #tpu.memory_space<hbm>> -> memref<160x128xf32, #tpu.memory_space<hbm>>
      tpu.wait_dma2 semaphore(%arg46 : memref<!tpu.dma_semaphore, #tpu.memory_space<semaphore_mem>>) src(%arg24 : memref<160x128xf32, #tpu.memory_space<vmem>>) dst(%dma_wait3A_305 : memref<160x128xf32, #tpu.memory_space<hbm>>)
    } else {
    }
    %add3A_291 = arith.constant 608 : i32
    %add3A_292 = arith.addi %add3A, %add3A_291 : i32
    %lt3A_293 = arith.constant 625 : i32
    %lt3A_294 = arith.cmpi slt, %add3A_292, %lt3A_293 : i32
    %add3A_295 = arith.constant 64 : i32
    %add3A_296 = arith.addi %add3A_292, %add3A_295 : i32
    %ge3A_297 = arith.constant 625 : i32
    %ge3A_298 = arith.cmpi sge, %add3A_296, %ge3A_297 : i32
    %and3A_299 = arith.andi %lt3A_294, %ge3A_298 : i1
    %convert_element_type3A_300 = arith.extui %and3A_299 : i1 to i32
    %cond3A_301 = arith.constant 0 : i32
    %cond3A_302 = arith.cmpi ne, %convert_element_type3A_300, %cond3A_301 : i32
    scf.if %cond3A_302 {
      %dma_wait3A = arith.constant 0 : i32
      %dma_wait3A_303 = tpu.memref_slice %arg3[%mul3A_83, %dma_wait3A] : memref<100000x128xf32, #tpu.memory_space<hbm>> -> memref<160x128xf32, #tpu.memory_space<hbm>>
      %dma_wait3A_304 = arith.constant 0 : i32
      %dma_wait3A_305 = tpu.memref_slice %arg3[%mul3A_83, %dma_wait3A_304] : memref<100000x128xf32, #tpu.memory_space<hbm>> -> memref<160x128xf32, #tpu.memory_space<hbm>>
      tpu.wait_dma2 semaphore(%arg47 : memref<!tpu.dma_semaphore, #tpu.memory_space<semaphore_mem>>) src(%arg25 : memref<160x128xf32, #tpu.memory_space<vmem>>) dst(%dma_wait3A_305 : memref<160x128xf32, #tpu.memory_space<hbm>>)
    } else {
    }
    return
  }
}

</mosaic_0001>

<sc_bundles>
// kernel: kernel.3.cloned.1.call-start
scs
__scs_entry_jumppad:
0x0: {  	(pc) =	sbr.rel $0x88, $3  }
0x1: {  	(tag) =	ssettag $0x0;
	lr =	simm.s32 $0x1  }
0x2: {  	[smem:$0x3FA0] =	sst lr;
	_ =	strace $0xD0000000  }
0x3: {  	_ = 	snop  }
0x4: {  	_ = 	snop  }
0x5: {  	_ = 	snop  }
0x6: {  	_ = 	snop  }
0x7: {  	_ = 	snop  }
__scs_overlays_trampoline_lowered:
0x8: {  	[smem:$0x3FAF] =	sst s0  }
0x9: {  	[smem:$0x3FB0] =	sst s1  }
0xa: {  	[smem:$0x3FB1] =	sst s2  }
0xb: {  	[smem:$0x3FB2] =	sst s3  }
0xc: {  	[smem:$0x3FB3] =	sst s4  }
0xd: {  	[smem:$0x3FB4] =	sst s5  }
0xe: {  	[smem:$0x3FB5] =	sst s6  }
0xf: {  	[smem:$0x3FB6] =	sst s7  }
0x10: {  	[smem:$0x3FB7] =	sst s8  }
0x11: {  	[smem:$0x3FB8] =	sst s9;
	s0 =	simm.s32 @!p0 $0x0  }
0x12: {  	s1 =	sld [smem:$0x3F9E];
	s0 =	simm.s32 @p0 $0x1  }
0x13: {  	[smem:$0x3FB9] =	sst s0;
	s0 =	simm.s32 @!p1 $0x0  }
0x14: {  	s2 =	sld [smem:$0x3F9D];
	s0 =	simm.s32 @p1 $0x1  }
0x15: {  	[smem:$0x3FBA] =	sst s0;
	s0 =	simm.s32 @!p2 $0x0  }
0x16: {  	s3 =	sld [smem:$0x3FDB];
	s0 =	simm.s32 @p2 $0x1  }
0x17: {  	s4 =	simm.s32 $0x1BF5;
	[smem:$0x3FBC] =	sst s0  }
0x18: {  	s0 =	sld [smem:$0x3F9F];
	_ =	swait.ge [sflag:s4], $0x0  }
0x19: {  	s7 =	sld [smem:$0x3FA0]  }
0x1a: {  	s8 =	sadd.s32 $0xFFFFE003, lr  }
0x1b: {  	s9 =	sadd.s32 $0xFFFFFEF7, lr;
	s5 =	simm.s32 $0xFFFFFFFF;
	p2 =	slt.u32 s8, $0xFFFFF086  }
0x1c: {  	p1 =	slt.u32 s9, $0xF7A;
	s5 =	simm.s32 @!p2 $0x0  }
0x1d: {  	s5 =	simm.s32 @p1 $0x1;
	p0 =	seq.s32 s7, s2  }
0x1e: {  	s7 =	smul.u32 @!p0 $0xF7A, s2;
	p2 =	seq.s32 @!p0 s5, $0x0  }
0x1f: {  	s9 =	smul.u32 $0xF7A, s1;
	s8 =	simm.s32 @!p0 $0x1BF5;
	p2 =	por !p2, p0  }
0x20: {  	[sflag:s8] =	ssyncset.s32 @!p0 $0xFFFFF086;
	s6 =	sadd.s32 @!p0 s3, s7;
	s7 =	simm.s32 @!p0 $0x108  }
0x21: {  	s3 =	sadd.s32 s3, s9;
	s6 =	sadd.s32 @!p0 $0x88, s6;
	s7 =	simm.s32 @p2 $0x1082  }
0x22: {  	[simem:s7], [sflag:s8] =	dma.local @!p0 [hbm:s6], $0xF7A  }
0x23: {  	s9 =	sor.u32 $0xD0000000, s2;
	s6 =	simm.s32 $0x108;
	_ =	swait.ge @!p0 [sflag:s8], $0x0  }
0x24: {  	s3 =	sadd.s32 $0x88, s3;
	s6 =	simm.s32 @!p1 $0x1082;
	[sflag:s4] =	ssyncset.s32 $0xFFFFF086  }
0x25: {  	[simem:s6], [sflag:s4] =	dma.local [hbm:s3], $0xF7A  }
0x26: {  	[smem:$0x3FA0] =	sst s1;
	(tag) =	ssettag s2;
	_ =	strace s9  }
0x27: {  	s1 =	sld [smem:$0x3FB0]  }
0x28: {  	s2 =	sld [smem:$0x3FB1]  }
0x29: {  	s4 =	sld [smem:$0x3FB3]  }
0x2a: {  	p0 =	seq.s32 s5, $0x0;
	s5 =	sld [smem:$0x3FB4]  }
0x2b: {  	s6 =	sld [smem:$0x3FB5]  }
0x2c: {  	s7 =	sld [smem:$0x3FB6]  }
0x2d: {  	s3 =	simm.s32 $0x108;
	s8 =	sld [smem:$0x3FB7]  }
0x2e: {  	s3 =	simm.s32 @!p0 $0x1082;
	s9 =	sld [smem:$0x3FB8]  }
0x2f: {  	lr =	sadd.s32 s0, s3;
	s0 =	sld [smem:$0x3FAF]  }
0x30: {  	s3 =	sld [smem:$0x3FB2]  }
0x31: {  	[smem:$0x3FBB] =	sst s10  }
0x32: {  	s10 =	sld [smem:$0x3FB9];
	_ =	sdelay $0x3  }
0x33: {  	p0 =	seq.s32 s10, $0x1;
	s10 =	sld [smem:$0x3FBB];
	_ =	sdelay $0x3  }
0x34: {  	[smem:$0x3FBB] =	sst s10  }
0x35: {  	s10 =	sld [smem:$0x3FBA];
	_ =	sdelay $0x3  }
0x36: {  	p1 =	seq.s32 s10, $0x1;
	s10 =	sld [smem:$0x3FBB];
	_ =	sdelay $0x3  }
0x37: {  	[smem:$0x3FBB] =	sst s10  }
0x38: {  	s10 =	sld [smem:$0x3FBC]  }
0x39: {  	_ = 	snop;
	(pc) =	sbr.ind lr, $3  }
0x3a: {  	_ = 	snop  }
0x3b: {  	_ = 	snop  }
0x3c: {  	p2 =	seq.s32 s10, $0x1;
	s10 =	sld [smem:$0x3FBB]  }
0x3d: {  	_ =	shalt  }
0x3e: {  	_ =	shalt  }
0x3f: {  	_ =	shalt  }
0x40: {  	_ =	shalt  }
0x41: {  	_ =	shalt  }
0x42: {  	_ =	shalt  }
0x43: {  	_ =	shalt  }
0x44: {  	_ =	shalt  }
0x45: {  	_ =	shalt  }
0x46: {  	_ =	shalt  }
0x47: {  	_ =	shalt  }
0x48: {  	_ =	shalt  }
0x49: {  	_ =	shalt  }
0x4a: {  	_ =	shalt  }
0x4b: {  	_ =	shalt  }
0x4c: {  	_ =	shalt  }
0x4d: {  	_ =	shalt  }
0x4e: {  	_ =	shalt  }
0x4f: {  	_ =	shalt  }
0x50: {  	_ =	shalt  }
0x51: {  	_ =	shalt  }
0x52: {  	_ =	shalt  }
0x53: {  	_ =	shalt  }
0x54: {  	_ =	shalt  }
0x55: {  	_ =	shalt  }
0x56: {  	_ =	shalt  }
0x57: {  	_ =	shalt  }
0x58: {  	_ =	shalt  }
0x59: {  	_ =	shalt  }
0x5a: {  	_ =	shalt  }
0x5b: {  	_ =	shalt  }
0x5c: {  	_ =	shalt  }
0x5d: {  	_ =	shalt  }
0x5e: {  	_ =	shalt  }
0x5f: {  	_ =	shalt  }
0x60: {  	_ =	shalt  }
0x61: {  	_ =	shalt  }
0x62: {  	_ =	shalt  }
0x63: {  	_ =	shalt  }
0x64: {  	_ =	shalt  }
0x65: {  	_ =	shalt  }
0x66: {  	_ =	shalt  }
0x67: {  	_ =	shalt  }
0x68: {  	_ =	shalt  }
0x69: {  	_ =	shalt  }
0x6a: {  	_ =	shalt  }
0x6b: {  	_ =	shalt  }
0x6c: {  	_ =	shalt  }
0x6d: {  	_ =	shalt  }
0x6e: {  	_ =	shalt  }
0x6f: {  	_ =	shalt  }
0x70: {  	_ =	shalt  }
0x71: {  	_ =	shalt  }
0x72: {  	_ =	shalt  }
0x73: {  	_ =	shalt  }
0x74: {  	_ =	shalt  }
0x75: {  	_ =	shalt  }
0x76: {  	_ =	shalt  }
0x77: {  	_ =	shalt  }
0x78: {  	_ =	shalt  }
0x79: {  	_ =	shalt  }
0x7a: {  	_ =	shalt  }
0x7b: {  	_ =	shalt  }
0x7c: {  	_ =	shalt  }
0x7d: {  	_ =	shalt  }
0x7e: {  	_ =	shalt  }
0x7f: {  	_ =	shalt  }
0x80: {  	_ =	shalt  }
0x81: {  	_ =	shalt  }
0x82: {  	_ =	shalt  }
0x83: {  	_ =	shalt  }
0x84: {  	_ =	shalt  }
0x85: {  	_ =	shalt  }
0x86: {  	_ =	shalt  }
0x87: {  	_ =	shalt  }
.Lfunc_end0:
.L_simem_size_0:
called_computation_lowered:
.L_overlay_start_0:
0x88: {  	s2 =	sld [smem:$0x3FD9]  }
0x89: {  	s3 =	sld [smem:$0x3FFE];
	_ =	sdelay $0x1  }
0x8a: {  	s1 =	srdreg.scid  }
0x8b: {  	s0 =	sand.u32 $0x1, s1  }
0x8c: {  	s17 =	sshll.u32 s0, $0xA;
	s2 =	sadd.s32 s3, s2  }
0x8d: {  	s2 =	sadd.s32 s2, s17  }
0x8e: {  	[smem:$0x3FC7] =	sst s2  }
0x8f: {  	_ = 	snop  }
0x90: {  	s2 =	sld [smem:$0x3FD0];
	(tm) =	ssettm $0x1  }
0x91: {  	s18 =	sld [smem:$0x3FFB];
	_ =	sdelay $0x3  }
0x92: {  	_ =	strace s18  }
0x93: {  	s3 =	sld [smem:$0x3FFC];
	_ =	sdelay $0x3  }
0x94: {  	_ =	strace s3  }
0x95: {  	s3 =	sld [smem:$0x3FFD];
	_ =	sdelay $0x3  }
0x96: {  	_ =	strace s3  }
0x97: {  	_ =	strace $0x8FFFFFFF  }
0x98: {  	s19 =	sld [smem:$0x3FDB];
	_ =	sdelay $0x1  }
0x99: {  	s4 =	simm.s32 $_scs_section_size  }
0x9a: {  	s5 =	simm.s32 $_size__tile_overlayer_lowered;
	s6 =	simm.s32 $_tile_overlayer_lowered  }
0x9b: {  	s22 =	simm.s32 $0x1BFF;
	s21 =	sshll.u32 s6, $0x1;
	s3 =	sadd.s32 s4, s19  }
0x9c: {  	s7 =	simm.s32 $0x0;
	s20 =	sshll.u32 s5, $0x1;
	s5 =	sadd.s32 s21, s3  }
0x9d: {  	[timem:s7], [sflag:s22] =	dma.local [hbm:s5], s20  }
0x9e: {  	_ =	swait.ge [sflag:s22], s20  }
0x9f: {  	s4 =	ssub.s32 $0x0, s20;
	[sflag:s22] =	ssyncset.done $0x0  }
0xa0: {  	[sflag:s22] =	ssyncadd.s32 s4;
	_ =	sdelay $0x1  }
0xa1: {  	s23 =	simm.s32 $0x1B8B  }
0xa2: {  	_ =	swait.ge [sflag:s23], $0x1  }
0xa3: {  	[sflag:s23] =	ssyncset.done $0x0  }
0xa4: {  	s25 =	simm.s32 $0x1B8E;
	s24 =	sld [smem:$0x3FFE];
	[sflag:s23] =	ssyncadd.s32 $0xFFFFFFFF  }
0xa5: {  	s26 =	simm.s32 $execute0_lowered;
	[smem:$0x3FD2] =	sst s25  }
0xa6: {  	s5 =	sshll.u32 s26, $0x1;
	_ =	strace $0x80000046;
	[dreg:$0x1] =	wrdreg $0xFFFFFFFF  }
0xa7: {  	s28 =	simm.s32 $_size_execute0_lowered;
	s3 =	sadd.s32 s3, s5;
	[dreg:$0x0] =	wrdreg $0x0  }
0xa8: {  	s5 =	sshll.u32 s28, $0x1;
	[dreg:$0x2] =	wrdreg s3  }
0xa9: {  	[dreg:$0x3] =	wrdreg s5  }
0xaa: {  	[dreg:$0x4] =	wrdreg $0xC0  }
0xab: {  	_ =	task [dreg:s7], $0x5FFFF  }
0xac: {  	[dreg:$0x1] =	wrdreg $0xFFFFFFFF  }
0xad: {  	[dreg:$0x0] =	wrdreg $0x60  }
0xae: {  	[dreg:$0x2] =	wrdreg s24  }
0xaf: {  	[dreg:$0x3] =	wrdreg s2  }
0xb0: {  	[dreg:$0x4] =	wrdreg $0x9  }
0xb1: {  	_ =	task.clear_ibuf [dreg:s7], $0x5FFFF;
	_ =	strace $0x90000046  }
0xb2: {  	s29 =	simm.s32 $0x9;
	_ =	strace $0x80000048  }
0xb3: {  	_ =	swait.ge [sflag:s29], $0x1  }
0xb4: {  	[sflag:s29] =	ssyncadd.s32 $0xFFFFFFFF  }
0xb5: {  	_ =	strace $0x90000048  }
0xb6: {  	_ =	sfence  }
0xb7: {  	s30 =	sld [smem:$0x0];
	_ =	sdelay $0x2  }
0xb8: {  	s31 =	sshll.u32 s1, $0xD;
	s1 =	sshrl.u32 s1, $0x2  }
0xb9: {  	s3 =	sand.u32 $0x4000, s31;
	s1 =	sadd.s32 s1, s30  }
0xba: {  	s0 =	sor.u32 s3, s0;
	s1 =	sshll.u32 s1, $0x11  }
0xbb: {  	s0 =	sor.u32 s1, s0  }
0xbc: {  	s0 =	sadd.s32 $0x8F2B, s0  }
0xbd: {  	[sflag:s0] =	ssyncadd.remote.s32 $0x1  }
0xbe: {  	_ =	sfence.sel $0xFFFF  }
0xbf: {  	[dreg:$0x0] =	wrdreg $0xFFFFFFFF;
	(pc) =	sbr.abs _section_cstart, $3  }
0xc0: {  	[dreg:$0x1] =	wrdreg $0xFFFFFFFF  }
0xc1: {  	_ =	task.clear_ibuf [dreg:s7], $0x2FFFF;
	_ =	strace $0x9FFFFFFF  }
0xc2: {  	(tm) =	ssettm $0x7FFFFFFF  }
0xc3: {  	_ =	shalt  }
tec
execute0_lowered:
.L_overlay_start_1:
0x0: {  	(tag) =	ssettag $0x1  }
0x1: {  	s0 =	srdreg.scid;
	s2 =	stileid.u32  }
0x2: {  	s1 =	sand.u32 $0x1, s0;
	s25 =	sshll.u32 s2, $0x1  }
0x3: {  	s0 =	sor.u32 s1, s25  }
0x4: {  	s26 =	sor.u32 $0x20, s0;
	s3 =	smul.u32 $0x14, s0  }
0x5: {  	s4 =	sor.u32 $0x40, s0;
	s5 =	smul.u32 $0x14, s26  }
0x6: {  	s6 =	sor.u32 $0x60, s0;
	s7 =	smul.u32 $0x14, s4  }
0x7: {  	s8 =	sor.u32 $0x80, s0;
	s9 =	smul.u32 $0x14, s6  }
0x8: {  	s10 =	sor.u32 $0xA0, s0;
	s11 =	smul.u32 $0x14, s8  }
0x9: {  	s12 =	sor.u32 $0xC0, s0;
	s13 =	smul.u32 $0x14, s10  }
0xa: {  	s14 =	sor.u32 $0xE0, s0;
	s15 =	smul.u32 $0x14, s12  }
0xb: {  	s16 =	sor.u32 $0x100, s0;
	s17 =	smul.u32 $0x14, s14  }
0xc: {  	s18 =	sor.u32 $0x120, s0;
	s19 =	smul.u32 $0x14, s16  }
0xd: {  	s20 =	sor.u32 $0x140, s0;
	s21 =	smul.u32 $0x14, s18  }
0xe: {  	s22 =	smul.u32 $0x14, s20  }
0xf: {  	s23 =	rddreg [dreg:$0x0];
	s28 =	simm.s32 $0xE;
	s2 =	smul.u32 $0xA00, s26  }
0x10: {  	s29 =	simm.s32 $0xF;
	s30 =	simm.s32 $0x10;
	s4 =	smul.u32 $0xA00, s4  }
0x11: {  	s31 =	simm.s32 $0x11;
	s1 =	ssub.s32 $0x2, s1;
	s6 =	smul.u32 $0xA00, s6  }
0x12: {  	s24 =	sshrl.u32 s1, $0x1;
	p0 =	sgt.u32 s0, $0x10;
	s8 =	smul.u32 $0xA00, s8  }
0x13: {  	s1 =	ssub.s32 s1, s24;
	s24 =	sor.u32 $0x160, s0;
	s3 =	sadd.s32 s23, s3  }
0x14: {  	s10 =	smul.u32 $0xA00, s10;
	[dreg:$0x3] =	wrdreg s3;
	s5 =	sadd.s32 s23, s5  }
0x15: {  	s18 =	smul.u32 $0xA00, s18;
	s7 =	sadd.s32 s23, s7;
	[dreg:$0x4] =	wrdreg s5  }
0x16: {  	s3 =	smul.u32 $0xA00, s12;
	s9 =	sadd.s32 s23, s9;
	[dreg:$0x5] =	wrdreg s7  }
0x17: {  	s12 =	sadd.s32 s23, s11;
	s11 =	smul.u32 $0x14, s24;
	[dreg:$0x6] =	wrdreg s9  }
0x18: {  	s17 =	sadd.s32 s23, s17;
	s19 =	sadd.s32 s23, s19;
	[dreg:$0x7] =	wrdreg s12  }
0x19: {  	s25 =	sadd.s32 s23, s21;
	s26 =	sadd.s32 s23, s22;
	[dreg:$0xa] =	wrdreg s17  }
0x1a: {  	s5 =	smul.u32 $0xA00, s14;
	s14 =	sadd.s32 s23, s13;
	[dreg:$0xb] =	wrdreg s19  }
0x1b: {  	s7 =	smul.u32 $0xA00, s16;
	s16 =	sadd.s32 s23, s15;
	[dreg:$0xc] =	wrdreg s25  }
0x1c: {  	s9 =	sor.u32 $0x180, s0;
	s12 =	sor.u32 $0x1A0, s0;
	[dreg:$0xd] =	wrdreg s26  }
0x1d: {  	s19 =	sor.u32 $0x200, s0;
	[dreg:$0x8] =	wrdreg s14;
	s13 =	smul.u32 $0x14, s9  }
0x1e: {  	[dreg:$0x9] =	wrdreg s16;
	s14 =	sor.u32 $0x1C0, s0;
	s15 =	smul.u32 $0x14, s12  }
0x1f: {  	s16 =	sor.u32 $0x1E0, s0;
	s11 =	sadd.s32 s23, s11;
	s22 =	smul.u32 $0x14, s19  }
0x20: {  	s17 =	smul.u32 $0x14, s14;
	[dreg:$0xe] =	wrdreg s11;
	s13 =	sadd.s32 s23, s13  }
0x21: {  	s21 =	smul.u32 $0x14, s16;
	s15 =	sadd.s32 s23, s15;
	[dreg:$0xf] =	wrdreg s13  }
0x22: {  	s11 =	sor.u32 $0x220, s0;
	s22 =	sadd.s32 s23, s22;
	[dreg:$0x10] =	wrdreg s15  }
0x23: {  	s25 =	smul.u32 $0x14, s11;
	s17 =	sadd.s32 s23, s17;
	[dreg:$0x13] =	wrdreg s22  }
0x24: {  	s20 =	smul.u32 $0xA00, s20;
	s21 =	sadd.s32 s23, s21;
	[dreg:$0x11] =	wrdreg s17  }
0x25: {  	s13 =	sor.u32 $0x240, s0;
	[dreg:$0x12] =	wrdreg s21;
	s22 =	sadd.s32 s23, s25  }
0x26: {  	s15 =	sor.u32 $0x260, s0;
	s26 =	smul.u32 $0x14, s13;
	[dreg:$0x14] =	wrdreg s22  }
0x27: {  	s17 =	smul.u32 $0x14, s15;
	s21 =	simm.s32 $0x0;
	s22 =	rddreg [dreg:$0x1]  }
0x28: {  	s19 =	smul.u32 $0xA00, s19;
	[smem:$0x7FF] =	sst s21;
	s25 =	sadd.s32 s23, s26  }
0x29: {  	s17 =	sadd.s32 s23, s17;
	s26 =	smul.u32 $0xA00, s0;
	[dreg:$0x15] =	wrdreg s25  }
0x2a: {  	s23 =	smul.u32 $0xA00, s24;
	s2 =	sadd.s32 s22, s2;
	[dreg:$0x16] =	wrdreg s17  }
0x2b: {  	s24 =	sadd.s32 s22, s4;
	s3 =	sadd.s32 s22, s3;
	[dreg:$0x18] =	wrdreg s2  }
0x2c: {  	s5 =	sadd.s32 s22, s5;
	[dreg:$0x19] =	wrdreg s24;
	s25 =	smul.u32 $0xA00, s9  }
0x2d: {  	s9 =	sadd.s32 s22, s10;
	[dreg:$0x1d] =	wrdreg s3;
	s10 =	smul.u32 $0xA00, s14  }
0x2e: {  	s0 =	simm.s32 $0x12;
	[dreg:$0x1e] =	wrdreg s5;
	s14 =	smul.u32 $0xA00, s16  }
0x2f: {  	s16 =	sadd.s32 s22, s18;
	s18 =	sadd.s32 s22, s20;
	[dreg:$0x1c] =	wrdreg s9  }
0x30: {  	s24 =	smul.u32 $0xA00, s13;
	s13 =	simm.s32 $0x2;
	[smem:$0x7F7] =	sst s16  }
0x31: {  	s17 =	sadd.s32 s22, s26;
	s26 =	sadd.s32 s22, s6;
	[smem:$0x7F8] =	sst s18  }
0x32: {  	s6 =	sadd.s32 s22, s8;
	s8 =	smul.u32 $0xA00, s12;
	[dreg:$0x17] =	wrdreg s17  }
0x33: {  	s12 =	sadd.s32 s22, s7;
	s20 =	sadd.s32 s22, s23;
	[dreg:$0x1a] =	wrdreg s26  }
0x34: {  	s23 =	smul.u32 $0xA00, s11;
	s7 =	sadd.s32 s22, s19;
	[dreg:$0x1b] =	wrdreg s6  }
0x35: {  	s11 =	simm.s32 $0x1;
	s16 =	simm.s32 $0x4;
	[dreg:$0x1f] =	wrdreg s12  }
0x36: {  	s18 =	simm.s32 $0x6;
	s19 =	simm.s32 $0x7;
	[smem:$0x7F9] =	sst s20  }
0x37: {  	s2 =	sadd.s32 s22, s25;
	s3 =	sadd.s32 s22, s10;
	s6 =	sadd.s32 s22, s14  }
0x38: {  	s25 =	smul.u32 $0xA00, s15;
	s9 =	sadd.s32 s22, s24;
	s10 =	smax.u32 s1, $0x1  }
0x39: {  	v0 =	vlaneseq.u32;
	s12 =	simm.s32 $0x1400;
	s14 =	simm.s32 $0x6400;
	s15 =	simm.s32 $0x3  }
0x3a: {  	v0 =	vmul.u32 $0x80, v0;
	s17 =	simm.s32 $0x5;
	s20 =	simm.s32 $0x8;
	s24 =	simm.s32 $0xB  }
.Ltmp0:
0x3b: {  	s1 =	simm.s32 $0x13;
	[smem:$0x7FA] =	sst s2;
	(pc) =	sbr.rel .LBB2_1-.Ltmp0, $4  }
0x3c: {  	v1 =	vimm.f32 $0.0e+00;
	v3 =	vor.u32 $0x800, v0;
	s4 =	sadd.s32 s22, s8;
	[smem:$0x7FC] =	sst s3;
	s8 =	sadd.s32 s22, s23  }
0x3d: {  	v4 =	vor.u32 $0x1000, v0;
	v5 =	vor.u32 $0x1800, v0;
	v6 =	vor.u32 $0x2000, v0;
	s23 =	simm.s32 $0xA;
	[smem:$0x7FB] =	sst s4;
	s26 =	sadd.s32 s22, s25  }
0x3e: {  	v7 =	vor.u32 $0x2800, v0;
	v8 =	vor.u32 $0x3000, v0;
	v9 =	vor.u32 $0x3800, v0;
	s2 =	simm.s32 $0x0;
	s22 =	simm.s32 $0x9;
	[smem:$0x7FD] =	sst s26  }
0x3f: {  	v2 =	vimm.f32 $1.000000000e+00;
	v10 =	vor.u32 $0x4000, v0;
	v11 =	vor.u32 $0x4800, v0;
	s25 =	simm.s32 $0xC;
	s26 =	simm.s32 $0xD;
	_ =	strace $0x80000047  }
.LBB2_5:
0x40: {  	s2 =	sadd.s32 $0x1, s2  }
0x41: {  	_ =	swait.ge [sflag:s4], $0x5000;
	p1 =	sne.s32 s2, s10  }
.Ltmp1:
0x42: {  	[sflag:s4] =	ssyncset.done $0x0;
	(pc) =	sbr.rel @!p1 .LBB2_6-.Ltmp1, $4  }
0x43: {  	[sflag:s4] =	ssyncadd.s32 $0xFFFFB000  }
0x44: {  	_ =	swait.ge [sflag:s3], $0x5000  }
0x45: {  	[sflag:s3] =	ssyncset.done $0x0  }
0x46: {  	[sflag:s3] =	ssyncadd.s32 $0xFFFFB000  }
.LBB2_1:
0x47: {  	s3 =	rddreg [dreg:$0x3]  }
0x48: {  	[tilespmem:s21], [sflag:$0x1] =	stream.linear.gather [hbm4b:s3+s21], $0xA0, $0x38;
	[tilespmem:$0xB400] =	vst v63  }
0x49: {  	s5 =	rddreg [dreg:$0x4];
	s4 =	simm.s32 $0x100  }
0x4a: {  	[tilespmem:s4], [sflag:$0x2] =	stream.linear.gather [hbm4b:s5+s21], $0xA0, $0x38;
	[tilespmem:$0xB400] =	vst v63  }
0x4b: {  	s4 =	rddreg [dreg:$0x5];
	s5 =	simm.s32 $0x200  }
0x4c: {  	[tilespmem:s5], [sflag:$0x3] =	stream.linear.gather [hbm4b:s4+s21], $0xA0, $0x38;
	[tilespmem:$0xB400] =	vst v63  }
0x4d: {  	s4 =	rddreg [dreg:$0x6];
	s5 =	simm.s32 $0x300  }
0x4e: {  	[tilespmem:s5], [sflag:$0x4] =	stream.linear.gather [hbm4b:s4+s21], $0xA0, $0x38;
	[tilespmem:$0xB400] =	vst v63  }
0x4f: {  	s4 =	rddreg [dreg:$0x7];
	s5 =	simm.s32 $0x400  }
0x50: {  	[tilespmem:s5], [sflag:$0x5] =	stream.linear.gather [hbm4b:s4+s21], $0xA0, $0x38;
	[tilespmem:$0xB400] =	vst v63  }
0x51: {  	s4 =	rddreg [dreg:$0x8];
	s5 =	simm.s32 $0x500  }
0x52: {  	[tilespmem:s5], [sflag:$0x6] =	stream.linear.gather [hbm4b:s4+s21], $0xA0, $0x38;
	[tilespmem:$0xB400] =	vst v63  }
0x53: {  	s4 =	rddreg [dreg:$0x9];
	s5 =	simm.s32 $0x600  }
0x54: {  	[tilespmem:s5], [sflag:$0x7] =	stream.linear.gather [hbm4b:s4+s21], $0xA0, $0x38;
	[tilespmem:$0xB400] =	vst v63  }
0x55: {  	s4 =	rddreg [dreg:$0xa];
	s5 =	simm.s32 $0x700  }
0x56: {  	[tilespmem:s5], [sflag:$0x8] =	stream.linear.gather [hbm4b:s4+s21], $0xA0, $0x38;
	[tilespmem:$0xB400] =	vst v63  }
0x57: {  	s4 =	rddreg [dreg:$0xb];
	s5 =	simm.s32 $0x800  }
0x58: {  	[tilespmem:s5], [sflag:$0x9] =	stream.linear.gather [hbm4b:s4+s21], $0xA0, $0x38;
	[tilespmem:$0xB400] =	vst v63  }
0x59: {  	s4 =	rddreg [dreg:$0xc];
	s5 =	simm.s32 $0x900  }
0x5a: {  	[tilespmem:s5], [sflag:$0xA] =	stream.linear.gather [hbm4b:s4+s21], $0xA0, $0x38;
	[tilespmem:$0xB400] =	vst v63  }
0x5b: {  	s4 =	rddreg [dreg:$0xd];
	s5 =	simm.s32 $0xA00  }
0x5c: {  	[tilespmem:s5], [sflag:$0xB] =	stream.linear.gather [hbm4b:s4+s21], $0xA0, $0x38;
	[tilespmem:$0xB400] =	vst v63  }
0x5d: {  	s4 =	rddreg [dreg:$0xe];
	s5 =	simm.s32 $0xB00  }
0x5e: {  	[tilespmem:s5], [sflag:$0xC] =	stream.linear.gather [hbm4b:s4+s21], $0xA0, $0x38;
	[tilespmem:$0xB400] =	vst v63  }
0x5f: {  	s4 =	rddreg [dreg:$0xf];
	s5 =	simm.s32 $0xC00  }
0x60: {  	[tilespmem:s5], [sflag:$0xD] =	stream.linear.gather [hbm4b:s4+s21], $0xA0, $0x38;
	[tilespmem:$0xB400] =	vst v63  }
0x61: {  	s4 =	rddreg [dreg:$0x10];
	s5 =	simm.s32 $0xD00  }
0x62: {  	[tilespmem:s5], [sflag:$0xE] =	stream.linear.gather [hbm4b:s4+s21], $0xA0, $0x38;
	[tilespmem:$0xB400] =	vst v63  }
0x63: {  	s4 =	rddreg [dreg:$0x11];
	s5 =	simm.s32 $0xE00  }
0x64: {  	[tilespmem:s5], [sflag:$0xF] =	stream.linear.gather [hbm4b:s4+s21], $0xA0, $0x38;
	[tilespmem:$0xB400] =	vst v63  }
0x65: {  	s4 =	rddreg [dreg:$0x12];
	s5 =	simm.s32 $0xF00  }
0x66: {  	[tilespmem:s5], [sflag:$0x10] =	stream.linear.gather [hbm4b:s4+s21], $0xA0, $0x38;
	[tilespmem:$0xB400] =	vst v63  }
0x67: {  	s4 =	rddreg [dreg:$0x13];
	s5 =	simm.s32 $0x1000  }
0x68: {  	[tilespmem:s5], [sflag:$0x11] =	stream.linear.gather [hbm4b:s4+s21], $0xA0, $0x38;
	[tilespmem:$0xB400] =	vst v63  }
0x69: {  	s4 =	rddreg [dreg:$0x14];
	s5 =	simm.s32 $0x1100  }
0x6a: {  	[tilespmem:s5], [sflag:$0x12] =	stream.linear.gather [hbm4b:s4+s21], $0xA0, $0x38;
	[tilespmem:$0xB400] =	vst v63  }
0x6b: {  	s4 =	rddreg [dreg:$0x15];
	s5 =	simm.s32 $0x1200  }
0x6c: {  	[tilespmem:s5], [sflag:$0x13] =	stream.linear.gather [hbm4b:s4+s21], $0xA0, $0x38;
	[tilespmem:$0xB400] =	vst v63  }
0x6d: {  	s3 =	simm.s32 @!p0 $0x0;
	s4 =	simm.s32 @!p0 $0x1300;
	s5 =	rddreg [dreg:$0x16]  }
0x6e: {  	[tilespmem:s4], [sflag:$0x14] =	stream.linear.gather @!p0 [hbm4b:s5+s3], $0xA0, $0x38;
	[tilespmem:$0xB400] =	vst v63  }
0x6f: {  	s3 =	simm.s32 $0x0;
	s4 =	simm.s32 $0x200  }
.LBB2_2:
0x70: {  	p1 =	sne.s32 s4, $0x13E00;
	[tilespmem:s3+$0x6470] =	vst v1  }
0x71: {  	[tilespmem:s3+$0x1400] =	vst v1  }
0x72: {  	[tilespmem:s3+$0x1410] =	vst v1  }
0x73: {  	[tilespmem:s3+$0x1420] =	vst v1  }
0x74: {  	[tilespmem:s3+$0x1430] =	vst v1  }
0x75: {  	[tilespmem:s3+$0x1440] =	vst v1  }
0x76: {  	[tilespmem:s3+$0x1450] =	vst v1  }
0x77: {  	[tilespmem:s3+$0x1460] =	vst v1  }
0x78: {  	[tilespmem:s3+$0x1470] =	vst v1  }
0x79: {  	[tilespmem:s3+$0x6400] =	vst v1  }
0x7a: {  	[tilespmem:s3+$0x6410] =	vst v1  }
.Ltmp2:
0x7b: {  	[tilespmem:s3+$0x6420] =	vst v1;
	(pc) =	sbr.rel @p1 .LBB2_2-.Ltmp2, $4  }
0x7c: {  	[tilespmem:s3+$0x6430] =	vst v1  }
0x7d: {  	[tilespmem:s3+$0x6440] =	vst v1  }
0x7e: {  	[tilespmem:s3+$0x6450] =	vst v1  }
0x7f: {  	[tilespmem:s3+$0x6460] =	vst v1;
	s3 =	sshra.s32 s4, $0x2;
	s4 =	sadd.s32 $0x200, s4  }
0x80: {  	[tilespmem:s3+$0x6470] =	vst v1  }
0x81: {  	[tilespmem:s3+$0x1400] =	vst v1  }
0x82: {  	[tilespmem:s3+$0x1410] =	vst v1  }
0x83: {  	[tilespmem:s3+$0x1420] =	vst v1  }
0x84: {  	[tilespmem:s3+$0x1430] =	vst v1  }
0x85: {  	[tilespmem:s3+$0x1440] =	vst v1  }
0x86: {  	[tilespmem:s3+$0x1450] =	vst v1  }
0x87: {  	[tilespmem:s3+$0x1460] =	vst v1  }
0x88: {  	[tilespmem:s3+$0x1470] =	vst v1  }
0x89: {  	[tilespmem:s3+$0x6400] =	vst v1  }
0x8a: {  	[tilespmem:s3+$0x6410] =	vst v1  }
0x8b: {  	[tilespmem:s3+$0x6420] =	vst v1  }
0x8c: {  	[tilespmem:s3+$0x6430] =	vst v1  }
0x8d: {  	[tilespmem:s3+$0x6440] =	vst v1  }
0x8e: {  	[tilespmem:s3+$0x6450] =	vst v1  }
0x8f: {  	[tilespmem:s3+$0x6460] =	vst v1  }
0x90: {  	_ =	swait.ge [sflag:s11], $0xA0  }
0x91: {  	[sflag:s11] =	ssyncset.done $0x0  }
0x92: {  	[sflag:s11] =	ssyncadd.s32 $0xFFFFFF60  }
0x93: {  	v12 =	vld [tilespmem:$0x0];
	_ =	sdelay $0x4  }
0x94: {  	v12 =	vadd.s32 v0, v12;
	_ =	sdelay $0x4  }
0x95: {  	[tilespmem:v12+s12+$0x0] =	vst.idx.msk $0xffff, v2  }
0x96: {  	v12 =	vld [tilespmem:$0x10];
	_ =	sdelay $0x4  }
0x97: {  	v12 =	vadd.s32 v3, v12;
	_ =	sdelay $0x4  }
0x98: {  	[tilespmem:v12+s12+$0x0] =	vst.idx.msk $0xffff, v2  }
0x99: {  	v12 =	vld [tilespmem:$0x20];
	_ =	sdelay $0x4  }
0x9a: {  	v12 =	vadd.s32 v4, v12;
	_ =	sdelay $0x4  }
0x9b: {  	[tilespmem:v12+s12+$0x0] =	vst.idx.msk $0xffff, v2  }
0x9c: {  	v12 =	vld [tilespmem:$0x30];
	_ =	sdelay $0x4  }
0x9d: {  	v12 =	vadd.s32 v5, v12;
	_ =	sdelay $0x4  }
0x9e: {  	[tilespmem:v12+s12+$0x0] =	vst.idx.msk $0xffff, v2  }
0x9f: {  	v12 =	vld [tilespmem:$0x40];
	_ =	sdelay $0x4  }
0xa0: {  	v12 =	vadd.s32 v6, v12;
	_ =	sdelay $0x4  }
0xa1: {  	[tilespmem:v12+s12+$0x0] =	vst.idx.msk $0xffff, v2  }
0xa2: {  	v12 =	vld [tilespmem:$0x50];
	_ =	sdelay $0x4  }
0xa3: {  	v12 =	vadd.s32 v7, v12;
	_ =	sdelay $0x4  }
0xa4: {  	[tilespmem:v12+s12+$0x0] =	vst.idx.msk $0xffff, v2  }
0xa5: {  	v12 =	vld [tilespmem:$0x60];
	_ =	sdelay $0x4  }
0xa6: {  	v12 =	vadd.s32 v8, v12;
	_ =	sdelay $0x4  }
0xa7: {  	[tilespmem:v12+s12+$0x0] =	vst.idx.msk $0xffff, v2  }
0xa8: {  	v12 =	vld [tilespmem:$0x70];
	_ =	sdelay $0x4  }
0xa9: {  	v12 =	vadd.s32 v9, v12;
	_ =	sdelay $0x4  }
0xaa: {  	[tilespmem:v12+s12+$0x0] =	vst.idx.msk $0xffff, v2  }
0xab: {  	v12 =	vld [tilespmem:$0x80];
	_ =	sdelay $0x4  }
0xac: {  	v12 =	vadd.s32 v10, v12;
	_ =	sdelay $0x4  }
0xad: {  	[tilespmem:v12+s12+$0x0] =	vst.idx.msk $0xffff, v2  }
0xae: {  	v12 =	vld [tilespmem:$0x90];
	_ =	sdelay $0x4  }
0xaf: {  	v12 =	vadd.s32 v11, v12;
	_ =	sdelay $0x4  }
0xb0: {  	s4 =	rddreg [dreg:$0x17];
	[tilespmem:v12+s12+$0x0] =	vst.idx.msk $0xffff, v2  }
0xb1: {  	[hbm4b:s4+s21] =	stream.linear.scatter [tilespmem:s12], [sflag:$0x15], $0x5000, $0x38;
	[tilespmem:$0xB400] =	vst v63  }
0xb2: {  	_ =	swait.ge [sflag:s13], $0xA0  }
0xb3: {  	[sflag:s13] =	ssyncset.done $0x0  }
0xb4: {  	[sflag:s13] =	ssyncadd.s32 $0xFFFFFF60  }
0xb5: {  	v46 =	vld [tilespmem:$0x100];
	_ =	sdelay $0x4  }
0xb6: {  	v12 =	vadd.s32 v0, v46;
	_ =	sdelay $0x4  }
0xb7: {  	[tilespmem:v12+s14+$0x0] =	vst.idx.msk $0xffff, v2  }
0xb8: {  	v12 =	vld [tilespmem:$0x110];
	_ =	sdelay $0x4  }
0xb9: {  	v12 =	vadd.s32 v3, v12;
	_ =	sdelay $0x4  }
0xba: {  	[tilespmem:v12+s14+$0x0] =	vst.idx.msk $0xffff, v2  }
0xbb: {  	v12 =	vld [tilespmem:$0x120];
	_ =	sdelay $0x4  }
0xbc: {  	v12 =	vadd.s32 v4, v12;
	_ =	sdelay $0x4  }
0xbd: {  	[tilespmem:v12+s14+$0x0] =	vst.idx.msk $0xffff, v2  }
0xbe: {  	v12 =	vld [tilespmem:$0x130];
	_ =	sdelay $0x4  }
0xbf: {  	v12 =	vadd.s32 v5, v12;
	_ =	sdelay $0x4  }
0xc0: {  	[tilespmem:v12+s14+$0x0] =	vst.idx.msk $0xffff, v2  }
0xc1: {  	v12 =	vld [tilespmem:$0x140];
	_ =	sdelay $0x4  }
0xc2: {  	v12 =	vadd.s32 v6, v12;
	_ =	sdelay $0x4  }
0xc3: {  	[tilespmem:v12+s14+$0x0] =	vst.idx.msk $0xffff, v2  }
0xc4: {  	v12 =	vld [tilespmem:$0x150];
	_ =	sdelay $0x4  }
0xc5: {  	v12 =	vadd.s32 v7, v12;
	_ =	sdelay $0x4  }
0xc6: {  	[tilespmem:v12+s14+$0x0] =	vst.idx.msk $0xffff, v2  }
0xc7: {  	v12 =	vld [tilespmem:$0x160];
	_ =	sdelay $0x4  }
0xc8: {  	v12 =	vadd.s32 v8, v12;
	_ =	sdelay $0x4  }
0xc9: {  	[tilespmem:v12+s14+$0x0] =	vst.idx.msk $0xffff, v2  }
0xca: {  	v12 =	vld [tilespmem:$0x170];
	_ =	sdelay $0x4  }
0xcb: {  	v12 =	vadd.s32 v9, v12;
	_ =	sdelay $0x4  }
0xcc: {  	[tilespmem:v12+s14+$0x0] =	vst.idx.msk $0xffff, v2  }
0xcd: {  	v12 =	vld [tilespmem:$0x180];
	_ =	sdelay $0x4  }
0xce: {  	v12 =	vadd.s32 v10, v12;
	_ =	sdelay $0x4  }
0xcf: {  	[tilespmem:v12+s14+$0x0] =	vst.idx.msk $0xffff, v2  }
0xd0: {  	v12 =	vld [tilespmem:$0x190];
	_ =	sdelay $0x4  }
0xd1: {  	v12 =	vadd.s32 v11, v12;
	_ =	sdelay $0x4  }
0xd2: {  	s5 =	rddreg [dreg:$0x18];
	[tilespmem:v12+s14+$0x0] =	vst.idx.msk $0xffff, v2  }
0xd3: {  	[hbm4b:s5+s21] =	stream.linear.scatter [tilespmem:s14], [sflag:$0x16], $0x5000, $0x38;
	[tilespmem:$0xB400] =	vst v63  }
0xd4: {  	_ =	swait.ge [sflag:s15], $0xA0  }
0xd5: {  	[sflag:s15] =	ssyncset.done $0x0  }
0xd6: {  	s3 =	simm.s32 $0x15;
	[sflag:s15] =	ssyncadd.s32 $0xFFFFFF60  }
0xd7: {  	_ =	swait.ge [sflag:s3], $0x5000  }
0xd8: {  	[sflag:s3] =	ssyncset.done $0x0  }
0xd9: {  	[sflag:s3] =	ssyncadd.s32 $0xFFFFB000  }
0xda: {  	v47 =	vld [tilespmem:$0x0];
	_ =	sdelay $0x4  }
0xdb: {  	v12 =	vadd.s32 v0, v47;
	_ =	sdelay $0x4  }
0xdc: {  	[tilespmem:v12+s12+$0x0] =	vst.idx.msk $0xffff, v1  }
0xdd: {  	v12 =	vld [tilespmem:$0x10];
	_ =	sdelay $0x4  }
0xde: {  	v12 =	vadd.s32 v3, v12;
	_ =	sdelay $0x4  }
0xdf: {  	[tilespmem:v12+s12+$0x0] =	vst.idx.msk $0xffff, v1  }
0xe0: {  	v12 =	vld [tilespmem:$0x20];
	_ =	sdelay $0x4  }
0xe1: {  	v12 =	vadd.s32 v4, v12;
	_ =	sdelay $0x4  }
0xe2: {  	[tilespmem:v12+s12+$0x0] =	vst.idx.msk $0xffff, v1  }
0xe3: {  	v12 =	vld [tilespmem:$0x30];
	_ =	sdelay $0x4  }
0xe4: {  	v12 =	vadd.s32 v5, v12;
	_ =	sdelay $0x4  }
0xe5: {  	[tilespmem:v12+s12+$0x0] =	vst.idx.msk $0xffff, v1  }
0xe6: {  	v12 =	vld [tilespmem:$0x40];
	_ =	sdelay $0x4  }
0xe7: {  	v12 =	vadd.s32 v6, v12;
	_ =	sdelay $0x4  }
0xe8: {  	[tilespmem:v12+s12+$0x0] =	vst.idx.msk $0xffff, v1  }
0xe9: {  	v12 =	vld [tilespmem:$0x50];
	_ =	sdelay $0x4  }
0xea: {  	v12 =	vadd.s32 v7, v12;
	_ =	sdelay $0x4  }
0xeb: {  	[tilespmem:v12+s12+$0x0] =	vst.idx.msk $0xffff, v1  }
0xec: {  	v12 =	vld [tilespmem:$0x60];
	_ =	sdelay $0x4  }
0xed: {  	v12 =	vadd.s32 v8, v12;
	_ =	sdelay $0x4  }
0xee: {  	[tilespmem:v12+s12+$0x0] =	vst.idx.msk $0xffff, v1  }
0xef: {  	v12 =	vld [tilespmem:$0x70];
	_ =	sdelay $0x4  }
0xf0: {  	v12 =	vadd.s32 v9, v12;
	_ =	sdelay $0x4  }
0xf1: {  	[tilespmem:v12+s12+$0x0] =	vst.idx.msk $0xffff, v1  }
0xf2: {  	v12 =	vld [tilespmem:$0x80];
	_ =	sdelay $0x4  }
0xf3: {  	v12 =	vadd.s32 v10, v12;
	_ =	sdelay $0x4  }
0xf4: {  	[tilespmem:v12+s12+$0x0] =	vst.idx.msk $0xffff, v1  }
0xf5: {  	v12 =	vld [tilespmem:$0x90];
	_ =	sdelay $0x4  }
0xf6: {  	v12 =	vadd.s32 v11, v12;
	_ =	sdelay $0x4  }
0xf7: {  	[tilespmem:v12+s12+$0x0] =	vst.idx.msk $0xffff, v1  }
0xf8: {  	v12 =	vld [tilespmem:$0x200];
	_ =	sdelay $0x4  }
0xf9: {  	v12 =	vadd.s32 v0, v12;
	_ =	sdelay $0x4  }
0xfa: {  	[tilespmem:v12+s12+$0x0] =	vst.idx.msk $0xffff, v2  }
0xfb: {  	v12 =	vld [tilespmem:$0x210];
	_ =	sdelay $0x4  }
0xfc: {  	v12 =	vadd.s32 v3, v12;
	_ =	sdelay $0x4  }
0xfd: {  	[tilespmem:v12+s12+$0x0] =	vst.idx.msk $0xffff, v2  }
0xfe: {  	v12 =	vld [tilespmem:$0x220];
	_ =	sdelay $0x4  }
0xff: {  	v12 =	vadd.s32 v4, v12;
	_ =	sdelay $0x4  }
0x100: {  	[tilespmem:v12+s12+$0x0] =	vst.idx.msk $0xffff, v2  }
0x101: {  	v12 =	vld [tilespmem:$0x230];
	_ =	sdelay $0x4  }
0x102: {  	v12 =	vadd.s32 v5, v12;
	_ =	sdelay $0x4  }
0x103: {  	[tilespmem:v12+s12+$0x0] =	vst.idx.msk $0xffff, v2  }
0x104: {  	v12 =	vld [tilespmem:$0x240];
	_ =	sdelay $0x4  }
0x105: {  	v12 =	vadd.s32 v6, v12;
	_ =	sdelay $0x4  }
0x106: {  	[tilespmem:v12+s12+$0x0] =	vst.idx.msk $0xffff, v2  }
0x107: {  	v12 =	vld [tilespmem:$0x250];
	_ =	sdelay $0x4  }
0x108: {  	v12 =	vadd.s32 v7, v12;
	_ =	sdelay $0x4  }
0x109: {  	[tilespmem:v12+s12+$0x0] =	vst.idx.msk $0xffff, v2  }
0x10a: {  	v12 =	vld [tilespmem:$0x260];
	_ =	sdelay $0x4  }
0x10b: {  	v12 =	vadd.s32 v8, v12;
	_ =	sdelay $0x4  }
0x10c: {  	[tilespmem:v12+s12+$0x0] =	vst.idx.msk $0xffff, v2  }
0x10d: {  	v12 =	vld [tilespmem:$0x270];
	_ =	sdelay $0x4  }
0x10e: {  	v12 =	vadd.s32 v9, v12;
	_ =	sdelay $0x4  }
0x10f: {  	[tilespmem:v12+s12+$0x0] =	vst.idx.msk $0xffff, v2  }
0x110: {  	v12 =	vld [tilespmem:$0x280];
	_ =	sdelay $0x4  }
0x111: {  	v12 =	vadd.s32 v10, v12;
	_ =	sdelay $0x4  }
0x112: {  	[tilespmem:v12+s12+$0x0] =	vst.idx.msk $0xffff, v2  }
0x113: {  	v12 =	vld [tilespmem:$0x290];
	_ =	sdelay $0x4  }
0x114: {  	v12 =	vadd.s32 v11, v12;
	_ =	sdelay $0x4  }
0x115: {  	s4 =	rddreg [dreg:$0x19];
	[tilespmem:v12+s12+$0x0] =	vst.idx.msk $0xffff, v2  }
0x116: {  	[hbm4b:s4+s21] =	stream.linear.scatter [tilespmem:s12], [sflag:$0x15], $0x5000, $0x38;
	[tilespmem:$0xB400] =	vst v63  }
0x117: {  	_ =	swait.ge [sflag:s16], $0xA0  }
0x118: {  	[sflag:s16] =	ssyncset.done $0x0  }
0x119: {  	s4 =	simm.s32 $0x16;
	[sflag:s16] =	ssyncadd.s32 $0xFFFFFF60  }
0x11a: {  	_ =	swait.ge [sflag:s4], $0x5000  }
0x11b: {  	[sflag:s4] =	ssyncset.done $0x0  }
0x11c: {  	[sflag:s4] =	ssyncadd.s32 $0xFFFFB000  }
0x11d: {  	v48 =	vld [tilespmem:$0x100];
	_ =	sdelay $0x4  }
0x11e: {  	v12 =	vadd.s32 v0, v48;
	_ =	sdelay $0x4  }
0x11f: {  	[tilespmem:v12+s14+$0x0] =	vst.idx.msk $0xffff, v1  }
0x120: {  	v12 =	vld [tilespmem:$0x110];
	_ =	sdelay $0x4  }
0x121: {  	v12 =	vadd.s32 v3, v12;
	_ =	sdelay $0x4  }
0x122: {  	[tilespmem:v12+s14+$0x0] =	vst.idx.msk $0xffff, v1  }
0x123: {  	v12 =	vld [tilespmem:$0x120];
	_ =	sdelay $0x4  }
0x124: {  	v12 =	vadd.s32 v4, v12;
	_ =	sdelay $0x4  }
0x125: {  	[tilespmem:v12+s14+$0x0] =	vst.idx.msk $0xffff, v1  }
0x126: {  	v12 =	vld [tilespmem:$0x130];
	_ =	sdelay $0x4  }
0x127: {  	v12 =	vadd.s32 v5, v12;
	_ =	sdelay $0x4  }
0x128: {  	[tilespmem:v12+s14+$0x0] =	vst.idx.msk $0xffff, v1  }
0x129: {  	v12 =	vld [tilespmem:$0x140];
	_ =	sdelay $0x4  }
0x12a: {  	v12 =	vadd.s32 v6, v12;
	_ =	sdelay $0x4  }
0x12b: {  	[tilespmem:v12+s14+$0x0] =	vst.idx.msk $0xffff, v1  }
0x12c: {  	v12 =	vld [tilespmem:$0x150];
	_ =	sdelay $0x4  }
0x12d: {  	v12 =	vadd.s32 v7, v12;
	_ =	sdelay $0x4  }
0x12e: {  	[tilespmem:v12+s14+$0x0] =	vst.idx.msk $0xffff, v1  }
0x12f: {  	v12 =	vld [tilespmem:$0x160];
	_ =	sdelay $0x4  }
0x130: {  	v12 =	vadd.s32 v8, v12;
	_ =	sdelay $0x4  }
0x131: {  	[tilespmem:v12+s14+$0x0] =	vst.idx.msk $0xffff, v1  }
0x132: {  	v12 =	vld [tilespmem:$0x170];
	_ =	sdelay $0x4  }
0x133: {  	v12 =	vadd.s32 v9, v12;
	_ =	sdelay $0x4  }
0x134: {  	[tilespmem:v12+s14+$0x0] =	vst.idx.msk $0xffff, v1  }
0x135: {  	v12 =	vld [tilespmem:$0x180];
	_ =	sdelay $0x4  }
0x136: {  	v12 =	vadd.s32 v10, v12;
	_ =	sdelay $0x4  }
0x137: {  	[tilespmem:v12+s14+$0x0] =	vst.idx.msk $0xffff, v1  }
0x138: {  	v12 =	vld [tilespmem:$0x190];
	_ =	sdelay $0x4  }
0x139: {  	v12 =	vadd.s32 v11, v12;
	_ =	sdelay $0x4  }
0x13a: {  	[tilespmem:v12+s14+$0x0] =	vst.idx.msk $0xffff, v1  }
0x13b: {  	v12 =	vld [tilespmem:$0x300];
	_ =	sdelay $0x4  }
0x13c: {  	v12 =	vadd.s32 v0, v12;
	_ =	sdelay $0x4  }
0x13d: {  	[tilespmem:v12+s14+$0x0] =	vst.idx.msk $0xffff, v2  }
0x13e: {  	v12 =	vld [tilespmem:$0x310];
	_ =	sdelay $0x4  }
0x13f: {  	v12 =	vadd.s32 v3, v12;
	_ =	sdelay $0x4  }
0x140: {  	[tilespmem:v12+s14+$0x0] =	vst.idx.msk $0xffff, v2  }
0x141: {  	v12 =	vld [tilespmem:$0x320];
	_ =	sdelay $0x4  }
0x142: {  	v12 =	vadd.s32 v4, v12;
	_ =	sdelay $0x4  }
0x143: {  	[tilespmem:v12+s14+$0x0] =	vst.idx.msk $0xffff, v2  }
0x144: {  	v12 =	vld [tilespmem:$0x330];
	_ =	sdelay $0x4  }
0x145: {  	v12 =	vadd.s32 v5, v12;
	_ =	sdelay $0x4  }
0x146: {  	[tilespmem:v12+s14+$0x0] =	vst.idx.msk $0xffff, v2  }
0x147: {  	v12 =	vld [tilespmem:$0x340];
	_ =	sdelay $0x4  }
0x148: {  	v12 =	vadd.s32 v6, v12;
	_ =	sdelay $0x4  }
0x149: {  	[tilespmem:v12+s14+$0x0] =	vst.idx.msk $0xffff, v2  }
0x14a: {  	v12 =	vld [tilespmem:$0x350];
	_ =	sdelay $0x4  }
0x14b: {  	v12 =	vadd.s32 v7, v12;
	_ =	sdelay $0x4  }
0x14c: {  	[tilespmem:v12+s14+$0x0] =	vst.idx.msk $0xffff, v2  }
0x14d: {  	v12 =	vld [tilespmem:$0x360];
	_ =	sdelay $0x4  }
0x14e: {  	v12 =	vadd.s32 v8, v12;
	_ =	sdelay $0x4  }
0x14f: {  	[tilespmem:v12+s14+$0x0] =	vst.idx.msk $0xffff, v2  }
0x150: {  	v12 =	vld [tilespmem:$0x370];
	_ =	sdelay $0x4  }
0x151: {  	v12 =	vadd.s32 v9, v12;
	_ =	sdelay $0x4  }
0x152: {  	[tilespmem:v12+s14+$0x0] =	vst.idx.msk $0xffff, v2  }
0x153: {  	v12 =	vld [tilespmem:$0x380];
	_ =	sdelay $0x4  }
0x154: {  	v12 =	vadd.s32 v10, v12;
	_ =	sdelay $0x4  }
0x155: {  	[tilespmem:v12+s14+$0x0] =	vst.idx.msk $0xffff, v2  }
0x156: {  	v12 =	vld [tilespmem:$0x390];
	_ =	sdelay $0x4  }
0x157: {  	v12 =	vadd.s32 v11, v12;
	_ =	sdelay $0x4  }
0x158: {  	s5 =	rddreg [dreg:$0x1a];
	[tilespmem:v12+s14+$0x0] =	vst.idx.msk $0xffff, v2  }
0x159: {  	[hbm4b:s5+s21] =	stream.linear.scatter [tilespmem:s14], [sflag:$0x16], $0x5000, $0x38;
	[tilespmem:$0xB400] =	vst v63  }
0x15a: {  	_ =	swait.ge [sflag:s17], $0xA0  }
0x15b: {  	[sflag:s17] =	ssyncset.done $0x0  }
0x15c: {  	[sflag:s17] =	ssyncadd.s32 $0xFFFFFF60  }
0x15d: {  	_ =	swait.ge [sflag:s3], $0x5000  }
0x15e: {  	[sflag:s3] =	ssyncset.done $0x0  }
0x15f: {  	[sflag:s3] =	ssyncadd.s32 $0xFFFFB000  }
0x160: {  	v49 =	vld [tilespmem:$0x200];
	_ =	sdelay $0x4  }
0x161: {  	v12 =	vadd.s32 v0, v49;
	_ =	sdelay $0x4  }
0x162: {  	[tilespmem:v12+s12+$0x0] =	vst.idx.msk $0xffff, v1  }
0x163: {  	v12 =	vld [tilespmem:$0x210];
	_ =	sdelay $0x4  }
0x164: {  	v12 =	vadd.s32 v3, v12;
	_ =	sdelay $0x4  }
0x165: {  	[tilespmem:v12+s12+$0x0] =	vst.idx.msk $0xffff, v1  }
0x166: {  	v12 =	vld [tilespmem:$0x220];
	_ =	sdelay $0x4  }
0x167: {  	v12 =	vadd.s32 v4, v12;
	_ =	sdelay $0x4  }
0x168: {  	[tilespmem:v12+s12+$0x0] =	vst.idx.msk $0xffff, v1  }
0x169: {  	v12 =	vld [tilespmem:$0x230];
	_ =	sdelay $0x4  }
0x16a: {  	v12 =	vadd.s32 v5, v12;
	_ =	sdelay $0x4  }
0x16b: {  	[tilespmem:v12+s12+$0x0] =	vst.idx.msk $0xffff, v1  }
0x16c: {  	v12 =	vld [tilespmem:$0x240];
	_ =	sdelay $0x4  }
0x16d: {  	v12 =	vadd.s32 v6, v12;
	_ =	sdelay $0x4  }
0x16e: {  	[tilespmem:v12+s12+$0x0] =	vst.idx.msk $0xffff, v1  }
0x16f: {  	v12 =	vld [tilespmem:$0x250];
	_ =	sdelay $0x4  }
0x170: {  	v12 =	vadd.s32 v7, v12;
	_ =	sdelay $0x4  }
0x171: {  	[tilespmem:v12+s12+$0x0] =	vst.idx.msk $0xffff, v1  }
0x172: {  	v12 =	vld [tilespmem:$0x260];
	_ =	sdelay $0x4  }
0x173: {  	v12 =	vadd.s32 v8, v12;
	_ =	sdelay $0x4  }
0x174: {  	[tilespmem:v12+s12+$0x0] =	vst.idx.msk $0xffff, v1  }
0x175: {  	v12 =	vld [tilespmem:$0x270];
	_ =	sdelay $0x4  }
0x176: {  	v12 =	vadd.s32 v9, v12;
	_ =	sdelay $0x4  }
0x177: {  	[tilespmem:v12+s12+$0x0] =	vst.idx.msk $0xffff, v1  }
0x178: {  	v12 =	vld [tilespmem:$0x280];
	_ =	sdelay $0x4  }
0x179: {  	v12 =	vadd.s32 v10, v12;
	_ =	sdelay $0x4  }
0x17a: {  	[tilespmem:v12+s12+$0x0] =	vst.idx.msk $0xffff, v1  }
0x17b: {  	v12 =	vld [tilespmem:$0x290];
	_ =	sdelay $0x4  }
0x17c: {  	v12 =	vadd.s32 v11, v12;
	_ =	sdelay $0x4  }
0x17d: {  	[tilespmem:v12+s12+$0x0] =	vst.idx.msk $0xffff, v1  }
0x17e: {  	v12 =	vld [tilespmem:$0x400];
	_ =	sdelay $0x4  }
0x17f: {  	v12 =	vadd.s32 v0, v12;
	_ =	sdelay $0x4  }
0x180: {  	[tilespmem:v12+s12+$0x0] =	vst.idx.msk $0xffff, v2  }
0x181: {  	v12 =	vld [tilespmem:$0x410];
	_ =	sdelay $0x4  }
0x182: {  	v12 =	vadd.s32 v3, v12;
	_ =	sdelay $0x4  }
0x183: {  	[tilespmem:v12+s12+$0x0] =	vst.idx.msk $0xffff, v2  }
0x184: {  	v12 =	vld [tilespmem:$0x420];
	_ =	sdelay $0x4  }
0x185: {  	v12 =	vadd.s32 v4, v12;
	_ =	sdelay $0x4  }
0x186: {  	[tilespmem:v12+s12+$0x0] =	vst.idx.msk $0xffff, v2  }
0x187: {  	v12 =	vld [tilespmem:$0x430];
	_ =	sdelay $0x4  }
0x188: {  	v12 =	vadd.s32 v5, v12;
	_ =	sdelay $0x4  }
0x189: {  	[tilespmem:v12+s12+$0x0] =	vst.idx.msk $0xffff, v2  }
0x18a: {  	v12 =	vld [tilespmem:$0x440];
	_ =	sdelay $0x4  }
0x18b: {  	v12 =	vadd.s32 v6, v12;
	_ =	sdelay $0x4  }
0x18c: {  	[tilespmem:v12+s12+$0x0] =	vst.idx.msk $0xffff, v2  }
0x18d: {  	v12 =	vld [tilespmem:$0x450];
	_ =	sdelay $0x4  }
0x18e: {  	v12 =	vadd.s32 v7, v12;
	_ =	sdelay $0x4  }
0x18f: {  	[tilespmem:v12+s12+$0x0] =	vst.idx.msk $0xffff, v2  }
0x190: {  	v12 =	vld [tilespmem:$0x460];
	_ =	sdelay $0x4  }
0x191: {  	v12 =	vadd.s32 v8, v12;
	_ =	sdelay $0x4  }
0x192: {  	[tilespmem:v12+s12+$0x0] =	vst.idx.msk $0xffff, v2  }
0x193: {  	v12 =	vld [tilespmem:$0x470];
	_ =	sdelay $0x4  }
0x194: {  	v12 =	vadd.s32 v9, v12;
	_ =	sdelay $0x4  }
0x195: {  	[tilespmem:v12+s12+$0x0] =	vst.idx.msk $0xffff, v2  }
0x196: {  	v12 =	vld [tilespmem:$0x480];
	_ =	sdelay $0x4  }
0x197: {  	v12 =	vadd.s32 v10, v12;
	_ =	sdelay $0x4  }
0x198: {  	[tilespmem:v12+s12+$0x0] =	vst.idx.msk $0xffff, v2  }
0x199: {  	v12 =	vld [tilespmem:$0x490];
	_ =	sdelay $0x4  }
0x19a: {  	v12 =	vadd.s32 v11, v12;
	_ =	sdelay $0x4  }
0x19b: {  	s5 =	rddreg [dreg:$0x1b];
	[tilespmem:v12+s12+$0x0] =	vst.idx.msk $0xffff, v2  }
0x19c: {  	[hbm4b:s5+s21] =	stream.linear.scatter [tilespmem:s12], [sflag:$0x15], $0x5000, $0x38;
	[tilespmem:$0xB400] =	vst v63  }
0x19d: {  	_ =	swait.ge [sflag:s18], $0xA0  }
0x19e: {  	[sflag:s18] =	ssyncset.done $0x0  }
0x19f: {  	[sflag:s18] =	ssyncadd.s32 $0xFFFFFF60  }
0x1a0: {  	_ =	swait.ge [sflag:s4], $0x5000  }
0x1a1: {  	[sflag:s4] =	ssyncset.done $0x0  }
0x1a2: {  	[sflag:s4] =	ssyncadd.s32 $0xFFFFB000  }
0x1a3: {  	v50 =	vld [tilespmem:$0x300];
	_ =	sdelay $0x4  }
0x1a4: {  	v12 =	vadd.s32 v0, v50;
	_ =	sdelay $0x4  }
0x1a5: {  	[tilespmem:v12+s14+$0x0] =	vst.idx.msk $0xffff, v1  }
0x1a6: {  	v12 =	vld [tilespmem:$0x310];
	_ =	sdelay $0x4  }
0x1a7: {  	v12 =	vadd.s32 v3, v12;
	_ =	sdelay $0x4  }
0x1a8: {  	[tilespmem:v12+s14+$0x0] =	vst.idx.msk $0xffff, v1  }
0x1a9: {  	v12 =	vld [tilespmem:$0x320];
	_ =	sdelay $0x4  }
0x1aa: {  	v12 =	vadd.s32 v4, v12;
	_ =	sdelay $0x4  }
0x1ab: {  	[tilespmem:v12+s14+$0x0] =	vst.idx.msk $0xffff, v1  }
0x1ac: {  	v12 =	vld [tilespmem:$0x330];
	_ =	sdelay $0x4  }
0x1ad: {  	v12 =	vadd.s32 v5, v12;
	_ =	sdelay $0x4  }
0x1ae: {  	[tilespmem:v12+s14+$0x0] =	vst.idx.msk $0xffff, v1  }
0x1af: {  	v12 =	vld [tilespmem:$0x340];
	_ =	sdelay $0x4  }
0x1b0: {  	v12 =	vadd.s32 v6, v12;
	_ =	sdelay $0x4  }
0x1b1: {  	[tilespmem:v12+s14+$0x0] =	vst.idx.msk $0xffff, v1  }
0x1b2: {  	v12 =	vld [tilespmem:$0x350];
	_ =	sdelay $0x4  }
0x1b3: {  	v12 =	vadd.s32 v7, v12;
	_ =	sdelay $0x4  }
0x1b4: {  	[tilespmem:v12+s14+$0x0] =	vst.idx.msk $0xffff, v1  }
0x1b5: {  	v12 =	vld [tilespmem:$0x360];
	_ =	sdelay $0x4  }
0x1b6: {  	v12 =	vadd.s32 v8, v12;
	_ =	sdelay $0x4  }
0x1b7: {  	[tilespmem:v12+s14+$0x0] =	vst.idx.msk $0xffff, v1  }
0x1b8: {  	v12 =	vld [tilespmem:$0x370];
	_ =	sdelay $0x4  }
0x1b9: {  	v12 =	vadd.s32 v9, v12;
	_ =	sdelay $0x4  }
0x1ba: {  	[tilespmem:v12+s14+$0x0] =	vst.idx.msk $0xffff, v1  }
0x1bb: {  	v12 =	vld [tilespmem:$0x380];
	_ =	sdelay $0x4  }
0x1bc: {  	v12 =	vadd.s32 v10, v12;
	_ =	sdelay $0x4  }
0x1bd: {  	[tilespmem:v12+s14+$0x0] =	vst.idx.msk $0xffff, v1  }
0x1be: {  	v12 =	vld [tilespmem:$0x390];
	_ =	sdelay $0x4  }
0x1bf: {  	v12 =	vadd.s32 v11, v12;
	_ =	sdelay $0x4  }
0x1c0: {  	[tilespmem:v12+s14+$0x0] =	vst.idx.msk $0xffff, v1  }
0x1c1: {  	v12 =	vld [tilespmem:$0x500];
	_ =	sdelay $0x4  }
0x1c2: {  	v12 =	vadd.s32 v0, v12;
	_ =	sdelay $0x4  }
0x1c3: {  	[tilespmem:v12+s14+$0x0] =	vst.idx.msk $0xffff, v2  }
0x1c4: {  	v12 =	vld [tilespmem:$0x510];
	_ =	sdelay $0x4  }
0x1c5: {  	v12 =	vadd.s32 v3, v12;
	_ =	sdelay $0x4  }
0x1c6: {  	[tilespmem:v12+s14+$0x0] =	vst.idx.msk $0xffff, v2  }
0x1c7: {  	v12 =	vld [tilespmem:$0x520];
	_ =	sdelay $0x4  }
0x1c8: {  	v12 =	vadd.s32 v4, v12;
	_ =	sdelay $0x4  }
0x1c9: {  	[tilespmem:v12+s14+$0x0] =	vst.idx.msk $0xffff, v2  }
0x1ca: {  	v12 =	vld [tilespmem:$0x530];
	_ =	sdelay $0x4  }
0x1cb: {  	v12 =	vadd.s32 v5, v12;
	_ =	sdelay $0x4  }
0x1cc: {  	[tilespmem:v12+s14+$0x0] =	vst.idx.msk $0xffff, v2  }
0x1cd: {  	v12 =	vld [tilespmem:$0x540];
	_ =	sdelay $0x4  }
0x1ce: {  	v12 =	vadd.s32 v6, v12;
	_ =	sdelay $0x4  }
0x1cf: {  	[tilespmem:v12+s14+$0x0] =	vst.idx.msk $0xffff, v2  }
0x1d0: {  	v12 =	vld [tilespmem:$0x550];
	_ =	sdelay $0x4  }
0x1d1: {  	v12 =	vadd.s32 v7, v12;
	_ =	sdelay $0x4  }
0x1d2: {  	[tilespmem:v12+s14+$0x0] =	vst.idx.msk $0xffff, v2  }
0x1d3: {  	v12 =	vld [tilespmem:$0x560];
	_ =	sdelay $0x4  }
0x1d4: {  	v12 =	vadd.s32 v8, v12;
	_ =	sdelay $0x4  }
0x1d5: {  	[tilespmem:v12+s14+$0x0] =	vst.idx.msk $0xffff, v2  }
0x1d6: {  	v12 =	vld [tilespmem:$0x570];
	_ =	sdelay $0x4  }
0x1d7: {  	v12 =	vadd.s32 v9, v12;
	_ =	sdelay $0x4  }
0x1d8: {  	[tilespmem:v12+s14+$0x0] =	vst.idx.msk $0xffff, v2  }
0x1d9: {  	v12 =	vld [tilespmem:$0x580];
	_ =	sdelay $0x4  }
0x1da: {  	v12 =	vadd.s32 v10, v12;
	_ =	sdelay $0x4  }
0x1db: {  	[tilespmem:v12+s14+$0x0] =	vst.idx.msk $0xffff, v2  }
0x1dc: {  	v12 =	vld [tilespmem:$0x590];
	_ =	sdelay $0x4  }
0x1dd: {  	v12 =	vadd.s32 v11, v12;
	_ =	sdelay $0x4  }
0x1de: {  	s5 =	rddreg [dreg:$0x1c];
	[tilespmem:v12+s14+$0x0] =	vst.idx.msk $0xffff, v2  }
0x1df: {  	[hbm4b:s5+s21] =	stream.linear.scatter [tilespmem:s14], [sflag:$0x16], $0x5000, $0x38;
	[tilespmem:$0xB400] =	vst v63  }
0x1e0: {  	_ =	swait.ge [sflag:s19], $0xA0  }
0x1e1: {  	[sflag:s19] =	ssyncset.done $0x0  }
0x1e2: {  	[sflag:s19] =	ssyncadd.s32 $0xFFFFFF60  }
0x1e3: {  	_ =	swait.ge [sflag:s3], $0x5000  }
0x1e4: {  	[sflag:s3] =	ssyncset.done $0x0  }
0x1e5: {  	[sflag:s3] =	ssyncadd.s32 $0xFFFFB000  }
0x1e6: {  	v51 =	vld [tilespmem:$0x400];
	_ =	sdelay $0x4  }
0x1e7: {  	v12 =	vadd.s32 v0, v51;
	_ =	sdelay $0x4  }
0x1e8: {  	[tilespmem:v12+s12+$0x0] =	vst.idx.msk $0xffff, v1  }
0x1e9: {  	v12 =	vld [tilespmem:$0x410];
	_ =	sdelay $0x4  }
0x1ea: {  	v12 =	vadd.s32 v3, v12;
	_ =	sdelay $0x4  }
0x1eb: {  	[tilespmem:v12+s12+$0x0] =	vst.idx.msk $0xffff, v1  }
0x1ec: {  	v12 =	vld [tilespmem:$0x420];
	_ =	sdelay $0x4  }
0x1ed: {  	v12 =	vadd.s32 v4, v12;
	_ =	sdelay $0x4  }
0x1ee: {  	[tilespmem:v12+s12+$0x0] =	vst.idx.msk $0xffff, v1  }
0x1ef: {  	v12 =	vld [tilespmem:$0x430];
	_ =	sdelay $0x4  }
0x1f0: {  	v12 =	vadd.s32 v5, v12;
	_ =	sdelay $0x4  }
0x1f1: {  	[tilespmem:v12+s12+$0x0] =	vst.idx.msk $0xffff, v1  }
0x1f2: {  	v12 =	vld [tilespmem:$0x440];
	_ =	sdelay $0x4  }
0x1f3: {  	v12 =	vadd.s32 v6, v12;
	_ =	sdelay $0x4  }
0x1f4: {  	[tilespmem:v12+s12+$0x0] =	vst.idx.msk $0xffff, v1  }
0x1f5: {  	v12 =	vld [tilespmem:$0x450];
	_ =	sdelay $0x4  }
0x1f6: {  	v12 =	vadd.s32 v7, v12;
	_ =	sdelay $0x4  }
0x1f7: {  	[tilespmem:v12+s12+$0x0] =	vst.idx.msk $0xffff, v1  }
0x1f8: {  	v12 =	vld [tilespmem:$0x460];
	_ =	sdelay $0x4  }
0x1f9: {  	v12 =	vadd.s32 v8, v12;
	_ =	sdelay $0x4  }
0x1fa: {  	[tilespmem:v12+s12+$0x0] =	vst.idx.msk $0xffff, v1  }
0x1fb: {  	v12 =	vld [tilespmem:$0x470];
	_ =	sdelay $0x4  }
0x1fc: {  	v12 =	vadd.s32 v9, v12;
	_ =	sdelay $0x4  }
0x1fd: {  	[tilespmem:v12+s12+$0x0] =	vst.idx.msk $0xffff, v1  }
0x1fe: {  	v12 =	vld [tilespmem:$0x480];
	_ =	sdelay $0x4  }
0x1ff: {  	v12 =	vadd.s32 v10, v12;
	_ =	sdelay $0x4  }
0x200: {  	[tilespmem:v12+s12+$0x0] =	vst.idx.msk $0xffff, v1  }
0x201: {  	v12 =	vld [tilespmem:$0x490];
	_ =	sdelay $0x4  }
0x202: {  	v12 =	vadd.s32 v11, v12;
	_ =	sdelay $0x4  }
0x203: {  	[tilespmem:v12+s12+$0x0] =	vst.idx.msk $0xffff, v1  }
0x204: {  	v12 =	vld [tilespmem:$0x600];
	_ =	sdelay $0x4  }
0x205: {  	v12 =	vadd.s32 v0, v12;
	_ =	sdelay $0x4  }
0x206: {  	[tilespmem:v12+s12+$0x0] =	vst.idx.msk $0xffff, v2  }
0x207: {  	v12 =	vld [tilespmem:$0x610];
	_ =	sdelay $0x4  }
0x208: {  	v12 =	vadd.s32 v3, v12;
	_ =	sdelay $0x4  }
0x209: {  	[tilespmem:v12+s12+$0x0] =	vst.idx.msk $0xffff, v2  }
0x20a: {  	v12 =	vld [tilespmem:$0x620];
	_ =	sdelay $0x4  }
0x20b: {  	v12 =	vadd.s32 v4, v12;
	_ =	sdelay $0x4  }
0x20c: {  	[tilespmem:v12+s12+$0x0] =	vst.idx.msk $0xffff, v2  }
0x20d: {  	v12 =	vld [tilespmem:$0x630];
	_ =	sdelay $0x4  }
0x20e: {  	v12 =	vadd.s32 v5, v12;
	_ =	sdelay $0x4  }
0x20f: {  	[tilespmem:v12+s12+$0x0] =	vst.idx.msk $0xffff, v2  }
0x210: {  	v12 =	vld [tilespmem:$0x640];
	_ =	sdelay $0x4  }
0x211: {  	v12 =	vadd.s32 v6, v12;
	_ =	sdelay $0x4  }
0x212: {  	[tilespmem:v12+s12+$0x0] =	vst.idx.msk $0xffff, v2  }
0x213: {  	v12 =	vld [tilespmem:$0x650];
	_ =	sdelay $0x4  }
0x214: {  	v12 =	vadd.s32 v7, v12;
	_ =	sdelay $0x4  }
0x215: {  	[tilespmem:v12+s12+$0x0] =	vst.idx.msk $0xffff, v2  }
0x216: {  	v12 =	vld [tilespmem:$0x660];
	_ =	sdelay $0x4  }
0x217: {  	v12 =	vadd.s32 v8, v12;
	_ =	sdelay $0x4  }
0x218: {  	[tilespmem:v12+s12+$0x0] =	vst.idx.msk $0xffff, v2  }
0x219: {  	v12 =	vld [tilespmem:$0x670];
	_ =	sdelay $0x4  }
0x21a: {  	v12 =	vadd.s32 v9, v12;
	_ =	sdelay $0x4  }
0x21b: {  	[tilespmem:v12+s12+$0x0] =	vst.idx.msk $0xffff, v2  }
0x21c: {  	v12 =	vld [tilespmem:$0x680];
	_ =	sdelay $0x4  }
0x21d: {  	v12 =	vadd.s32 v10, v12;
	_ =	sdelay $0x4  }
0x21e: {  	[tilespmem:v12+s12+$0x0] =	vst.idx.msk $0xffff, v2  }
0x21f: {  	v12 =	vld [tilespmem:$0x690];
	_ =	sdelay $0x4  }
0x220: {  	v12 =	vadd.s32 v11, v12;
	_ =	sdelay $0x4  }
0x221: {  	s5 =	rddreg [dreg:$0x1d];
	[tilespmem:v12+s12+$0x0] =	vst.idx.msk $0xffff, v2  }
0x222: {  	[hbm4b:s5+s21] =	stream.linear.scatter [tilespmem:s12], [sflag:$0x15], $0x5000, $0x38;
	[tilespmem:$0xB400] =	vst v63  }
0x223: {  	_ =	swait.ge [sflag:s20], $0xA0  }
0x224: {  	[sflag:s20] =	ssyncset.done $0x0  }
0x225: {  	[sflag:s20] =	ssyncadd.s32 $0xFFFFFF60  }
0x226: {  	_ =	swait.ge [sflag:s4], $0x5000  }
0x227: {  	[sflag:s4] =	ssyncset.done $0x0  }
0x228: {  	[sflag:s4] =	ssyncadd.s32 $0xFFFFB000  }
0x229: {  	v52 =	vld [tilespmem:$0x500];
	_ =	sdelay $0x4  }
0x22a: {  	v12 =	vadd.s32 v0, v52;
	_ =	sdelay $0x4  }
0x22b: {  	[tilespmem:v12+s14+$0x0] =	vst.idx.msk $0xffff, v1  }
0x22c: {  	v12 =	vld [tilespmem:$0x510];
	_ =	sdelay $0x4  }
0x22d: {  	v12 =	vadd.s32 v3, v12;
	_ =	sdelay $0x4  }
0x22e: {  	[tilespmem:v12+s14+$0x0] =	vst.idx.msk $0xffff, v1  }
0x22f: {  	v12 =	vld [tilespmem:$0x520];
	_ =	sdelay $0x4  }
0x230: {  	v12 =	vadd.s32 v4, v12;
	_ =	sdelay $0x4  }
0x231: {  	[tilespmem:v12+s14+$0x0] =	vst.idx.msk $0xffff, v1  }
0x232: {  	v12 =	vld [tilespmem:$0x530];
	_ =	sdelay $0x4  }
0x233: {  	v12 =	vadd.s32 v5, v12;
	_ =	sdelay $0x4  }
0x234: {  	[tilespmem:v12+s14+$0x0] =	vst.idx.msk $0xffff, v1  }
0x235: {  	v12 =	vld [tilespmem:$0x540];
	_ =	sdelay $0x4  }
0x236: {  	v12 =	vadd.s32 v6, v12;
	_ =	sdelay $0x4  }
0x237: {  	[tilespmem:v12+s14+$0x0] =	vst.idx.msk $0xffff, v1  }
0x238: {  	v12 =	vld [tilespmem:$0x550];
	_ =	sdelay $0x4  }
0x239: {  	v12 =	vadd.s32 v7, v12;
	_ =	sdelay $0x4  }
0x23a: {  	[tilespmem:v12+s14+$0x0] =	vst.idx.msk $0xffff, v1  }
0x23b: {  	v12 =	vld [tilespmem:$0x560];
	_ =	sdelay $0x4  }
0x23c: {  	v12 =	vadd.s32 v8, v12;
	_ =	sdelay $0x4  }
0x23d: {  	[tilespmem:v12+s14+$0x0] =	vst.idx.msk $0xffff, v1  }
0x23e: {  	v12 =	vld [tilespmem:$0x570];
	_ =	sdelay $0x4  }
0x23f: {  	v12 =	vadd.s32 v9, v12;
	_ =	sdelay $0x4  }
0x240: {  	[tilespmem:v12+s14+$0x0] =	vst.idx.msk $0xffff, v1  }
0x241: {  	v12 =	vld [tilespmem:$0x580];
	_ =	sdelay $0x4  }
0x242: {  	v12 =	vadd.s32 v10, v12;
	_ =	sdelay $0x4  }
0x243: {  	[tilespmem:v12+s14+$0x0] =	vst.idx.msk $0xffff, v1  }
0x244: {  	v12 =	vld [tilespmem:$0x590];
	_ =	sdelay $0x4  }
0x245: {  	v12 =	vadd.s32 v11, v12;
	_ =	sdelay $0x4  }
0x246: {  	[tilespmem:v12+s14+$0x0] =	vst.idx.msk $0xffff, v1  }
0x247: {  	v12 =	vld [tilespmem:$0x700];
	_ =	sdelay $0x4  }
0x248: {  	v12 =	vadd.s32 v0, v12;
	_ =	sdelay $0x4  }
0x249: {  	[tilespmem:v12+s14+$0x0] =	vst.idx.msk $0xffff, v2  }
0x24a: {  	v12 =	vld [tilespmem:$0x710];
	_ =	sdelay $0x4  }
0x24b: {  	v12 =	vadd.s32 v3, v12;
	_ =	sdelay $0x4  }
0x24c: {  	[tilespmem:v12+s14+$0x0] =	vst.idx.msk $0xffff, v2  }
0x24d: {  	v12 =	vld [tilespmem:$0x720];
	_ =	sdelay $0x4  }
0x24e: {  	v12 =	vadd.s32 v4, v12;
	_ =	sdelay $0x4  }
0x24f: {  	[tilespmem:v12+s14+$0x0] =	vst.idx.msk $0xffff, v2  }
0x250: {  	v12 =	vld [tilespmem:$0x730];
	_ =	sdelay $0x4  }
0x251: {  	v12 =	vadd.s32 v5, v12;
	_ =	sdelay $0x4  }
0x252: {  	[tilespmem:v12+s14+$0x0] =	vst.idx.msk $0xffff, v2  }
0x253: {  	v12 =	vld [tilespmem:$0x740];
	_ =	sdelay $0x4  }
0x254: {  	v12 =	vadd.s32 v6, v12;
	_ =	sdelay $0x4  }
0x255: {  	[tilespmem:v12+s14+$0x0] =	vst.idx.msk $0xffff, v2  }
0x256: {  	v12 =	vld [tilespmem:$0x750];
	_ =	sdelay $0x4  }
0x257: {  	v12 =	vadd.s32 v7, v12;
	_ =	sdelay $0x4  }
0x258: {  	[tilespmem:v12+s14+$0x0] =	vst.idx.msk $0xffff, v2  }
0x259: {  	v12 =	vld [tilespmem:$0x760];
	_ =	sdelay $0x4  }
0x25a: {  	v12 =	vadd.s32 v8, v12;
	_ =	sdelay $0x4  }
0x25b: {  	[tilespmem:v12+s14+$0x0] =	vst.idx.msk $0xffff, v2  }
0x25c: {  	v12 =	vld [tilespmem:$0x770];
	_ =	sdelay $0x4  }
0x25d: {  	v12 =	vadd.s32 v9, v12;
	_ =	sdelay $0x4  }
0x25e: {  	[tilespmem:v12+s14+$0x0] =	vst.idx.msk $0xffff, v2  }
0x25f: {  	v12 =	vld [tilespmem:$0x780];
	_ =	sdelay $0x4  }
0x260: {  	v12 =	vadd.s32 v10, v12;
	_ =	sdelay $0x4  }
0x261: {  	[tilespmem:v12+s14+$0x0] =	vst.idx.msk $0xffff, v2  }
0x262: {  	v12 =	vld [tilespmem:$0x790];
	_ =	sdelay $0x4  }
0x263: {  	v12 =	vadd.s32 v11, v12;
	_ =	sdelay $0x4  }
0x264: {  	s5 =	rddreg [dreg:$0x1e];
	[tilespmem:v12+s14+$0x0] =	vst.idx.msk $0xffff, v2  }
0x265: {  	[hbm4b:s5+s21] =	stream.linear.scatter [tilespmem:s14], [sflag:$0x16], $0x5000, $0x38;
	[tilespmem:$0xB400] =	vst v63  }
0x266: {  	_ =	swait.ge [sflag:s22], $0xA0  }
0x267: {  	[sflag:s22] =	ssyncset.done $0x0  }
0x268: {  	[sflag:s22] =	ssyncadd.s32 $0xFFFFFF60  }
0x269: {  	_ =	swait.ge [sflag:s3], $0x5000  }
0x26a: {  	[sflag:s3] =	ssyncset.done $0x0  }
0x26b: {  	[sflag:s3] =	ssyncadd.s32 $0xFFFFB000  }
0x26c: {  	v53 =	vld [tilespmem:$0x600];
	_ =	sdelay $0x4  }
0x26d: {  	v12 =	vadd.s32 v0, v53;
	_ =	sdelay $0x4  }
0x26e: {  	[tilespmem:v12+s12+$0x0] =	vst.idx.msk $0xffff, v1  }
0x26f: {  	v12 =	vld [tilespmem:$0x610];
	_ =	sdelay $0x4  }
0x270: {  	v12 =	vadd.s32 v3, v12;
	_ =	sdelay $0x4  }
0x271: {  	[tilespmem:v12+s12+$0x0] =	vst.idx.msk $0xffff, v1  }
0x272: {  	v12 =	vld [tilespmem:$0x620];
	_ =	sdelay $0x4  }
0x273: {  	v12 =	vadd.s32 v4, v12;
	_ =	sdelay $0x4  }
0x274: {  	[tilespmem:v12+s12+$0x0] =	vst.idx.msk $0xffff, v1  }
0x275: {  	v12 =	vld [tilespmem:$0x630];
	_ =	sdelay $0x4  }
0x276: {  	v12 =	vadd.s32 v5, v12;
	_ =	sdelay $0x4  }
0x277: {  	[tilespmem:v12+s12+$0x0] =	vst.idx.msk $0xffff, v1  }
0x278: {  	v12 =	vld [tilespmem:$0x640];
	_ =	sdelay $0x4  }
0x279: {  	v12 =	vadd.s32 v6, v12;
	_ =	sdelay $0x4  }
0x27a: {  	[tilespmem:v12+s12+$0x0] =	vst.idx.msk $0xffff, v1  }
0x27b: {  	v12 =	vld [tilespmem:$0x650];
	_ =	sdelay $0x4  }
0x27c: {  	v12 =	vadd.s32 v7, v12;
	_ =	sdelay $0x4  }
0x27d: {  	[tilespmem:v12+s12+$0x0] =	vst.idx.msk $0xffff, v1  }
0x27e: {  	v12 =	vld [tilespmem:$0x660];
	_ =	sdelay $0x4  }
0x27f: {  	v12 =	vadd.s32 v8, v12;
	_ =	sdelay $0x4  }
0x280: {  	[tilespmem:v12+s12+$0x0] =	vst.idx.msk $0xffff, v1  }
0x281: {  	v12 =	vld [tilespmem:$0x670];
	_ =	sdelay $0x4  }
0x282: {  	v12 =	vadd.s32 v9, v12;
	_ =	sdelay $0x4  }
0x283: {  	[tilespmem:v12+s12+$0x0] =	vst.idx.msk $0xffff, v1  }
0x284: {  	v12 =	vld [tilespmem:$0x680];
	_ =	sdelay $0x4  }
0x285: {  	v12 =	vadd.s32 v10, v12;
	_ =	sdelay $0x4  }
0x286: {  	[tilespmem:v12+s12+$0x0] =	vst.idx.msk $0xffff, v1  }
0x287: {  	v12 =	vld [tilespmem:$0x690];
	_ =	sdelay $0x4  }
0x288: {  	v12 =	vadd.s32 v11, v12;
	_ =	sdelay $0x4  }
0x289: {  	[tilespmem:v12+s12+$0x0] =	vst.idx.msk $0xffff, v1  }
0x28a: {  	v12 =	vld [tilespmem:$0x800];
	_ =	sdelay $0x4  }
0x28b: {  	v12 =	vadd.s32 v0, v12;
	_ =	sdelay $0x4  }
0x28c: {  	[tilespmem:v12+s12+$0x0] =	vst.idx.msk $0xffff, v2  }
0x28d: {  	v12 =	vld [tilespmem:$0x810];
	_ =	sdelay $0x4  }
0x28e: {  	v12 =	vadd.s32 v3, v12;
	_ =	sdelay $0x4  }
0x28f: {  	[tilespmem:v12+s12+$0x0] =	vst.idx.msk $0xffff, v2  }
0x290: {  	v12 =	vld [tilespmem:$0x820];
	_ =	sdelay $0x4  }
0x291: {  	v12 =	vadd.s32 v4, v12;
	_ =	sdelay $0x4  }
0x292: {  	[tilespmem:v12+s12+$0x0] =	vst.idx.msk $0xffff, v2  }
0x293: {  	v12 =	vld [tilespmem:$0x830];
	_ =	sdelay $0x4  }
0x294: {  	v12 =	vadd.s32 v5, v12;
	_ =	sdelay $0x4  }
0x295: {  	[tilespmem:v12+s12+$0x0] =	vst.idx.msk $0xffff, v2  }
0x296: {  	v12 =	vld [tilespmem:$0x840];
	_ =	sdelay $0x4  }
0x297: {  	v12 =	vadd.s32 v6, v12;
	_ =	sdelay $0x4  }
0x298: {  	[tilespmem:v12+s12+$0x0] =	vst.idx.msk $0xffff, v2  }
0x299: {  	v12 =	vld [tilespmem:$0x850];
	_ =	sdelay $0x4  }
0x29a: {  	v12 =	vadd.s32 v7, v12;
	_ =	sdelay $0x4  }
0x29b: {  	[tilespmem:v12+s12+$0x0] =	vst.idx.msk $0xffff, v2  }
0x29c: {  	v12 =	vld [tilespmem:$0x860];
	_ =	sdelay $0x4  }
0x29d: {  	v12 =	vadd.s32 v8, v12;
	_ =	sdelay $0x4  }
0x29e: {  	[tilespmem:v12+s12+$0x0] =	vst.idx.msk $0xffff, v2  }
0x29f: {  	v12 =	vld [tilespmem:$0x870];
	_ =	sdelay $0x4  }
0x2a0: {  	v12 =	vadd.s32 v9, v12;
	_ =	sdelay $0x4  }
0x2a1: {  	[tilespmem:v12+s12+$0x0] =	vst.idx.msk $0xffff, v2  }
0x2a2: {  	v12 =	vld [tilespmem:$0x880];
	_ =	sdelay $0x4  }
0x2a3: {  	v12 =	vadd.s32 v10, v12;
	_ =	sdelay $0x4  }
0x2a4: {  	[tilespmem:v12+s12+$0x0] =	vst.idx.msk $0xffff, v2  }
0x2a5: {  	v12 =	vld [tilespmem:$0x890];
	_ =	sdelay $0x4  }
0x2a6: {  	v12 =	vadd.s32 v11, v12;
	_ =	sdelay $0x4  }
0x2a7: {  	s5 =	rddreg [dreg:$0x1f];
	[tilespmem:v12+s12+$0x0] =	vst.idx.msk $0xffff, v2  }
0x2a8: {  	[hbm4b:s5+s21] =	stream.linear.scatter [tilespmem:s12], [sflag:$0x15], $0x5000, $0x38;
	[tilespmem:$0xB400] =	vst v63  }
0x2a9: {  	_ =	swait.ge [sflag:s23], $0xA0  }
0x2aa: {  	[sflag:s23] =	ssyncset.done $0x0  }
0x2ab: {  	[sflag:s23] =	ssyncadd.s32 $0xFFFFFF60  }
0x2ac: {  	_ =	swait.ge [sflag:s4], $0x5000  }
0x2ad: {  	[sflag:s4] =	ssyncset.done $0x0  }
0x2ae: {  	[sflag:s4] =	ssyncadd.s32 $0xFFFFB000  }
0x2af: {  	v54 =	vld [tilespmem:$0x700];
	_ =	sdelay $0x4  }
0x2b0: {  	v12 =	vadd.s32 v0, v54;
	_ =	sdelay $0x4  }
0x2b1: {  	[tilespmem:v12+s14+$0x0] =	vst.idx.msk $0xffff, v1  }
0x2b2: {  	v12 =	vld [tilespmem:$0x710];
	_ =	sdelay $0x4  }
0x2b3: {  	v12 =	vadd.s32 v3, v12;
	_ =	sdelay $0x4  }
0x2b4: {  	[tilespmem:v12+s14+$0x0] =	vst.idx.msk $0xffff, v1  }
0x2b5: {  	v12 =	vld [tilespmem:$0x720];
	_ =	sdelay $0x4  }
0x2b6: {  	v12 =	vadd.s32 v4, v12;
	_ =	sdelay $0x4  }
0x2b7: {  	[tilespmem:v12+s14+$0x0] =	vst.idx.msk $0xffff, v1  }
0x2b8: {  	v12 =	vld [tilespmem:$0x730];
	_ =	sdelay $0x4  }
0x2b9: {  	v12 =	vadd.s32 v5, v12;
	_ =	sdelay $0x4  }
0x2ba: {  	[tilespmem:v12+s14+$0x0] =	vst.idx.msk $0xffff, v1  }
0x2bb: {  	v12 =	vld [tilespmem:$0x740];
	_ =	sdelay $0x4  }
0x2bc: {  	v12 =	vadd.s32 v6, v12;
	_ =	sdelay $0x4  }
0x2bd: {  	[tilespmem:v12+s14+$0x0] =	vst.idx.msk $0xffff, v1  }
0x2be: {  	v12 =	vld [tilespmem:$0x750];
	_ =	sdelay $0x4  }
0x2bf: {  	v12 =	vadd.s32 v7, v12;
	_ =	sdelay $0x4  }
0x2c0: {  	[tilespmem:v12+s14+$0x0] =	vst.idx.msk $0xffff, v1  }
0x2c1: {  	v12 =	vld [tilespmem:$0x760];
	_ =	sdelay $0x4  }
0x2c2: {  	v12 =	vadd.s32 v8, v12;
	_ =	sdelay $0x4  }
0x2c3: {  	[tilespmem:v12+s14+$0x0] =	vst.idx.msk $0xffff, v1  }
0x2c4: {  	v12 =	vld [tilespmem:$0x770];
	_ =	sdelay $0x4  }
0x2c5: {  	v12 =	vadd.s32 v9, v12;
	_ =	sdelay $0x4  }
0x2c6: {  	[tilespmem:v12+s14+$0x0] =	vst.idx.msk $0xffff, v1  }
0x2c7: {  	v12 =	vld [tilespmem:$0x780];
	_ =	sdelay $0x4  }
0x2c8: {  	v12 =	vadd.s32 v10, v12;
	_ =	sdelay $0x4  }
0x2c9: {  	[tilespmem:v12+s14+$0x0] =	vst.idx.msk $0xffff, v1  }
0x2ca: {  	v12 =	vld [tilespmem:$0x790];
	_ =	sdelay $0x4  }
0x2cb: {  	v12 =	vadd.s32 v11, v12;
	_ =	sdelay $0x4  }
0x2cc: {  	[tilespmem:v12+s14+$0x0] =	vst.idx.msk $0xffff, v1  }
0x2cd: {  	v12 =	vld [tilespmem:$0x900];
	_ =	sdelay $0x4  }
0x2ce: {  	v12 =	vadd.s32 v0, v12;
	_ =	sdelay $0x4  }
0x2cf: {  	[tilespmem:v12+s14+$0x0] =	vst.idx.msk $0xffff, v2  }
0x2d0: {  	v12 =	vld [tilespmem:$0x910];
	_ =	sdelay $0x4  }
0x2d1: {  	v12 =	vadd.s32 v3, v12;
	_ =	sdelay $0x4  }
0x2d2: {  	[tilespmem:v12+s14+$0x0] =	vst.idx.msk $0xffff, v2  }
0x2d3: {  	v12 =	vld [tilespmem:$0x920];
	_ =	sdelay $0x4  }
0x2d4: {  	v12 =	vadd.s32 v4, v12;
	_ =	sdelay $0x4  }
0x2d5: {  	[tilespmem:v12+s14+$0x0] =	vst.idx.msk $0xffff, v2  }
0x2d6: {  	v12 =	vld [tilespmem:$0x930];
	_ =	sdelay $0x4  }
0x2d7: {  	v12 =	vadd.s32 v5, v12;
	_ =	sdelay $0x4  }
0x2d8: {  	[tilespmem:v12+s14+$0x0] =	vst.idx.msk $0xffff, v2  }
0x2d9: {  	v12 =	vld [tilespmem:$0x940];
	_ =	sdelay $0x4  }
0x2da: {  	v12 =	vadd.s32 v6, v12;
	_ =	sdelay $0x4  }
0x2db: {  	[tilespmem:v12+s14+$0x0] =	vst.idx.msk $0xffff, v2  }
0x2dc: {  	v12 =	vld [tilespmem:$0x950];
	_ =	sdelay $0x4  }
0x2dd: {  	v12 =	vadd.s32 v7, v12;
	_ =	sdelay $0x4  }
0x2de: {  	[tilespmem:v12+s14+$0x0] =	vst.idx.msk $0xffff, v2  }
0x2df: {  	v12 =	vld [tilespmem:$0x960];
	_ =	sdelay $0x4  }
0x2e0: {  	v12 =	vadd.s32 v8, v12;
	_ =	sdelay $0x4  }
0x2e1: {  	[tilespmem:v12+s14+$0x0] =	vst.idx.msk $0xffff, v2  }
0x2e2: {  	v12 =	vld [tilespmem:$0x970];
	_ =	sdelay $0x4  }
0x2e3: {  	v12 =	vadd.s32 v9, v12;
	_ =	sdelay $0x4  }
0x2e4: {  	[tilespmem:v12+s14+$0x0] =	vst.idx.msk $0xffff, v2  }
0x2e5: {  	v12 =	vld [tilespmem:$0x980];
	_ =	sdelay $0x4  }
0x2e6: {  	v12 =	vadd.s32 v10, v12;
	_ =	sdelay $0x4  }
0x2e7: {  	[tilespmem:v12+s14+$0x0] =	vst.idx.msk $0xffff, v2  }
0x2e8: {  	v12 =	vld [tilespmem:$0x990];
	_ =	sdelay $0x4  }
0x2e9: {  	v12 =	vadd.s32 v11, v12;
	_ =	sdelay $0x2  }
0x2ea: {  	s5 =	sld [smem:$0x7F7];
	_ =	sdelay $0x1  }
0x2eb: {  	[tilespmem:v12+s14+$0x0] =	vst.idx.msk $0xffff, v2  }
0x2ec: {  	[hbm4b:s5+s21] =	stream.linear.scatter [tilespmem:s14], [sflag:$0x16], $0x5000, $0x38;
	[tilespmem:$0xB400] =	vst v63  }
0x2ed: {  	_ =	swait.ge [sflag:s24], $0xA0  }
0x2ee: {  	[sflag:s24] =	ssyncset.done $0x0  }
0x2ef: {  	[sflag:s24] =	ssyncadd.s32 $0xFFFFFF60  }
0x2f0: {  	_ =	swait.ge [sflag:s3], $0x5000  }
0x2f1: {  	[sflag:s3] =	ssyncset.done $0x0  }
0x2f2: {  	[sflag:s3] =	ssyncadd.s32 $0xFFFFB000  }
0x2f3: {  	v55 =	vld [tilespmem:$0x800];
	_ =	sdelay $0x4  }
0x2f4: {  	v12 =	vadd.s32 v0, v55;
	_ =	sdelay $0x4  }
0x2f5: {  	[tilespmem:v12+s12+$0x0] =	vst.idx.msk $0xffff, v1  }
0x2f6: {  	v12 =	vld [tilespmem:$0x810];
	_ =	sdelay $0x4  }
0x2f7: {  	v12 =	vadd.s32 v3, v12;
	_ =	sdelay $0x4  }
0x2f8: {  	[tilespmem:v12+s12+$0x0] =	vst.idx.msk $0xffff, v1  }
0x2f9: {  	v12 =	vld [tilespmem:$0x820];
	_ =	sdelay $0x4  }
0x2fa: {  	v12 =	vadd.s32 v4, v12;
	_ =	sdelay $0x4  }
0x2fb: {  	[tilespmem:v12+s12+$0x0] =	vst.idx.msk $0xffff, v1  }
0x2fc: {  	v12 =	vld [tilespmem:$0x830];
	_ =	sdelay $0x4  }
0x2fd: {  	v12 =	vadd.s32 v5, v12;
	_ =	sdelay $0x4  }
0x2fe: {  	[tilespmem:v12+s12+$0x0] =	vst.idx.msk $0xffff, v1  }
0x2ff: {  	v12 =	vld [tilespmem:$0x840];
	_ =	sdelay $0x4  }
0x300: {  	v12 =	vadd.s32 v6, v12;
	_ =	sdelay $0x4  }
0x301: {  	[tilespmem:v12+s12+$0x0] =	vst.idx.msk $0xffff, v1  }
0x302: {  	v12 =	vld [tilespmem:$0x850];
	_ =	sdelay $0x4  }
0x303: {  	v12 =	vadd.s32 v7, v12;
	_ =	sdelay $0x4  }
0x304: {  	[tilespmem:v12+s12+$0x0] =	vst.idx.msk $0xffff, v1  }
0x305: {  	v12 =	vld [tilespmem:$0x860];
	_ =	sdelay $0x4  }
0x306: {  	v12 =	vadd.s32 v8, v12;
	_ =	sdelay $0x4  }
0x307: {  	[tilespmem:v12+s12+$0x0] =	vst.idx.msk $0xffff, v1  }
0x308: {  	v12 =	vld [tilespmem:$0x870];
	_ =	sdelay $0x4  }
0x309: {  	v12 =	vadd.s32 v9, v12;
	_ =	sdelay $0x4  }
0x30a: {  	[tilespmem:v12+s12+$0x0] =	vst.idx.msk $0xffff, v1  }
0x30b: {  	v12 =	vld [tilespmem:$0x880];
	_ =	sdelay $0x4  }
0x30c: {  	v12 =	vadd.s32 v10, v12;
	_ =	sdelay $0x4  }
0x30d: {  	[tilespmem:v12+s12+$0x0] =	vst.idx.msk $0xffff, v1  }
0x30e: {  	v12 =	vld [tilespmem:$0x890];
	_ =	sdelay $0x4  }
0x30f: {  	v12 =	vadd.s32 v11, v12;
	_ =	sdelay $0x4  }
0x310: {  	[tilespmem:v12+s12+$0x0] =	vst.idx.msk $0xffff, v1  }
0x311: {  	v12 =	vld [tilespmem:$0xA00];
	_ =	sdelay $0x4  }
0x312: {  	v12 =	vadd.s32 v0, v12;
	_ =	sdelay $0x4  }
0x313: {  	[tilespmem:v12+s12+$0x0] =	vst.idx.msk $0xffff, v2  }
0x314: {  	v12 =	vld [tilespmem:$0xA10];
	_ =	sdelay $0x4  }
0x315: {  	v12 =	vadd.s32 v3, v12;
	_ =	sdelay $0x4  }
0x316: {  	[tilespmem:v12+s12+$0x0] =	vst.idx.msk $0xffff, v2  }
0x317: {  	v12 =	vld [tilespmem:$0xA20];
	_ =	sdelay $0x4  }
0x318: {  	v12 =	vadd.s32 v4, v12;
	_ =	sdelay $0x4  }
0x319: {  	[tilespmem:v12+s12+$0x0] =	vst.idx.msk $0xffff, v2  }
0x31a: {  	v12 =	vld [tilespmem:$0xA30];
	_ =	sdelay $0x4  }
0x31b: {  	v12 =	vadd.s32 v5, v12;
	_ =	sdelay $0x4  }
0x31c: {  	[tilespmem:v12+s12+$0x0] =	vst.idx.msk $0xffff, v2  }
0x31d: {  	v12 =	vld [tilespmem:$0xA40];
	_ =	sdelay $0x4  }
0x31e: {  	v12 =	vadd.s32 v6, v12;
	_ =	sdelay $0x4  }
0x31f: {  	[tilespmem:v12+s12+$0x0] =	vst.idx.msk $0xffff, v2  }
0x320: {  	v12 =	vld [tilespmem:$0xA50];
	_ =	sdelay $0x4  }
0x321: {  	v12 =	vadd.s32 v7, v12;
	_ =	sdelay $0x4  }
0x322: {  	[tilespmem:v12+s12+$0x0] =	vst.idx.msk $0xffff, v2  }
0x323: {  	v12 =	vld [tilespmem:$0xA60];
	_ =	sdelay $0x4  }
0x324: {  	v12 =	vadd.s32 v8, v12;
	_ =	sdelay $0x4  }
0x325: {  	[tilespmem:v12+s12+$0x0] =	vst.idx.msk $0xffff, v2  }
0x326: {  	v12 =	vld [tilespmem:$0xA70];
	_ =	sdelay $0x4  }
0x327: {  	v12 =	vadd.s32 v9, v12;
	_ =	sdelay $0x4  }
0x328: {  	[tilespmem:v12+s12+$0x0] =	vst.idx.msk $0xffff, v2  }
0x329: {  	v12 =	vld [tilespmem:$0xA80];
	_ =	sdelay $0x4  }
0x32a: {  	v12 =	vadd.s32 v10, v12;
	_ =	sdelay $0x4  }
0x32b: {  	[tilespmem:v12+s12+$0x0] =	vst.idx.msk $0xffff, v2  }
0x32c: {  	v12 =	vld [tilespmem:$0xA90];
	_ =	sdelay $0x4  }
0x32d: {  	v12 =	vadd.s32 v11, v12;
	_ =	sdelay $0x2  }
0x32e: {  	s5 =	sld [smem:$0x7F8];
	_ =	sdelay $0x1  }
0x32f: {  	[tilespmem:v12+s12+$0x0] =	vst.idx.msk $0xffff, v2  }
0x330: {  	[hbm4b:s5+s21] =	stream.linear.scatter [tilespmem:s12], [sflag:$0x15], $0x5000, $0x38;
	[tilespmem:$0xB400] =	vst v63  }
0x331: {  	_ =	swait.ge [sflag:s25], $0xA0  }
0x332: {  	[sflag:s25] =	ssyncset.done $0x0  }
0x333: {  	[sflag:s25] =	ssyncadd.s32 $0xFFFFFF60  }
0x334: {  	_ =	swait.ge [sflag:s4], $0x5000  }
0x335: {  	[sflag:s4] =	ssyncset.done $0x0  }
0x336: {  	[sflag:s4] =	ssyncadd.s32 $0xFFFFB000  }
0x337: {  	v56 =	vld [tilespmem:$0x900];
	_ =	sdelay $0x4  }
0x338: {  	v12 =	vadd.s32 v0, v56;
	_ =	sdelay $0x4  }
0x339: {  	[tilespmem:v12+s14+$0x0] =	vst.idx.msk $0xffff, v1  }
0x33a: {  	v12 =	vld [tilespmem:$0x910];
	_ =	sdelay $0x4  }
0x33b: {  	v12 =	vadd.s32 v3, v12;
	_ =	sdelay $0x4  }
0x33c: {  	[tilespmem:v12+s14+$0x0] =	vst.idx.msk $0xffff, v1  }
0x33d: {  	v12 =	vld [tilespmem:$0x920];
	_ =	sdelay $0x4  }
0x33e: {  	v12 =	vadd.s32 v4, v12;
	_ =	sdelay $0x4  }
0x33f: {  	[tilespmem:v12+s14+$0x0] =	vst.idx.msk $0xffff, v1  }
0x340: {  	v12 =	vld [tilespmem:$0x930];
	_ =	sdelay $0x4  }
0x341: {  	v12 =	vadd.s32 v5, v12;
	_ =	sdelay $0x4  }
0x342: {  	[tilespmem:v12+s14+$0x0] =	vst.idx.msk $0xffff, v1  }
0x343: {  	v12 =	vld [tilespmem:$0x940];
	_ =	sdelay $0x4  }
0x344: {  	v12 =	vadd.s32 v6, v12;
	_ =	sdelay $0x4  }
0x345: {  	[tilespmem:v12+s14+$0x0] =	vst.idx.msk $0xffff, v1  }
0x346: {  	v12 =	vld [tilespmem:$0x950];
	_ =	sdelay $0x4  }
0x347: {  	v12 =	vadd.s32 v7, v12;
	_ =	sdelay $0x4  }
0x348: {  	[tilespmem:v12+s14+$0x0] =	vst.idx.msk $0xffff, v1  }
0x349: {  	v12 =	vld [tilespmem:$0x960];
	_ =	sdelay $0x4  }
0x34a: {  	v12 =	vadd.s32 v8, v12;
	_ =	sdelay $0x4  }
0x34b: {  	[tilespmem:v12+s14+$0x0] =	vst.idx.msk $0xffff, v1  }
0x34c: {  	v12 =	vld [tilespmem:$0x970];
	_ =	sdelay $0x4  }
0x34d: {  	v12 =	vadd.s32 v9, v12;
	_ =	sdelay $0x4  }
0x34e: {  	[tilespmem:v12+s14+$0x0] =	vst.idx.msk $0xffff, v1  }
0x34f: {  	v12 =	vld [tilespmem:$0x980];
	_ =	sdelay $0x4  }
0x350: {  	v12 =	vadd.s32 v10, v12;
	_ =	sdelay $0x4  }
0x351: {  	[tilespmem:v12+s14+$0x0] =	vst.idx.msk $0xffff, v1  }
0x352: {  	v12 =	vld [tilespmem:$0x990];
	_ =	sdelay $0x4  }
0x353: {  	v12 =	vadd.s32 v11, v12;
	_ =	sdelay $0x4  }
0x354: {  	[tilespmem:v12+s14+$0x0] =	vst.idx.msk $0xffff, v1  }
0x355: {  	v12 =	vld [tilespmem:$0xB00];
	_ =	sdelay $0x4  }
0x356: {  	v12 =	vadd.s32 v0, v12;
	_ =	sdelay $0x4  }
0x357: {  	[tilespmem:v12+s14+$0x0] =	vst.idx.msk $0xffff, v2  }
0x358: {  	v12 =	vld [tilespmem:$0xB10];
	_ =	sdelay $0x4  }
0x359: {  	v12 =	vadd.s32 v3, v12;
	_ =	sdelay $0x4  }
0x35a: {  	[tilespmem:v12+s14+$0x0] =	vst.idx.msk $0xffff, v2  }
0x35b: {  	v12 =	vld [tilespmem:$0xB20];
	_ =	sdelay $0x4  }
0x35c: {  	v12 =	vadd.s32 v4, v12;
	_ =	sdelay $0x4  }
0x35d: {  	[tilespmem:v12+s14+$0x0] =	vst.idx.msk $0xffff, v2  }
0x35e: {  	v12 =	vld [tilespmem:$0xB30];
	_ =	sdelay $0x4  }
0x35f: {  	v12 =	vadd.s32 v5, v12;
	_ =	sdelay $0x4  }
0x360: {  	[tilespmem:v12+s14+$0x0] =	vst.idx.msk $0xffff, v2  }
0x361: {  	v12 =	vld [tilespmem:$0xB40];
	_ =	sdelay $0x4  }
0x362: {  	v12 =	vadd.s32 v6, v12;
	_ =	sdelay $0x4  }
0x363: {  	[tilespmem:v12+s14+$0x0] =	vst.idx.msk $0xffff, v2  }
0x364: {  	v12 =	vld [tilespmem:$0xB50];
	_ =	sdelay $0x4  }
0x365: {  	v12 =	vadd.s32 v7, v12;
	_ =	sdelay $0x4  }
0x366: {  	[tilespmem:v12+s14+$0x0] =	vst.idx.msk $0xffff, v2  }
0x367: {  	v12 =	vld [tilespmem:$0xB60];
	_ =	sdelay $0x4  }
0x368: {  	v12 =	vadd.s32 v8, v12;
	_ =	sdelay $0x4  }
0x369: {  	[tilespmem:v12+s14+$0x0] =	vst.idx.msk $0xffff, v2  }
0x36a: {  	v12 =	vld [tilespmem:$0xB70];
	_ =	sdelay $0x4  }
0x36b: {  	v12 =	vadd.s32 v9, v12;
	_ =	sdelay $0x4  }
0x36c: {  	[tilespmem:v12+s14+$0x0] =	vst.idx.msk $0xffff, v2  }
0x36d: {  	v12 =	vld [tilespmem:$0xB80];
	_ =	sdelay $0x4  }
0x36e: {  	v12 =	vadd.s32 v10, v12;
	_ =	sdelay $0x4  }
0x36f: {  	[tilespmem:v12+s14+$0x0] =	vst.idx.msk $0xffff, v2  }
0x370: {  	v12 =	vld [tilespmem:$0xB90];
	_ =	sdelay $0x4  }
0x371: {  	v12 =	vadd.s32 v11, v12;
	_ =	sdelay $0x2  }
0x372: {  	s5 =	sld [smem:$0x7F9];
	_ =	sdelay $0x1  }
0x373: {  	[tilespmem:v12+s14+$0x0] =	vst.idx.msk $0xffff, v2  }
0x374: {  	[hbm4b:s5+s21] =	stream.linear.scatter [tilespmem:s14], [sflag:$0x16], $0x5000, $0x38;
	[tilespmem:$0xB400] =	vst v63  }
0x375: {  	_ =	swait.ge [sflag:s26], $0xA0  }
0x376: {  	[sflag:s26] =	ssyncset.done $0x0  }
0x377: {  	[sflag:s26] =	ssyncadd.s32 $0xFFFFFF60  }
0x378: {  	_ =	swait.ge [sflag:s3], $0x5000  }
0x379: {  	[sflag:s3] =	ssyncset.done $0x0  }
0x37a: {  	[sflag:s3] =	ssyncadd.s32 $0xFFFFB000  }
0x37b: {  	v57 =	vld [tilespmem:$0xA00];
	_ =	sdelay $0x4  }
0x37c: {  	v12 =	vadd.s32 v0, v57;
	_ =	sdelay $0x4  }
0x37d: {  	[tilespmem:v12+s12+$0x0] =	vst.idx.msk $0xffff, v1  }
0x37e: {  	v12 =	vld [tilespmem:$0xA10];
	_ =	sdelay $0x4  }
0x37f: {  	v12 =	vadd.s32 v3, v12;
	_ =	sdelay $0x4  }
0x380: {  	[tilespmem:v12+s12+$0x0] =	vst.idx.msk $0xffff, v1  }
0x381: {  	v12 =	vld [tilespmem:$0xA20];
	_ =	sdelay $0x4  }
0x382: {  	v12 =	vadd.s32 v4, v12;
	_ =	sdelay $0x4  }
0x383: {  	[tilespmem:v12+s12+$0x0] =	vst.idx.msk $0xffff, v1  }
0x384: {  	v12 =	vld [tilespmem:$0xA30];
	_ =	sdelay $0x4  }
0x385: {  	v12 =	vadd.s32 v5, v12;
	_ =	sdelay $0x4  }
0x386: {  	[tilespmem:v12+s12+$0x0] =	vst.idx.msk $0xffff, v1  }
0x387: {  	v12 =	vld [tilespmem:$0xA40];
	_ =	sdelay $0x4  }
0x388: {  	v12 =	vadd.s32 v6, v12;
	_ =	sdelay $0x4  }
0x389: {  	[tilespmem:v12+s12+$0x0] =	vst.idx.msk $0xffff, v1  }
0x38a: {  	v12 =	vld [tilespmem:$0xA50];
	_ =	sdelay $0x4  }
0x38b: {  	v12 =	vadd.s32 v7, v12;
	_ =	sdelay $0x4  }
0x38c: {  	[tilespmem:v12+s12+$0x0] =	vst.idx.msk $0xffff, v1  }
0x38d: {  	v12 =	vld [tilespmem:$0xA60];
	_ =	sdelay $0x4  }
0x38e: {  	v12 =	vadd.s32 v8, v12;
	_ =	sdelay $0x4  }
0x38f: {  	[tilespmem:v12+s12+$0x0] =	vst.idx.msk $0xffff, v1  }
0x390: {  	v12 =	vld [tilespmem:$0xA70];
	_ =	sdelay $0x4  }
0x391: {  	v12 =	vadd.s32 v9, v12;
	_ =	sdelay $0x4  }
0x392: {  	[tilespmem:v12+s12+$0x0] =	vst.idx.msk $0xffff, v1  }
0x393: {  	v12 =	vld [tilespmem:$0xA80];
	_ =	sdelay $0x4  }
0x394: {  	v12 =	vadd.s32 v10, v12;
	_ =	sdelay $0x4  }
0x395: {  	[tilespmem:v12+s12+$0x0] =	vst.idx.msk $0xffff, v1  }
0x396: {  	v12 =	vld [tilespmem:$0xA90];
	_ =	sdelay $0x4  }
0x397: {  	v12 =	vadd.s32 v11, v12;
	_ =	sdelay $0x4  }
0x398: {  	[tilespmem:v12+s12+$0x0] =	vst.idx.msk $0xffff, v1  }
0x399: {  	v12 =	vld [tilespmem:$0xC00];
	_ =	sdelay $0x4  }
0x39a: {  	v12 =	vadd.s32 v0, v12;
	_ =	sdelay $0x4  }
0x39b: {  	[tilespmem:v12+s12+$0x0] =	vst.idx.msk $0xffff, v2  }
0x39c: {  	v12 =	vld [tilespmem:$0xC10];
	_ =	sdelay $0x4  }
0x39d: {  	v12 =	vadd.s32 v3, v12;
	_ =	sdelay $0x4  }
0x39e: {  	[tilespmem:v12+s12+$0x0] =	vst.idx.msk $0xffff, v2  }
0x39f: {  	v12 =	vld [tilespmem:$0xC20];
	_ =	sdelay $0x4  }
0x3a0: {  	v12 =	vadd.s32 v4, v12;
	_ =	sdelay $0x4  }
0x3a1: {  	[tilespmem:v12+s12+$0x0] =	vst.idx.msk $0xffff, v2  }
0x3a2: {  	v12 =	vld [tilespmem:$0xC30];
	_ =	sdelay $0x4  }
0x3a3: {  	v12 =	vadd.s32 v5, v12;
	_ =	sdelay $0x4  }
0x3a4: {  	[tilespmem:v12+s12+$0x0] =	vst.idx.msk $0xffff, v2  }
0x3a5: {  	v12 =	vld [tilespmem:$0xC40];
	_ =	sdelay $0x4  }
0x3a6: {  	v12 =	vadd.s32 v6, v12;
	_ =	sdelay $0x4  }
0x3a7: {  	[tilespmem:v12+s12+$0x0] =	vst.idx.msk $0xffff, v2  }
0x3a8: {  	v12 =	vld [tilespmem:$0xC50];
	_ =	sdelay $0x4  }
0x3a9: {  	v12 =	vadd.s32 v7, v12;
	_ =	sdelay $0x4  }
0x3aa: {  	[tilespmem:v12+s12+$0x0] =	vst.idx.msk $0xffff, v2  }
0x3ab: {  	v12 =	vld [tilespmem:$0xC60];
	_ =	sdelay $0x4  }
0x3ac: {  	v12 =	vadd.s32 v8, v12;
	_ =	sdelay $0x4  }
0x3ad: {  	[tilespmem:v12+s12+$0x0] =	vst.idx.msk $0xffff, v2  }
0x3ae: {  	v12 =	vld [tilespmem:$0xC70];
	_ =	sdelay $0x4  }
0x3af: {  	v12 =	vadd.s32 v9, v12;
	_ =	sdelay $0x4  }
0x3b0: {  	[tilespmem:v12+s12+$0x0] =	vst.idx.msk $0xffff, v2  }
0x3b1: {  	v12 =	vld [tilespmem:$0xC80];
	_ =	sdelay $0x4  }
0x3b2: {  	v12 =	vadd.s32 v10, v12;
	_ =	sdelay $0x4  }
0x3b3: {  	[tilespmem:v12+s12+$0x0] =	vst.idx.msk $0xffff, v2  }
0x3b4: {  	v12 =	vld [tilespmem:$0xC90];
	_ =	sdelay $0x4  }
0x3b5: {  	v12 =	vadd.s32 v11, v12;
	_ =	sdelay $0x2  }
0x3b6: {  	s5 =	sld [smem:$0x7FA];
	_ =	sdelay $0x1  }
0x3b7: {  	[tilespmem:v12+s12+$0x0] =	vst.idx.msk $0xffff, v2  }
0x3b8: {  	[hbm4b:s5+s21] =	stream.linear.scatter [tilespmem:s12], [sflag:$0x15], $0x5000, $0x38;
	[tilespmem:$0xB400] =	vst v63  }
0x3b9: {  	_ =	swait.ge [sflag:s28], $0xA0  }
0x3ba: {  	[sflag:s28] =	ssyncset.done $0x0  }
0x3bb: {  	[sflag:s28] =	ssyncadd.s32 $0xFFFFFF60  }
0x3bc: {  	_ =	swait.ge [sflag:s4], $0x5000  }
0x3bd: {  	[sflag:s4] =	ssyncset.done $0x0  }
0x3be: {  	[sflag:s4] =	ssyncadd.s32 $0xFFFFB000  }
0x3bf: {  	v58 =	vld [tilespmem:$0xB00];
	_ =	sdelay $0x4  }
0x3c0: {  	v12 =	vadd.s32 v0, v58;
	_ =	sdelay $0x4  }
0x3c1: {  	[tilespmem:v12+s14+$0x0] =	vst.idx.msk $0xffff, v1  }
0x3c2: {  	v12 =	vld [tilespmem:$0xB10];
	_ =	sdelay $0x4  }
0x3c3: {  	v12 =	vadd.s32 v3, v12;
	_ =	sdelay $0x4  }
0x3c4: {  	[tilespmem:v12+s14+$0x0] =	vst.idx.msk $0xffff, v1  }
0x3c5: {  	v12 =	vld [tilespmem:$0xB20];
	_ =	sdelay $0x4  }
0x3c6: {  	v12 =	vadd.s32 v4, v12;
	_ =	sdelay $0x4  }
0x3c7: {  	[tilespmem:v12+s14+$0x0] =	vst.idx.msk $0xffff, v1  }
0x3c8: {  	v12 =	vld [tilespmem:$0xB30];
	_ =	sdelay $0x4  }
0x3c9: {  	v12 =	vadd.s32 v5, v12;
	_ =	sdelay $0x4  }
0x3ca: {  	[tilespmem:v12+s14+$0x0] =	vst.idx.msk $0xffff, v1  }
0x3cb: {  	v12 =	vld [tilespmem:$0xB40];
	_ =	sdelay $0x4  }
0x3cc: {  	v12 =	vadd.s32 v6, v12;
	_ =	sdelay $0x4  }
0x3cd: {  	[tilespmem:v12+s14+$0x0] =	vst.idx.msk $0xffff, v1  }
0x3ce: {  	v12 =	vld [tilespmem:$0xB50];
	_ =	sdelay $0x4  }
0x3cf: {  	v12 =	vadd.s32 v7, v12;
	_ =	sdelay $0x4  }
0x3d0: {  	[tilespmem:v12+s14+$0x0] =	vst.idx.msk $0xffff, v1  }
0x3d1: {  	v12 =	vld [tilespmem:$0xB60];
	_ =	sdelay $0x4  }
0x3d2: {  	v12 =	vadd.s32 v8, v12;
	_ =	sdelay $0x4  }
0x3d3: {  	[tilespmem:v12+s14+$0x0] =	vst.idx.msk $0xffff, v1  }
0x3d4: {  	v12 =	vld [tilespmem:$0xB70];
	_ =	sdelay $0x4  }
0x3d5: {  	v12 =	vadd.s32 v9, v12;
	_ =	sdelay $0x4  }
0x3d6: {  	[tilespmem:v12+s14+$0x0] =	vst.idx.msk $0xffff, v1  }
0x3d7: {  	v12 =	vld [tilespmem:$0xB80];
	_ =	sdelay $0x4  }
0x3d8: {  	v12 =	vadd.s32 v10, v12;
	_ =	sdelay $0x4  }
0x3d9: {  	[tilespmem:v12+s14+$0x0] =	vst.idx.msk $0xffff, v1  }
0x3da: {  	v12 =	vld [tilespmem:$0xB90];
	_ =	sdelay $0x4  }
0x3db: {  	v12 =	vadd.s32 v11, v12;
	_ =	sdelay $0x4  }
0x3dc: {  	[tilespmem:v12+s14+$0x0] =	vst.idx.msk $0xffff, v1  }
0x3dd: {  	v12 =	vld [tilespmem:$0xD00];
	_ =	sdelay $0x4  }
0x3de: {  	v12 =	vadd.s32 v0, v12;
	_ =	sdelay $0x4  }
0x3df: {  	[tilespmem:v12+s14+$0x0] =	vst.idx.msk $0xffff, v2  }
0x3e0: {  	v12 =	vld [tilespmem:$0xD10];
	_ =	sdelay $0x4  }
0x3e1: {  	v12 =	vadd.s32 v3, v12;
	_ =	sdelay $0x4  }
0x3e2: {  	[tilespmem:v12+s14+$0x0] =	vst.idx.msk $0xffff, v2  }
0x3e3: {  	v12 =	vld [tilespmem:$0xD20];
	_ =	sdelay $0x4  }
0x3e4: {  	v12 =	vadd.s32 v4, v12;
	_ =	sdelay $0x4  }
0x3e5: {  	[tilespmem:v12+s14+$0x0] =	vst.idx.msk $0xffff, v2  }
0x3e6: {  	v12 =	vld [tilespmem:$0xD30];
	_ =	sdelay $0x4  }
0x3e7: {  	v12 =	vadd.s32 v5, v12;
	_ =	sdelay $0x4  }
0x3e8: {  	[tilespmem:v12+s14+$0x0] =	vst.idx.msk $0xffff, v2  }
0x3e9: {  	v12 =	vld [tilespmem:$0xD40];
	_ =	sdelay $0x4  }
0x3ea: {  	v12 =	vadd.s32 v6, v12;
	_ =	sdelay $0x4  }
0x3eb: {  	[tilespmem:v12+s14+$0x0] =	vst.idx.msk $0xffff, v2  }
0x3ec: {  	v12 =	vld [tilespmem:$0xD50];
	_ =	sdelay $0x4  }
0x3ed: {  	v12 =	vadd.s32 v7, v12;
	_ =	sdelay $0x4  }
0x3ee: {  	[tilespmem:v12+s14+$0x0] =	vst.idx.msk $0xffff, v2  }
0x3ef: {  	v12 =	vld [tilespmem:$0xD60];
	_ =	sdelay $0x4  }
0x3f0: {  	v12 =	vadd.s32 v8, v12;
	_ =	sdelay $0x4  }
0x3f1: {  	[tilespmem:v12+s14+$0x0] =	vst.idx.msk $0xffff, v2  }
0x3f2: {  	v12 =	vld [tilespmem:$0xD70];
	_ =	sdelay $0x4  }
0x3f3: {  	v12 =	vadd.s32 v9, v12;
	_ =	sdelay $0x4  }
0x3f4: {  	[tilespmem:v12+s14+$0x0] =	vst.idx.msk $0xffff, v2  }
0x3f5: {  	v12 =	vld [tilespmem:$0xD80];
	_ =	sdelay $0x4  }
0x3f6: {  	v12 =	vadd.s32 v10, v12;
	_ =	sdelay $0x4  }
0x3f7: {  	[tilespmem:v12+s14+$0x0] =	vst.idx.msk $0xffff, v2  }
0x3f8: {  	v12 =	vld [tilespmem:$0xD90];
	_ =	sdelay $0x4  }
0x3f9: {  	v12 =	vadd.s32 v11, v12;
	_ =	sdelay $0x2  }
0x3fa: {  	s5 =	sld [smem:$0x7FB];
	_ =	sdelay $0x1  }
0x3fb: {  	[tilespmem:v12+s14+$0x0] =	vst.idx.msk $0xffff, v2  }
0x3fc: {  	[hbm4b:s5+s21] =	stream.linear.scatter [tilespmem:s14], [sflag:$0x16], $0x5000, $0x38;
	[tilespmem:$0xB400] =	vst v63  }
0x3fd: {  	_ =	swait.ge [sflag:s29], $0xA0  }
0x3fe: {  	[sflag:s29] =	ssyncset.done $0x0  }
0x3ff: {  	[sflag:s29] =	ssyncadd.s32 $0xFFFFFF60  }
0x400: {  	_ =	swait.ge [sflag:s3], $0x5000  }
0x401: {  	[sflag:s3] =	ssyncset.done $0x0  }
0x402: {  	[sflag:s3] =	ssyncadd.s32 $0xFFFFB000  }
0x403: {  	v59 =	vld [tilespmem:$0xC00];
	_ =	sdelay $0x4  }
0x404: {  	v12 =	vadd.s32 v0, v59;
	_ =	sdelay $0x4  }
0x405: {  	[tilespmem:v12+s12+$0x0] =	vst.idx.msk $0xffff, v1  }
0x406: {  	v12 =	vld [tilespmem:$0xC10];
	_ =	sdelay $0x4  }
0x407: {  	v12 =	vadd.s32 v3, v12;
	_ =	sdelay $0x4  }
0x408: {  	[tilespmem:v12+s12+$0x0] =	vst.idx.msk $0xffff, v1  }
0x409: {  	v12 =	vld [tilespmem:$0xC20];
	_ =	sdelay $0x4  }
0x40a: {  	v12 =	vadd.s32 v4, v12;
	_ =	sdelay $0x4  }
0x40b: {  	[tilespmem:v12+s12+$0x0] =	vst.idx.msk $0xffff, v1  }
0x40c: {  	v12 =	vld [tilespmem:$0xC30];
	_ =	sdelay $0x4  }
0x40d: {  	v12 =	vadd.s32 v5, v12;
	_ =	sdelay $0x4  }
0x40e: {  	[tilespmem:v12+s12+$0x0] =	vst.idx.msk $0xffff, v1  }
0x40f: {  	v12 =	vld [tilespmem:$0xC40];
	_ =	sdelay $0x4  }
0x410: {  	v12 =	vadd.s32 v6, v12;
	_ =	sdelay $0x4  }
0x411: {  	[tilespmem:v12+s12+$0x0] =	vst.idx.msk $0xffff, v1  }
0x412: {  	v12 =	vld [tilespmem:$0xC50];
	_ =	sdelay $0x4  }
0x413: {  	v12 =	vadd.s32 v7, v12;
	_ =	sdelay $0x4  }
0x414: {  	[tilespmem:v12+s12+$0x0] =	vst.idx.msk $0xffff, v1  }
0x415: {  	v12 =	vld [tilespmem:$0xC60];
	_ =	sdelay $0x4  }
0x416: {  	v12 =	vadd.s32 v8, v12;
	_ =	sdelay $0x4  }
0x417: {  	[tilespmem:v12+s12+$0x0] =	vst.idx.msk $0xffff, v1  }
0x418: {  	v12 =	vld [tilespmem:$0xC70];
	_ =	sdelay $0x4  }
0x419: {  	v12 =	vadd.s32 v9, v12;
	_ =	sdelay $0x4  }
0x41a: {  	[tilespmem:v12+s12+$0x0] =	vst.idx.msk $0xffff, v1  }
0x41b: {  	v12 =	vld [tilespmem:$0xC80];
	_ =	sdelay $0x4  }
0x41c: {  	v12 =	vadd.s32 v10, v12;
	_ =	sdelay $0x4  }
0x41d: {  	[tilespmem:v12+s12+$0x0] =	vst.idx.msk $0xffff, v1  }
0x41e: {  	v12 =	vld [tilespmem:$0xC90];
	_ =	sdelay $0x4  }
0x41f: {  	v12 =	vadd.s32 v11, v12;
	_ =	sdelay $0x4  }
0x420: {  	[tilespmem:v12+s12+$0x0] =	vst.idx.msk $0xffff, v1  }
0x421: {  	v12 =	vld [tilespmem:$0xE00];
	_ =	sdelay $0x4  }
0x422: {  	v12 =	vadd.s32 v0, v12;
	_ =	sdelay $0x4  }
0x423: {  	[tilespmem:v12+s12+$0x0] =	vst.idx.msk $0xffff, v2  }
0x424: {  	v12 =	vld [tilespmem:$0xE10];
	_ =	sdelay $0x4  }
0x425: {  	v12 =	vadd.s32 v3, v12;
	_ =	sdelay $0x4  }
0x426: {  	[tilespmem:v12+s12+$0x0] =	vst.idx.msk $0xffff, v2  }
0x427: {  	v12 =	vld [tilespmem:$0xE20];
	_ =	sdelay $0x4  }
0x428: {  	v12 =	vadd.s32 v4, v12;
	_ =	sdelay $0x4  }
0x429: {  	[tilespmem:v12+s12+$0x0] =	vst.idx.msk $0xffff, v2  }
0x42a: {  	v12 =	vld [tilespmem:$0xE30];
	_ =	sdelay $0x4  }
0x42b: {  	v12 =	vadd.s32 v5, v12;
	_ =	sdelay $0x4  }
0x42c: {  	[tilespmem:v12+s12+$0x0] =	vst.idx.msk $0xffff, v2  }
0x42d: {  	v12 =	vld [tilespmem:$0xE40];
	_ =	sdelay $0x4  }
0x42e: {  	v12 =	vadd.s32 v6, v12;
	_ =	sdelay $0x4  }
0x42f: {  	[tilespmem:v12+s12+$0x0] =	vst.idx.msk $0xffff, v2  }
0x430: {  	v12 =	vld [tilespmem:$0xE50];
	_ =	sdelay $0x4  }
0x431: {  	v12 =	vadd.s32 v7, v12;
	_ =	sdelay $0x4  }
0x432: {  	[tilespmem:v12+s12+$0x0] =	vst.idx.msk $0xffff, v2  }
0x433: {  	v12 =	vld [tilespmem:$0xE60];
	_ =	sdelay $0x4  }
0x434: {  	v12 =	vadd.s32 v8, v12;
	_ =	sdelay $0x4  }
0x435: {  	[tilespmem:v12+s12+$0x0] =	vst.idx.msk $0xffff, v2  }
0x436: {  	v12 =	vld [tilespmem:$0xE70];
	_ =	sdelay $0x4  }
0x437: {  	v12 =	vadd.s32 v9, v12;
	_ =	sdelay $0x4  }
0x438: {  	[tilespmem:v12+s12+$0x0] =	vst.idx.msk $0xffff, v2  }
0x439: {  	v12 =	vld [tilespmem:$0xE80];
	_ =	sdelay $0x4  }
0x43a: {  	v12 =	vadd.s32 v10, v12;
	_ =	sdelay $0x4  }
0x43b: {  	[tilespmem:v12+s12+$0x0] =	vst.idx.msk $0xffff, v2  }
0x43c: {  	v12 =	vld [tilespmem:$0xE90];
	_ =	sdelay $0x4  }
0x43d: {  	v12 =	vadd.s32 v11, v12;
	_ =	sdelay $0x2  }
0x43e: {  	s5 =	sld [smem:$0x7FC];
	_ =	sdelay $0x1  }
0x43f: {  	[tilespmem:v12+s12+$0x0] =	vst.idx.msk $0xffff, v2  }
0x440: {  	[hbm4b:s5+s21] =	stream.linear.scatter [tilespmem:s12], [sflag:$0x15], $0x5000, $0x38;
	[tilespmem:$0xB400] =	vst v63  }
0x441: {  	_ =	swait.ge [sflag:s30], $0xA0  }
0x442: {  	[sflag:s30] =	ssyncset.done $0x0  }
0x443: {  	[sflag:s30] =	ssyncadd.s32 $0xFFFFFF60  }
0x444: {  	_ =	swait.ge [sflag:s4], $0x5000  }
0x445: {  	[sflag:s4] =	ssyncset.done $0x0  }
0x446: {  	[sflag:s4] =	ssyncadd.s32 $0xFFFFB000  }
0x447: {  	v60 =	vld [tilespmem:$0xD00];
	_ =	sdelay $0x4  }
0x448: {  	v12 =	vadd.s32 v0, v60;
	_ =	sdelay $0x4  }
0x449: {  	[tilespmem:v12+s14+$0x0] =	vst.idx.msk $0xffff, v1  }
0x44a: {  	v12 =	vld [tilespmem:$0xD10];
	_ =	sdelay $0x4  }
0x44b: {  	v12 =	vadd.s32 v3, v12;
	_ =	sdelay $0x4  }
0x44c: {  	[tilespmem:v12+s14+$0x0] =	vst.idx.msk $0xffff, v1  }
0x44d: {  	v12 =	vld [tilespmem:$0xD20];
	_ =	sdelay $0x4  }
0x44e: {  	v12 =	vadd.s32 v4, v12;
	_ =	sdelay $0x4  }
0x44f: {  	[tilespmem:v12+s14+$0x0] =	vst.idx.msk $0xffff, v1  }
0x450: {  	v12 =	vld [tilespmem:$0xD30];
	_ =	sdelay $0x4  }
0x451: {  	v12 =	vadd.s32 v5, v12;
	_ =	sdelay $0x4  }
0x452: {  	[tilespmem:v12+s14+$0x0] =	vst.idx.msk $0xffff, v1  }
0x453: {  	v12 =	vld [tilespmem:$0xD40];
	_ =	sdelay $0x4  }
0x454: {  	v12 =	vadd.s32 v6, v12;
	_ =	sdelay $0x4  }
0x455: {  	[tilespmem:v12+s14+$0x0] =	vst.idx.msk $0xffff, v1  }
0x456: {  	v12 =	vld [tilespmem:$0xD50];
	_ =	sdelay $0x4  }
0x457: {  	v12 =	vadd.s32 v7, v12;
	_ =	sdelay $0x4  }
0x458: {  	[tilespmem:v12+s14+$0x0] =	vst.idx.msk $0xffff, v1  }
0x459: {  	v12 =	vld [tilespmem:$0xD60];
	_ =	sdelay $0x4  }
0x45a: {  	v12 =	vadd.s32 v8, v12;
	_ =	sdelay $0x4  }
0x45b: {  	[tilespmem:v12+s14+$0x0] =	vst.idx.msk $0xffff, v1  }
0x45c: {  	v12 =	vld [tilespmem:$0xD70];
	_ =	sdelay $0x4  }
0x45d: {  	v12 =	vadd.s32 v9, v12;
	_ =	sdelay $0x4  }
0x45e: {  	[tilespmem:v12+s14+$0x0] =	vst.idx.msk $0xffff, v1  }
0x45f: {  	v12 =	vld [tilespmem:$0xD80];
	_ =	sdelay $0x4  }
0x460: {  	v12 =	vadd.s32 v10, v12;
	_ =	sdelay $0x4  }
0x461: {  	[tilespmem:v12+s14+$0x0] =	vst.idx.msk $0xffff, v1  }
0x462: {  	v12 =	vld [tilespmem:$0xD90];
	_ =	sdelay $0x4  }
0x463: {  	v12 =	vadd.s32 v11, v12;
	_ =	sdelay $0x4  }
0x464: {  	[tilespmem:v12+s14+$0x0] =	vst.idx.msk $0xffff, v1  }
0x465: {  	v12 =	vld [tilespmem:$0xF00];
	_ =	sdelay $0x4  }
0x466: {  	v12 =	vadd.s32 v0, v12;
	_ =	sdelay $0x4  }
0x467: {  	[tilespmem:v12+s14+$0x0] =	vst.idx.msk $0xffff, v2  }
0x468: {  	v12 =	vld [tilespmem:$0xF10];
	_ =	sdelay $0x4  }
0x469: {  	v12 =	vadd.s32 v3, v12;
	_ =	sdelay $0x4  }
0x46a: {  	[tilespmem:v12+s14+$0x0] =	vst.idx.msk $0xffff, v2  }
0x46b: {  	v12 =	vld [tilespmem:$0xF20];
	_ =	sdelay $0x4  }
0x46c: {  	v12 =	vadd.s32 v4, v12;
	_ =	sdelay $0x4  }
0x46d: {  	[tilespmem:v12+s14+$0x0] =	vst.idx.msk $0xffff, v2  }
0x46e: {  	v12 =	vld [tilespmem:$0xF30];
	_ =	sdelay $0x4  }
0x46f: {  	v12 =	vadd.s32 v5, v12;
	_ =	sdelay $0x4  }
0x470: {  	[tilespmem:v12+s14+$0x0] =	vst.idx.msk $0xffff, v2  }
0x471: {  	v12 =	vld [tilespmem:$0xF40];
	_ =	sdelay $0x4  }
0x472: {  	v12 =	vadd.s32 v6, v12;
	_ =	sdelay $0x4  }
0x473: {  	[tilespmem:v12+s14+$0x0] =	vst.idx.msk $0xffff, v2  }
0x474: {  	v12 =	vld [tilespmem:$0xF50];
	_ =	sdelay $0x4  }
0x475: {  	v12 =	vadd.s32 v7, v12;
	_ =	sdelay $0x4  }
0x476: {  	[tilespmem:v12+s14+$0x0] =	vst.idx.msk $0xffff, v2  }
0x477: {  	v12 =	vld [tilespmem:$0xF60];
	_ =	sdelay $0x4  }
0x478: {  	v12 =	vadd.s32 v8, v12;
	_ =	sdelay $0x4  }
0x479: {  	[tilespmem:v12+s14+$0x0] =	vst.idx.msk $0xffff, v2  }
0x47a: {  	v12 =	vld [tilespmem:$0xF70];
	_ =	sdelay $0x4  }
0x47b: {  	v12 =	vadd.s32 v9, v12;
	_ =	sdelay $0x4  }
0x47c: {  	[tilespmem:v12+s14+$0x0] =	vst.idx.msk $0xffff, v2  }
0x47d: {  	v12 =	vld [tilespmem:$0xF80];
	_ =	sdelay $0x4  }
0x47e: {  	v12 =	vadd.s32 v10, v12;
	_ =	sdelay $0x4  }
0x47f: {  	[tilespmem:v12+s14+$0x0] =	vst.idx.msk $0xffff, v2  }
0x480: {  	v12 =	vld [tilespmem:$0xF90];
	_ =	sdelay $0x4  }
0x481: {  	v12 =	vadd.s32 v11, v12;
	_ =	sdelay $0x4  }
0x482: {  	[tilespmem:v12+s14+$0x0] =	vst.idx.msk $0xffff, v2  }
0x483: {  	[hbm4b:s6+s21] =	stream.linear.scatter [tilespmem:s14], [sflag:$0x16], $0x5000, $0x38;
	[tilespmem:$0xB400] =	vst v63  }
0x484: {  	_ =	swait.ge [sflag:s31], $0xA0  }
0x485: {  	[sflag:s31] =	ssyncset.done $0x0  }
0x486: {  	[sflag:s31] =	ssyncadd.s32 $0xFFFFFF60  }
0x487: {  	_ =	swait.ge [sflag:s3], $0x5000  }
0x488: {  	[sflag:s3] =	ssyncset.done $0x0  }
0x489: {  	[sflag:s3] =	ssyncadd.s32 $0xFFFFB000  }
0x48a: {  	v61 =	vld [tilespmem:$0xE00];
	_ =	sdelay $0x4  }
0x48b: {  	v12 =	vadd.s32 v0, v61;
	_ =	sdelay $0x4  }
0x48c: {  	[tilespmem:v12+s12+$0x0] =	vst.idx.msk $0xffff, v1  }
0x48d: {  	v12 =	vld [tilespmem:$0xE10];
	_ =	sdelay $0x4  }
0x48e: {  	v12 =	vadd.s32 v3, v12;
	_ =	sdelay $0x4  }
0x48f: {  	[tilespmem:v12+s12+$0x0] =	vst.idx.msk $0xffff, v1  }
0x490: {  	v12 =	vld [tilespmem:$0xE20];
	_ =	sdelay $0x4  }
0x491: {  	v12 =	vadd.s32 v4, v12;
	_ =	sdelay $0x4  }
0x492: {  	[tilespmem:v12+s12+$0x0] =	vst.idx.msk $0xffff, v1  }
0x493: {  	v12 =	vld [tilespmem:$0xE30];
	_ =	sdelay $0x4  }
0x494: {  	v12 =	vadd.s32 v5, v12;
	_ =	sdelay $0x4  }
0x495: {  	[tilespmem:v12+s12+$0x0] =	vst.idx.msk $0xffff, v1  }
0x496: {  	v12 =	vld [tilespmem:$0xE40];
	_ =	sdelay $0x4  }
0x497: {  	v12 =	vadd.s32 v6, v12;
	_ =	sdelay $0x4  }
0x498: {  	[tilespmem:v12+s12+$0x0] =	vst.idx.msk $0xffff, v1  }
0x499: {  	v12 =	vld [tilespmem:$0xE50];
	_ =	sdelay $0x4  }
0x49a: {  	v12 =	vadd.s32 v7, v12;
	_ =	sdelay $0x4  }
0x49b: {  	[tilespmem:v12+s12+$0x0] =	vst.idx.msk $0xffff, v1  }
0x49c: {  	v12 =	vld [tilespmem:$0xE60];
	_ =	sdelay $0x4  }
0x49d: {  	v12 =	vadd.s32 v8, v12;
	_ =	sdelay $0x4  }
0x49e: {  	[tilespmem:v12+s12+$0x0] =	vst.idx.msk $0xffff, v1  }
0x49f: {  	v12 =	vld [tilespmem:$0xE70];
	_ =	sdelay $0x4  }
0x4a0: {  	v12 =	vadd.s32 v9, v12;
	_ =	sdelay $0x4  }
0x4a1: {  	[tilespmem:v12+s12+$0x0] =	vst.idx.msk $0xffff, v1  }
0x4a2: {  	v12 =	vld [tilespmem:$0xE80];
	_ =	sdelay $0x4  }
0x4a3: {  	v12 =	vadd.s32 v10, v12;
	_ =	sdelay $0x4  }
0x4a4: {  	[tilespmem:v12+s12+$0x0] =	vst.idx.msk $0xffff, v1  }
0x4a5: {  	v12 =	vld [tilespmem:$0xE90];
	_ =	sdelay $0x4  }
0x4a6: {  	v12 =	vadd.s32 v11, v12;
	_ =	sdelay $0x4  }
0x4a7: {  	[tilespmem:v12+s12+$0x0] =	vst.idx.msk $0xffff, v1  }
0x4a8: {  	v12 =	vld [tilespmem:$0x1000];
	_ =	sdelay $0x4  }
0x4a9: {  	v12 =	vadd.s32 v0, v12;
	_ =	sdelay $0x4  }
0x4aa: {  	[tilespmem:v12+s12+$0x0] =	vst.idx.msk $0xffff, v2  }
0x4ab: {  	v12 =	vld [tilespmem:$0x1010];
	_ =	sdelay $0x4  }
0x4ac: {  	v12 =	vadd.s32 v3, v12;
	_ =	sdelay $0x4  }
0x4ad: {  	[tilespmem:v12+s12+$0x0] =	vst.idx.msk $0xffff, v2  }
0x4ae: {  	v12 =	vld [tilespmem:$0x1020];
	_ =	sdelay $0x4  }
0x4af: {  	v12 =	vadd.s32 v4, v12;
	_ =	sdelay $0x4  }
0x4b0: {  	[tilespmem:v12+s12+$0x0] =	vst.idx.msk $0xffff, v2  }
0x4b1: {  	v12 =	vld [tilespmem:$0x1030];
	_ =	sdelay $0x4  }
0x4b2: {  	v12 =	vadd.s32 v5, v12;
	_ =	sdelay $0x4  }
0x4b3: {  	[tilespmem:v12+s12+$0x0] =	vst.idx.msk $0xffff, v2  }
0x4b4: {  	v12 =	vld [tilespmem:$0x1040];
	_ =	sdelay $0x4  }
0x4b5: {  	v12 =	vadd.s32 v6, v12;
	_ =	sdelay $0x4  }
0x4b6: {  	[tilespmem:v12+s12+$0x0] =	vst.idx.msk $0xffff, v2  }
0x4b7: {  	v12 =	vld [tilespmem:$0x1050];
	_ =	sdelay $0x4  }
0x4b8: {  	v12 =	vadd.s32 v7, v12;
	_ =	sdelay $0x4  }
0x4b9: {  	[tilespmem:v12+s12+$0x0] =	vst.idx.msk $0xffff, v2  }
0x4ba: {  	v12 =	vld [tilespmem:$0x1060];
	_ =	sdelay $0x4  }
0x4bb: {  	v12 =	vadd.s32 v8, v12;
	_ =	sdelay $0x4  }
0x4bc: {  	[tilespmem:v12+s12+$0x0] =	vst.idx.msk $0xffff, v2  }
0x4bd: {  	v12 =	vld [tilespmem:$0x1070];
	_ =	sdelay $0x4  }
0x4be: {  	v12 =	vadd.s32 v9, v12;
	_ =	sdelay $0x4  }
0x4bf: {  	[tilespmem:v12+s12+$0x0] =	vst.idx.msk $0xffff, v2  }
0x4c0: {  	v12 =	vld [tilespmem:$0x1080];
	_ =	sdelay $0x4  }
0x4c1: {  	v12 =	vadd.s32 v10, v12;
	_ =	sdelay $0x4  }
0x4c2: {  	[tilespmem:v12+s12+$0x0] =	vst.idx.msk $0xffff, v2  }
0x4c3: {  	v12 =	vld [tilespmem:$0x1090];
	_ =	sdelay $0x4  }
0x4c4: {  	v12 =	vadd.s32 v11, v12;
	_ =	sdelay $0x4  }
0x4c5: {  	[tilespmem:v12+s12+$0x0] =	vst.idx.msk $0xffff, v2  }
0x4c6: {  	[hbm4b:s7+s21] =	stream.linear.scatter [tilespmem:s12], [sflag:$0x15], $0x5000, $0x38;
	[tilespmem:$0xB400] =	vst v63  }
0x4c7: {  	_ =	swait.ge [sflag:s0], $0xA0  }
0x4c8: {  	[sflag:s0] =	ssyncset.done $0x0  }
0x4c9: {  	[sflag:s0] =	ssyncadd.s32 $0xFFFFFF60  }
0x4ca: {  	_ =	swait.ge [sflag:s4], $0x5000  }
0x4cb: {  	[sflag:s4] =	ssyncset.done $0x0  }
0x4cc: {  	[sflag:s4] =	ssyncadd.s32 $0xFFFFB000  }
0x4cd: {  	v62 =	vld [tilespmem:$0xF00];
	_ =	sdelay $0x4  }
0x4ce: {  	v12 =	vadd.s32 v0, v62;
	_ =	sdelay $0x4  }
0x4cf: {  	[tilespmem:v12+s14+$0x0] =	vst.idx.msk $0xffff, v1  }
0x4d0: {  	v12 =	vld [tilespmem:$0xF10];
	_ =	sdelay $0x4  }
0x4d1: {  	v12 =	vadd.s32 v3, v12;
	_ =	sdelay $0x4  }
0x4d2: {  	[tilespmem:v12+s14+$0x0] =	vst.idx.msk $0xffff, v1  }
0x4d3: {  	v12 =	vld [tilespmem:$0xF20];
	_ =	sdelay $0x4  }
0x4d4: {  	v12 =	vadd.s32 v4, v12;
	_ =	sdelay $0x4  }
0x4d5: {  	[tilespmem:v12+s14+$0x0] =	vst.idx.msk $0xffff, v1  }
0x4d6: {  	v12 =	vld [tilespmem:$0xF30];
	_ =	sdelay $0x4  }
0x4d7: {  	v12 =	vadd.s32 v5, v12;
	_ =	sdelay $0x4  }
0x4d8: {  	[tilespmem:v12+s14+$0x0] =	vst.idx.msk $0xffff, v1  }
0x4d9: {  	v12 =	vld [tilespmem:$0xF40];
	_ =	sdelay $0x4  }
0x4da: {  	v12 =	vadd.s32 v6, v12;
	_ =	sdelay $0x4  }
0x4db: {  	[tilespmem:v12+s14+$0x0] =	vst.idx.msk $0xffff, v1  }
0x4dc: {  	v12 =	vld [tilespmem:$0xF50];
	_ =	sdelay $0x4  }
0x4dd: {  	v12 =	vadd.s32 v7, v12;
	_ =	sdelay $0x4  }
0x4de: {  	[tilespmem:v12+s14+$0x0] =	vst.idx.msk $0xffff, v1  }
0x4df: {  	v12 =	vld [tilespmem:$0xF60];
	_ =	sdelay $0x4  }
0x4e0: {  	v12 =	vadd.s32 v8, v12;
	_ =	sdelay $0x4  }
0x4e1: {  	[tilespmem:v12+s14+$0x0] =	vst.idx.msk $0xffff, v1  }
0x4e2: {  	v12 =	vld [tilespmem:$0xF70];
	_ =	sdelay $0x4  }
0x4e3: {  	v12 =	vadd.s32 v9, v12;
	_ =	sdelay $0x4  }
0x4e4: {  	[tilespmem:v12+s14+$0x0] =	vst.idx.msk $0xffff, v1  }
0x4e5: {  	v12 =	vld [tilespmem:$0xF80];
	_ =	sdelay $0x4  }
0x4e6: {  	v12 =	vadd.s32 v10, v12;
	_ =	sdelay $0x4  }
0x4e7: {  	[tilespmem:v12+s14+$0x0] =	vst.idx.msk $0xffff, v1  }
0x4e8: {  	v12 =	vld [tilespmem:$0xF90];
	_ =	sdelay $0x4  }
0x4e9: {  	v12 =	vadd.s32 v11, v12;
	_ =	sdelay $0x4  }
0x4ea: {  	[tilespmem:v12+s14+$0x0] =	vst.idx.msk $0xffff, v1  }
0x4eb: {  	v12 =	vld [tilespmem:$0x1100];
	_ =	sdelay $0x4  }
0x4ec: {  	v12 =	vadd.s32 v0, v12;
	_ =	sdelay $0x4  }
0x4ed: {  	[tilespmem:v12+s14+$0x0] =	vst.idx.msk $0xffff, v2  }
0x4ee: {  	v12 =	vld [tilespmem:$0x1110];
	_ =	sdelay $0x4  }
0x4ef: {  	v12 =	vadd.s32 v3, v12;
	_ =	sdelay $0x4  }
0x4f0: {  	[tilespmem:v12+s14+$0x0] =	vst.idx.msk $0xffff, v2  }
0x4f1: {  	v12 =	vld [tilespmem:$0x1120];
	_ =	sdelay $0x4  }
0x4f2: {  	v12 =	vadd.s32 v4, v12;
	_ =	sdelay $0x4  }
0x4f3: {  	[tilespmem:v12+s14+$0x0] =	vst.idx.msk $0xffff, v2  }
0x4f4: {  	v12 =	vld [tilespmem:$0x1130];
	_ =	sdelay $0x4  }
0x4f5: {  	v12 =	vadd.s32 v5, v12;
	_ =	sdelay $0x4  }
0x4f6: {  	[tilespmem:v12+s14+$0x0] =	vst.idx.msk $0xffff, v2  }
0x4f7: {  	v12 =	vld [tilespmem:$0x1140];
	_ =	sdelay $0x4  }
0x4f8: {  	v12 =	vadd.s32 v6, v12;
	_ =	sdelay $0x4  }
0x4f9: {  	[tilespmem:v12+s14+$0x0] =	vst.idx.msk $0xffff, v2  }
0x4fa: {  	v12 =	vld [tilespmem:$0x1150];
	_ =	sdelay $0x4  }
0x4fb: {  	v12 =	vadd.s32 v7, v12;
	_ =	sdelay $0x4  }
0x4fc: {  	[tilespmem:v12+s14+$0x0] =	vst.idx.msk $0xffff, v2  }
0x4fd: {  	v12 =	vld [tilespmem:$0x1160];
	_ =	sdelay $0x4  }
0x4fe: {  	v12 =	vadd.s32 v8, v12;
	_ =	sdelay $0x4  }
0x4ff: {  	[tilespmem:v12+s14+$0x0] =	vst.idx.msk $0xffff, v2  }
0x500: {  	v12 =	vld [tilespmem:$0x1170];
	_ =	sdelay $0x4  }
0x501: {  	v12 =	vadd.s32 v9, v12;
	_ =	sdelay $0x4  }
0x502: {  	[tilespmem:v12+s14+$0x0] =	vst.idx.msk $0xffff, v2  }
0x503: {  	v12 =	vld [tilespmem:$0x1180];
	_ =	sdelay $0x4  }
0x504: {  	v12 =	vadd.s32 v10, v12;
	_ =	sdelay $0x4  }
0x505: {  	[tilespmem:v12+s14+$0x0] =	vst.idx.msk $0xffff, v2  }
0x506: {  	v12 =	vld [tilespmem:$0x1190];
	_ =	sdelay $0x4  }
0x507: {  	v12 =	vadd.s32 v11, v12;
	_ =	sdelay $0x4  }
0x508: {  	[tilespmem:v12+s14+$0x0] =	vst.idx.msk $0xffff, v2  }
0x509: {  	[hbm4b:s8+s21] =	stream.linear.scatter [tilespmem:s14], [sflag:$0x16], $0x5000, $0x38;
	[tilespmem:$0xB400] =	vst v63  }
0x50a: {  	_ =	swait.ge [sflag:s1], $0xA0  }
0x50b: {  	[sflag:s1] =	ssyncset.done $0x0  }
0x50c: {  	[sflag:s1] =	ssyncadd.s32 $0xFFFFFF60  }
0x50d: {  	_ =	swait.ge [sflag:s3], $0x5000  }
0x50e: {  	[sflag:s3] =	ssyncset.done $0x0  }
0x50f: {  	[sflag:s3] =	ssyncadd.s32 $0xFFFFB000  }
0x510: {  	v63 =	vld [tilespmem:$0x1000];
	_ =	sdelay $0x4  }
0x511: {  	v12 =	vadd.s32 v0, v63;
	_ =	sdelay $0x4  }
0x512: {  	[tilespmem:v12+s12+$0x0] =	vst.idx.msk $0xffff, v1  }
0x513: {  	v12 =	vld [tilespmem:$0x1010];
	_ =	sdelay $0x4  }
0x514: {  	v12 =	vadd.s32 v3, v12;
	_ =	sdelay $0x4  }
0x515: {  	[tilespmem:v12+s12+$0x0] =	vst.idx.msk $0xffff, v1  }
0x516: {  	v12 =	vld [tilespmem:$0x1020];
	_ =	sdelay $0x4  }
0x517: {  	v12 =	vadd.s32 v4, v12;
	_ =	sdelay $0x4  }
0x518: {  	[tilespmem:v12+s12+$0x0] =	vst.idx.msk $0xffff, v1  }
0x519: {  	v12 =	vld [tilespmem:$0x1030];
	_ =	sdelay $0x4  }
0x51a: {  	v12 =	vadd.s32 v5, v12;
	_ =	sdelay $0x4  }
0x51b: {  	[tilespmem:v12+s12+$0x0] =	vst.idx.msk $0xffff, v1  }
0x51c: {  	v12 =	vld [tilespmem:$0x1040];
	_ =	sdelay $0x4  }
0x51d: {  	v12 =	vadd.s32 v6, v12;
	_ =	sdelay $0x4  }
0x51e: {  	[tilespmem:v12+s12+$0x0] =	vst.idx.msk $0xffff, v1  }
0x51f: {  	v12 =	vld [tilespmem:$0x1050];
	_ =	sdelay $0x4  }
0x520: {  	v12 =	vadd.s32 v7, v12;
	_ =	sdelay $0x4  }
0x521: {  	[tilespmem:v12+s12+$0x0] =	vst.idx.msk $0xffff, v1  }
0x522: {  	v12 =	vld [tilespmem:$0x1060];
	_ =	sdelay $0x4  }
0x523: {  	v12 =	vadd.s32 v8, v12;
	_ =	sdelay $0x4  }
0x524: {  	[tilespmem:v12+s12+$0x0] =	vst.idx.msk $0xffff, v1  }
0x525: {  	v12 =	vld [tilespmem:$0x1070];
	_ =	sdelay $0x4  }
0x526: {  	v12 =	vadd.s32 v9, v12;
	_ =	sdelay $0x4  }
0x527: {  	[tilespmem:v12+s12+$0x0] =	vst.idx.msk $0xffff, v1  }
0x528: {  	v12 =	vld [tilespmem:$0x1080];
	_ =	sdelay $0x4  }
0x529: {  	v12 =	vadd.s32 v10, v12;
	_ =	sdelay $0x4  }
0x52a: {  	[tilespmem:v12+s12+$0x0] =	vst.idx.msk $0xffff, v1  }
0x52b: {  	v12 =	vld [tilespmem:$0x1090];
	_ =	sdelay $0x4  }
0x52c: {  	v12 =	vadd.s32 v11, v12;
	_ =	sdelay $0x4  }
0x52d: {  	[tilespmem:v12+s12+$0x0] =	vst.idx.msk $0xffff, v1  }
0x52e: {  	v12 =	vld [tilespmem:$0x1200];
	_ =	sdelay $0x4  }
0x52f: {  	v12 =	vadd.s32 v0, v12;
	_ =	sdelay $0x4  }
0x530: {  	[tilespmem:v12+s12+$0x0] =	vst.idx.msk $0xffff, v2  }
0x531: {  	v12 =	vld [tilespmem:$0x1210];
	_ =	sdelay $0x4  }
0x532: {  	v12 =	vadd.s32 v3, v12;
	_ =	sdelay $0x4  }
0x533: {  	[tilespmem:v12+s12+$0x0] =	vst.idx.msk $0xffff, v2  }
0x534: {  	v12 =	vld [tilespmem:$0x1220];
	_ =	sdelay $0x4  }
0x535: {  	v12 =	vadd.s32 v4, v12;
	_ =	sdelay $0x4  }
0x536: {  	[tilespmem:v12+s12+$0x0] =	vst.idx.msk $0xffff, v2  }
0x537: {  	v12 =	vld [tilespmem:$0x1230];
	_ =	sdelay $0x4  }
0x538: {  	v12 =	vadd.s32 v5, v12;
	_ =	sdelay $0x4  }
0x539: {  	[tilespmem:v12+s12+$0x0] =	vst.idx.msk $0xffff, v2  }
0x53a: {  	v12 =	vld [tilespmem:$0x1240];
	_ =	sdelay $0x4  }
0x53b: {  	v12 =	vadd.s32 v6, v12;
	_ =	sdelay $0x4  }
0x53c: {  	[tilespmem:v12+s12+$0x0] =	vst.idx.msk $0xffff, v2  }
0x53d: {  	v12 =	vld [tilespmem:$0x1250];
	_ =	sdelay $0x4  }
0x53e: {  	v12 =	vadd.s32 v7, v12;
	_ =	sdelay $0x4  }
0x53f: {  	[tilespmem:v12+s12+$0x0] =	vst.idx.msk $0xffff, v2  }
0x540: {  	v12 =	vld [tilespmem:$0x1260];
	_ =	sdelay $0x4  }
0x541: {  	v12 =	vadd.s32 v8, v12;
	_ =	sdelay $0x4  }
0x542: {  	[tilespmem:v12+s12+$0x0] =	vst.idx.msk $0xffff, v2  }
0x543: {  	v12 =	vld [tilespmem:$0x1270];
	_ =	sdelay $0x4  }
0x544: {  	v12 =	vadd.s32 v9, v12;
	_ =	sdelay $0x4  }
0x545: {  	[tilespmem:v12+s12+$0x0] =	vst.idx.msk $0xffff, v2  }
0x546: {  	v12 =	vld [tilespmem:$0x1280];
	_ =	sdelay $0x4  }
0x547: {  	v12 =	vadd.s32 v10, v12;
	_ =	sdelay $0x4  }
0x548: {  	[tilespmem:v12+s12+$0x0] =	vst.idx.msk $0xffff, v2  }
0x549: {  	v12 =	vld [tilespmem:$0x1290];
	_ =	sdelay $0x4  }
0x54a: {  	v12 =	vadd.s32 v11, v12;
	_ =	sdelay $0x1  }
.Ltmp3:
0x54b: {  	_ = 	snop;
	(pc) =	sbr.rel @p0 .LBB2_5-.Ltmp3, $3  }
0x54c: {  	_ =	sdelay $0x1  }
0x54d: {  	[tilespmem:v12+s12+$0x0] =	vst.idx.msk $0xffff, v2  }
0x54e: {  	[hbm4b:s9+s21] =	stream.linear.scatter [tilespmem:s12], [sflag:$0x15], $0x5000, $0x38;
	[tilespmem:$0xB400] =	vst v63  }
0x54f: {  	s3 =	simm.s32 $0x14  }
0x550: {  	_ =	swait.ge [sflag:s3], $0xA0  }
0x551: {  	[sflag:s3] =	ssyncset.done $0x0  }
0x552: {  	[sflag:s3] =	ssyncadd.s32 $0xFFFFFF60;
	s3 =	simm.s32 $0x16  }
0x553: {  	_ =	swait.ge [sflag:s3], $0x5000  }
0x554: {  	[sflag:s3] =	ssyncset.done $0x0  }
0x555: {  	[sflag:s3] =	ssyncadd.s32 $0xFFFFB000  }
0x556: {  	v12 =	vld [tilespmem:$0x1100];
	_ =	sdelay $0x4  }
0x557: {  	v12 =	vadd.s32 v0, v12;
	_ =	sdelay $0x4  }
0x558: {  	[tilespmem:v12+s14+$0x0] =	vst.idx.msk $0xffff, v1  }
0x559: {  	v12 =	vld [tilespmem:$0x1110];
	_ =	sdelay $0x4  }
0x55a: {  	v12 =	vadd.s32 v3, v12;
	_ =	sdelay $0x4  }
0x55b: {  	[tilespmem:v12+s14+$0x0] =	vst.idx.msk $0xffff, v1  }
0x55c: {  	v12 =	vld [tilespmem:$0x1120];
	_ =	sdelay $0x4  }
0x55d: {  	v12 =	vadd.s32 v4, v12;
	_ =	sdelay $0x4  }
0x55e: {  	[tilespmem:v12+s14+$0x0] =	vst.idx.msk $0xffff, v1  }
0x55f: {  	v12 =	vld [tilespmem:$0x1130];
	_ =	sdelay $0x4  }
0x560: {  	v12 =	vadd.s32 v5, v12;
	_ =	sdelay $0x4  }
0x561: {  	[tilespmem:v12+s14+$0x0] =	vst.idx.msk $0xffff, v1  }
0x562: {  	v12 =	vld [tilespmem:$0x1140];
	_ =	sdelay $0x4  }
0x563: {  	v12 =	vadd.s32 v6, v12;
	_ =	sdelay $0x4  }
0x564: {  	[tilespmem:v12+s14+$0x0] =	vst.idx.msk $0xffff, v1  }
0x565: {  	v12 =	vld [tilespmem:$0x1150];
	_ =	sdelay $0x4  }
0x566: {  	v12 =	vadd.s32 v7, v12;
	_ =	sdelay $0x4  }
0x567: {  	[tilespmem:v12+s14+$0x0] =	vst.idx.msk $0xffff, v1  }
0x568: {  	v12 =	vld [tilespmem:$0x1160];
	_ =	sdelay $0x4  }
0x569: {  	v12 =	vadd.s32 v8, v12;
	_ =	sdelay $0x4  }
0x56a: {  	[tilespmem:v12+s14+$0x0] =	vst.idx.msk $0xffff, v1  }
0x56b: {  	v12 =	vld [tilespmem:$0x1170];
	_ =	sdelay $0x4  }
0x56c: {  	v12 =	vadd.s32 v9, v12;
	_ =	sdelay $0x4  }
0x56d: {  	[tilespmem:v12+s14+$0x0] =	vst.idx.msk $0xffff, v1  }
0x56e: {  	v12 =	vld [tilespmem:$0x1180];
	_ =	sdelay $0x4  }
0x56f: {  	v12 =	vadd.s32 v10, v12;
	_ =	sdelay $0x4  }
0x570: {  	[tilespmem:v12+s14+$0x0] =	vst.idx.msk $0xffff, v1  }
0x571: {  	v12 =	vld [tilespmem:$0x1190];
	_ =	sdelay $0x4  }
0x572: {  	v12 =	vadd.s32 v11, v12;
	_ =	sdelay $0x4  }
0x573: {  	[tilespmem:v12+s14+$0x0] =	vst.idx.msk $0xffff, v1  }
0x574: {  	v12 =	vld [tilespmem:$0x1300];
	_ =	sdelay $0x4  }
0x575: {  	v12 =	vadd.s32 v0, v12;
	_ =	sdelay $0x4  }
0x576: {  	[tilespmem:v12+s14+$0x0] =	vst.idx.msk $0xffff, v2  }
0x577: {  	v12 =	vld [tilespmem:$0x1310];
	_ =	sdelay $0x4  }
0x578: {  	v12 =	vadd.s32 v3, v12;
	_ =	sdelay $0x4  }
0x579: {  	[tilespmem:v12+s14+$0x0] =	vst.idx.msk $0xffff, v2  }
0x57a: {  	v12 =	vld [tilespmem:$0x1320];
	_ =	sdelay $0x4  }
0x57b: {  	v12 =	vadd.s32 v4, v12;
	_ =	sdelay $0x4  }
0x57c: {  	[tilespmem:v12+s14+$0x0] =	vst.idx.msk $0xffff, v2  }
0x57d: {  	v12 =	vld [tilespmem:$0x1330];
	_ =	sdelay $0x4  }
0x57e: {  	v12 =	vadd.s32 v5, v12;
	_ =	sdelay $0x4  }
0x57f: {  	[tilespmem:v12+s14+$0x0] =	vst.idx.msk $0xffff, v2  }
0x580: {  	v12 =	vld [tilespmem:$0x1340];
	_ =	sdelay $0x4  }
0x581: {  	v12 =	vadd.s32 v6, v12;
	_ =	sdelay $0x4  }
0x582: {  	[tilespmem:v12+s14+$0x0] =	vst.idx.msk $0xffff, v2  }
0x583: {  	v12 =	vld [tilespmem:$0x1350];
	_ =	sdelay $0x4  }
0x584: {  	v12 =	vadd.s32 v7, v12;
	_ =	sdelay $0x4  }
0x585: {  	[tilespmem:v12+s14+$0x0] =	vst.idx.msk $0xffff, v2  }
0x586: {  	v12 =	vld [tilespmem:$0x1360];
	_ =	sdelay $0x4  }
0x587: {  	v12 =	vadd.s32 v8, v12;
	_ =	sdelay $0x4  }
0x588: {  	[tilespmem:v12+s14+$0x0] =	vst.idx.msk $0xffff, v2  }
0x589: {  	v12 =	vld [tilespmem:$0x1370];
	_ =	sdelay $0x4  }
0x58a: {  	v12 =	vadd.s32 v9, v12;
	_ =	sdelay $0x4  }
0x58b: {  	[tilespmem:v12+s14+$0x0] =	vst.idx.msk $0xffff, v2  }
0x58c: {  	v12 =	vld [tilespmem:$0x1380];
	_ =	sdelay $0x4  }
0x58d: {  	v12 =	vadd.s32 v10, v12;
	_ =	sdelay $0x4  }
0x58e: {  	[tilespmem:v12+s14+$0x0] =	vst.idx.msk $0xffff, v2  }
0x58f: {  	v12 =	vld [tilespmem:$0x1390];
	_ =	sdelay $0x4  }
0x590: {  	v12 =	vadd.s32 v11, v12;
	_ =	sdelay $0x2  }
.Ltmp4:
0x591: {  	s4 =	sld [smem:$0x7FD];
	(pc) =	sbr.rel .LBB2_5-.Ltmp4, $4  }
0x592: {  	_ = 	snop  }
0x593: {  	[tilespmem:v12+s14+$0x0] =	vst.idx.msk $0xffff, v2  }
0x594: {  	[hbm4b:s4+s21] =	stream.linear.scatter [tilespmem:s14], [sflag:$0x16], $0x5000, $0x38;
	[tilespmem:$0xB400] =	vst v63  }
0x595: {  	s4 =	simm.s32 $0x15  }
.LBB2_6:
0x596: {  	_ =	sfence.sel $0x180000  }
0x597: {  	[bflag:$0x0] =	sbarrier.arrive $0xFFFF  }
0x598: {  	_ =	strace $0x90000047  }
0x599: {  	s0 =	stileid.u32;
	[bflag:$0x2] =	sbarrier.arrive $0xFFFF  }
0x59a: {  	p0 =	sne.s32 s0, $0x0;
	s0 =	rddreg [dreg:$0x2]  }
0x59b: {  	s0 =	sadd.s32 @!p0 $0x100000, s0  }
0x59c: {  	[sflag:s0] =	ssyncadd.tile.s32 @!p0 $0x1;
	_ =	shalt  }
.Lfunc_end2:
_tile_overlayer_lowered:
.L_overlay_start_2:
0x59d: {  	(tag) =	ssettag $0x2  }
0x59e: {  	s0 =	rddreg [dreg:$0x0];
	s2 =	stileid.u32  }
0x59f: {  	s1 =	rddreg [dreg:$0x1];
	p0 =	sne.s32 s2, $0x0  }
0x5a0: {  	s3 =	rddreg [dreg:$0x2];
	[bflag:$0x3] =	sbarrier.arrive $0xFFFF;
	s2 =	simm.s32 @!p0 $0x1C17  }
0x5a1: {  	[timem:s3], [sflag:s2] =	dma.local @!p0 [hbm:s0], s1  }
0x5a2: {  	s0 =	simm.s32 @!p0 $0x17  }
0x5a3: {  	_ =	swait.ge @!p0 [sflag:s0], s1  }
0x5a4: {  	s1 =	ssub.s32 @!p0 $0x0, s1;
	[sflag:s0] =	ssyncset.done @!p0 $0x0  }
0x5a5: {  	[sflag:s0] =	ssyncadd.s32 @!p0 s1  }
0x5a6: {  	[bflag:$0x3] =	sbarrier.arrive $0xFFFF  }
0x5a7: {  	_ =	shalt  }

</sc_bundles>
